<compile_context>
chip_gen: v7x
topology: tpu7x:2x2x1
jax: 0.10.2.dev20260603
libtpu: 0.0.44.dev20260713+nightly
codegen_flags: <defaults>
</compile_context>

<pallas_src>
import functools

import jax
import jax.numpy as jnp
from jax import lax
from jax.experimental import pallas as pl
from jax.experimental.pallas import tpu as pltpu
from jax.experimental.pallas import tpu_sc as plsc

_B, _N, _F, _C = 4, 400, 240, 32
_R_TC = 368
_R_SC = _N - _R_TC
_NW = 32
_WPB = _NW // _B
_RPW = _R_SC // _WPB
_NJB = _N // 16


def _pre_body(x_ref, wsi_ref, wsj_ref, bs_ref, u_ref, vt_ref):
    f32 = jnp.float32
    xb = x_ref[0]
    u_ref[0] = jnp.dot(xb, wsi_ref[...], preferred_element_type=f32) \
        + bs_ref[...]
    vt_ref[0] = jnp.dot(xb, wsj_ref[...], preferred_element_type=f32).T


def _pool_tc_body(u_ref, vt_ref, a_ref, e_ref, et_ref, wsc_ref,
                  pi_ref, pjt_ref, s_scr, di_scr, dj_scr):
    R = _R_TC
    N = _N
    C = _C
    f32 = jnp.float32

    ones_col = jnp.ones((N, 1), f32)
    ones_row = jnp.ones((1, R), f32)
    iota_cc = lax.broadcasted_iota(jnp.int32, (C, 4), 0)
    iota_4c = lax.broadcasted_iota(jnp.int32, (4, C), 1)
    four_col = lax.broadcasted_iota(jnp.int32, (C, 4), 1)
    four_row = lax.broadcasted_iota(jnp.int32, (4, C), 0)

    di_scr[...] = jnp.zeros((R, N), f32)
    dj_scr[...] = jnp.zeros((R, N), f32)

    def pass1(t, _):
        c0 = 4 * t
        eb = e_ref[0]
        etb = et_ref[0]
        ab = a_ref[0]
        oh4 = (iota_cc == c0 + four_col).astype(f32)
        ucols = jnp.dot(u_ref[0], oh4, preferred_element_type=f32)
        sv = []
        for k in range(4):
            ub = jnp.broadcast_to(ucols[:, k:k + 1], (R, N))
            vb = jnp.broadcast_to(vt_ref[0, pl.ds(c0 + k, 1), :], (R, N))
            s_k = jnp.maximum(ub + vb + wsc_ref[0, c0 + k] * eb
                              + wsc_ref[1, c0 + k] * etb, 0.0) * ab
            s_scr[pl.ds(c0 + k, 1), :, :] = s_k[None]
            sv.append(s_k)
        di_scr[...] = di_scr[...] + (
            (wsc_ref[2, c0] * sv[0] + wsc_ref[2, c0 + 1] * sv[1])
            + (wsc_ref[2, c0 + 2] * sv[2] + wsc_ref[2, c0 + 3] * sv[3]))
        dj_scr[...] = dj_scr[...] + (
            (wsc_ref[3, c0] * sv[0] + wsc_ref[3, c0 + 1] * sv[1])
            + (wsc_ref[3, c0 + 2] * sv[2] + wsc_ref[3, c0 + 3] * sv[3]))
        return 0

    lax.fori_loop(0, C // 4, pass1, 0)

    di_scr[...] = jax.nn.sigmoid(di_scr[...] + wsc_ref[4, 0])
    dj_scr[...] = jax.nn.sigmoid(dj_scr[...] + wsc_ref[4, 1])

    pi_ref[0] = jnp.zeros((R, C), f32)
    pjt_ref[0] = jnp.zeros((C, N), f32)

    def pass2(t, _):
        c0 = 4 * t
        sigi = di_scr[...]
        sigj = dj_scr[...]
        pcl = []
        prl = []
        for k in range(4):
            s_k = s_scr[c0 + k]
            pcl.append(jnp.dot(s_k * sigi, ones_col,
                               preferred_element_type=f32))
            prl.append(jnp.dot(ones_row, s_k * sigj,
                               preferred_element_type=f32))
        pcols = jnp.concatenate(pcl, axis=1)
        prows = jnp.concatenate(prl, axis=0)
        ohrows = (iota_4c == c0 + four_row).astype(f32)
        pi_ref[0] = pi_ref[0] + jnp.dot(pcols, ohrows,
                                        preferred_element_type=f32)
        pjt_ref[0] = pjt_ref[0] + lax.dot_general(
            ohrows, prows, (((0,), (0,)), ((), ())),
            preferred_element_type=f32)
        return 0

    lax.fori_loop(0, C // 4, pass2, 0)


def _pool_sc_body(vt_hbm, e_hbm, et_hbm, a_hbm, usp_hbm, w_hbm,
                  pip_hbm, pjp_hbm,
                  vt_v, e_v, et_v, a_v, usp_v, w_v, s_v, di_v, dj_v,
                  pib_v, pjl_v):
    f32 = jnp.float32
    wid = lax.axis_index("s") * 2 + lax.axis_index("c")
    b = wid // _WPB
    k = wid % _WPB
    i0 = _R_TC + k * _RPW

    pltpu.sync_copy(vt_hbm.at[pl.ds(b * _C * _N, _C * _N)], vt_v)
    row_off = b * _N * _N + i0 * _N
    slab = _RPW * _N
    pltpu.sync_copy(e_hbm.at[pl.ds(row_off, slab)], e_v)
    pltpu.sync_copy(et_hbm.at[pl.ds(row_off, slab)], et_v)
    pltpu.sync_copy(a_hbm.at[pl.ds(row_off, slab)], a_v)
    pltpu.sync_copy(usp_hbm.at[pl.ds((b * _R_SC + k * _RPW) * _C * 16,
                                     _RPW * _C * 16)], usp_v)
    pltpu.sync_copy(w_hbm.at[pl.ds(0, (4 * _C + 2) * 16)], w_v)

    zero16 = jnp.zeros((16,), f32)

    def zero_pjl(m, _):
        pjl_v[pl.ds(m * 16, 16)] = zero16
        return 0

    lax.fori_loop(0, _C * _N // 16, zero_pjl, 0)

    def zero_pib(m, _):
        pib_v[pl.ds(m * 16, 16)] = zero16
        return 0

    lax.fori_loop(0, _RPW * _C, zero_pib, 0)

    bai_v = w_v[pl.ds(4 * _C * 16, 16)]
    baj_v = w_v[pl.ds(4 * _C * 16 + 16, 16)]

    def row_body(r, _):
        rbase = r * _N

        def jb_a(jb, _a):
            base = rbase + jb * 16
            ev = e_v[pl.ds(base, 16)]
            etv = et_v[pl.ds(base, 16)]
            av = a_v[pl.ds(base, 16)]
            di = zero16
            dj = zero16
            for c in range(_C):
                off = c * _N + jb * 16
                pre = (usp_v[pl.ds(r * _C * 16 + c * 16, 16)]
                       + vt_v[pl.ds(off, 16)]
                       + w_v[pl.ds(c * 16, 16)] * ev
                       + w_v[pl.ds(_C * 16 + c * 16, 16)] * etv)
                s = jnp.maximum(pre, 0.0) * av
                s_v[pl.ds(off, 16)] = s
                di = di + w_v[pl.ds(2 * _C * 16 + c * 16, 16)] * s
                dj = dj + w_v[pl.ds(3 * _C * 16 + c * 16, 16)] * s
            di_v[pl.ds(jb * 16, 16)] = di
            dj_v[pl.ds(jb * 16, 16)] = dj
            return 0

        lax.fori_loop(0, _NJB, jb_a, 0)

        def jb_b(jb, _b):
            zi = di_v[pl.ds(jb * 16, 16)] + bai_v
            zj = dj_v[pl.ds(jb * 16, 16)] + baj_v
            sigi = 1.0 / (1.0 + jnp.exp(-zi))
            sigj = 1.0 / (1.0 + jnp.exp(-zj))
            for c in range(_C):
                off = c * _N + jb * 16
                s = s_v[pl.ds(off, 16)]
                poff = r * _C * 16 + c * 16
                pib_v[pl.ds(poff, 16)] = pib_v[pl.ds(poff, 16)] + s * sigi
                pjl_v[pl.ds(off, 16)] = pjl_v[pl.ds(off, 16)] + s * sigj
            return 0

        lax.fori_loop(0, _NJB, jb_b, 0)
        return 0

    lax.fori_loop(0, _RPW, row_body, 0)

    pltpu.sync_copy(pib_v, pip_hbm.at[pl.ds(wid * _RPW * _C * 16,
                                            _RPW * _C * 16)])
    pltpu.sync_copy(pjl_v, pjp_hbm.at[pl.ds(wid * _C * _N, _C * _N)])


def _post_body(x_ref, pi_tc_ref, pi_sc_ref, pjt_tc_ref, pjp_ref,
               wnx_ref, wni_ref, wnj_ref, bn_ref, wd_ref, bd_ref, out_ref):
    f32 = jnp.float32
    xb = x_ref[0]
    pool_i = jnp.concatenate([pi_tc_ref[0], pi_sc_ref[0]], axis=0)
    pjt = pjt_tc_ref[0] + jnp.sum(pjp_ref[0], axis=0)
    xo = (jnp.dot(xb, wnx_ref[...], preferred_element_type=f32)
          + jnp.dot(pool_i, wni_ref[...], preferred_element_type=f32)
          + lax.dot_general(pjt, wnj_ref[...],
                            (((0,), (0,)), ((), ())),
                            preferred_element_type=f32)
          + bn_ref[...])
    out_ref[0] = jnp.dot(xo, wd_ref[...], preferred_element_type=f32) \
        + bd_ref[...]


def kernel(x, a, e, Ws, bs, Wai, bai, Waj, baj, Wn, bn, We, be, Wd, bd):
    B, N, F, C = _B, _N, _F, _C
    LBL = Wd.shape[1]
    f32 = jnp.float32

    e2 = e[..., 0]
    et2 = jnp.swapaxes(e2, 1, 2)
    wsi = Ws[:F]
    wsj = Ws[F:2 * F]
    brow = jnp.zeros((C,), f32).at[0].set(bai[0]).at[1].set(baj[0])
    wsc = jnp.stack([Ws[2 * F], Ws[2 * F + 1], Wai[:, 0], Waj[:, 0], brow],
                    axis=0)
    wnx = Wn[:F]
    wni = Wn[F:F + C]
    wnj = Wn[F + C:]

    u, vt = pl.pallas_call(
        _pre_body,
        grid=(B,),
        in_specs=[
            pl.BlockSpec((1, N, F), lambda b: (b, 0, 0)),
            pl.BlockSpec((F, C), lambda b: (0, 0)),
            pl.BlockSpec((F, C), lambda b: (0, 0)),
            pl.BlockSpec((1, C), lambda b: (0, 0)),
        ],
        out_specs=[pl.BlockSpec((1, N, C), lambda b: (b, 0, 0)),
                   pl.BlockSpec((1, C, N), lambda b: (b, 0, 0))],
        out_shape=[jax.ShapeDtypeStruct((B, N, C), f32),
                   jax.ShapeDtypeStruct((B, C, N), f32)],
    )(x, wsi, wsj, bs[None])

    u_sc = u[:, _R_TC:, :]
    usp = jnp.broadcast_to(u_sc[..., None],
                           (B, _R_SC, C, 16)).reshape(-1)
    wflat = jnp.concatenate([Ws[2 * F], Ws[2 * F + 1], Wai[:, 0],
                             Waj[:, 0], bai, baj])
    wspl = jnp.broadcast_to(wflat[:, None], (4 * C + 2, 16)).reshape(-1)

    sc_pool = functools.partial(
        pl.kernel,
        mesh=plsc.VectorSubcoreMesh(core_axis_name="c",
                                    subcore_axis_name="s"),
        out_type=[jax.ShapeDtypeStruct((_NW * _RPW * C * 16,), f32),
                  jax.ShapeDtypeStruct((_NW * C * N,), f32)],
        scratch_types=[
            pltpu.VMEM((C * N,), f32),
            pltpu.VMEM((_RPW * N,), f32),
            pltpu.VMEM((_RPW * N,), f32),
            pltpu.VMEM((_RPW * N,), f32),
            pltpu.VMEM((_RPW * C * 16,), f32),
            pltpu.VMEM(((4 * C + 2) * 16,), f32),
            pltpu.VMEM((C * N,), f32),
            pltpu.VMEM((N,), f32),
            pltpu.VMEM((N,), f32),
            pltpu.VMEM((_RPW * C * 16,), f32),
            pltpu.VMEM((C * N,), f32),
        ],
    )(_pool_sc_body)
    pip, pjp = sc_pool(vt.reshape(-1), e2.reshape(-1), et2.reshape(-1),
                       a.reshape(-1), usp, wspl)

    pi_tc, pjt_tc = pl.pallas_call(
        _pool_tc_body,
        grid=(B,),
        in_specs=[
            pl.BlockSpec((1, _R_TC, C), lambda b: (b, 0, 0)),
            pl.BlockSpec((1, C, N), lambda b: (b, 0, 0)),
            pl.BlockSpec((1, _R_TC, N), lambda b: (b, 0, 0)),
            pl.BlockSpec((1, _R_TC, N), lambda b: (b, 0, 0)),
            pl.BlockSpec((1, _R_TC, N), lambda b: (b, 0, 0)),
            pl.BlockSpec(memory_space=pltpu.SMEM),
        ],
        out_specs=[pl.BlockSpec((1, _R_TC, C), lambda b: (b, 0, 0)),
                   pl.BlockSpec((1, C, N), lambda b: (b, 0, 0))],
        out_shape=[jax.ShapeDtypeStruct((B, _R_TC, C), f32),
                   jax.ShapeDtypeStruct((B, C, N), f32)],
        scratch_shapes=[
            pltpu.VMEM((C, _R_TC, N), f32),
            pltpu.VMEM((_R_TC, N), f32),
            pltpu.VMEM((_R_TC, N), f32),
        ],
    )(u, vt, a, e2, et2, wsc)

    pi_sc = jnp.sum(pip.reshape(B, _R_SC, C, 16), axis=-1)
    pjp4 = pjp.reshape(B, _WPB, C, N)

    out = pl.pallas_call(
        _post_body,
        grid=(B,),
        in_specs=[
            pl.BlockSpec((1, N, F), lambda b: (b, 0, 0)),
            pl.BlockSpec((1, _R_TC, C), lambda b: (b, 0, 0)),
            pl.BlockSpec((1, _R_SC, C), lambda b: (b, 0, 0)),
            pl.BlockSpec((1, C, N), lambda b: (b, 0, 0)),
            pl.BlockSpec((1, _WPB, C, N), lambda b: (b, 0, 0, 0)),
            pl.BlockSpec((F, F), lambda b: (0, 0)),
            pl.BlockSpec((C, F), lambda b: (0, 0)),
            pl.BlockSpec((C, F), lambda b: (0, 0)),
            pl.BlockSpec((1, F), lambda b: (0, 0)),
            pl.BlockSpec((F, LBL), lambda b: (0, 0)),
            pl.BlockSpec((1, LBL), lambda b: (0, 0)),
        ],
        out_specs=pl.BlockSpec((1, N, LBL), lambda b: (b, 0, 0)),
        out_shape=jax.ShapeDtypeStruct((B, N, LBL), f32),
    )(x, pi_tc, pi_sc, pjt_tc, pjp4, wnx, wni, wnj, bn[None], Wd, bd[None])
    return out

# --- scband reference (transcript-rebuilt; emitter-appended) ---
"""Pipeline reference for scband-net-19224273617064 (READ-ONLY COPY).

The authoritative reference and input builder live on the scoring server;
editing this copy changes nothing except your own understanding.
"""

import jax, jax.numpy as jnp
import numpy as np

B, N, F = 4, 400, 240
S = 1
C = 32
LBL = 480


def setup_inputs(seed: int = 0) -> dict:
    key = jax.random.key(seed)
    ks = jax.random.split(key, 12)
    x = jax.random.normal(ks[0], (B, N, F), dtype=jnp.float32)
    a = jax.random.randint(ks[1], (B, N, N), 0, 2).astype(jnp.float32)
    e = jax.random.normal(ks[2], (B, N, N, S), dtype=jnp.float32)
    stack_in = 2 * F + 2 * S
    Ws = jax.random.normal(ks[3], (stack_in, C), dtype=jnp.float32) * 0.05
    bs = jnp.zeros((C,), dtype=jnp.float32)
    Wai = jax.random.normal(ks[4], (C, 1), dtype=jnp.float32) * 0.05
    bai = jnp.zeros((1,), dtype=jnp.float32)
    Waj = jax.random.normal(ks[5], (C, 1), dtype=jnp.float32) * 0.05
    baj = jnp.zeros((1,), dtype=jnp.float32)
    Wn = jax.random.normal(ks[6], (F + 2 * C, F), dtype=jnp.float32) * 0.05
    bn = jnp.zeros((F,), dtype=jnp.float32)
    We = jax.random.normal(ks[7], (C, S), dtype=jnp.float32) * 0.05
    be = jnp.zeros((S,), dtype=jnp.float32)
    Wd = jax.random.normal(ks[8], (F, LBL), dtype=jnp.float32) * 0.05
    bd = jnp.zeros((LBL,), dtype=jnp.float32)
    return dict(x=x, a=a, e=e, Ws=Ws, bs=bs, Wai=Wai, bai=bai, Waj=Waj, baj=baj,
                Wn=Wn, bn=bn, We=We, be=be, Wd=Wd, bd=bd)


def _xenet(x, a, e, Ws, bs, Wai, bai, Waj, baj, Wn, bn, We, be):
    # XENetConv, batch (dense adjacency) mode: all-pairs edge stack.
    Bq, Nq, Fq = x.shape
    x_i = jnp.broadcast_to(x[:, :, None, :], (Bq, Nq, Nq, Fq))  # source node feats
    x_j = jnp.broadcast_to(x[:, None, :, :], (Bq, Nq, Nq, Fq))  # target node feats
    e_t = jnp.transpose(e, (0, 2, 1, 3))                         # reversed edge feats
    stack = jnp.concatenate([x_i, x_j, e, e_t], axis=-1)         # [B,N,N,2F+2S]
    stack = jax.nn.relu(stack @ Ws + bs)                         # stack MLP, relu
    stack = stack * a[..., None]                                 # mask non-edges
    att_i = jax.nn.sigmoid(stack @ Wai + bai)                    # incoming attention
    att_j = jax.nn.sigmoid(stack @ Waj + baj)                    # outgoing attention
    pool_i = jnp.sum(stack * att_i, axis=2)                      # sum over targets -> [B,N,C]
    pool_j = jnp.sum(stack * att_j, axis=1)                      # sum over sources -> [B,N,C]
    x_out = jnp.concatenate([x, pool_i, pool_j], axis=-1) @ Wn + bn  # node model (linear)
    e_out = stack @ We + be                                      # edge model (linear)
    return x_out, e_out


def reference(x, a, e, Ws, bs, Wai, bai, Waj, baj, Wn, bn, We, be, Wd, bd):
    x_out, e_out = _xenet(x, a, e, Ws, bs, Wai, bai, Waj, baj, Wn, bn, We, be)
    # Net.call: only the node stream goes through the final Dense; edge stream dropped.
    out = x_out @ Wd + bd  # [B, N, LBL], linear activation
    return out

if __name__ == "__main__":
    import jax
    _d = setup_inputs()
    print(jax.jit(kernel)(*tuple(_d.values())))

</pallas_src>

<mosaic_0001>
#map = affine_map<(d0, d1) -> (0)>
module attributes {stable_mosaic.version = 14 : i64} {
  func.func @_pool_sc_body(%arg0: i32, %arg1: i32, %arg2: memref<51200xf32, #tpu.memory_space<hbm>>, %arg3: memref<640000xf32, #tpu.memory_space<hbm>>, %arg4: memref<640000xf32, #tpu.memory_space<hbm>>, %arg5: memref<640000xf32, #tpu.memory_space<hbm>>, %arg6: memref<65536xf32, #tpu.memory_space<hbm>>, %arg7: memref<2080xf32, #tpu.memory_space<hbm>>, %arg8: memref<65536xf32, #tpu.memory_space<hbm>>, %arg9: memref<409600xf32, #tpu.memory_space<hbm>>, %arg10: memref<12800xf32, #tpu.memory_space<vmem>>, %arg11: memref<1600xf32, #tpu.memory_space<vmem>>, %arg12: memref<1600xf32, #tpu.memory_space<vmem>>, %arg13: memref<1600xf32, #tpu.memory_space<vmem>>, %arg14: memref<2048xf32, #tpu.memory_space<vmem>>, %arg15: memref<2080xf32, #tpu.memory_space<vmem>>, %arg16: memref<12800xf32, #tpu.memory_space<vmem>>, %arg17: memref<400xf32, #tpu.memory_space<vmem>>, %arg18: memref<400xf32, #tpu.memory_space<vmem>>, %arg19: memref<2048xf32, #tpu.memory_space<vmem>>, %arg20: memref<12800xf32, #tpu.memory_space<vmem>>) attributes {dimension_semantics = [#tpu.dimension_semantics<core_parallel>, #tpu.dimension_semantics<subcore_parallel>], iteration_bounds = array<i64: 2, 16>, scalar_prefetch = 0 : i64, scratch_operands = 11 : i64, tpu.core_type = #tpu.core_type<sc_vector_subcore>, window_params = [{transform_indices = #map}, {transform_indices = #map}, {transform_indices = #map}, {transform_indices = #map}, {transform_indices = #map}, {transform_indices = #map}, {transform_indices = #map}, {transform_indices = #map}]} {
    %mul3A = arith.constant 2 : i32
    %mul3A_0 = arith.muli %arg1, %mul3A : i32
    %add3A = arith.addi %mul3A_0, %arg0 : i32
    %jit3A = arith.constant 8 : i32
    %div3A = arith.divsi %add3A, %jit3A : i32
    %sign3A = arith.constant 0 : i32
    %sign3A_1 = arith.cmpi sgt, %add3A, %sign3A : i32
    %sign3A_2 = arith.extui %sign3A_1 : i1 to i32
    %sign3A_3 = arith.constant 0 : i32
    %sign3A_4 = arith.cmpi slt, %add3A, %sign3A_3 : i32
    %sign3A_5 = arith.extui %sign3A_4 : i1 to i32
    %sign3A_6 = arith.subi %sign3A_2, %sign3A_5 : i32
    %sign3A_7 = arith.constant 0 : i32
    %sign3A_8 = arith.cmpi sgt, %jit3A, %sign3A_7 : i32
    %sign3A_9 = arith.extui %sign3A_8 : i1 to i32
    %sign3A_10 = arith.constant 0 : i32
    %sign3A_11 = arith.cmpi slt, %jit3A, %sign3A_10 : i32
    %sign3A_12 = arith.extui %sign3A_11 : i1 to i32
    %sign3A_13 = arith.subi %sign3A_9, %sign3A_12 : i32
    %ne3A = arith.cmpi ne, %sign3A_6, %sign3A_13 : i32
    %rem3A = arith.remsi %add3A, %jit3A : i32
    %ne3A_14 = arith.constant 0 : i32
    %ne3A_15 = arith.cmpi ne, %rem3A, %ne3A_14 : i32
    %and3A = arith.andi %ne3A, %ne3A_15 : i1
    %sub3A = arith.constant 1 : i32
    %sub3A_16 = arith.subi %div3A, %sub3A : i32
    %select_n3A = arith.select %and3A, %sub3A_16, %div3A : i32
    %jit3A_17 = arith.constant 8 : i32
    %eq3A = arith.constant 0 : i32
    %eq3A_18 = arith.cmpi eq, %jit3A_17, %eq3A : i32
    %jit3A_19 = arith.constant 1 : i32
    %select_n3A_20 = arith.select %eq3A_18, %jit3A_19, %jit3A_17 : i32
    %rem3A_21 = arith.remsi %add3A, %select_n3A_20 : i32
    %ne3A_22 = arith.constant 0 : i32
    %ne3A_23 = arith.cmpi ne, %rem3A_21, %ne3A_22 : i32
    %lt3A = arith.constant 0 : i32
    %lt3A_24 = arith.cmpi slt, %rem3A_21, %lt3A : i32
    %lt3A_25 = arith.constant 0 : i32
    %lt3A_26 = arith.cmpi slt, %select_n3A_20, %lt3A_25 : i32
    %ne3A_27 = arith.xori %lt3A_24, %lt3A_26 : i1
    %and3A_28 = arith.andi %ne3A_27, %ne3A_23 : i1
    %add3A_29 = arith.addi %rem3A_21, %select_n3A_20 : i32
    %select_n3A_30 = arith.select %and3A_28, %add3A_29, %rem3A_21 : i32
    %mul3A_31 = arith.constant 4 : i32
    %mul3A_32 = arith.muli %select_n3A_30, %mul3A_31 : i32
    %add3A_33 = arith.constant 368 : i32
    %add3A_34 = arith.addi %add3A_33, %mul3A_32 : i32
    %mul3A_35 = arith.constant 32 : i32
    %mul3A_36 = arith.muli %select_n3A, %mul3A_35 : i32
    %mul3A_37 = arith.constant 400 : i32
    %mul3A_38 = arith.muli %mul3A_36, %mul3A_37 : i32
    "tpu.region"() ({
      %run_scoped3A = tpu.sem_alloc : memref<!tpu.dma_semaphore, #tpu.memory_space<semaphore_mem>>
      %dma_start3A = tpu.memref_slice %arg2[%mul3A_38] : memref<51200xf32, #tpu.memory_space<hbm>> -> memref<12800xf32, #tpu.memory_space<hbm>>
      %dma_start3A_91 = tpu.memref_slice %arg2[%mul3A_38] : memref<51200xf32, #tpu.memory_space<hbm>> -> memref<12800xf32, #tpu.memory_space<hbm>>
      tpu.enqueue_dma source(%dma_start3A_91 : memref<12800xf32, #tpu.memory_space<hbm>>) target(%arg10 : memref<12800xf32, #tpu.memory_space<vmem>>) target_semaphore(%run_scoped3A : memref<!tpu.dma_semaphore, #tpu.memory_space<semaphore_mem>>)
      %dma_wait3A = tpu.memref_slice %arg2[%mul3A_38] : memref<51200xf32, #tpu.memory_space<hbm>> -> memref<12800xf32, #tpu.memory_space<hbm>>
      %dma_wait3A_92 = tpu.memref_slice %arg2[%mul3A_38] : memref<51200xf32, #tpu.memory_space<hbm>> -> memref<12800xf32, #tpu.memory_space<hbm>>
      tpu.wait_dma2 semaphore(%run_scoped3A : memref<!tpu.dma_semaphore, #tpu.memory_space<semaphore_mem>>) src(%dma_wait3A_92 : memref<12800xf32, #tpu.memory_space<hbm>>) dst(%arg10 : memref<12800xf32, #tpu.memory_space<vmem>>)
      tpu.yield
    }) : () -> ()
    %mul3A_39 = arith.constant 400 : i32
    %mul3A_40 = arith.muli %select_n3A, %mul3A_39 : i32
    %mul3A_41 = arith.constant 400 : i32
    %mul3A_42 = arith.muli %mul3A_40, %mul3A_41 : i32
    %mul3A_43 = arith.constant 400 : i32
    %mul3A_44 = arith.muli %add3A_34, %mul3A_43 : i32
    %add3A_45 = arith.addi %mul3A_42, %mul3A_44 : i32
    "tpu.region"() ({
      %run_scoped3A = tpu.sem_alloc : memref<!tpu.dma_semaphore, #tpu.memory_space<semaphore_mem>>
      %dma_start3A = tpu.memref_slice %arg3[%add3A_45] : memref<640000xf32, #tpu.memory_space<hbm>> -> memref<1600xf32, #tpu.memory_space<hbm>>
      %dma_start3A_91 = tpu.memref_slice %arg3[%add3A_45] : memref<640000xf32, #tpu.memory_space<hbm>> -> memref<1600xf32, #tpu.memory_space<hbm>>
      tpu.enqueue_dma source(%dma_start3A_91 : memref<1600xf32, #tpu.memory_space<hbm>>) target(%arg11 : memref<1600xf32, #tpu.memory_space<vmem>>) target_semaphore(%run_scoped3A : memref<!tpu.dma_semaphore, #tpu.memory_space<semaphore_mem>>)
      %dma_wait3A = tpu.memref_slice %arg3[%add3A_45] : memref<640000xf32, #tpu.memory_space<hbm>> -> memref<1600xf32, #tpu.memory_space<hbm>>
      %dma_wait3A_92 = tpu.memref_slice %arg3[%add3A_45] : memref<640000xf32, #tpu.memory_space<hbm>> -> memref<1600xf32, #tpu.memory_space<hbm>>
      tpu.wait_dma2 semaphore(%run_scoped3A : memref<!tpu.dma_semaphore, #tpu.memory_space<semaphore_mem>>) src(%dma_wait3A_92 : memref<1600xf32, #tpu.memory_space<hbm>>) dst(%arg11 : memref<1600xf32, #tpu.memory_space<vmem>>)
      tpu.yield
    }) : () -> ()
    "tpu.region"() ({
      %run_scoped3A = tpu.sem_alloc : memref<!tpu.dma_semaphore, #tpu.memory_space<semaphore_mem>>
      %dma_start3A = tpu.memref_slice %arg4[%add3A_45] : memref<640000xf32, #tpu.memory_space<hbm>> -> memref<1600xf32, #tpu.memory_space<hbm>>
      %dma_start3A_91 = tpu.memref_slice %arg4[%add3A_45] : memref<640000xf32, #tpu.memory_space<hbm>> -> memref<1600xf32, #tpu.memory_space<hbm>>
      tpu.enqueue_dma source(%dma_start3A_91 : memref<1600xf32, #tpu.memory_space<hbm>>) target(%arg12 : memref<1600xf32, #tpu.memory_space<vmem>>) target_semaphore(%run_scoped3A : memref<!tpu.dma_semaphore, #tpu.memory_space<semaphore_mem>>)
      %dma_wait3A = tpu.memref_slice %arg4[%add3A_45] : memref<640000xf32, #tpu.memory_space<hbm>> -> memref<1600xf32, #tpu.memory_space<hbm>>
      %dma_wait3A_92 = tpu.memref_slice %arg4[%add3A_45] : memref<640000xf32, #tpu.memory_space<hbm>> -> memref<1600xf32, #tpu.memory_space<hbm>>
      tpu.wait_dma2 semaphore(%run_scoped3A : memref<!tpu.dma_semaphore, #tpu.memory_space<semaphore_mem>>) src(%dma_wait3A_92 : memref<1600xf32, #tpu.memory_space<hbm>>) dst(%arg12 : memref<1600xf32, #tpu.memory_space<vmem>>)
      tpu.yield
    }) : () -> ()
    "tpu.region"() ({
      %run_scoped3A = tpu.sem_alloc : memref<!tpu.dma_semaphore, #tpu.memory_space<semaphore_mem>>
      %dma_start3A = tpu.memref_slice %arg5[%add3A_45] : memref<640000xf32, #tpu.memory_space<hbm>> -> memref<1600xf32, #tpu.memory_space<hbm>>
      %dma_start3A_91 = tpu.memref_slice %arg5[%add3A_45] : memref<640000xf32, #tpu.memory_space<hbm>> -> memref<1600xf32, #tpu.memory_space<hbm>>
      tpu.enqueue_dma source(%dma_start3A_91 : memref<1600xf32, #tpu.memory_space<hbm>>) target(%arg13 : memref<1600xf32, #tpu.memory_space<vmem>>) target_semaphore(%run_scoped3A : memref<!tpu.dma_semaphore, #tpu.memory_space<semaphore_mem>>)
      %dma_wait3A = tpu.memref_slice %arg5[%add3A_45] : memref<640000xf32, #tpu.memory_space<hbm>> -> memref<1600xf32, #tpu.memory_space<hbm>>
      %dma_wait3A_92 = tpu.memref_slice %arg5[%add3A_45] : memref<640000xf32, #tpu.memory_space<hbm>> -> memref<1600xf32, #tpu.memory_space<hbm>>
      tpu.wait_dma2 semaphore(%run_scoped3A : memref<!tpu.dma_semaphore, #tpu.memory_space<semaphore_mem>>) src(%dma_wait3A_92 : memref<1600xf32, #tpu.memory_space<hbm>>) dst(%arg13 : memref<1600xf32, #tpu.memory_space<vmem>>)
      tpu.yield
    }) : () -> ()
    %mul3A_46 = arith.constant 32 : i32
    %mul3A_47 = arith.muli %select_n3A, %mul3A_46 : i32
    %mul3A_48 = arith.constant 4 : i32
    %mul3A_49 = arith.muli %select_n3A_30, %mul3A_48 : i32
    %add3A_50 = arith.addi %mul3A_47, %mul3A_49 : i32
    %mul3A_51 = arith.constant 32 : i32
    %mul3A_52 = arith.muli %add3A_50, %mul3A_51 : i32
    %mul3A_53 = arith.constant 16 : i32
    %mul3A_54 = arith.muli %mul3A_52, %mul3A_53 : i32
    "tpu.region"() ({
      %run_scoped3A = tpu.sem_alloc : memref<!tpu.dma_semaphore, #tpu.memory_space<semaphore_mem>>
      %dma_start3A = tpu.memref_slice %arg6[%mul3A_54] : memref<65536xf32, #tpu.memory_space<hbm>> -> memref<2048xf32, #tpu.memory_space<hbm>>
      %dma_start3A_91 = tpu.memref_slice %arg6[%mul3A_54] : memref<65536xf32, #tpu.memory_space<hbm>> -> memref<2048xf32, #tpu.memory_space<hbm>>
      tpu.enqueue_dma source(%dma_start3A_91 : memref<2048xf32, #tpu.memory_space<hbm>>) target(%arg14 : memref<2048xf32, #tpu.memory_space<vmem>>) target_semaphore(%run_scoped3A : memref<!tpu.dma_semaphore, #tpu.memory_space<semaphore_mem>>)
      %dma_wait3A = tpu.memref_slice %arg6[%mul3A_54] : memref<65536xf32, #tpu.memory_space<hbm>> -> memref<2048xf32, #tpu.memory_space<hbm>>
      %dma_wait3A_92 = tpu.memref_slice %arg6[%mul3A_54] : memref<65536xf32, #tpu.memory_space<hbm>> -> memref<2048xf32, #tpu.memory_space<hbm>>
      tpu.wait_dma2 semaphore(%run_scoped3A : memref<!tpu.dma_semaphore, #tpu.memory_space<semaphore_mem>>) src(%dma_wait3A_92 : memref<2048xf32, #tpu.memory_space<hbm>>) dst(%arg14 : memref<2048xf32, #tpu.memory_space<vmem>>)
      tpu.yield
    }) : () -> ()
    "tpu.region"() ({
      %run_scoped3A = tpu.sem_alloc : memref<!tpu.dma_semaphore, #tpu.memory_space<semaphore_mem>>
      %dma_start3A = arith.constant 0 : i32
      %dma_start3A_91 = tpu.memref_slice %arg7[%dma_start3A] : memref<2080xf32, #tpu.memory_space<hbm>> -> memref<2080xf32, #tpu.memory_space<hbm>>
      %dma_start3A_92 = arith.constant 0 : i32
      %dma_start3A_93 = tpu.memref_slice %arg7[%dma_start3A_92] : memref<2080xf32, #tpu.memory_space<hbm>> -> memref<2080xf32, #tpu.memory_space<hbm>>
      tpu.enqueue_dma source(%dma_start3A_93 : memref<2080xf32, #tpu.memory_space<hbm>>) target(%arg15 : memref<2080xf32, #tpu.memory_space<vmem>>) target_semaphore(%run_scoped3A : memref<!tpu.dma_semaphore, #tpu.memory_space<semaphore_mem>>)
      %dma_wait3A = arith.constant 0 : i32
      %dma_wait3A_94 = tpu.memref_slice %arg7[%dma_wait3A] : memref<2080xf32, #tpu.memory_space<hbm>> -> memref<2080xf32, #tpu.memory_space<hbm>>
      %dma_wait3A_95 = arith.constant 0 : i32
      %dma_wait3A_96 = tpu.memref_slice %arg7[%dma_wait3A_95] : memref<2080xf32, #tpu.memory_space<hbm>> -> memref<2080xf32, #tpu.memory_space<hbm>>
      tpu.wait_dma2 semaphore(%run_scoped3A : memref<!tpu.dma_semaphore, #tpu.memory_space<semaphore_mem>>) src(%dma_wait3A_96 : memref<2080xf32, #tpu.memory_space<hbm>>) dst(%arg15 : memref<2080xf32, #tpu.memory_space<vmem>>)
      tpu.yield
    }) : () -> ()
    %broadcast_in_dim3A = arith.constant 0.000000e+00 : f32
    %broadcast_in_dim3A_55 = vector.broadcast %broadcast_in_dim3A : f32 to vector<16xf32>
    %scan3A = arith.constant 0 : i32
    %scan3A_56 = arith.constant 0 : i32
    %scan3A_57 = arith.constant 800 : i32
    %scan3A_58 = arith.addi %scan3A_56, %scan3A_57 : i32
    %scan3A_59 = arith.constant 1 : i32
    %scan3A_60 = scf.for %scan3A_91 = %scan3A_56 to %scan3A_58 step %scan3A_59 iter_args(%scan3A_92 = %scan3A) -> (i32)  : i32 {
      %mul3A_93 = arith.constant 16 : i32
      %mul3A_94 = arith.muli %scan3A_91, %mul3A_93 : i32
      %swap3A = arith.index_cast %mul3A_94 : i32 to index
      %swap3A_95 = tpu.vector_load %arg20[%swap3A] {strides = array<i32>} : memref<12800xf32, #tpu.memory_space<vmem>>, vector<16xf32>,
      %swap3A_96 = vector.shape_cast %swap3A_95 : vector<16xf32> to vector<16xf32>
      %swap3A_97 = vector.shape_cast %broadcast_in_dim3A_55 : vector<16xf32> to vector<16xf32>
      tpu.vector_store %arg20[%swap3A], %swap3A_97 {strides = array<i32>} : memref<12800xf32, #tpu.memory_space<vmem>>, vector<16xf32>,
      %scan3A_98 = arith.constant 0 : i32
      scf.yield %scan3A_98 : i32
    }
    %scan3A_61 = arith.constant 800 : i32
    %scan3A_62 = arith.constant 0 : i32
    %scan3A_63 = arith.constant 0 : i32
    %scan3A_64 = arith.constant 128 : i32
    %scan3A_65 = arith.addi %scan3A_63, %scan3A_64 : i32
    %scan3A_66 = arith.constant 1 : i32
    %scan3A_67 = scf.for %scan3A_91 = %scan3A_63 to %scan3A_65 step %scan3A_66 iter_args(%scan3A_92 = %scan3A_62) -> (i32)  : i32 {
      %mul3A_93 = arith.constant 16 : i32
      %mul3A_94 = arith.muli %scan3A_91, %mul3A_93 : i32
      %swap3A = arith.index_cast %mul3A_94 : i32 to index
      %swap3A_95 = tpu.vector_load %arg19[%swap3A] {strides = array<i32>} : memref<2048xf32, #tpu.memory_space<vmem>>, vector<16xf32>,
      %swap3A_96 = vector.shape_cast %swap3A_95 : vector<16xf32> to vector<16xf32>
      %swap3A_97 = vector.shape_cast %broadcast_in_dim3A_55 : vector<16xf32> to vector<16xf32>
      tpu.vector_store %arg19[%swap3A], %swap3A_97 {strides = array<i32>} : memref<2048xf32, #tpu.memory_space<vmem>>, vector<16xf32>,
      %scan3A_98 = arith.constant 0 : i32
      scf.yield %scan3A_98 : i32
    }
    %scan3A_68 = arith.constant 128 : i32
    %get3A = arith.constant 2048 : index
    %get3A_69 = tpu.vector_load %arg15[%get3A] {strides = array<i32>} : memref<2080xf32, #tpu.memory_space<vmem>>, vector<16xf32>,
    %get3A_70 = vector.shape_cast %get3A_69 : vector<16xf32> to vector<16xf32>
    %get3A_71 = arith.constant 2064 : index
    %get3A_72 = tpu.vector_load %arg15[%get3A_71] {strides = array<i32>} : memref<2080xf32, #tpu.memory_space<vmem>>, vector<16xf32>,
    %get3A_73 = vector.shape_cast %get3A_72 : vector<16xf32> to vector<16xf32>
    %scan3A_74 = arith.constant 0 : i32
    %scan3A_75 = arith.constant 0 : i32
    %scan3A_76 = arith.constant 4 : i32
    %scan3A_77 = arith.addi %scan3A_75, %scan3A_76 : i32
    %scan3A_78 = arith.constant 1 : i32
    %scan3A_79 = scf.for %scan3A_91 = %scan3A_75 to %scan3A_77 step %scan3A_78 iter_args(%scan3A_92 = %scan3A_74) -> (i32)  : i32 {
      %mul3A_93 = arith.constant 400 : i32
      %mul3A_94 = arith.muli %scan3A_91, %mul3A_93 : i32
      %scan3A_95 = arith.constant 0 : i32
      %scan3A_96 = arith.constant 0 : i32
      %scan3A_97 = arith.constant 25 : i32
      %scan3A_98 = arith.addi %scan3A_96, %scan3A_97 : i32
      %scan3A_99 = arith.constant 1 : i32
      %scan3A_100 = scf.for %scan3A_110 = %scan3A_96 to %scan3A_98 step %scan3A_99 iter_args(%scan3A_111 = %scan3A_95) -> (i32)  : i32 {
        %mul3A_112 = arith.constant 16 : i32
        %mul3A_113 = arith.muli %scan3A_110, %mul3A_112 : i32
        %add3A_114 = arith.addi %mul3A_94, %mul3A_113 : i32
        %get3A_115 = arith.index_cast %add3A_114 : i32 to index
        %get3A_116 = tpu.vector_load %arg11[%get3A_115] {strides = array<i32>} : memref<1600xf32, #tpu.memory_space<vmem>>, vector<16xf32>,
        %get3A_117 = vector.shape_cast %get3A_116 : vector<16xf32> to vector<16xf32>
        %get3A_118 = arith.index_cast %add3A_114 : i32 to index
        %get3A_119 = tpu.vector_load %arg12[%get3A_118] {strides = array<i32>} : memref<1600xf32, #tpu.memory_space<vmem>>, vector<16xf32>,
        %get3A_120 = vector.shape_cast %get3A_119 : vector<16xf32> to vector<16xf32>
        %get3A_121 = arith.index_cast %add3A_114 : i32 to index
        %get3A_122 = tpu.vector_load %arg13[%get3A_121] {strides = array<i32>} : memref<1600xf32, #tpu.memory_space<vmem>>, vector<16xf32>,
        %get3A_123 = vector.shape_cast %get3A_122 : vector<16xf32> to vector<16xf32>
        %mul3A_124 = arith.constant 16 : i32
        %mul3A_125 = arith.muli %scan3A_110, %mul3A_124 : i32
        %add3A_126 = arith.constant 0 : i32
        %add3A_127 = arith.addi %add3A_126, %mul3A_125 : i32
        %mul3A_128 = arith.constant 32 : i32
        %mul3A_129 = arith.muli %scan3A_91, %mul3A_128 : i32
        %mul3A_130 = arith.constant 16 : i32
        %mul3A_131 = arith.muli %mul3A_129, %mul3A_130 : i32
        %add3A_132 = arith.constant 0 : i32
        %add3A_133 = arith.addi %mul3A_131, %add3A_132 : i32
        %get3A_134 = arith.index_cast %add3A_133 : i32 to index
        %get3A_135 = tpu.vector_load %arg14[%get3A_134] {strides = array<i32>} : memref<2048xf32, #tpu.memory_space<vmem>>, vector<16xf32>,
        %get3A_136 = vector.shape_cast %get3A_135 : vector<16xf32> to vector<16xf32>
        %get3A_137 = arith.index_cast %add3A_127 : i32 to index
        %get3A_138 = tpu.vector_load %arg10[%get3A_137] {strides = array<i32>} : memref<12800xf32, #tpu.memory_space<vmem>>, vector<16xf32>,
        %get3A_139 = vector.shape_cast %get3A_138 : vector<16xf32> to vector<16xf32>
        %add3A_140 = arith.addf %get3A_136, %get3A_139 : vector<16xf32>
        %get3A_141 = arith.constant 0 : index
        %get3A_142 = tpu.vector_load %arg15[%get3A_141] {strides = array<i32>} : memref<2080xf32, #tpu.memory_space<vmem>>, vector<16xf32>,
        %get3A_143 = vector.shape_cast %get3A_142 : vector<16xf32> to vector<16xf32>
        %mul3A_144 = arith.mulf %get3A_143, %get3A_117 : vector<16xf32>
        %add3A_145 = arith.addf %add3A_140, %mul3A_144 : vector<16xf32>
        %get3A_146 = arith.constant 512 : index
        %get3A_147 = tpu.vector_load %arg15[%get3A_146] {strides = array<i32>} : memref<2080xf32, #tpu.memory_space<vmem>>, vector<16xf32>,
        %get3A_148 = vector.shape_cast %get3A_147 : vector<16xf32> to vector<16xf32>
        %mul3A_149 = arith.mulf %get3A_148, %get3A_120 : vector<16xf32>
        %add3A_150 = arith.addf %add3A_145, %mul3A_149 : vector<16xf32>
        %max3A = arith.constant 0.000000e+00 : f32
        %max3A_151 = vector.broadcast %max3A : f32 to vector<16xf32>
        %max3A_152 = arith.maximumf %add3A_150, %max3A_151 : vector<16xf32>
        %mul3A_153 = arith.mulf %max3A_152, %get3A_123 : vector<16xf32>
        %swap3A = arith.index_cast %add3A_127 : i32 to index
        %swap3A_154 = tpu.vector_load %arg16[%swap3A] {strides = array<i32>} : memref<12800xf32, #tpu.memory_space<vmem>>, vector<16xf32>,
        %swap3A_155 = vector.shape_cast %swap3A_154 : vector<16xf32> to vector<16xf32>
        %swap3A_156 = vector.shape_cast %mul3A_153 : vector<16xf32> to vector<16xf32>
        tpu.vector_store %arg16[%swap3A], %swap3A_156 {strides = array<i32>} : memref<12800xf32, #tpu.memory_space<vmem>>, vector<16xf32>,
        %get3A_157 = arith.constant 1024 : index
        %get3A_158 = tpu.vector_load %arg15[%get3A_157] {strides = array<i32>} : memref<2080xf32, #tpu.memory_space<vmem>>, vector<16xf32>,
        %get3A_159 = vector.shape_cast %get3A_158 : vector<16xf32> to vector<16xf32>
        %mul3A_160 = arith.mulf %get3A_159, %mul3A_153 : vector<16xf32>
        %add3A_161 = arith.addf %broadcast_in_dim3A_55, %mul3A_160 : vector<16xf32>
        %get3A_162 = arith.constant 1536 : index
        %get3A_163 = tpu.vector_load %arg15[%get3A_162] {strides = array<i32>} : memref<2080xf32, #tpu.memory_space<vmem>>, vector<16xf32>,
        %get3A_164 = vector.shape_cast %get3A_163 : vector<16xf32> to vector<16xf32>
        %mul3A_165 = arith.mulf %get3A_164, %mul3A_153 : vector<16xf32>
        %add3A_166 = arith.addf %broadcast_in_dim3A_55, %mul3A_165 : vector<16xf32>
        %mul3A_167 = arith.constant 16 : i32
        %mul3A_168 = arith.muli %scan3A_110, %mul3A_167 : i32
        %add3A_169 = arith.constant 400 : i32
        %add3A_170 = arith.addi %add3A_169, %mul3A_168 : i32
        %mul3A_171 = arith.constant 32 : i32
        %mul3A_172 = arith.muli %scan3A_91, %mul3A_171 : i32
        %mul3A_173 = arith.constant 16 : i32
        %mul3A_174 = arith.muli %mul3A_172, %mul3A_173 : i32
        %add3A_175 = arith.constant 16 : i32
        %add3A_176 = arith.addi %mul3A_174, %add3A_175 : i32
        %get3A_177 = arith.index_cast %add3A_176 : i32 to index
        %get3A_178 = tpu.vector_load %arg14[%get3A_177] {strides = array<i32>} : memref<2048xf32, #tpu.memory_space<vmem>>, vector<16xf32>,
        %get3A_179 = vector.shape_cast %get3A_178 : vector<16xf32> to vector<16xf32>
        %get3A_180 = arith.index_cast %add3A_170 : i32 to index
        %get3A_181 = tpu.vector_load %arg10[%get3A_180] {strides = array<i32>} : memref<12800xf32, #tpu.memory_space<vmem>>, vector<16xf32>,
        %get3A_182 = vector.shape_cast %get3A_181 : vector<16xf32> to vector<16xf32>
        %add3A_183 = arith.addf %get3A_179, %get3A_182 : vector<16xf32>
        %get3A_184 = arith.constant 16 : index
        %get3A_185 = tpu.vector_load %arg15[%get3A_184] {strides = array<i32>} : memref<2080xf32, #tpu.memory_space<vmem>>, vector<16xf32>,
        %get3A_186 = vector.shape_cast %get3A_185 : vector<16xf32> to vector<16xf32>
        %mul3A_187 = arith.mulf %get3A_186, %get3A_117 : vector<16xf32>
        %add3A_188 = arith.addf %add3A_183, %mul3A_187 : vector<16xf32>
        %get3A_189 = arith.constant 528 : index
        %get3A_190 = tpu.vector_load %arg15[%get3A_189] {strides = array<i32>} : memref<2080xf32, #tpu.memory_space<vmem>>, vector<16xf32>,
        %get3A_191 = vector.shape_cast %get3A_190 : vector<16xf32> to vector<16xf32>
        %mul3A_192 = arith.mulf %get3A_191, %get3A_120 : vector<16xf32>
        %add3A_193 = arith.addf %add3A_188, %mul3A_192 : vector<16xf32>
        %max3A_194 = arith.constant 0.000000e+00 : f32
        %max3A_195 = vector.broadcast %max3A_194 : f32 to vector<16xf32>
        %max3A_196 = arith.maximumf %add3A_193, %max3A_195 : vector<16xf32>
        %mul3A_197 = arith.mulf %max3A_196, %get3A_123 : vector<16xf32>
        %swap3A_198 = arith.index_cast %add3A_170 : i32 to index
        %swap3A_199 = tpu.vector_load %arg16[%swap3A_198] {strides = array<i32>} : memref<12800xf32, #tpu.memory_space<vmem>>, vector<16xf32>,
        %swap3A_200 = vector.shape_cast %swap3A_199 : vector<16xf32> to vector<16xf32>
        %swap3A_201 = vector.shape_cast %mul3A_197 : vector<16xf32> to vector<16xf32>
        tpu.vector_store %arg16[%swap3A_198], %swap3A_201 {strides = array<i32>} : memref<12800xf32, #tpu.memory_space<vmem>>, vector<16xf32>,
        %get3A_202 = arith.constant 1040 : index
        %get3A_203 = tpu.vector_load %arg15[%get3A_202] {strides = array<i32>} : memref<2080xf32, #tpu.memory_space<vmem>>, vector<16xf32>,
        %get3A_204 = vector.shape_cast %get3A_203 : vector<16xf32> to vector<16xf32>
        %mul3A_205 = arith.mulf %get3A_204, %mul3A_197 : vector<16xf32>
        %add3A_206 = arith.addf %add3A_161, %mul3A_205 : vector<16xf32>
        %get3A_207 = arith.constant 1552 : index
        %get3A_208 = tpu.vector_load %arg15[%get3A_207] {strides = array<i32>} : memref<2080xf32, #tpu.memory_space<vmem>>, vector<16xf32>,
        %get3A_209 = vector.shape_cast %get3A_208 : vector<16xf32> to vector<16xf32>
        %mul3A_210 = arith.mulf %get3A_209, %mul3A_197 : vector<16xf32>
        %add3A_211 = arith.addf %add3A_166, %mul3A_210 : vector<16xf32>
        %mul3A_212 = arith.constant 16 : i32
        %mul3A_213 = arith.muli %scan3A_110, %mul3A_212 : i32
        %add3A_214 = arith.constant 800 : i32
        %add3A_215 = arith.addi %add3A_214, %mul3A_213 : i32
        %mul3A_216 = arith.constant 32 : i32
        %mul3A_217 = arith.muli %scan3A_91, %mul3A_216 : i32
        %mul3A_218 = arith.constant 16 : i32
        %mul3A_219 = arith.muli %mul3A_217, %mul3A_218 : i32
        %add3A_220 = arith.constant 32 : i32
        %add3A_221 = arith.addi %mul3A_219, %add3A_220 : i32
        %get3A_222 = arith.index_cast %add3A_221 : i32 to index
        %get3A_223 = tpu.vector_load %arg14[%get3A_222] {strides = array<i32>} : memref<2048xf32, #tpu.memory_space<vmem>>, vector<16xf32>,
        %get3A_224 = vector.shape_cast %get3A_223 : vector<16xf32> to vector<16xf32>
        %get3A_225 = arith.index_cast %add3A_215 : i32 to index
        %get3A_226 = tpu.vector_load %arg10[%get3A_225] {strides = array<i32>} : memref<12800xf32, #tpu.memory_space<vmem>>, vector<16xf32>,
        %get3A_227 = vector.shape_cast %get3A_226 : vector<16xf32> to vector<16xf32>
        %add3A_228 = arith.addf %get3A_224, %get3A_227 : vector<16xf32>
        %get3A_229 = arith.constant 32 : index
        %get3A_230 = tpu.vector_load %arg15[%get3A_229] {strides = array<i32>} : memref<2080xf32, #tpu.memory_space<vmem>>, vector<16xf32>,
        %get3A_231 = vector.shape_cast %get3A_230 : vector<16xf32> to vector<16xf32>
        %mul3A_232 = arith.mulf %get3A_231, %get3A_117 : vector<16xf32>
        %add3A_233 = arith.addf %add3A_228, %mul3A_232 : vector<16xf32>
        %get3A_234 = arith.constant 544 : index
        %get3A_235 = tpu.vector_load %arg15[%get3A_234] {strides = array<i32>} : memref<2080xf32, #tpu.memory_space<vmem>>, vector<16xf32>,
        %get3A_236 = vector.shape_cast %get3A_235 : vector<16xf32> to vector<16xf32>
        %mul3A_237 = arith.mulf %get3A_236, %get3A_120 : vector<16xf32>
        %add3A_238 = arith.addf %add3A_233, %mul3A_237 : vector<16xf32>
        %max3A_239 = arith.constant 0.000000e+00 : f32
        %max3A_240 = vector.broadcast %max3A_239 : f32 to vector<16xf32>
        %max3A_241 = arith.maximumf %add3A_238, %max3A_240 : vector<16xf32>
        %mul3A_242 = arith.mulf %max3A_241, %get3A_123 : vector<16xf32>
        %swap3A_243 = arith.index_cast %add3A_215 : i32 to index
        %swap3A_244 = tpu.vector_load %arg16[%swap3A_243] {strides = array<i32>} : memref<12800xf32, #tpu.memory_space<vmem>>, vector<16xf32>,
        %swap3A_245 = vector.shape_cast %swap3A_244 : vector<16xf32> to vector<16xf32>
        %swap3A_246 = vector.shape_cast %mul3A_242 : vector<16xf32> to vector<16xf32>
        tpu.vector_store %arg16[%swap3A_243], %swap3A_246 {strides = array<i32>} : memref<12800xf32, #tpu.memory_space<vmem>>, vector<16xf32>,
        %get3A_247 = arith.constant 1056 : index
        %get3A_248 = tpu.vector_load %arg15[%get3A_247] {strides = array<i32>} : memref<2080xf32, #tpu.memory_space<vmem>>, vector<16xf32>,
        %get3A_249 = vector.shape_cast %get3A_248 : vector<16xf32> to vector<16xf32>
        %mul3A_250 = arith.mulf %get3A_249, %mul3A_242 : vector<16xf32>
        %add3A_251 = arith.addf %add3A_206, %mul3A_250 : vector<16xf32>
        %get3A_252 = arith.constant 1568 : index
        %get3A_253 = tpu.vector_load %arg15[%get3A_252] {strides = array<i32>} : memref<2080xf32, #tpu.memory_space<vmem>>, vector<16xf32>,
        %get3A_254 = vector.shape_cast %get3A_253 : vector<16xf32> to vector<16xf32>
        %mul3A_255 = arith.mulf %get3A_254, %mul3A_242 : vector<16xf32>
        %add3A_256 = arith.addf %add3A_211, %mul3A_255 : vector<16xf32>
        %mul3A_257 = arith.constant 16 : i32
        %mul3A_258 = arith.muli %scan3A_110, %mul3A_257 : i32
        %add3A_259 = arith.constant 1200 : i32
        %add3A_260 = arith.addi %add3A_259, %mul3A_258 : i32
        %mul3A_261 = arith.constant 32 : i32
        %mul3A_262 = arith.muli %scan3A_91, %mul3A_261 : i32
        %mul3A_263 = arith.constant 16 : i32
        %mul3A_264 = arith.muli %mul3A_262, %mul3A_263 : i32
        %add3A_265 = arith.constant 48 : i32
        %add3A_266 = arith.addi %mul3A_264, %add3A_265 : i32
        %get3A_267 = arith.index_cast %add3A_266 : i32 to index
        %get3A_268 = tpu.vector_load %arg14[%get3A_267] {strides = array<i32>} : memref<2048xf32, #tpu.memory_space<vmem>>, vector<16xf32>,
        %get3A_269 = vector.shape_cast %get3A_268 : vector<16xf32> to vector<16xf32>
        %get3A_270 = arith.index_cast %add3A_260 : i32 to index
        %get3A_271 = tpu.vector_load %arg10[%get3A_270] {strides = array<i32>} : memref<12800xf32, #tpu.memory_space<vmem>>, vector<16xf32>,
        %get3A_272 = vector.shape_cast %get3A_271 : vector<16xf32> to vector<16xf32>
        %add3A_273 = arith.addf %get3A_269, %get3A_272 : vector<16xf32>
        %get3A_274 = arith.constant 48 : index
        %get3A_275 = tpu.vector_load %arg15[%get3A_274] {strides = array<i32>} : memref<2080xf32, #tpu.memory_space<vmem>>, vector<16xf32>,
        %get3A_276 = vector.shape_cast %get3A_275 : vector<16xf32> to vector<16xf32>
        %mul3A_277 = arith.mulf %get3A_276, %get3A_117 : vector<16xf32>
        %add3A_278 = arith.addf %add3A_273, %mul3A_277 : vector<16xf32>
        %get3A_279 = arith.constant 560 : index
        %get3A_280 = tpu.vector_load %arg15[%get3A_279] {strides = array<i32>} : memref<2080xf32, #tpu.memory_space<vmem>>, vector<16xf32>,
        %get3A_281 = vector.shape_cast %get3A_280 : vector<16xf32> to vector<16xf32>
        %mul3A_282 = arith.mulf %get3A_281, %get3A_120 : vector<16xf32>
        %add3A_283 = arith.addf %add3A_278, %mul3A_282 : vector<16xf32>
        %max3A_284 = arith.constant 0.000000e+00 : f32
        %max3A_285 = vector.broadcast %max3A_284 : f32 to vector<16xf32>
        %max3A_286 = arith.maximumf %add3A_283, %max3A_285 : vector<16xf32>
        %mul3A_287 = arith.mulf %max3A_286, %get3A_123 : vector<16xf32>
        %swap3A_288 = arith.index_cast %add3A_260 : i32 to index
        %swap3A_289 = tpu.vector_load %arg16[%swap3A_288] {strides = array<i32>} : memref<12800xf32, #tpu.memory_space<vmem>>, vector<16xf32>,
        %swap3A_290 = vector.shape_cast %swap3A_289 : vector<16xf32> to vector<16xf32>
        %swap3A_291 = vector.shape_cast %mul3A_287 : vector<16xf32> to vector<16xf32>
        tpu.vector_store %arg16[%swap3A_288], %swap3A_291 {strides = array<i32>} : memref<12800xf32, #tpu.memory_space<vmem>>, vector<16xf32>,
        %get3A_292 = arith.constant 1072 : index
        %get3A_293 = tpu.vector_load %arg15[%get3A_292] {strides = array<i32>} : memref<2080xf32, #tpu.memory_space<vmem>>, vector<16xf32>,
        %get3A_294 = vector.shape_cast %get3A_293 : vector<16xf32> to vector<16xf32>
        %mul3A_295 = arith.mulf %get3A_294, %mul3A_287 : vector<16xf32>
        %add3A_296 = arith.addf %add3A_251, %mul3A_295 : vector<16xf32>
        %get3A_297 = arith.constant 1584 : index
        %get3A_298 = tpu.vector_load %arg15[%get3A_297] {strides = array<i32>} : memref<2080xf32, #tpu.memory_space<vmem>>, vector<16xf32>,
        %get3A_299 = vector.shape_cast %get3A_298 : vector<16xf32> to vector<16xf32>
        %mul3A_300 = arith.mulf %get3A_299, %mul3A_287 : vector<16xf32>
        %add3A_301 = arith.addf %add3A_256, %mul3A_300 : vector<16xf32>
        %mul3A_302 = arith.constant 16 : i32
        %mul3A_303 = arith.muli %scan3A_110, %mul3A_302 : i32
        %add3A_304 = arith.constant 1600 : i32
        %add3A_305 = arith.addi %add3A_304, %mul3A_303 : i32
        %mul3A_306 = arith.constant 32 : i32
        %mul3A_307 = arith.muli %scan3A_91, %mul3A_306 : i32
        %mul3A_308 = arith.constant 16 : i32
        %mul3A_309 = arith.muli %mul3A_307, %mul3A_308 : i32
        %add3A_310 = arith.constant 64 : i32
        %add3A_311 = arith.addi %mul3A_309, %add3A_310 : i32
        %get3A_312 = arith.index_cast %add3A_311 : i32 to index
        %get3A_313 = tpu.vector_load %arg14[%get3A_312] {strides = array<i32>} : memref<2048xf32, #tpu.memory_space<vmem>>, vector<16xf32>,
        %get3A_314 = vector.shape_cast %get3A_313 : vector<16xf32> to vector<16xf32>
        %get3A_315 = arith.index_cast %add3A_305 : i32 to index
        %get3A_316 = tpu.vector_load %arg10[%get3A_315] {strides = array<i32>} : memref<12800xf32, #tpu.memory_space<vmem>>, vector<16xf32>,
        %get3A_317 = vector.shape_cast %get3A_316 : vector<16xf32> to vector<16xf32>
        %add3A_318 = arith.addf %get3A_314, %get3A_317 : vector<16xf32>
        %get3A_319 = arith.constant 64 : index
        %get3A_320 = tpu.vector_load %arg15[%get3A_319] {strides = array<i32>} : memref<2080xf32, #tpu.memory_space<vmem>>, vector<16xf32>,
        %get3A_321 = vector.shape_cast %get3A_320 : vector<16xf32> to vector<16xf32>
        %mul3A_322 = arith.mulf %get3A_321, %get3A_117 : vector<16xf32>
        %add3A_323 = arith.addf %add3A_318, %mul3A_322 : vector<16xf32>
        %get3A_324 = arith.constant 576 : index
        %get3A_325 = tpu.vector_load %arg15[%get3A_324] {strides = array<i32>} : memref<2080xf32, #tpu.memory_space<vmem>>, vector<16xf32>,
        %get3A_326 = vector.shape_cast %get3A_325 : vector<16xf32> to vector<16xf32>
        %mul3A_327 = arith.mulf %get3A_326, %get3A_120 : vector<16xf32>
        %add3A_328 = arith.addf %add3A_323, %mul3A_327 : vector<16xf32>
        %max3A_329 = arith.constant 0.000000e+00 : f32
        %max3A_330 = vector.broadcast %max3A_329 : f32 to vector<16xf32>
        %max3A_331 = arith.maximumf %add3A_328, %max3A_330 : vector<16xf32>
        %mul3A_332 = arith.mulf %max3A_331, %get3A_123 : vector<16xf32>
        %swap3A_333 = arith.index_cast %add3A_305 : i32 to index
        %swap3A_334 = tpu.vector_load %arg16[%swap3A_333] {strides = array<i32>} : memref<12800xf32, #tpu.memory_space<vmem>>, vector<16xf32>,
        %swap3A_335 = vector.shape_cast %swap3A_334 : vector<16xf32> to vector<16xf32>
        %swap3A_336 = vector.shape_cast %mul3A_332 : vector<16xf32> to vector<16xf32>
        tpu.vector_store %arg16[%swap3A_333], %swap3A_336 {strides = array<i32>} : memref<12800xf32, #tpu.memory_space<vmem>>, vector<16xf32>,
        %get3A_337 = arith.constant 1088 : index
        %get3A_338 = tpu.vector_load %arg15[%get3A_337] {strides = array<i32>} : memref<2080xf32, #tpu.memory_space<vmem>>, vector<16xf32>,
        %get3A_339 = vector.shape_cast %get3A_338 : vector<16xf32> to vector<16xf32>
        %mul3A_340 = arith.mulf %get3A_339, %mul3A_332 : vector<16xf32>
        %add3A_341 = arith.addf %add3A_296, %mul3A_340 : vector<16xf32>
        %get3A_342 = arith.constant 1600 : index
        %get3A_343 = tpu.vector_load %arg15[%get3A_342] {strides = array<i32>} : memref<2080xf32, #tpu.memory_space<vmem>>, vector<16xf32>,
        %get3A_344 = vector.shape_cast %get3A_343 : vector<16xf32> to vector<16xf32>
        %mul3A_345 = arith.mulf %get3A_344, %mul3A_332 : vector<16xf32>
        %add3A_346 = arith.addf %add3A_301, %mul3A_345 : vector<16xf32>
        %mul3A_347 = arith.constant 16 : i32
        %mul3A_348 = arith.muli %scan3A_110, %mul3A_347 : i32
        %add3A_349 = arith.constant 2000 : i32
        %add3A_350 = arith.addi %add3A_349, %mul3A_348 : i32
        %mul3A_351 = arith.constant 32 : i32
        %mul3A_352 = arith.muli %scan3A_91, %mul3A_351 : i32
        %mul3A_353 = arith.constant 16 : i32
        %mul3A_354 = arith.muli %mul3A_352, %mul3A_353 : i32
        %add3A_355 = arith.constant 80 : i32
        %add3A_356 = arith.addi %mul3A_354, %add3A_355 : i32
        %get3A_357 = arith.index_cast %add3A_356 : i32 to index
        %get3A_358 = tpu.vector_load %arg14[%get3A_357] {strides = array<i32>} : memref<2048xf32, #tpu.memory_space<vmem>>, vector<16xf32>,
        %get3A_359 = vector.shape_cast %get3A_358 : vector<16xf32> to vector<16xf32>
        %get3A_360 = arith.index_cast %add3A_350 : i32 to index
        %get3A_361 = tpu.vector_load %arg10[%get3A_360] {strides = array<i32>} : memref<12800xf32, #tpu.memory_space<vmem>>, vector<16xf32>,
        %get3A_362 = vector.shape_cast %get3A_361 : vector<16xf32> to vector<16xf32>
        %add3A_363 = arith.addf %get3A_359, %get3A_362 : vector<16xf32>
        %get3A_364 = arith.constant 80 : index
        %get3A_365 = tpu.vector_load %arg15[%get3A_364] {strides = array<i32>} : memref<2080xf32, #tpu.memory_space<vmem>>, vector<16xf32>,
        %get3A_366 = vector.shape_cast %get3A_365 : vector<16xf32> to vector<16xf32>
        %mul3A_367 = arith.mulf %get3A_366, %get3A_117 : vector<16xf32>
        %add3A_368 = arith.addf %add3A_363, %mul3A_367 : vector<16xf32>
        %get3A_369 = arith.constant 592 : index
        %get3A_370 = tpu.vector_load %arg15[%get3A_369] {strides = array<i32>} : memref<2080xf32, #tpu.memory_space<vmem>>, vector<16xf32>,
        %get3A_371 = vector.shape_cast %get3A_370 : vector<16xf32> to vector<16xf32>
        %mul3A_372 = arith.mulf %get3A_371, %get3A_120 : vector<16xf32>
        %add3A_373 = arith.addf %add3A_368, %mul3A_372 : vector<16xf32>
        %max3A_374 = arith.constant 0.000000e+00 : f32
        %max3A_375 = vector.broadcast %max3A_374 : f32 to vector<16xf32>
        %max3A_376 = arith.maximumf %add3A_373, %max3A_375 : vector<16xf32>
        %mul3A_377 = arith.mulf %max3A_376, %get3A_123 : vector<16xf32>
        %swap3A_378 = arith.index_cast %add3A_350 : i32 to index
        %swap3A_379 = tpu.vector_load %arg16[%swap3A_378] {strides = array<i32>} : memref<12800xf32, #tpu.memory_space<vmem>>, vector<16xf32>,
        %swap3A_380 = vector.shape_cast %swap3A_379 : vector<16xf32> to vector<16xf32>
        %swap3A_381 = vector.shape_cast %mul3A_377 : vector<16xf32> to vector<16xf32>
        tpu.vector_store %arg16[%swap3A_378], %swap3A_381 {strides = array<i32>} : memref<12800xf32, #tpu.memory_space<vmem>>, vector<16xf32>,
        %get3A_382 = arith.constant 1104 : index
        %get3A_383 = tpu.vector_load %arg15[%get3A_382] {strides = array<i32>} : memref<2080xf32, #tpu.memory_space<vmem>>, vector<16xf32>,
        %get3A_384 = vector.shape_cast %get3A_383 : vector<16xf32> to vector<16xf32>
        %mul3A_385 = arith.mulf %get3A_384, %mul3A_377 : vector<16xf32>
        %add3A_386 = arith.addf %add3A_341, %mul3A_385 : vector<16xf32>
        %get3A_387 = arith.constant 1616 : index
        %get3A_388 = tpu.vector_load %arg15[%get3A_387] {strides = array<i32>} : memref<2080xf32, #tpu.memory_space<vmem>>, vector<16xf32>,
        %get3A_389 = vector.shape_cast %get3A_388 : vector<16xf32> to vector<16xf32>
        %mul3A_390 = arith.mulf %get3A_389, %mul3A_377 : vector<16xf32>
        %add3A_391 = arith.addf %add3A_346, %mul3A_390 : vector<16xf32>
        %mul3A_392 = arith.constant 16 : i32
        %mul3A_393 = arith.muli %scan3A_110, %mul3A_392 : i32
        %add3A_394 = arith.constant 2400 : i32
        %add3A_395 = arith.addi %add3A_394, %mul3A_393 : i32
        %mul3A_396 = arith.constant 32 : i32
        %mul3A_397 = arith.muli %scan3A_91, %mul3A_396 : i32
        %mul3A_398 = arith.constant 16 : i32
        %mul3A_399 = arith.muli %mul3A_397, %mul3A_398 : i32
        %add3A_400 = arith.constant 96 : i32
        %add3A_401 = arith.addi %mul3A_399, %add3A_400 : i32
        %get3A_402 = arith.index_cast %add3A_401 : i32 to index
        %get3A_403 = tpu.vector_load %arg14[%get3A_402] {strides = array<i32>} : memref<2048xf32, #tpu.memory_space<vmem>>, vector<16xf32>,
        %get3A_404 = vector.shape_cast %get3A_403 : vector<16xf32> to vector<16xf32>
        %get3A_405 = arith.index_cast %add3A_395 : i32 to index
        %get3A_406 = tpu.vector_load %arg10[%get3A_405] {strides = array<i32>} : memref<12800xf32, #tpu.memory_space<vmem>>, vector<16xf32>,
        %get3A_407 = vector.shape_cast %get3A_406 : vector<16xf32> to vector<16xf32>
        %add3A_408 = arith.addf %get3A_404, %get3A_407 : vector<16xf32>
        %get3A_409 = arith.constant 96 : index
        %get3A_410 = tpu.vector_load %arg15[%get3A_409] {strides = array<i32>} : memref<2080xf32, #tpu.memory_space<vmem>>, vector<16xf32>,
        %get3A_411 = vector.shape_cast %get3A_410 : vector<16xf32> to vector<16xf32>
        %mul3A_412 = arith.mulf %get3A_411, %get3A_117 : vector<16xf32>
        %add3A_413 = arith.addf %add3A_408, %mul3A_412 : vector<16xf32>
        %get3A_414 = arith.constant 608 : index
        %get3A_415 = tpu.vector_load %arg15[%get3A_414] {strides = array<i32>} : memref<2080xf32, #tpu.memory_space<vmem>>, vector<16xf32>,
        %get3A_416 = vector.shape_cast %get3A_415 : vector<16xf32> to vector<16xf32>
        %mul3A_417 = arith.mulf %get3A_416, %get3A_120 : vector<16xf32>
        %add3A_418 = arith.addf %add3A_413, %mul3A_417 : vector<16xf32>
        %max3A_419 = arith.constant 0.000000e+00 : f32
        %max3A_420 = vector.broadcast %max3A_419 : f32 to vector<16xf32>
        %max3A_421 = arith.maximumf %add3A_418, %max3A_420 : vector<16xf32>
        %mul3A_422 = arith.mulf %max3A_421, %get3A_123 : vector<16xf32>
        %swap3A_423 = arith.index_cast %add3A_395 : i32 to index
        %swap3A_424 = tpu.vector_load %arg16[%swap3A_423] {strides = array<i32>} : memref<12800xf32, #tpu.memory_space<vmem>>, vector<16xf32>,
        %swap3A_425 = vector.shape_cast %swap3A_424 : vector<16xf32> to vector<16xf32>
        %swap3A_426 = vector.shape_cast %mul3A_422 : vector<16xf32> to vector<16xf32>
        tpu.vector_store %arg16[%swap3A_423], %swap3A_426 {strides = array<i32>} : memref<12800xf32, #tpu.memory_space<vmem>>, vector<16xf32>,
        %get3A_427 = arith.constant 1120 : index
        %get3A_428 = tpu.vector_load %arg15[%get3A_427] {strides = array<i32>} : memref<2080xf32, #tpu.memory_space<vmem>>, vector<16xf32>,
        %get3A_429 = vector.shape_cast %get3A_428 : vector<16xf32> to vector<16xf32>
        %mul3A_430 = arith.mulf %get3A_429, %mul3A_422 : vector<16xf32>
        %add3A_431 = arith.addf %add3A_386, %mul3A_430 : vector<16xf32>
        %get3A_432 = arith.constant 1632 : index
        %get3A_433 = tpu.vector_load %arg15[%get3A_432] {strides = array<i32>} : memref<2080xf32, #tpu.memory_space<vmem>>, vector<16xf32>,
        %get3A_434 = vector.shape_cast %get3A_433 : vector<16xf32> to vector<16xf32>
        %mul3A_435 = arith.mulf %get3A_434, %mul3A_422 : vector<16xf32>
        %add3A_436 = arith.addf %add3A_391, %mul3A_435 : vector<16xf32>
        %mul3A_437 = arith.constant 16 : i32
        %mul3A_438 = arith.muli %scan3A_110, %mul3A_437 : i32
        %add3A_439 = arith.constant 2800 : i32
        %add3A_440 = arith.addi %add3A_439, %mul3A_438 : i32
        %mul3A_441 = arith.constant 32 : i32
        %mul3A_442 = arith.muli %scan3A_91, %mul3A_441 : i32
        %mul3A_443 = arith.constant 16 : i32
        %mul3A_444 = arith.muli %mul3A_442, %mul3A_443 : i32
        %add3A_445 = arith.constant 112 : i32
        %add3A_446 = arith.addi %mul3A_444, %add3A_445 : i32
        %get3A_447 = arith.index_cast %add3A_446 : i32 to index
        %get3A_448 = tpu.vector_load %arg14[%get3A_447] {strides = array<i32>} : memref<2048xf32, #tpu.memory_space<vmem>>, vector<16xf32>,
        %get3A_449 = vector.shape_cast %get3A_448 : vector<16xf32> to vector<16xf32>
        %get3A_450 = arith.index_cast %add3A_440 : i32 to index
        %get3A_451 = tpu.vector_load %arg10[%get3A_450] {strides = array<i32>} : memref<12800xf32, #tpu.memory_space<vmem>>, vector<16xf32>,
        %get3A_452 = vector.shape_cast %get3A_451 : vector<16xf32> to vector<16xf32>
        %add3A_453 = arith.addf %get3A_449, %get3A_452 : vector<16xf32>
        %get3A_454 = arith.constant 112 : index
        %get3A_455 = tpu.vector_load %arg15[%get3A_454] {strides = array<i32>} : memref<2080xf32, #tpu.memory_space<vmem>>, vector<16xf32>,
        %get3A_456 = vector.shape_cast %get3A_455 : vector<16xf32> to vector<16xf32>
        %mul3A_457 = arith.mulf %get3A_456, %get3A_117 : vector<16xf32>
        %add3A_458 = arith.addf %add3A_453, %mul3A_457 : vector<16xf32>
        %get3A_459 = arith.constant 624 : index
        %get3A_460 = tpu.vector_load %arg15[%get3A_459] {strides = array<i32>} : memref<2080xf32, #tpu.memory_space<vmem>>, vector<16xf32>,
        %get3A_461 = vector.shape_cast %get3A_460 : vector<16xf32> to vector<16xf32>
        %mul3A_462 = arith.mulf %get3A_461, %get3A_120 : vector<16xf32>
        %add3A_463 = arith.addf %add3A_458, %mul3A_462 : vector<16xf32>
        %max3A_464 = arith.constant 0.000000e+00 : f32
        %max3A_465 = vector.broadcast %max3A_464 : f32 to vector<16xf32>
        %max3A_466 = arith.maximumf %add3A_463, %max3A_465 : vector<16xf32>
        %mul3A_467 = arith.mulf %max3A_466, %get3A_123 : vector<16xf32>
        %swap3A_468 = arith.index_cast %add3A_440 : i32 to index
        %swap3A_469 = tpu.vector_load %arg16[%swap3A_468] {strides = array<i32>} : memref<12800xf32, #tpu.memory_space<vmem>>, vector<16xf32>,
        %swap3A_470 = vector.shape_cast %swap3A_469 : vector<16xf32> to vector<16xf32>
        %swap3A_471 = vector.shape_cast %mul3A_467 : vector<16xf32> to vector<16xf32>
        tpu.vector_store %arg16[%swap3A_468], %swap3A_471 {strides = array<i32>} : memref<12800xf32, #tpu.memory_space<vmem>>, vector<16xf32>,
        %get3A_472 = arith.constant 1136 : index
        %get3A_473 = tpu.vector_load %arg15[%get3A_472] {strides = array<i32>} : memref<2080xf32, #tpu.memory_space<vmem>>, vector<16xf32>,
        %get3A_474 = vector.shape_cast %get3A_473 : vector<16xf32> to vector<16xf32>
        %mul3A_475 = arith.mulf %get3A_474, %mul3A_467 : vector<16xf32>
        %add3A_476 = arith.addf %add3A_431, %mul3A_475 : vector<16xf32>
        %get3A_477 = arith.constant 1648 : index
        %get3A_478 = tpu.vector_load %arg15[%get3A_477] {strides = array<i32>} : memref<2080xf32, #tpu.memory_space<vmem>>, vector<16xf32>,
        %get3A_479 = vector.shape_cast %get3A_478 : vector<16xf32> to vector<16xf32>
        %mul3A_480 = arith.mulf %get3A_479, %mul3A_467 : vector<16xf32>
        %add3A_481 = arith.addf %add3A_436, %mul3A_480 : vector<16xf32>
        %mul3A_482 = arith.constant 16 : i32
        %mul3A_483 = arith.muli %scan3A_110, %mul3A_482 : i32
        %add3A_484 = arith.constant 3200 : i32
        %add3A_485 = arith.addi %add3A_484, %mul3A_483 : i32
        %mul3A_486 = arith.constant 32 : i32
        %mul3A_487 = arith.muli %scan3A_91, %mul3A_486 : i32
        %mul3A_488 = arith.constant 16 : i32
        %mul3A_489 = arith.muli %mul3A_487, %mul3A_488 : i32
        %add3A_490 = arith.constant 128 : i32
        %add3A_491 = arith.addi %mul3A_489, %add3A_490 : i32
        %get3A_492 = arith.index_cast %add3A_491 : i32 to index
        %get3A_493 = tpu.vector_load %arg14[%get3A_492] {strides = array<i32>} : memref<2048xf32, #tpu.memory_space<vmem>>, vector<16xf32>,
        %get3A_494 = vector.shape_cast %get3A_493 : vector<16xf32> to vector<16xf32>
        %get3A_495 = arith.index_cast %add3A_485 : i32 to index
        %get3A_496 = tpu.vector_load %arg10[%get3A_495] {strides = array<i32>} : memref<12800xf32, #tpu.memory_space<vmem>>, vector<16xf32>,
        %get3A_497 = vector.shape_cast %get3A_496 : vector<16xf32> to vector<16xf32>
        %add3A_498 = arith.addf %get3A_494, %get3A_497 : vector<16xf32>
        %get3A_499 = arith.constant 128 : index
        %get3A_500 = tpu.vector_load %arg15[%get3A_499] {strides = array<i32>} : memref<2080xf32, #tpu.memory_space<vmem>>, vector<16xf32>,
        %get3A_501 = vector.shape_cast %get3A_500 : vector<16xf32> to vector<16xf32>
        %mul3A_502 = arith.mulf %get3A_501, %get3A_117 : vector<16xf32>
        %add3A_503 = arith.addf %add3A_498, %mul3A_502 : vector<16xf32>
        %get3A_504 = arith.constant 640 : index
        %get3A_505 = tpu.vector_load %arg15[%get3A_504] {strides = array<i32>} : memref<2080xf32, #tpu.memory_space<vmem>>, vector<16xf32>,
        %get3A_506 = vector.shape_cast %get3A_505 : vector<16xf32> to vector<16xf32>
        %mul3A_507 = arith.mulf %get3A_506, %get3A_120 : vector<16xf32>
        %add3A_508 = arith.addf %add3A_503, %mul3A_507 : vector<16xf32>
        %max3A_509 = arith.constant 0.000000e+00 : f32
        %max3A_510 = vector.broadcast %max3A_509 : f32 to vector<16xf32>
        %max3A_511 = arith.maximumf %add3A_508, %max3A_510 : vector<16xf32>
        %mul3A_512 = arith.mulf %max3A_511, %get3A_123 : vector<16xf32>
        %swap3A_513 = arith.index_cast %add3A_485 : i32 to index
        %swap3A_514 = tpu.vector_load %arg16[%swap3A_513] {strides = array<i32>} : memref<12800xf32, #tpu.memory_space<vmem>>, vector<16xf32>,
        %swap3A_515 = vector.shape_cast %swap3A_514 : vector<16xf32> to vector<16xf32>
        %swap3A_516 = vector.shape_cast %mul3A_512 : vector<16xf32> to vector<16xf32>
        tpu.vector_store %arg16[%swap3A_513], %swap3A_516 {strides = array<i32>} : memref<12800xf32, #tpu.memory_space<vmem>>, vector<16xf32>,
        %get3A_517 = arith.constant 1152 : index
        %get3A_518 = tpu.vector_load %arg15[%get3A_517] {strides = array<i32>} : memref<2080xf32, #tpu.memory_space<vmem>>, vector<16xf32>,
        %get3A_519 = vector.shape_cast %get3A_518 : vector<16xf32> to vector<16xf32>
        %mul3A_520 = arith.mulf %get3A_519, %mul3A_512 : vector<16xf32>
        %add3A_521 = arith.addf %add3A_476, %mul3A_520 : vector<16xf32>
        %get3A_522 = arith.constant 1664 : index
        %get3A_523 = tpu.vector_load %arg15[%get3A_522] {strides = array<i32>} : memref<2080xf32, #tpu.memory_space<vmem>>, vector<16xf32>,
        %get3A_524 = vector.shape_cast %get3A_523 : vector<16xf32> to vector<16xf32>
        %mul3A_525 = arith.mulf %get3A_524, %mul3A_512 : vector<16xf32>
        %add3A_526 = arith.addf %add3A_481, %mul3A_525 : vector<16xf32>
        %mul3A_527 = arith.constant 16 : i32
        %mul3A_528 = arith.muli %scan3A_110, %mul3A_527 : i32
        %add3A_529 = arith.constant 3600 : i32
        %add3A_530 = arith.addi %add3A_529, %mul3A_528 : i32
        %mul3A_531 = arith.constant 32 : i32
        %mul3A_532 = arith.muli %scan3A_91, %mul3A_531 : i32
        %mul3A_533 = arith.constant 16 : i32
        %mul3A_534 = arith.muli %mul3A_532, %mul3A_533 : i32
        %add3A_535 = arith.constant 144 : i32
        %add3A_536 = arith.addi %mul3A_534, %add3A_535 : i32
        %get3A_537 = arith.index_cast %add3A_536 : i32 to index
        %get3A_538 = tpu.vector_load %arg14[%get3A_537] {strides = array<i32>} : memref<2048xf32, #tpu.memory_space<vmem>>, vector<16xf32>,
        %get3A_539 = vector.shape_cast %get3A_538 : vector<16xf32> to vector<16xf32>
        %get3A_540 = arith.index_cast %add3A_530 : i32 to index
        %get3A_541 = tpu.vector_load %arg10[%get3A_540] {strides = array<i32>} : memref<12800xf32, #tpu.memory_space<vmem>>, vector<16xf32>,
        %get3A_542 = vector.shape_cast %get3A_541 : vector<16xf32> to vector<16xf32>
        %add3A_543 = arith.addf %get3A_539, %get3A_542 : vector<16xf32>
        %get3A_544 = arith.constant 144 : index
        %get3A_545 = tpu.vector_load %arg15[%get3A_544] {strides = array<i32>} : memref<2080xf32, #tpu.memory_space<vmem>>, vector<16xf32>,
        %get3A_546 = vector.shape_cast %get3A_545 : vector<16xf32> to vector<16xf32>
        %mul3A_547 = arith.mulf %get3A_546, %get3A_117 : vector<16xf32>
        %add3A_548 = arith.addf %add3A_543, %mul3A_547 : vector<16xf32>
        %get3A_549 = arith.constant 656 : index
        %get3A_550 = tpu.vector_load %arg15[%get3A_549] {strides = array<i32>} : memref<2080xf32, #tpu.memory_space<vmem>>, vector<16xf32>,
        %get3A_551 = vector.shape_cast %get3A_550 : vector<16xf32> to vector<16xf32>
        %mul3A_552 = arith.mulf %get3A_551, %get3A_120 : vector<16xf32>
        %add3A_553 = arith.addf %add3A_548, %mul3A_552 : vector<16xf32>
        %max3A_554 = arith.constant 0.000000e+00 : f32
        %max3A_555 = vector.broadcast %max3A_554 : f32 to vector<16xf32>
        %max3A_556 = arith.maximumf %add3A_553, %max3A_555 : vector<16xf32>
        %mul3A_557 = arith.mulf %max3A_556, %get3A_123 : vector<16xf32>
        %swap3A_558 = arith.index_cast %add3A_530 : i32 to index
        %swap3A_559 = tpu.vector_load %arg16[%swap3A_558] {strides = array<i32>} : memref<12800xf32, #tpu.memory_space<vmem>>, vector<16xf32>,
        %swap3A_560 = vector.shape_cast %swap3A_559 : vector<16xf32> to vector<16xf32>
        %swap3A_561 = vector.shape_cast %mul3A_557 : vector<16xf32> to vector<16xf32>
        tpu.vector_store %arg16[%swap3A_558], %swap3A_561 {strides = array<i32>} : memref<12800xf32, #tpu.memory_space<vmem>>, vector<16xf32>,
        %get3A_562 = arith.constant 1168 : index
        %get3A_563 = tpu.vector_load %arg15[%get3A_562] {strides = array<i32>} : memref<2080xf32, #tpu.memory_space<vmem>>, vector<16xf32>,
        %get3A_564 = vector.shape_cast %get3A_563 : vector<16xf32> to vector<16xf32>
        %mul3A_565 = arith.mulf %get3A_564, %mul3A_557 : vector<16xf32>
        %add3A_566 = arith.addf %add3A_521, %mul3A_565 : vector<16xf32>
        %get3A_567 = arith.constant 1680 : index
        %get3A_568 = tpu.vector_load %arg15[%get3A_567] {strides = array<i32>} : memref<2080xf32, #tpu.memory_space<vmem>>, vector<16xf32>,
        %get3A_569 = vector.shape_cast %get3A_568 : vector<16xf32> to vector<16xf32>
        %mul3A_570 = arith.mulf %get3A_569, %mul3A_557 : vector<16xf32>
        %add3A_571 = arith.addf %add3A_526, %mul3A_570 : vector<16xf32>
        %mul3A_572 = arith.constant 16 : i32
        %mul3A_573 = arith.muli %scan3A_110, %mul3A_572 : i32
        %add3A_574 = arith.constant 4000 : i32
        %add3A_575 = arith.addi %add3A_574, %mul3A_573 : i32
        %mul3A_576 = arith.constant 32 : i32
        %mul3A_577 = arith.muli %scan3A_91, %mul3A_576 : i32
        %mul3A_578 = arith.constant 16 : i32
        %mul3A_579 = arith.muli %mul3A_577, %mul3A_578 : i32
        %add3A_580 = arith.constant 160 : i32
        %add3A_581 = arith.addi %mul3A_579, %add3A_580 : i32
        %get3A_582 = arith.index_cast %add3A_581 : i32 to index
        %get3A_583 = tpu.vector_load %arg14[%get3A_582] {strides = array<i32>} : memref<2048xf32, #tpu.memory_space<vmem>>, vector<16xf32>,
        %get3A_584 = vector.shape_cast %get3A_583 : vector<16xf32> to vector<16xf32>
        %get3A_585 = arith.index_cast %add3A_575 : i32 to index
        %get3A_586 = tpu.vector_load %arg10[%get3A_585] {strides = array<i32>} : memref<12800xf32, #tpu.memory_space<vmem>>, vector<16xf32>,
        %get3A_587 = vector.shape_cast %get3A_586 : vector<16xf32> to vector<16xf32>
        %add3A_588 = arith.addf %get3A_584, %get3A_587 : vector<16xf32>
        %get3A_589 = arith.constant 160 : index
        %get3A_590 = tpu.vector_load %arg15[%get3A_589] {strides = array<i32>} : memref<2080xf32, #tpu.memory_space<vmem>>, vector<16xf32>,
        %get3A_591 = vector.shape_cast %get3A_590 : vector<16xf32> to vector<16xf32>
        %mul3A_592 = arith.mulf %get3A_591, %get3A_117 : vector<16xf32>
        %add3A_593 = arith.addf %add3A_588, %mul3A_592 : vector<16xf32>
        %get3A_594 = arith.constant 672 : index
        %get3A_595 = tpu.vector_load %arg15[%get3A_594] {strides = array<i32>} : memref<2080xf32, #tpu.memory_space<vmem>>, vector<16xf32>,
        %get3A_596 = vector.shape_cast %get3A_595 : vector<16xf32> to vector<16xf32>
        %mul3A_597 = arith.mulf %get3A_596, %get3A_120 : vector<16xf32>
        %add3A_598 = arith.addf %add3A_593, %mul3A_597 : vector<16xf32>
        %max3A_599 = arith.constant 0.000000e+00 : f32
        %max3A_600 = vector.broadcast %max3A_599 : f32 to vector<16xf32>
        %max3A_601 = arith.maximumf %add3A_598, %max3A_600 : vector<16xf32>
        %mul3A_602 = arith.mulf %max3A_601, %get3A_123 : vector<16xf32>
        %swap3A_603 = arith.index_cast %add3A_575 : i32 to index
        %swap3A_604 = tpu.vector_load %arg16[%swap3A_603] {strides = array<i32>} : memref<12800xf32, #tpu.memory_space<vmem>>, vector<16xf32>,
        %swap3A_605 = vector.shape_cast %swap3A_604 : vector<16xf32> to vector<16xf32>
        %swap3A_606 = vector.shape_cast %mul3A_602 : vector<16xf32> to vector<16xf32>
        tpu.vector_store %arg16[%swap3A_603], %swap3A_606 {strides = array<i32>} : memref<12800xf32, #tpu.memory_space<vmem>>, vector<16xf32>,
        %get3A_607 = arith.constant 1184 : index
        %get3A_608 = tpu.vector_load %arg15[%get3A_607] {strides = array<i32>} : memref<2080xf32, #tpu.memory_space<vmem>>, vector<16xf32>,
        %get3A_609 = vector.shape_cast %get3A_608 : vector<16xf32> to vector<16xf32>
        %mul3A_610 = arith.mulf %get3A_609, %mul3A_602 : vector<16xf32>
        %add3A_611 = arith.addf %add3A_566, %mul3A_610 : vector<16xf32>
        %get3A_612 = arith.constant 1696 : index
        %get3A_613 = tpu.vector_load %arg15[%get3A_612] {strides = array<i32>} : memref<2080xf32, #tpu.memory_space<vmem>>, vector<16xf32>,
        %get3A_614 = vector.shape_cast %get3A_613 : vector<16xf32> to vector<16xf32>
        %mul3A_615 = arith.mulf %get3A_614, %mul3A_602 : vector<16xf32>
        %add3A_616 = arith.addf %add3A_571, %mul3A_615 : vector<16xf32>
        %mul3A_617 = arith.constant 16 : i32
        %mul3A_618 = arith.muli %scan3A_110, %mul3A_617 : i32
        %add3A_619 = arith.constant 4400 : i32
        %add3A_620 = arith.addi %add3A_619, %mul3A_618 : i32
        %mul3A_621 = arith.constant 32 : i32
        %mul3A_622 = arith.muli %scan3A_91, %mul3A_621 : i32
        %mul3A_623 = arith.constant 16 : i32
        %mul3A_624 = arith.muli %mul3A_622, %mul3A_623 : i32
        %add3A_625 = arith.constant 176 : i32
        %add3A_626 = arith.addi %mul3A_624, %add3A_625 : i32
        %get3A_627 = arith.index_cast %add3A_626 : i32 to index
        %get3A_628 = tpu.vector_load %arg14[%get3A_627] {strides = array<i32>} : memref<2048xf32, #tpu.memory_space<vmem>>, vector<16xf32>,
        %get3A_629 = vector.shape_cast %get3A_628 : vector<16xf32> to vector<16xf32>
        %get3A_630 = arith.index_cast %add3A_620 : i32 to index
        %get3A_631 = tpu.vector_load %arg10[%get3A_630] {strides = array<i32>} : memref<12800xf32, #tpu.memory_space<vmem>>, vector<16xf32>,
        %get3A_632 = vector.shape_cast %get3A_631 : vector<16xf32> to vector<16xf32>
        %add3A_633 = arith.addf %get3A_629, %get3A_632 : vector<16xf32>
        %get3A_634 = arith.constant 176 : index
        %get3A_635 = tpu.vector_load %arg15[%get3A_634] {strides = array<i32>} : memref<2080xf32, #tpu.memory_space<vmem>>, vector<16xf32>,
        %get3A_636 = vector.shape_cast %get3A_635 : vector<16xf32> to vector<16xf32>
        %mul3A_637 = arith.mulf %get3A_636, %get3A_117 : vector<16xf32>
        %add3A_638 = arith.addf %add3A_633, %mul3A_637 : vector<16xf32>
        %get3A_639 = arith.constant 688 : index
        %get3A_640 = tpu.vector_load %arg15[%get3A_639] {strides = array<i32>} : memref<2080xf32, #tpu.memory_space<vmem>>, vector<16xf32>,
        %get3A_641 = vector.shape_cast %get3A_640 : vector<16xf32> to vector<16xf32>
        %mul3A_642 = arith.mulf %get3A_641, %get3A_120 : vector<16xf32>
        %add3A_643 = arith.addf %add3A_638, %mul3A_642 : vector<16xf32>
        %max3A_644 = arith.constant 0.000000e+00 : f32
        %max3A_645 = vector.broadcast %max3A_644 : f32 to vector<16xf32>
        %max3A_646 = arith.maximumf %add3A_643, %max3A_645 : vector<16xf32>
        %mul3A_647 = arith.mulf %max3A_646, %get3A_123 : vector<16xf32>
        %swap3A_648 = arith.index_cast %add3A_620 : i32 to index
        %swap3A_649 = tpu.vector_load %arg16[%swap3A_648] {strides = array<i32>} : memref<12800xf32, #tpu.memory_space<vmem>>, vector<16xf32>,
        %swap3A_650 = vector.shape_cast %swap3A_649 : vector<16xf32> to vector<16xf32>
        %swap3A_651 = vector.shape_cast %mul3A_647 : vector<16xf32> to vector<16xf32>
        tpu.vector_store %arg16[%swap3A_648], %swap3A_651 {strides = array<i32>} : memref<12800xf32, #tpu.memory_space<vmem>>, vector<16xf32>,
        %get3A_652 = arith.constant 1200 : index
        %get3A_653 = tpu.vector_load %arg15[%get3A_652] {strides = array<i32>} : memref<2080xf32, #tpu.memory_space<vmem>>, vector<16xf32>,
        %get3A_654 = vector.shape_cast %get3A_653 : vector<16xf32> to vector<16xf32>
        %mul3A_655 = arith.mulf %get3A_654, %mul3A_647 : vector<16xf32>
        %add3A_656 = arith.addf %add3A_611, %mul3A_655 : vector<16xf32>
        %get3A_657 = arith.constant 1712 : index
        %get3A_658 = tpu.vector_load %arg15[%get3A_657] {strides = array<i32>} : memref<2080xf32, #tpu.memory_space<vmem>>, vector<16xf32>,
        %get3A_659 = vector.shape_cast %get3A_658 : vector<16xf32> to vector<16xf32>
        %mul3A_660 = arith.mulf %get3A_659, %mul3A_647 : vector<16xf32>
        %add3A_661 = arith.addf %add3A_616, %mul3A_660 : vector<16xf32>
        %mul3A_662 = arith.constant 16 : i32
        %mul3A_663 = arith.muli %scan3A_110, %mul3A_662 : i32
        %add3A_664 = arith.constant 4800 : i32
        %add3A_665 = arith.addi %add3A_664, %mul3A_663 : i32
        %mul3A_666 = arith.constant 32 : i32
        %mul3A_667 = arith.muli %scan3A_91, %mul3A_666 : i32
        %mul3A_668 = arith.constant 16 : i32
        %mul3A_669 = arith.muli %mul3A_667, %mul3A_668 : i32
        %add3A_670 = arith.constant 192 : i32
        %add3A_671 = arith.addi %mul3A_669, %add3A_670 : i32
        %get3A_672 = arith.index_cast %add3A_671 : i32 to index
        %get3A_673 = tpu.vector_load %arg14[%get3A_672] {strides = array<i32>} : memref<2048xf32, #tpu.memory_space<vmem>>, vector<16xf32>,
        %get3A_674 = vector.shape_cast %get3A_673 : vector<16xf32> to vector<16xf32>
        %get3A_675 = arith.index_cast %add3A_665 : i32 to index
        %get3A_676 = tpu.vector_load %arg10[%get3A_675] {strides = array<i32>} : memref<12800xf32, #tpu.memory_space<vmem>>, vector<16xf32>,
        %get3A_677 = vector.shape_cast %get3A_676 : vector<16xf32> to vector<16xf32>
        %add3A_678 = arith.addf %get3A_674, %get3A_677 : vector<16xf32>
        %get3A_679 = arith.constant 192 : index
        %get3A_680 = tpu.vector_load %arg15[%get3A_679] {strides = array<i32>} : memref<2080xf32, #tpu.memory_space<vmem>>, vector<16xf32>,
        %get3A_681 = vector.shape_cast %get3A_680 : vector<16xf32> to vector<16xf32>
        %mul3A_682 = arith.mulf %get3A_681, %get3A_117 : vector<16xf32>
        %add3A_683 = arith.addf %add3A_678, %mul3A_682 : vector<16xf32>
        %get3A_684 = arith.constant 704 : index
        %get3A_685 = tpu.vector_load %arg15[%get3A_684] {strides = array<i32>} : memref<2080xf32, #tpu.memory_space<vmem>>, vector<16xf32>,
        %get3A_686 = vector.shape_cast %get3A_685 : vector<16xf32> to vector<16xf32>
        %mul3A_687 = arith.mulf %get3A_686, %get3A_120 : vector<16xf32>
        %add3A_688 = arith.addf %add3A_683, %mul3A_687 : vector<16xf32>
        %max3A_689 = arith.constant 0.000000e+00 : f32
        %max3A_690 = vector.broadcast %max3A_689 : f32 to vector<16xf32>
        %max3A_691 = arith.maximumf %add3A_688, %max3A_690 : vector<16xf32>
        %mul3A_692 = arith.mulf %max3A_691, %get3A_123 : vector<16xf32>
        %swap3A_693 = arith.index_cast %add3A_665 : i32 to index
        %swap3A_694 = tpu.vector_load %arg16[%swap3A_693] {strides = array<i32>} : memref<12800xf32, #tpu.memory_space<vmem>>, vector<16xf32>,
        %swap3A_695 = vector.shape_cast %swap3A_694 : vector<16xf32> to vector<16xf32>
        %swap3A_696 = vector.shape_cast %mul3A_692 : vector<16xf32> to vector<16xf32>
        tpu.vector_store %arg16[%swap3A_693], %swap3A_696 {strides = array<i32>} : memref<12800xf32, #tpu.memory_space<vmem>>, vector<16xf32>,
        %get3A_697 = arith.constant 1216 : index
        %get3A_698 = tpu.vector_load %arg15[%get3A_697] {strides = array<i32>} : memref<2080xf32, #tpu.memory_space<vmem>>, vector<16xf32>,
        %get3A_699 = vector.shape_cast %get3A_698 : vector<16xf32> to vector<16xf32>
        %mul3A_700 = arith.mulf %get3A_699, %mul3A_692 : vector<16xf32>
        %add3A_701 = arith.addf %add3A_656, %mul3A_700 : vector<16xf32>
        %get3A_702 = arith.constant 1728 : index
        %get3A_703 = tpu.vector_load %arg15[%get3A_702] {strides = array<i32>} : memref<2080xf32, #tpu.memory_space<vmem>>, vector<16xf32>,
        %get3A_704 = vector.shape_cast %get3A_703 : vector<16xf32> to vector<16xf32>
        %mul3A_705 = arith.mulf %get3A_704, %mul3A_692 : vector<16xf32>
        %add3A_706 = arith.addf %add3A_661, %mul3A_705 : vector<16xf32>
        %mul3A_707 = arith.constant 16 : i32
        %mul3A_708 = arith.muli %scan3A_110, %mul3A_707 : i32
        %add3A_709 = arith.constant 5200 : i32
        %add3A_710 = arith.addi %add3A_709, %mul3A_708 : i32
        %mul3A_711 = arith.constant 32 : i32
        %mul3A_712 = arith.muli %scan3A_91, %mul3A_711 : i32
        %mul3A_713 = arith.constant 16 : i32
        %mul3A_714 = arith.muli %mul3A_712, %mul3A_713 : i32
        %add3A_715 = arith.constant 208 : i32
        %add3A_716 = arith.addi %mul3A_714, %add3A_715 : i32
        %get3A_717 = arith.index_cast %add3A_716 : i32 to index
        %get3A_718 = tpu.vector_load %arg14[%get3A_717] {strides = array<i32>} : memref<2048xf32, #tpu.memory_space<vmem>>, vector<16xf32>,
        %get3A_719 = vector.shape_cast %get3A_718 : vector<16xf32> to vector<16xf32>
        %get3A_720 = arith.index_cast %add3A_710 : i32 to index
        %get3A_721 = tpu.vector_load %arg10[%get3A_720] {strides = array<i32>} : memref<12800xf32, #tpu.memory_space<vmem>>, vector<16xf32>,
        %get3A_722 = vector.shape_cast %get3A_721 : vector<16xf32> to vector<16xf32>
        %add3A_723 = arith.addf %get3A_719, %get3A_722 : vector<16xf32>
        %get3A_724 = arith.constant 208 : index
        %get3A_725 = tpu.vector_load %arg15[%get3A_724] {strides = array<i32>} : memref<2080xf32, #tpu.memory_space<vmem>>, vector<16xf32>,
        %get3A_726 = vector.shape_cast %get3A_725 : vector<16xf32> to vector<16xf32>
        %mul3A_727 = arith.mulf %get3A_726, %get3A_117 : vector<16xf32>
        %add3A_728 = arith.addf %add3A_723, %mul3A_727 : vector<16xf32>
        %get3A_729 = arith.constant 720 : index
        %get3A_730 = tpu.vector_load %arg15[%get3A_729] {strides = array<i32>} : memref<2080xf32, #tpu.memory_space<vmem>>, vector<16xf32>,
        %get3A_731 = vector.shape_cast %get3A_730 : vector<16xf32> to vector<16xf32>
        %mul3A_732 = arith.mulf %get3A_731, %get3A_120 : vector<16xf32>
        %add3A_733 = arith.addf %add3A_728, %mul3A_732 : vector<16xf32>
        %max3A_734 = arith.constant 0.000000e+00 : f32
        %max3A_735 = vector.broadcast %max3A_734 : f32 to vector<16xf32>
        %max3A_736 = arith.maximumf %add3A_733, %max3A_735 : vector<16xf32>
        %mul3A_737 = arith.mulf %max3A_736, %get3A_123 : vector<16xf32>
        %swap3A_738 = arith.index_cast %add3A_710 : i32 to index
        %swap3A_739 = tpu.vector_load %arg16[%swap3A_738] {strides = array<i32>} : memref<12800xf32, #tpu.memory_space<vmem>>, vector<16xf32>,
        %swap3A_740 = vector.shape_cast %swap3A_739 : vector<16xf32> to vector<16xf32>
        %swap3A_741 = vector.shape_cast %mul3A_737 : vector<16xf32> to vector<16xf32>
        tpu.vector_store %arg16[%swap3A_738], %swap3A_741 {strides = array<i32>} : memref<12800xf32, #tpu.memory_space<vmem>>, vector<16xf32>,
        %get3A_742 = arith.constant 1232 : index
        %get3A_743 = tpu.vector_load %arg15[%get3A_742] {strides = array<i32>} : memref<2080xf32, #tpu.memory_space<vmem>>, vector<16xf32>,
        %get3A_744 = vector.shape_cast %get3A_743 : vector<16xf32> to vector<16xf32>
        %mul3A_745 = arith.mulf %get3A_744, %mul3A_737 : vector<16xf32>
        %add3A_746 = arith.addf %add3A_701, %mul3A_745 : vector<16xf32>
        %get3A_747 = arith.constant 1744 : index
        %get3A_748 = tpu.vector_load %arg15[%get3A_747] {strides = array<i32>} : memref<2080xf32, #tpu.memory_space<vmem>>, vector<16xf32>,
        %get3A_749 = vector.shape_cast %get3A_748 : vector<16xf32> to vector<16xf32>
        %mul3A_750 = arith.mulf %get3A_749, %mul3A_737 : vector<16xf32>
        %add3A_751 = arith.addf %add3A_706, %mul3A_750 : vector<16xf32>
        %mul3A_752 = arith.constant 16 : i32
        %mul3A_753 = arith.muli %scan3A_110, %mul3A_752 : i32
        %add3A_754 = arith.constant 5600 : i32
        %add3A_755 = arith.addi %add3A_754, %mul3A_753 : i32
        %mul3A_756 = arith.constant 32 : i32
        %mul3A_757 = arith.muli %scan3A_91, %mul3A_756 : i32
        %mul3A_758 = arith.constant 16 : i32
        %mul3A_759 = arith.muli %mul3A_757, %mul3A_758 : i32
        %add3A_760 = arith.constant 224 : i32
        %add3A_761 = arith.addi %mul3A_759, %add3A_760 : i32
        %get3A_762 = arith.index_cast %add3A_761 : i32 to index
        %get3A_763 = tpu.vector_load %arg14[%get3A_762] {strides = array<i32>} : memref<2048xf32, #tpu.memory_space<vmem>>, vector<16xf32>,
        %get3A_764 = vector.shape_cast %get3A_763 : vector<16xf32> to vector<16xf32>
        %get3A_765 = arith.index_cast %add3A_755 : i32 to index
        %get3A_766 = tpu.vector_load %arg10[%get3A_765] {strides = array<i32>} : memref<12800xf32, #tpu.memory_space<vmem>>, vector<16xf32>,
        %get3A_767 = vector.shape_cast %get3A_766 : vector<16xf32> to vector<16xf32>
        %add3A_768 = arith.addf %get3A_764, %get3A_767 : vector<16xf32>
        %get3A_769 = arith.constant 224 : index
        %get3A_770 = tpu.vector_load %arg15[%get3A_769] {strides = array<i32>} : memref<2080xf32, #tpu.memory_space<vmem>>, vector<16xf32>,
        %get3A_771 = vector.shape_cast %get3A_770 : vector<16xf32> to vector<16xf32>
        %mul3A_772 = arith.mulf %get3A_771, %get3A_117 : vector<16xf32>
        %add3A_773 = arith.addf %add3A_768, %mul3A_772 : vector<16xf32>
        %get3A_774 = arith.constant 736 : index
        %get3A_775 = tpu.vector_load %arg15[%get3A_774] {strides = array<i32>} : memref<2080xf32, #tpu.memory_space<vmem>>, vector<16xf32>,
        %get3A_776 = vector.shape_cast %get3A_775 : vector<16xf32> to vector<16xf32>
        %mul3A_777 = arith.mulf %get3A_776, %get3A_120 : vector<16xf32>
        %add3A_778 = arith.addf %add3A_773, %mul3A_777 : vector<16xf32>
        %max3A_779 = arith.constant 0.000000e+00 : f32
        %max3A_780 = vector.broadcast %max3A_779 : f32 to vector<16xf32>
        %max3A_781 = arith.maximumf %add3A_778, %max3A_780 : vector<16xf32>
        %mul3A_782 = arith.mulf %max3A_781, %get3A_123 : vector<16xf32>
        %swap3A_783 = arith.index_cast %add3A_755 : i32 to index
        %swap3A_784 = tpu.vector_load %arg16[%swap3A_783] {strides = array<i32>} : memref<12800xf32, #tpu.memory_space<vmem>>, vector<16xf32>,
        %swap3A_785 = vector.shape_cast %swap3A_784 : vector<16xf32> to vector<16xf32>
        %swap3A_786 = vector.shape_cast %mul3A_782 : vector<16xf32> to vector<16xf32>
        tpu.vector_store %arg16[%swap3A_783], %swap3A_786 {strides = array<i32>} : memref<12800xf32, #tpu.memory_space<vmem>>, vector<16xf32>,
        %get3A_787 = arith.constant 1248 : index
        %get3A_788 = tpu.vector_load %arg15[%get3A_787] {strides = array<i32>} : memref<2080xf32, #tpu.memory_space<vmem>>, vector<16xf32>,
        %get3A_789 = vector.shape_cast %get3A_788 : vector<16xf32> to vector<16xf32>
        %mul3A_790 = arith.mulf %get3A_789, %mul3A_782 : vector<16xf32>
        %add3A_791 = arith.addf %add3A_746, %mul3A_790 : vector<16xf32>
        %get3A_792 = arith.constant 1760 : index
        %get3A_793 = tpu.vector_load %arg15[%get3A_792] {strides = array<i32>} : memref<2080xf32, #tpu.memory_space<vmem>>, vector<16xf32>,
        %get3A_794 = vector.shape_cast %get3A_793 : vector<16xf32> to vector<16xf32>
        %mul3A_795 = arith.mulf %get3A_794, %mul3A_782 : vector<16xf32>
        %add3A_796 = arith.addf %add3A_751, %mul3A_795 : vector<16xf32>
        %mul3A_797 = arith.constant 16 : i32
        %mul3A_798 = arith.muli %scan3A_110, %mul3A_797 : i32
        %add3A_799 = arith.constant 6000 : i32
        %add3A_800 = arith.addi %add3A_799, %mul3A_798 : i32
        %mul3A_801 = arith.constant 32 : i32
        %mul3A_802 = arith.muli %scan3A_91, %mul3A_801 : i32
        %mul3A_803 = arith.constant 16 : i32
        %mul3A_804 = arith.muli %mul3A_802, %mul3A_803 : i32
        %add3A_805 = arith.constant 240 : i32
        %add3A_806 = arith.addi %mul3A_804, %add3A_805 : i32
        %get3A_807 = arith.index_cast %add3A_806 : i32 to index
        %get3A_808 = tpu.vector_load %arg14[%get3A_807] {strides = array<i32>} : memref<2048xf32, #tpu.memory_space<vmem>>, vector<16xf32>,
        %get3A_809 = vector.shape_cast %get3A_808 : vector<16xf32> to vector<16xf32>
        %get3A_810 = arith.index_cast %add3A_800 : i32 to index
        %get3A_811 = tpu.vector_load %arg10[%get3A_810] {strides = array<i32>} : memref<12800xf32, #tpu.memory_space<vmem>>, vector<16xf32>,
        %get3A_812 = vector.shape_cast %get3A_811 : vector<16xf32> to vector<16xf32>
        %add3A_813 = arith.addf %get3A_809, %get3A_812 : vector<16xf32>
        %get3A_814 = arith.constant 240 : index
        %get3A_815 = tpu.vector_load %arg15[%get3A_814] {strides = array<i32>} : memref<2080xf32, #tpu.memory_space<vmem>>, vector<16xf32>,
        %get3A_816 = vector.shape_cast %get3A_815 : vector<16xf32> to vector<16xf32>
        %mul3A_817 = arith.mulf %get3A_816, %get3A_117 : vector<16xf32>
        %add3A_818 = arith.addf %add3A_813, %mul3A_817 : vector<16xf32>
        %get3A_819 = arith.constant 752 : index
        %get3A_820 = tpu.vector_load %arg15[%get3A_819] {strides = array<i32>} : memref<2080xf32, #tpu.memory_space<vmem>>, vector<16xf32>,
        %get3A_821 = vector.shape_cast %get3A_820 : vector<16xf32> to vector<16xf32>
        %mul3A_822 = arith.mulf %get3A_821, %get3A_120 : vector<16xf32>
        %add3A_823 = arith.addf %add3A_818, %mul3A_822 : vector<16xf32>
        %max3A_824 = arith.constant 0.000000e+00 : f32
        %max3A_825 = vector.broadcast %max3A_824 : f32 to vector<16xf32>
        %max3A_826 = arith.maximumf %add3A_823, %max3A_825 : vector<16xf32>
        %mul3A_827 = arith.mulf %max3A_826, %get3A_123 : vector<16xf32>
        %swap3A_828 = arith.index_cast %add3A_800 : i32 to index
        %swap3A_829 = tpu.vector_load %arg16[%swap3A_828] {strides = array<i32>} : memref<12800xf32, #tpu.memory_space<vmem>>, vector<16xf32>,
        %swap3A_830 = vector.shape_cast %swap3A_829 : vector<16xf32> to vector<16xf32>
        %swap3A_831 = vector.shape_cast %mul3A_827 : vector<16xf32> to vector<16xf32>
        tpu.vector_store %arg16[%swap3A_828], %swap3A_831 {strides = array<i32>} : memref<12800xf32, #tpu.memory_space<vmem>>, vector<16xf32>,
        %get3A_832 = arith.constant 1264 : index
        %get3A_833 = tpu.vector_load %arg15[%get3A_832] {strides = array<i32>} : memref<2080xf32, #tpu.memory_space<vmem>>, vector<16xf32>,
        %get3A_834 = vector.shape_cast %get3A_833 : vector<16xf32> to vector<16xf32>
        %mul3A_835 = arith.mulf %get3A_834, %mul3A_827 : vector<16xf32>
        %add3A_836 = arith.addf %add3A_791, %mul3A_835 : vector<16xf32>
        %get3A_837 = arith.constant 1776 : index
        %get3A_838 = tpu.vector_load %arg15[%get3A_837] {strides = array<i32>} : memref<2080xf32, #tpu.memory_space<vmem>>, vector<16xf32>,
        %get3A_839 = vector.shape_cast %get3A_838 : vector<16xf32> to vector<16xf32>
        %mul3A_840 = arith.mulf %get3A_839, %mul3A_827 : vector<16xf32>
        %add3A_841 = arith.addf %add3A_796, %mul3A_840 : vector<16xf32>
        %mul3A_842 = arith.constant 16 : i32
        %mul3A_843 = arith.muli %scan3A_110, %mul3A_842 : i32
        %add3A_844 = arith.constant 6400 : i32
        %add3A_845 = arith.addi %add3A_844, %mul3A_843 : i32
        %mul3A_846 = arith.constant 32 : i32
        %mul3A_847 = arith.muli %scan3A_91, %mul3A_846 : i32
        %mul3A_848 = arith.constant 16 : i32
        %mul3A_849 = arith.muli %mul3A_847, %mul3A_848 : i32
        %add3A_850 = arith.constant 256 : i32
        %add3A_851 = arith.addi %mul3A_849, %add3A_850 : i32
        %get3A_852 = arith.index_cast %add3A_851 : i32 to index
        %get3A_853 = tpu.vector_load %arg14[%get3A_852] {strides = array<i32>} : memref<2048xf32, #tpu.memory_space<vmem>>, vector<16xf32>,
        %get3A_854 = vector.shape_cast %get3A_853 : vector<16xf32> to vector<16xf32>
        %get3A_855 = arith.index_cast %add3A_845 : i32 to index
        %get3A_856 = tpu.vector_load %arg10[%get3A_855] {strides = array<i32>} : memref<12800xf32, #tpu.memory_space<vmem>>, vector<16xf32>,
        %get3A_857 = vector.shape_cast %get3A_856 : vector<16xf32> to vector<16xf32>
        %add3A_858 = arith.addf %get3A_854, %get3A_857 : vector<16xf32>
        %get3A_859 = arith.constant 256 : index
        %get3A_860 = tpu.vector_load %arg15[%get3A_859] {strides = array<i32>} : memref<2080xf32, #tpu.memory_space<vmem>>, vector<16xf32>,
        %get3A_861 = vector.shape_cast %get3A_860 : vector<16xf32> to vector<16xf32>
        %mul3A_862 = arith.mulf %get3A_861, %get3A_117 : vector<16xf32>
        %add3A_863 = arith.addf %add3A_858, %mul3A_862 : vector<16xf32>
        %get3A_864 = arith.constant 768 : index
        %get3A_865 = tpu.vector_load %arg15[%get3A_864] {strides = array<i32>} : memref<2080xf32, #tpu.memory_space<vmem>>, vector<16xf32>,
        %get3A_866 = vector.shape_cast %get3A_865 : vector<16xf32> to vector<16xf32>
        %mul3A_867 = arith.mulf %get3A_866, %get3A_120 : vector<16xf32>
        %add3A_868 = arith.addf %add3A_863, %mul3A_867 : vector<16xf32>
        %max3A_869 = arith.constant 0.000000e+00 : f32
        %max3A_870 = vector.broadcast %max3A_869 : f32 to vector<16xf32>
        %max3A_871 = arith.maximumf %add3A_868, %max3A_870 : vector<16xf32>
        %mul3A_872 = arith.mulf %max3A_871, %get3A_123 : vector<16xf32>
        %swap3A_873 = arith.index_cast %add3A_845 : i32 to index
        %swap3A_874 = tpu.vector_load %arg16[%swap3A_873] {strides = array<i32>} : memref<12800xf32, #tpu.memory_space<vmem>>, vector<16xf32>,
        %swap3A_875 = vector.shape_cast %swap3A_874 : vector<16xf32> to vector<16xf32>
        %swap3A_876 = vector.shape_cast %mul3A_872 : vector<16xf32> to vector<16xf32>
        tpu.vector_store %arg16[%swap3A_873], %swap3A_876 {strides = array<i32>} : memref<12800xf32, #tpu.memory_space<vmem>>, vector<16xf32>,
        %get3A_877 = arith.constant 1280 : index
        %get3A_878 = tpu.vector_load %arg15[%get3A_877] {strides = array<i32>} : memref<2080xf32, #tpu.memory_space<vmem>>, vector<16xf32>,
        %get3A_879 = vector.shape_cast %get3A_878 : vector<16xf32> to vector<16xf32>
        %mul3A_880 = arith.mulf %get3A_879, %mul3A_872 : vector<16xf32>
        %add3A_881 = arith.addf %add3A_836, %mul3A_880 : vector<16xf32>
        %get3A_882 = arith.constant 1792 : index
        %get3A_883 = tpu.vector_load %arg15[%get3A_882] {strides = array<i32>} : memref<2080xf32, #tpu.memory_space<vmem>>, vector<16xf32>,
        %get3A_884 = vector.shape_cast %get3A_883 : vector<16xf32> to vector<16xf32>
        %mul3A_885 = arith.mulf %get3A_884, %mul3A_872 : vector<16xf32>
        %add3A_886 = arith.addf %add3A_841, %mul3A_885 : vector<16xf32>
        %mul3A_887 = arith.constant 16 : i32
        %mul3A_888 = arith.muli %scan3A_110, %mul3A_887 : i32
        %add3A_889 = arith.constant 6800 : i32
        %add3A_890 = arith.addi %add3A_889, %mul3A_888 : i32
        %mul3A_891 = arith.constant 32 : i32
        %mul3A_892 = arith.muli %scan3A_91, %mul3A_891 : i32
        %mul3A_893 = arith.constant 16 : i32
        %mul3A_894 = arith.muli %mul3A_892, %mul3A_893 : i32
        %add3A_895 = arith.constant 272 : i32
        %add3A_896 = arith.addi %mul3A_894, %add3A_895 : i32
        %get3A_897 = arith.index_cast %add3A_896 : i32 to index
        %get3A_898 = tpu.vector_load %arg14[%get3A_897] {strides = array<i32>} : memref<2048xf32, #tpu.memory_space<vmem>>, vector<16xf32>,
        %get3A_899 = vector.shape_cast %get3A_898 : vector<16xf32> to vector<16xf32>
        %get3A_900 = arith.index_cast %add3A_890 : i32 to index
        %get3A_901 = tpu.vector_load %arg10[%get3A_900] {strides = array<i32>} : memref<12800xf32, #tpu.memory_space<vmem>>, vector<16xf32>,
        %get3A_902 = vector.shape_cast %get3A_901 : vector<16xf32> to vector<16xf32>
        %add3A_903 = arith.addf %get3A_899, %get3A_902 : vector<16xf32>
        %get3A_904 = arith.constant 272 : index
        %get3A_905 = tpu.vector_load %arg15[%get3A_904] {strides = array<i32>} : memref<2080xf32, #tpu.memory_space<vmem>>, vector<16xf32>,
        %get3A_906 = vector.shape_cast %get3A_905 : vector<16xf32> to vector<16xf32>
        %mul3A_907 = arith.mulf %get3A_906, %get3A_117 : vector<16xf32>
        %add3A_908 = arith.addf %add3A_903, %mul3A_907 : vector<16xf32>
        %get3A_909 = arith.constant 784 : index
        %get3A_910 = tpu.vector_load %arg15[%get3A_909] {strides = array<i32>} : memref<2080xf32, #tpu.memory_space<vmem>>, vector<16xf32>,
        %get3A_911 = vector.shape_cast %get3A_910 : vector<16xf32> to vector<16xf32>
        %mul3A_912 = arith.mulf %get3A_911, %get3A_120 : vector<16xf32>
        %add3A_913 = arith.addf %add3A_908, %mul3A_912 : vector<16xf32>
        %max3A_914 = arith.constant 0.000000e+00 : f32
        %max3A_915 = vector.broadcast %max3A_914 : f32 to vector<16xf32>
        %max3A_916 = arith.maximumf %add3A_913, %max3A_915 : vector<16xf32>
        %mul3A_917 = arith.mulf %max3A_916, %get3A_123 : vector<16xf32>
        %swap3A_918 = arith.index_cast %add3A_890 : i32 to index
        %swap3A_919 = tpu.vector_load %arg16[%swap3A_918] {strides = array<i32>} : memref<12800xf32, #tpu.memory_space<vmem>>, vector<16xf32>,
        %swap3A_920 = vector.shape_cast %swap3A_919 : vector<16xf32> to vector<16xf32>
        %swap3A_921 = vector.shape_cast %mul3A_917 : vector<16xf32> to vector<16xf32>
        tpu.vector_store %arg16[%swap3A_918], %swap3A_921 {strides = array<i32>} : memref<12800xf32, #tpu.memory_space<vmem>>, vector<16xf32>,
        %get3A_922 = arith.constant 1296 : index
        %get3A_923 = tpu.vector_load %arg15[%get3A_922] {strides = array<i32>} : memref<2080xf32, #tpu.memory_space<vmem>>, vector<16xf32>,
        %get3A_924 = vector.shape_cast %get3A_923 : vector<16xf32> to vector<16xf32>
        %mul3A_925 = arith.mulf %get3A_924, %mul3A_917 : vector<16xf32>
        %add3A_926 = arith.addf %add3A_881, %mul3A_925 : vector<16xf32>
        %get3A_927 = arith.constant 1808 : index
        %get3A_928 = tpu.vector_load %arg15[%get3A_927] {strides = array<i32>} : memref<2080xf32, #tpu.memory_space<vmem>>, vector<16xf32>,
        %get3A_929 = vector.shape_cast %get3A_928 : vector<16xf32> to vector<16xf32>
        %mul3A_930 = arith.mulf %get3A_929, %mul3A_917 : vector<16xf32>
        %add3A_931 = arith.addf %add3A_886, %mul3A_930 : vector<16xf32>
        %mul3A_932 = arith.constant 16 : i32
        %mul3A_933 = arith.muli %scan3A_110, %mul3A_932 : i32
        %add3A_934 = arith.constant 7200 : i32
        %add3A_935 = arith.addi %add3A_934, %mul3A_933 : i32
        %mul3A_936 = arith.constant 32 : i32
        %mul3A_937 = arith.muli %scan3A_91, %mul3A_936 : i32
        %mul3A_938 = arith.constant 16 : i32
        %mul3A_939 = arith.muli %mul3A_937, %mul3A_938 : i32
        %add3A_940 = arith.constant 288 : i32
        %add3A_941 = arith.addi %mul3A_939, %add3A_940 : i32
        %get3A_942 = arith.index_cast %add3A_941 : i32 to index
        %get3A_943 = tpu.vector_load %arg14[%get3A_942] {strides = array<i32>} : memref<2048xf32, #tpu.memory_space<vmem>>, vector<16xf32>,
        %get3A_944 = vector.shape_cast %get3A_943 : vector<16xf32> to vector<16xf32>
        %get3A_945 = arith.index_cast %add3A_935 : i32 to index
        %get3A_946 = tpu.vector_load %arg10[%get3A_945] {strides = array<i32>} : memref<12800xf32, #tpu.memory_space<vmem>>, vector<16xf32>,
        %get3A_947 = vector.shape_cast %get3A_946 : vector<16xf32> to vector<16xf32>
        %add3A_948 = arith.addf %get3A_944, %get3A_947 : vector<16xf32>
        %get3A_949 = arith.constant 288 : index
        %get3A_950 = tpu.vector_load %arg15[%get3A_949] {strides = array<i32>} : memref<2080xf32, #tpu.memory_space<vmem>>, vector<16xf32>,
        %get3A_951 = vector.shape_cast %get3A_950 : vector<16xf32> to vector<16xf32>
        %mul3A_952 = arith.mulf %get3A_951, %get3A_117 : vector<16xf32>
        %add3A_953 = arith.addf %add3A_948, %mul3A_952 : vector<16xf32>
        %get3A_954 = arith.constant 800 : index
        %get3A_955 = tpu.vector_load %arg15[%get3A_954] {strides = array<i32>} : memref<2080xf32, #tpu.memory_space<vmem>>, vector<16xf32>,
        %get3A_956 = vector.shape_cast %get3A_955 : vector<16xf32> to vector<16xf32>
        %mul3A_957 = arith.mulf %get3A_956, %get3A_120 : vector<16xf32>
        %add3A_958 = arith.addf %add3A_953, %mul3A_957 : vector<16xf32>
        %max3A_959 = arith.constant 0.000000e+00 : f32
        %max3A_960 = vector.broadcast %max3A_959 : f32 to vector<16xf32>
        %max3A_961 = arith.maximumf %add3A_958, %max3A_960 : vector<16xf32>
        %mul3A_962 = arith.mulf %max3A_961, %get3A_123 : vector<16xf32>
        %swap3A_963 = arith.index_cast %add3A_935 : i32 to index
        %swap3A_964 = tpu.vector_load %arg16[%swap3A_963] {strides = array<i32>} : memref<12800xf32, #tpu.memory_space<vmem>>, vector<16xf32>,
        %swap3A_965 = vector.shape_cast %swap3A_964 : vector<16xf32> to vector<16xf32>
        %swap3A_966 = vector.shape_cast %mul3A_962 : vector<16xf32> to vector<16xf32>
        tpu.vector_store %arg16[%swap3A_963], %swap3A_966 {strides = array<i32>} : memref<12800xf32, #tpu.memory_space<vmem>>, vector<16xf32>,
        %get3A_967 = arith.constant 1312 : index
        %get3A_968 = tpu.vector_load %arg15[%get3A_967] {strides = array<i32>} : memref<2080xf32, #tpu.memory_space<vmem>>, vector<16xf32>,
        %get3A_969 = vector.shape_cast %get3A_968 : vector<16xf32> to vector<16xf32>
        %mul3A_970 = arith.mulf %get3A_969, %mul3A_962 : vector<16xf32>
        %add3A_971 = arith.addf %add3A_926, %mul3A_970 : vector<16xf32>
        %get3A_972 = arith.constant 1824 : index
        %get3A_973 = tpu.vector_load %arg15[%get3A_972] {strides = array<i32>} : memref<2080xf32, #tpu.memory_space<vmem>>, vector<16xf32>,
        %get3A_974 = vector.shape_cast %get3A_973 : vector<16xf32> to vector<16xf32>
        %mul3A_975 = arith.mulf %get3A_974, %mul3A_962 : vector<16xf32>
        %add3A_976 = arith.addf %add3A_931, %mul3A_975 : vector<16xf32>
        %mul3A_977 = arith.constant 16 : i32
        %mul3A_978 = arith.muli %scan3A_110, %mul3A_977 : i32
        %add3A_979 = arith.constant 7600 : i32
        %add3A_980 = arith.addi %add3A_979, %mul3A_978 : i32
        %mul3A_981 = arith.constant 32 : i32
        %mul3A_982 = arith.muli %scan3A_91, %mul3A_981 : i32
        %mul3A_983 = arith.constant 16 : i32
        %mul3A_984 = arith.muli %mul3A_982, %mul3A_983 : i32
        %add3A_985 = arith.constant 304 : i32
        %add3A_986 = arith.addi %mul3A_984, %add3A_985 : i32
        %get3A_987 = arith.index_cast %add3A_986 : i32 to index
        %get3A_988 = tpu.vector_load %arg14[%get3A_987] {strides = array<i32>} : memref<2048xf32, #tpu.memory_space<vmem>>, vector<16xf32>,
        %get3A_989 = vector.shape_cast %get3A_988 : vector<16xf32> to vector<16xf32>
        %get3A_990 = arith.index_cast %add3A_980 : i32 to index
        %get3A_991 = tpu.vector_load %arg10[%get3A_990] {strides = array<i32>} : memref<12800xf32, #tpu.memory_space<vmem>>, vector<16xf32>,
        %get3A_992 = vector.shape_cast %get3A_991 : vector<16xf32> to vector<16xf32>
        %add3A_993 = arith.addf %get3A_989, %get3A_992 : vector<16xf32>
        %get3A_994 = arith.constant 304 : index
        %get3A_995 = tpu.vector_load %arg15[%get3A_994] {strides = array<i32>} : memref<2080xf32, #tpu.memory_space<vmem>>, vector<16xf32>,
        %get3A_996 = vector.shape_cast %get3A_995 : vector<16xf32> to vector<16xf32>
        %mul3A_997 = arith.mulf %get3A_996, %get3A_117 : vector<16xf32>
        %add3A_998 = arith.addf %add3A_993, %mul3A_997 : vector<16xf32>
        %get3A_999 = arith.constant 816 : index
        %get3A_1000 = tpu.vector_load %arg15[%get3A_999] {strides = array<i32>} : memref<2080xf32, #tpu.memory_space<vmem>>, vector<16xf32>,
        %get3A_1001 = vector.shape_cast %get3A_1000 : vector<16xf32> to vector<16xf32>
        %mul3A_1002 = arith.mulf %get3A_1001, %get3A_120 : vector<16xf32>
        %add3A_1003 = arith.addf %add3A_998, %mul3A_1002 : vector<16xf32>
        %max3A_1004 = arith.constant 0.000000e+00 : f32
        %max3A_1005 = vector.broadcast %max3A_1004 : f32 to vector<16xf32>
        %max3A_1006 = arith.maximumf %add3A_1003, %max3A_1005 : vector<16xf32>
        %mul3A_1007 = arith.mulf %max3A_1006, %get3A_123 : vector<16xf32>
        %swap3A_1008 = arith.index_cast %add3A_980 : i32 to index
        %swap3A_1009 = tpu.vector_load %arg16[%swap3A_1008] {strides = array<i32>} : memref<12800xf32, #tpu.memory_space<vmem>>, vector<16xf32>,
        %swap3A_1010 = vector.shape_cast %swap3A_1009 : vector<16xf32> to vector<16xf32>
        %swap3A_1011 = vector.shape_cast %mul3A_1007 : vector<16xf32> to vector<16xf32>
        tpu.vector_store %arg16[%swap3A_1008], %swap3A_1011 {strides = array<i32>} : memref<12800xf32, #tpu.memory_space<vmem>>, vector<16xf32>,
        %get3A_1012 = arith.constant 1328 : index
        %get3A_1013 = tpu.vector_load %arg15[%get3A_1012] {strides = array<i32>} : memref<2080xf32, #tpu.memory_space<vmem>>, vector<16xf32>,
        %get3A_1014 = vector.shape_cast %get3A_1013 : vector<16xf32> to vector<16xf32>
        %mul3A_1015 = arith.mulf %get3A_1014, %mul3A_1007 : vector<16xf32>
        %add3A_1016 = arith.addf %add3A_971, %mul3A_1015 : vector<16xf32>
        %get3A_1017 = arith.constant 1840 : index
        %get3A_1018 = tpu.vector_load %arg15[%get3A_1017] {strides = array<i32>} : memref<2080xf32, #tpu.memory_space<vmem>>, vector<16xf32>,
        %get3A_1019 = vector.shape_cast %get3A_1018 : vector<16xf32> to vector<16xf32>
        %mul3A_1020 = arith.mulf %get3A_1019, %mul3A_1007 : vector<16xf32>
        %add3A_1021 = arith.addf %add3A_976, %mul3A_1020 : vector<16xf32>
        %mul3A_1022 = arith.constant 16 : i32
        %mul3A_1023 = arith.muli %scan3A_110, %mul3A_1022 : i32
        %add3A_1024 = arith.constant 8000 : i32
        %add3A_1025 = arith.addi %add3A_1024, %mul3A_1023 : i32
        %mul3A_1026 = arith.constant 32 : i32
        %mul3A_1027 = arith.muli %scan3A_91, %mul3A_1026 : i32
        %mul3A_1028 = arith.constant 16 : i32
        %mul3A_1029 = arith.muli %mul3A_1027, %mul3A_1028 : i32
        %add3A_1030 = arith.constant 320 : i32
        %add3A_1031 = arith.addi %mul3A_1029, %add3A_1030 : i32
        %get3A_1032 = arith.index_cast %add3A_1031 : i32 to index
        %get3A_1033 = tpu.vector_load %arg14[%get3A_1032] {strides = array<i32>} : memref<2048xf32, #tpu.memory_space<vmem>>, vector<16xf32>,
        %get3A_1034 = vector.shape_cast %get3A_1033 : vector<16xf32> to vector<16xf32>
        %get3A_1035 = arith.index_cast %add3A_1025 : i32 to index
        %get3A_1036 = tpu.vector_load %arg10[%get3A_1035] {strides = array<i32>} : memref<12800xf32, #tpu.memory_space<vmem>>, vector<16xf32>,
        %get3A_1037 = vector.shape_cast %get3A_1036 : vector<16xf32> to vector<16xf32>
        %add3A_1038 = arith.addf %get3A_1034, %get3A_1037 : vector<16xf32>
        %get3A_1039 = arith.constant 320 : index
        %get3A_1040 = tpu.vector_load %arg15[%get3A_1039] {strides = array<i32>} : memref<2080xf32, #tpu.memory_space<vmem>>, vector<16xf32>,
        %get3A_1041 = vector.shape_cast %get3A_1040 : vector<16xf32> to vector<16xf32>
        %mul3A_1042 = arith.mulf %get3A_1041, %get3A_117 : vector<16xf32>
        %add3A_1043 = arith.addf %add3A_1038, %mul3A_1042 : vector<16xf32>
        %get3A_1044 = arith.constant 832 : index
        %get3A_1045 = tpu.vector_load %arg15[%get3A_1044] {strides = array<i32>} : memref<2080xf32, #tpu.memory_space<vmem>>, vector<16xf32>,
        %get3A_1046 = vector.shape_cast %get3A_1045 : vector<16xf32> to vector<16xf32>
        %mul3A_1047 = arith.mulf %get3A_1046, %get3A_120 : vector<16xf32>
        %add3A_1048 = arith.addf %add3A_1043, %mul3A_1047 : vector<16xf32>
        %max3A_1049 = arith.constant 0.000000e+00 : f32
        %max3A_1050 = vector.broadcast %max3A_1049 : f32 to vector<16xf32>
        %max3A_1051 = arith.maximumf %add3A_1048, %max3A_1050 : vector<16xf32>
        %mul3A_1052 = arith.mulf %max3A_1051, %get3A_123 : vector<16xf32>
        %swap3A_1053 = arith.index_cast %add3A_1025 : i32 to index
        %swap3A_1054 = tpu.vector_load %arg16[%swap3A_1053] {strides = array<i32>} : memref<12800xf32, #tpu.memory_space<vmem>>, vector<16xf32>,
        %swap3A_1055 = vector.shape_cast %swap3A_1054 : vector<16xf32> to vector<16xf32>
        %swap3A_1056 = vector.shape_cast %mul3A_1052 : vector<16xf32> to vector<16xf32>
        tpu.vector_store %arg16[%swap3A_1053], %swap3A_1056 {strides = array<i32>} : memref<12800xf32, #tpu.memory_space<vmem>>, vector<16xf32>,
        %get3A_1057 = arith.constant 1344 : index
        %get3A_1058 = tpu.vector_load %arg15[%get3A_1057] {strides = array<i32>} : memref<2080xf32, #tpu.memory_space<vmem>>, vector<16xf32>,
        %get3A_1059 = vector.shape_cast %get3A_1058 : vector<16xf32> to vector<16xf32>
        %mul3A_1060 = arith.mulf %get3A_1059, %mul3A_1052 : vector<16xf32>
        %add3A_1061 = arith.addf %add3A_1016, %mul3A_1060 : vector<16xf32>
        %get3A_1062 = arith.constant 1856 : index
        %get3A_1063 = tpu.vector_load %arg15[%get3A_1062] {strides = array<i32>} : memref<2080xf32, #tpu.memory_space<vmem>>, vector<16xf32>,
        %get3A_1064 = vector.shape_cast %get3A_1063 : vector<16xf32> to vector<16xf32>
        %mul3A_1065 = arith.mulf %get3A_1064, %mul3A_1052 : vector<16xf32>
        %add3A_1066 = arith.addf %add3A_1021, %mul3A_1065 : vector<16xf32>
        %mul3A_1067 = arith.constant 16 : i32
        %mul3A_1068 = arith.muli %scan3A_110, %mul3A_1067 : i32
        %add3A_1069 = arith.constant 8400 : i32
        %add3A_1070 = arith.addi %add3A_1069, %mul3A_1068 : i32
        %mul3A_1071 = arith.constant 32 : i32
        %mul3A_1072 = arith.muli %scan3A_91, %mul3A_1071 : i32
        %mul3A_1073 = arith.constant 16 : i32
        %mul3A_1074 = arith.muli %mul3A_1072, %mul3A_1073 : i32
        %add3A_1075 = arith.constant 336 : i32
        %add3A_1076 = arith.addi %mul3A_1074, %add3A_1075 : i32
        %get3A_1077 = arith.index_cast %add3A_1076 : i32 to index
        %get3A_1078 = tpu.vector_load %arg14[%get3A_1077] {strides = array<i32>} : memref<2048xf32, #tpu.memory_space<vmem>>, vector<16xf32>,
        %get3A_1079 = vector.shape_cast %get3A_1078 : vector<16xf32> to vector<16xf32>
        %get3A_1080 = arith.index_cast %add3A_1070 : i32 to index
        %get3A_1081 = tpu.vector_load %arg10[%get3A_1080] {strides = array<i32>} : memref<12800xf32, #tpu.memory_space<vmem>>, vector<16xf32>,
        %get3A_1082 = vector.shape_cast %get3A_1081 : vector<16xf32> to vector<16xf32>
        %add3A_1083 = arith.addf %get3A_1079, %get3A_1082 : vector<16xf32>
        %get3A_1084 = arith.constant 336 : index
        %get3A_1085 = tpu.vector_load %arg15[%get3A_1084] {strides = array<i32>} : memref<2080xf32, #tpu.memory_space<vmem>>, vector<16xf32>,
        %get3A_1086 = vector.shape_cast %get3A_1085 : vector<16xf32> to vector<16xf32>
        %mul3A_1087 = arith.mulf %get3A_1086, %get3A_117 : vector<16xf32>
        %add3A_1088 = arith.addf %add3A_1083, %mul3A_1087 : vector<16xf32>
        %get3A_1089 = arith.constant 848 : index
        %get3A_1090 = tpu.vector_load %arg15[%get3A_1089] {strides = array<i32>} : memref<2080xf32, #tpu.memory_space<vmem>>, vector<16xf32>,
        %get3A_1091 = vector.shape_cast %get3A_1090 : vector<16xf32> to vector<16xf32>
        %mul3A_1092 = arith.mulf %get3A_1091, %get3A_120 : vector<16xf32>
        %add3A_1093 = arith.addf %add3A_1088, %mul3A_1092 : vector<16xf32>
        %max3A_1094 = arith.constant 0.000000e+00 : f32
        %max3A_1095 = vector.broadcast %max3A_1094 : f32 to vector<16xf32>
        %max3A_1096 = arith.maximumf %add3A_1093, %max3A_1095 : vector<16xf32>
        %mul3A_1097 = arith.mulf %max3A_1096, %get3A_123 : vector<16xf32>
        %swap3A_1098 = arith.index_cast %add3A_1070 : i32 to index
        %swap3A_1099 = tpu.vector_load %arg16[%swap3A_1098] {strides = array<i32>} : memref<12800xf32, #tpu.memory_space<vmem>>, vector<16xf32>,
        %swap3A_1100 = vector.shape_cast %swap3A_1099 : vector<16xf32> to vector<16xf32>
        %swap3A_1101 = vector.shape_cast %mul3A_1097 : vector<16xf32> to vector<16xf32>
        tpu.vector_store %arg16[%swap3A_1098], %swap3A_1101 {strides = array<i32>} : memref<12800xf32, #tpu.memory_space<vmem>>, vector<16xf32>,
        %get3A_1102 = arith.constant 1360 : index
        %get3A_1103 = tpu.vector_load %arg15[%get3A_1102] {strides = array<i32>} : memref<2080xf32, #tpu.memory_space<vmem>>, vector<16xf32>,
        %get3A_1104 = vector.shape_cast %get3A_1103 : vector<16xf32> to vector<16xf32>
        %mul3A_1105 = arith.mulf %get3A_1104, %mul3A_1097 : vector<16xf32>
        %add3A_1106 = arith.addf %add3A_1061, %mul3A_1105 : vector<16xf32>
        %get3A_1107 = arith.constant 1872 : index
        %get3A_1108 = tpu.vector_load %arg15[%get3A_1107] {strides = array<i32>} : memref<2080xf32, #tpu.memory_space<vmem>>, vector<16xf32>,
        %get3A_1109 = vector.shape_cast %get3A_1108 : vector<16xf32> to vector<16xf32>
        %mul3A_1110 = arith.mulf %get3A_1109, %mul3A_1097 : vector<16xf32>
        %add3A_1111 = arith.addf %add3A_1066, %mul3A_1110 : vector<16xf32>
        %mul3A_1112 = arith.constant 16 : i32
        %mul3A_1113 = arith.muli %scan3A_110, %mul3A_1112 : i32
        %add3A_1114 = arith.constant 8800 : i32
        %add3A_1115 = arith.addi %add3A_1114, %mul3A_1113 : i32
        %mul3A_1116 = arith.constant 32 : i32
        %mul3A_1117 = arith.muli %scan3A_91, %mul3A_1116 : i32
        %mul3A_1118 = arith.constant 16 : i32
        %mul3A_1119 = arith.muli %mul3A_1117, %mul3A_1118 : i32
        %add3A_1120 = arith.constant 352 : i32
        %add3A_1121 = arith.addi %mul3A_1119, %add3A_1120 : i32
        %get3A_1122 = arith.index_cast %add3A_1121 : i32 to index
        %get3A_1123 = tpu.vector_load %arg14[%get3A_1122] {strides = array<i32>} : memref<2048xf32, #tpu.memory_space<vmem>>, vector<16xf32>,
        %get3A_1124 = vector.shape_cast %get3A_1123 : vector<16xf32> to vector<16xf32>
        %get3A_1125 = arith.index_cast %add3A_1115 : i32 to index
        %get3A_1126 = tpu.vector_load %arg10[%get3A_1125] {strides = array<i32>} : memref<12800xf32, #tpu.memory_space<vmem>>, vector<16xf32>,
        %get3A_1127 = vector.shape_cast %get3A_1126 : vector<16xf32> to vector<16xf32>
        %add3A_1128 = arith.addf %get3A_1124, %get3A_1127 : vector<16xf32>
        %get3A_1129 = arith.constant 352 : index
        %get3A_1130 = tpu.vector_load %arg15[%get3A_1129] {strides = array<i32>} : memref<2080xf32, #tpu.memory_space<vmem>>, vector<16xf32>,
        %get3A_1131 = vector.shape_cast %get3A_1130 : vector<16xf32> to vector<16xf32>
        %mul3A_1132 = arith.mulf %get3A_1131, %get3A_117 : vector<16xf32>
        %add3A_1133 = arith.addf %add3A_1128, %mul3A_1132 : vector<16xf32>
        %get3A_1134 = arith.constant 864 : index
        %get3A_1135 = tpu.vector_load %arg15[%get3A_1134] {strides = array<i32>} : memref<2080xf32, #tpu.memory_space<vmem>>, vector<16xf32>,
        %get3A_1136 = vector.shape_cast %get3A_1135 : vector<16xf32> to vector<16xf32>
        %mul3A_1137 = arith.mulf %get3A_1136, %get3A_120 : vector<16xf32>
        %add3A_1138 = arith.addf %add3A_1133, %mul3A_1137 : vector<16xf32>
        %max3A_1139 = arith.constant 0.000000e+00 : f32
        %max3A_1140 = vector.broadcast %max3A_1139 : f32 to vector<16xf32>
        %max3A_1141 = arith.maximumf %add3A_1138, %max3A_1140 : vector<16xf32>
        %mul3A_1142 = arith.mulf %max3A_1141, %get3A_123 : vector<16xf32>
        %swap3A_1143 = arith.index_cast %add3A_1115 : i32 to index
        %swap3A_1144 = tpu.vector_load %arg16[%swap3A_1143] {strides = array<i32>} : memref<12800xf32, #tpu.memory_space<vmem>>, vector<16xf32>,
        %swap3A_1145 = vector.shape_cast %swap3A_1144 : vector<16xf32> to vector<16xf32>
        %swap3A_1146 = vector.shape_cast %mul3A_1142 : vector<16xf32> to vector<16xf32>
        tpu.vector_store %arg16[%swap3A_1143], %swap3A_1146 {strides = array<i32>} : memref<12800xf32, #tpu.memory_space<vmem>>, vector<16xf32>,
        %get3A_1147 = arith.constant 1376 : index
        %get3A_1148 = tpu.vector_load %arg15[%get3A_1147] {strides = array<i32>} : memref<2080xf32, #tpu.memory_space<vmem>>, vector<16xf32>,
        %get3A_1149 = vector.shape_cast %get3A_1148 : vector<16xf32> to vector<16xf32>
        %mul3A_1150 = arith.mulf %get3A_1149, %mul3A_1142 : vector<16xf32>
        %add3A_1151 = arith.addf %add3A_1106, %mul3A_1150 : vector<16xf32>
        %get3A_1152 = arith.constant 1888 : index
        %get3A_1153 = tpu.vector_load %arg15[%get3A_1152] {strides = array<i32>} : memref<2080xf32, #tpu.memory_space<vmem>>, vector<16xf32>,
        %get3A_1154 = vector.shape_cast %get3A_1153 : vector<16xf32> to vector<16xf32>
        %mul3A_1155 = arith.mulf %get3A_1154, %mul3A_1142 : vector<16xf32>
        %add3A_1156 = arith.addf %add3A_1111, %mul3A_1155 : vector<16xf32>
        %mul3A_1157 = arith.constant 16 : i32
        %mul3A_1158 = arith.muli %scan3A_110, %mul3A_1157 : i32
        %add3A_1159 = arith.constant 9200 : i32
        %add3A_1160 = arith.addi %add3A_1159, %mul3A_1158 : i32
        %mul3A_1161 = arith.constant 32 : i32
        %mul3A_1162 = arith.muli %scan3A_91, %mul3A_1161 : i32
        %mul3A_1163 = arith.constant 16 : i32
        %mul3A_1164 = arith.muli %mul3A_1162, %mul3A_1163 : i32
        %add3A_1165 = arith.constant 368 : i32
        %add3A_1166 = arith.addi %mul3A_1164, %add3A_1165 : i32
        %get3A_1167 = arith.index_cast %add3A_1166 : i32 to index
        %get3A_1168 = tpu.vector_load %arg14[%get3A_1167] {strides = array<i32>} : memref<2048xf32, #tpu.memory_space<vmem>>, vector<16xf32>,
        %get3A_1169 = vector.shape_cast %get3A_1168 : vector<16xf32> to vector<16xf32>
        %get3A_1170 = arith.index_cast %add3A_1160 : i32 to index
        %get3A_1171 = tpu.vector_load %arg10[%get3A_1170] {strides = array<i32>} : memref<12800xf32, #tpu.memory_space<vmem>>, vector<16xf32>,
        %get3A_1172 = vector.shape_cast %get3A_1171 : vector<16xf32> to vector<16xf32>
        %add3A_1173 = arith.addf %get3A_1169, %get3A_1172 : vector<16xf32>
        %get3A_1174 = arith.constant 368 : index
        %get3A_1175 = tpu.vector_load %arg15[%get3A_1174] {strides = array<i32>} : memref<2080xf32, #tpu.memory_space<vmem>>, vector<16xf32>,
        %get3A_1176 = vector.shape_cast %get3A_1175 : vector<16xf32> to vector<16xf32>
        %mul3A_1177 = arith.mulf %get3A_1176, %get3A_117 : vector<16xf32>
        %add3A_1178 = arith.addf %add3A_1173, %mul3A_1177 : vector<16xf32>
        %get3A_1179 = arith.constant 880 : index
        %get3A_1180 = tpu.vector_load %arg15[%get3A_1179] {strides = array<i32>} : memref<2080xf32, #tpu.memory_space<vmem>>, vector<16xf32>,
        %get3A_1181 = vector.shape_cast %get3A_1180 : vector<16xf32> to vector<16xf32>
        %mul3A_1182 = arith.mulf %get3A_1181, %get3A_120 : vector<16xf32>
        %add3A_1183 = arith.addf %add3A_1178, %mul3A_1182 : vector<16xf32>
        %max3A_1184 = arith.constant 0.000000e+00 : f32
        %max3A_1185 = vector.broadcast %max3A_1184 : f32 to vector<16xf32>
        %max3A_1186 = arith.maximumf %add3A_1183, %max3A_1185 : vector<16xf32>
        %mul3A_1187 = arith.mulf %max3A_1186, %get3A_123 : vector<16xf32>
        %swap3A_1188 = arith.index_cast %add3A_1160 : i32 to index
        %swap3A_1189 = tpu.vector_load %arg16[%swap3A_1188] {strides = array<i32>} : memref<12800xf32, #tpu.memory_space<vmem>>, vector<16xf32>,
        %swap3A_1190 = vector.shape_cast %swap3A_1189 : vector<16xf32> to vector<16xf32>
        %swap3A_1191 = vector.shape_cast %mul3A_1187 : vector<16xf32> to vector<16xf32>
        tpu.vector_store %arg16[%swap3A_1188], %swap3A_1191 {strides = array<i32>} : memref<12800xf32, #tpu.memory_space<vmem>>, vector<16xf32>,
        %get3A_1192 = arith.constant 1392 : index
        %get3A_1193 = tpu.vector_load %arg15[%get3A_1192] {strides = array<i32>} : memref<2080xf32, #tpu.memory_space<vmem>>, vector<16xf32>,
        %get3A_1194 = vector.shape_cast %get3A_1193 : vector<16xf32> to vector<16xf32>
        %mul3A_1195 = arith.mulf %get3A_1194, %mul3A_1187 : vector<16xf32>
        %add3A_1196 = arith.addf %add3A_1151, %mul3A_1195 : vector<16xf32>
        %get3A_1197 = arith.constant 1904 : index
        %get3A_1198 = tpu.vector_load %arg15[%get3A_1197] {strides = array<i32>} : memref<2080xf32, #tpu.memory_space<vmem>>, vector<16xf32>,
        %get3A_1199 = vector.shape_cast %get3A_1198 : vector<16xf32> to vector<16xf32>
        %mul3A_1200 = arith.mulf %get3A_1199, %mul3A_1187 : vector<16xf32>
        %add3A_1201 = arith.addf %add3A_1156, %mul3A_1200 : vector<16xf32>
        %mul3A_1202 = arith.constant 16 : i32
        %mul3A_1203 = arith.muli %scan3A_110, %mul3A_1202 : i32
        %add3A_1204 = arith.constant 9600 : i32
        %add3A_1205 = arith.addi %add3A_1204, %mul3A_1203 : i32
        %mul3A_1206 = arith.constant 32 : i32
        %mul3A_1207 = arith.muli %scan3A_91, %mul3A_1206 : i32
        %mul3A_1208 = arith.constant 16 : i32
        %mul3A_1209 = arith.muli %mul3A_1207, %mul3A_1208 : i32
        %add3A_1210 = arith.constant 384 : i32
        %add3A_1211 = arith.addi %mul3A_1209, %add3A_1210 : i32
        %get3A_1212 = arith.index_cast %add3A_1211 : i32 to index
        %get3A_1213 = tpu.vector_load %arg14[%get3A_1212] {strides = array<i32>} : memref<2048xf32, #tpu.memory_space<vmem>>, vector<16xf32>,
        %get3A_1214 = vector.shape_cast %get3A_1213 : vector<16xf32> to vector<16xf32>
        %get3A_1215 = arith.index_cast %add3A_1205 : i32 to index
        %get3A_1216 = tpu.vector_load %arg10[%get3A_1215] {strides = array<i32>} : memref<12800xf32, #tpu.memory_space<vmem>>, vector<16xf32>,
        %get3A_1217 = vector.shape_cast %get3A_1216 : vector<16xf32> to vector<16xf32>
        %add3A_1218 = arith.addf %get3A_1214, %get3A_1217 : vector<16xf32>
        %get3A_1219 = arith.constant 384 : index
        %get3A_1220 = tpu.vector_load %arg15[%get3A_1219] {strides = array<i32>} : memref<2080xf32, #tpu.memory_space<vmem>>, vector<16xf32>,
        %get3A_1221 = vector.shape_cast %get3A_1220 : vector<16xf32> to vector<16xf32>
        %mul3A_1222 = arith.mulf %get3A_1221, %get3A_117 : vector<16xf32>
        %add3A_1223 = arith.addf %add3A_1218, %mul3A_1222 : vector<16xf32>
        %get3A_1224 = arith.constant 896 : index
        %get3A_1225 = tpu.vector_load %arg15[%get3A_1224] {strides = array<i32>} : memref<2080xf32, #tpu.memory_space<vmem>>, vector<16xf32>,
        %get3A_1226 = vector.shape_cast %get3A_1225 : vector<16xf32> to vector<16xf32>
        %mul3A_1227 = arith.mulf %get3A_1226, %get3A_120 : vector<16xf32>
        %add3A_1228 = arith.addf %add3A_1223, %mul3A_1227 : vector<16xf32>
        %max3A_1229 = arith.constant 0.000000e+00 : f32
        %max3A_1230 = vector.broadcast %max3A_1229 : f32 to vector<16xf32>
        %max3A_1231 = arith.maximumf %add3A_1228, %max3A_1230 : vector<16xf32>
        %mul3A_1232 = arith.mulf %max3A_1231, %get3A_123 : vector<16xf32>
        %swap3A_1233 = arith.index_cast %add3A_1205 : i32 to index
        %swap3A_1234 = tpu.vector_load %arg16[%swap3A_1233] {strides = array<i32>} : memref<12800xf32, #tpu.memory_space<vmem>>, vector<16xf32>,
        %swap3A_1235 = vector.shape_cast %swap3A_1234 : vector<16xf32> to vector<16xf32>
        %swap3A_1236 = vector.shape_cast %mul3A_1232 : vector<16xf32> to vector<16xf32>
        tpu.vector_store %arg16[%swap3A_1233], %swap3A_1236 {strides = array<i32>} : memref<12800xf32, #tpu.memory_space<vmem>>, vector<16xf32>,
        %get3A_1237 = arith.constant 1408 : index
        %get3A_1238 = tpu.vector_load %arg15[%get3A_1237] {strides = array<i32>} : memref<2080xf32, #tpu.memory_space<vmem>>, vector<16xf32>,
        %get3A_1239 = vector.shape_cast %get3A_1238 : vector<16xf32> to vector<16xf32>
        %mul3A_1240 = arith.mulf %get3A_1239, %mul3A_1232 : vector<16xf32>
        %add3A_1241 = arith.addf %add3A_1196, %mul3A_1240 : vector<16xf32>
        %get3A_1242 = arith.constant 1920 : index
        %get3A_1243 = tpu.vector_load %arg15[%get3A_1242] {strides = array<i32>} : memref<2080xf32, #tpu.memory_space<vmem>>, vector<16xf32>,
        %get3A_1244 = vector.shape_cast %get3A_1243 : vector<16xf32> to vector<16xf32>
        %mul3A_1245 = arith.mulf %get3A_1244, %mul3A_1232 : vector<16xf32>
        %add3A_1246 = arith.addf %add3A_1201, %mul3A_1245 : vector<16xf32>
        %mul3A_1247 = arith.constant 16 : i32
        %mul3A_1248 = arith.muli %scan3A_110, %mul3A_1247 : i32
        %add3A_1249 = arith.constant 10000 : i32
        %add3A_1250 = arith.addi %add3A_1249, %mul3A_1248 : i32
        %mul3A_1251 = arith.constant 32 : i32
        %mul3A_1252 = arith.muli %scan3A_91, %mul3A_1251 : i32
        %mul3A_1253 = arith.constant 16 : i32
        %mul3A_1254 = arith.muli %mul3A_1252, %mul3A_1253 : i32
        %add3A_1255 = arith.constant 400 : i32
        %add3A_1256 = arith.addi %mul3A_1254, %add3A_1255 : i32
        %get3A_1257 = arith.index_cast %add3A_1256 : i32 to index
        %get3A_1258 = tpu.vector_load %arg14[%get3A_1257] {strides = array<i32>} : memref<2048xf32, #tpu.memory_space<vmem>>, vector<16xf32>,
        %get3A_1259 = vector.shape_cast %get3A_1258 : vector<16xf32> to vector<16xf32>
        %get3A_1260 = arith.index_cast %add3A_1250 : i32 to index
        %get3A_1261 = tpu.vector_load %arg10[%get3A_1260] {strides = array<i32>} : memref<12800xf32, #tpu.memory_space<vmem>>, vector<16xf32>,
        %get3A_1262 = vector.shape_cast %get3A_1261 : vector<16xf32> to vector<16xf32>
        %add3A_1263 = arith.addf %get3A_1259, %get3A_1262 : vector<16xf32>
        %get3A_1264 = arith.constant 400 : index
        %get3A_1265 = tpu.vector_load %arg15[%get3A_1264] {strides = array<i32>} : memref<2080xf32, #tpu.memory_space<vmem>>, vector<16xf32>,
        %get3A_1266 = vector.shape_cast %get3A_1265 : vector<16xf32> to vector<16xf32>
        %mul3A_1267 = arith.mulf %get3A_1266, %get3A_117 : vector<16xf32>
        %add3A_1268 = arith.addf %add3A_1263, %mul3A_1267 : vector<16xf32>
        %get3A_1269 = arith.constant 912 : index
        %get3A_1270 = tpu.vector_load %arg15[%get3A_1269] {strides = array<i32>} : memref<2080xf32, #tpu.memory_space<vmem>>, vector<16xf32>,
        %get3A_1271 = vector.shape_cast %get3A_1270 : vector<16xf32> to vector<16xf32>
        %mul3A_1272 = arith.mulf %get3A_1271, %get3A_120 : vector<16xf32>
        %add3A_1273 = arith.addf %add3A_1268, %mul3A_1272 : vector<16xf32>
        %max3A_1274 = arith.constant 0.000000e+00 : f32
        %max3A_1275 = vector.broadcast %max3A_1274 : f32 to vector<16xf32>
        %max3A_1276 = arith.maximumf %add3A_1273, %max3A_1275 : vector<16xf32>
        %mul3A_1277 = arith.mulf %max3A_1276, %get3A_123 : vector<16xf32>
        %swap3A_1278 = arith.index_cast %add3A_1250 : i32 to index
        %swap3A_1279 = tpu.vector_load %arg16[%swap3A_1278] {strides = array<i32>} : memref<12800xf32, #tpu.memory_space<vmem>>, vector<16xf32>,
        %swap3A_1280 = vector.shape_cast %swap3A_1279 : vector<16xf32> to vector<16xf32>
        %swap3A_1281 = vector.shape_cast %mul3A_1277 : vector<16xf32> to vector<16xf32>
        tpu.vector_store %arg16[%swap3A_1278], %swap3A_1281 {strides = array<i32>} : memref<12800xf32, #tpu.memory_space<vmem>>, vector<16xf32>,
        %get3A_1282 = arith.constant 1424 : index
        %get3A_1283 = tpu.vector_load %arg15[%get3A_1282] {strides = array<i32>} : memref<2080xf32, #tpu.memory_space<vmem>>, vector<16xf32>,
        %get3A_1284 = vector.shape_cast %get3A_1283 : vector<16xf32> to vector<16xf32>
        %mul3A_1285 = arith.mulf %get3A_1284, %mul3A_1277 : vector<16xf32>
        %add3A_1286 = arith.addf %add3A_1241, %mul3A_1285 : vector<16xf32>
        %get3A_1287 = arith.constant 1936 : index
        %get3A_1288 = tpu.vector_load %arg15[%get3A_1287] {strides = array<i32>} : memref<2080xf32, #tpu.memory_space<vmem>>, vector<16xf32>,
        %get3A_1289 = vector.shape_cast %get3A_1288 : vector<16xf32> to vector<16xf32>
        %mul3A_1290 = arith.mulf %get3A_1289, %mul3A_1277 : vector<16xf32>
        %add3A_1291 = arith.addf %add3A_1246, %mul3A_1290 : vector<16xf32>
        %mul3A_1292 = arith.constant 16 : i32
        %mul3A_1293 = arith.muli %scan3A_110, %mul3A_1292 : i32
        %add3A_1294 = arith.constant 10400 : i32
        %add3A_1295 = arith.addi %add3A_1294, %mul3A_1293 : i32
        %mul3A_1296 = arith.constant 32 : i32
        %mul3A_1297 = arith.muli %scan3A_91, %mul3A_1296 : i32
        %mul3A_1298 = arith.constant 16 : i32
        %mul3A_1299 = arith.muli %mul3A_1297, %mul3A_1298 : i32
        %add3A_1300 = arith.constant 416 : i32
        %add3A_1301 = arith.addi %mul3A_1299, %add3A_1300 : i32
        %get3A_1302 = arith.index_cast %add3A_1301 : i32 to index
        %get3A_1303 = tpu.vector_load %arg14[%get3A_1302] {strides = array<i32>} : memref<2048xf32, #tpu.memory_space<vmem>>, vector<16xf32>,
        %get3A_1304 = vector.shape_cast %get3A_1303 : vector<16xf32> to vector<16xf32>
        %get3A_1305 = arith.index_cast %add3A_1295 : i32 to index
        %get3A_1306 = tpu.vector_load %arg10[%get3A_1305] {strides = array<i32>} : memref<12800xf32, #tpu.memory_space<vmem>>, vector<16xf32>,
        %get3A_1307 = vector.shape_cast %get3A_1306 : vector<16xf32> to vector<16xf32>
        %add3A_1308 = arith.addf %get3A_1304, %get3A_1307 : vector<16xf32>
        %get3A_1309 = arith.constant 416 : index
        %get3A_1310 = tpu.vector_load %arg15[%get3A_1309] {strides = array<i32>} : memref<2080xf32, #tpu.memory_space<vmem>>, vector<16xf32>,
        %get3A_1311 = vector.shape_cast %get3A_1310 : vector<16xf32> to vector<16xf32>
        %mul3A_1312 = arith.mulf %get3A_1311, %get3A_117 : vector<16xf32>
        %add3A_1313 = arith.addf %add3A_1308, %mul3A_1312 : vector<16xf32>
        %get3A_1314 = arith.constant 928 : index
        %get3A_1315 = tpu.vector_load %arg15[%get3A_1314] {strides = array<i32>} : memref<2080xf32, #tpu.memory_space<vmem>>, vector<16xf32>,
        %get3A_1316 = vector.shape_cast %get3A_1315 : vector<16xf32> to vector<16xf32>
        %mul3A_1317 = arith.mulf %get3A_1316, %get3A_120 : vector<16xf32>
        %add3A_1318 = arith.addf %add3A_1313, %mul3A_1317 : vector<16xf32>
        %max3A_1319 = arith.constant 0.000000e+00 : f32
        %max3A_1320 = vector.broadcast %max3A_1319 : f32 to vector<16xf32>
        %max3A_1321 = arith.maximumf %add3A_1318, %max3A_1320 : vector<16xf32>
        %mul3A_1322 = arith.mulf %max3A_1321, %get3A_123 : vector<16xf32>
        %swap3A_1323 = arith.index_cast %add3A_1295 : i32 to index
        %swap3A_1324 = tpu.vector_load %arg16[%swap3A_1323] {strides = array<i32>} : memref<12800xf32, #tpu.memory_space<vmem>>, vector<16xf32>,
        %swap3A_1325 = vector.shape_cast %swap3A_1324 : vector<16xf32> to vector<16xf32>
        %swap3A_1326 = vector.shape_cast %mul3A_1322 : vector<16xf32> to vector<16xf32>
        tpu.vector_store %arg16[%swap3A_1323], %swap3A_1326 {strides = array<i32>} : memref<12800xf32, #tpu.memory_space<vmem>>, vector<16xf32>,
        %get3A_1327 = arith.constant 1440 : index
        %get3A_1328 = tpu.vector_load %arg15[%get3A_1327] {strides = array<i32>} : memref<2080xf32, #tpu.memory_space<vmem>>, vector<16xf32>,
        %get3A_1329 = vector.shape_cast %get3A_1328 : vector<16xf32> to vector<16xf32>
        %mul3A_1330 = arith.mulf %get3A_1329, %mul3A_1322 : vector<16xf32>
        %add3A_1331 = arith.addf %add3A_1286, %mul3A_1330 : vector<16xf32>
        %get3A_1332 = arith.constant 1952 : index
        %get3A_1333 = tpu.vector_load %arg15[%get3A_1332] {strides = array<i32>} : memref<2080xf32, #tpu.memory_space<vmem>>, vector<16xf32>,
        %get3A_1334 = vector.shape_cast %get3A_1333 : vector<16xf32> to vector<16xf32>
        %mul3A_1335 = arith.mulf %get3A_1334, %mul3A_1322 : vector<16xf32>
        %add3A_1336 = arith.addf %add3A_1291, %mul3A_1335 : vector<16xf32>
        %mul3A_1337 = arith.constant 16 : i32
        %mul3A_1338 = arith.muli %scan3A_110, %mul3A_1337 : i32
        %add3A_1339 = arith.constant 10800 : i32
        %add3A_1340 = arith.addi %add3A_1339, %mul3A_1338 : i32
        %mul3A_1341 = arith.constant 32 : i32
        %mul3A_1342 = arith.muli %scan3A_91, %mul3A_1341 : i32
        %mul3A_1343 = arith.constant 16 : i32
        %mul3A_1344 = arith.muli %mul3A_1342, %mul3A_1343 : i32
        %add3A_1345 = arith.constant 432 : i32
        %add3A_1346 = arith.addi %mul3A_1344, %add3A_1345 : i32
        %get3A_1347 = arith.index_cast %add3A_1346 : i32 to index
        %get3A_1348 = tpu.vector_load %arg14[%get3A_1347] {strides = array<i32>} : memref<2048xf32, #tpu.memory_space<vmem>>, vector<16xf32>,
        %get3A_1349 = vector.shape_cast %get3A_1348 : vector<16xf32> to vector<16xf32>
        %get3A_1350 = arith.index_cast %add3A_1340 : i32 to index
        %get3A_1351 = tpu.vector_load %arg10[%get3A_1350] {strides = array<i32>} : memref<12800xf32, #tpu.memory_space<vmem>>, vector<16xf32>,
        %get3A_1352 = vector.shape_cast %get3A_1351 : vector<16xf32> to vector<16xf32>
        %add3A_1353 = arith.addf %get3A_1349, %get3A_1352 : vector<16xf32>
        %get3A_1354 = arith.constant 432 : index
        %get3A_1355 = tpu.vector_load %arg15[%get3A_1354] {strides = array<i32>} : memref<2080xf32, #tpu.memory_space<vmem>>, vector<16xf32>,
        %get3A_1356 = vector.shape_cast %get3A_1355 : vector<16xf32> to vector<16xf32>
        %mul3A_1357 = arith.mulf %get3A_1356, %get3A_117 : vector<16xf32>
        %add3A_1358 = arith.addf %add3A_1353, %mul3A_1357 : vector<16xf32>
        %get3A_1359 = arith.constant 944 : index
        %get3A_1360 = tpu.vector_load %arg15[%get3A_1359] {strides = array<i32>} : memref<2080xf32, #tpu.memory_space<vmem>>, vector<16xf32>,
        %get3A_1361 = vector.shape_cast %get3A_1360 : vector<16xf32> to vector<16xf32>
        %mul3A_1362 = arith.mulf %get3A_1361, %get3A_120 : vector<16xf32>
        %add3A_1363 = arith.addf %add3A_1358, %mul3A_1362 : vector<16xf32>
        %max3A_1364 = arith.constant 0.000000e+00 : f32
        %max3A_1365 = vector.broadcast %max3A_1364 : f32 to vector<16xf32>
        %max3A_1366 = arith.maximumf %add3A_1363, %max3A_1365 : vector<16xf32>
        %mul3A_1367 = arith.mulf %max3A_1366, %get3A_123 : vector<16xf32>
        %swap3A_1368 = arith.index_cast %add3A_1340 : i32 to index
        %swap3A_1369 = tpu.vector_load %arg16[%swap3A_1368] {strides = array<i32>} : memref<12800xf32, #tpu.memory_space<vmem>>, vector<16xf32>,
        %swap3A_1370 = vector.shape_cast %swap3A_1369 : vector<16xf32> to vector<16xf32>
        %swap3A_1371 = vector.shape_cast %mul3A_1367 : vector<16xf32> to vector<16xf32>
        tpu.vector_store %arg16[%swap3A_1368], %swap3A_1371 {strides = array<i32>} : memref<12800xf32, #tpu.memory_space<vmem>>, vector<16xf32>,
        %get3A_1372 = arith.constant 1456 : index
        %get3A_1373 = tpu.vector_load %arg15[%get3A_1372] {strides = array<i32>} : memref<2080xf32, #tpu.memory_space<vmem>>, vector<16xf32>,
        %get3A_1374 = vector.shape_cast %get3A_1373 : vector<16xf32> to vector<16xf32>
        %mul3A_1375 = arith.mulf %get3A_1374, %mul3A_1367 : vector<16xf32>
        %add3A_1376 = arith.addf %add3A_1331, %mul3A_1375 : vector<16xf32>
        %get3A_1377 = arith.constant 1968 : index
        %get3A_1378 = tpu.vector_load %arg15[%get3A_1377] {strides = array<i32>} : memref<2080xf32, #tpu.memory_space<vmem>>, vector<16xf32>,
        %get3A_1379 = vector.shape_cast %get3A_1378 : vector<16xf32> to vector<16xf32>
        %mul3A_1380 = arith.mulf %get3A_1379, %mul3A_1367 : vector<16xf32>
        %add3A_1381 = arith.addf %add3A_1336, %mul3A_1380 : vector<16xf32>
        %mul3A_1382 = arith.constant 16 : i32
        %mul3A_1383 = arith.muli %scan3A_110, %mul3A_1382 : i32
        %add3A_1384 = arith.constant 11200 : i32
        %add3A_1385 = arith.addi %add3A_1384, %mul3A_1383 : i32
        %mul3A_1386 = arith.constant 32 : i32
        %mul3A_1387 = arith.muli %scan3A_91, %mul3A_1386 : i32
        %mul3A_1388 = arith.constant 16 : i32
        %mul3A_1389 = arith.muli %mul3A_1387, %mul3A_1388 : i32
        %add3A_1390 = arith.constant 448 : i32
        %add3A_1391 = arith.addi %mul3A_1389, %add3A_1390 : i32
        %get3A_1392 = arith.index_cast %add3A_1391 : i32 to index
        %get3A_1393 = tpu.vector_load %arg14[%get3A_1392] {strides = array<i32>} : memref<2048xf32, #tpu.memory_space<vmem>>, vector<16xf32>,
        %get3A_1394 = vector.shape_cast %get3A_1393 : vector<16xf32> to vector<16xf32>
        %get3A_1395 = arith.index_cast %add3A_1385 : i32 to index
        %get3A_1396 = tpu.vector_load %arg10[%get3A_1395] {strides = array<i32>} : memref<12800xf32, #tpu.memory_space<vmem>>, vector<16xf32>,
        %get3A_1397 = vector.shape_cast %get3A_1396 : vector<16xf32> to vector<16xf32>
        %add3A_1398 = arith.addf %get3A_1394, %get3A_1397 : vector<16xf32>
        %get3A_1399 = arith.constant 448 : index
        %get3A_1400 = tpu.vector_load %arg15[%get3A_1399] {strides = array<i32>} : memref<2080xf32, #tpu.memory_space<vmem>>, vector<16xf32>,
        %get3A_1401 = vector.shape_cast %get3A_1400 : vector<16xf32> to vector<16xf32>
        %mul3A_1402 = arith.mulf %get3A_1401, %get3A_117 : vector<16xf32>
        %add3A_1403 = arith.addf %add3A_1398, %mul3A_1402 : vector<16xf32>
        %get3A_1404 = arith.constant 960 : index
        %get3A_1405 = tpu.vector_load %arg15[%get3A_1404] {strides = array<i32>} : memref<2080xf32, #tpu.memory_space<vmem>>, vector<16xf32>,
        %get3A_1406 = vector.shape_cast %get3A_1405 : vector<16xf32> to vector<16xf32>
        %mul3A_1407 = arith.mulf %get3A_1406, %get3A_120 : vector<16xf32>
        %add3A_1408 = arith.addf %add3A_1403, %mul3A_1407 : vector<16xf32>
        %max3A_1409 = arith.constant 0.000000e+00 : f32
        %max3A_1410 = vector.broadcast %max3A_1409 : f32 to vector<16xf32>
        %max3A_1411 = arith.maximumf %add3A_1408, %max3A_1410 : vector<16xf32>
        %mul3A_1412 = arith.mulf %max3A_1411, %get3A_123 : vector<16xf32>
        %swap3A_1413 = arith.index_cast %add3A_1385 : i32 to index
        %swap3A_1414 = tpu.vector_load %arg16[%swap3A_1413] {strides = array<i32>} : memref<12800xf32, #tpu.memory_space<vmem>>, vector<16xf32>,
        %swap3A_1415 = vector.shape_cast %swap3A_1414 : vector<16xf32> to vector<16xf32>
        %swap3A_1416 = vector.shape_cast %mul3A_1412 : vector<16xf32> to vector<16xf32>
        tpu.vector_store %arg16[%swap3A_1413], %swap3A_1416 {strides = array<i32>} : memref<12800xf32, #tpu.memory_space<vmem>>, vector<16xf32>,
        %get3A_1417 = arith.constant 1472 : index
        %get3A_1418 = tpu.vector_load %arg15[%get3A_1417] {strides = array<i32>} : memref<2080xf32, #tpu.memory_space<vmem>>, vector<16xf32>,
        %get3A_1419 = vector.shape_cast %get3A_1418 : vector<16xf32> to vector<16xf32>
        %mul3A_1420 = arith.mulf %get3A_1419, %mul3A_1412 : vector<16xf32>
        %add3A_1421 = arith.addf %add3A_1376, %mul3A_1420 : vector<16xf32>
        %get3A_1422 = arith.constant 1984 : index
        %get3A_1423 = tpu.vector_load %arg15[%get3A_1422] {strides = array<i32>} : memref<2080xf32, #tpu.memory_space<vmem>>, vector<16xf32>,
        %get3A_1424 = vector.shape_cast %get3A_1423 : vector<16xf32> to vector<16xf32>
        %mul3A_1425 = arith.mulf %get3A_1424, %mul3A_1412 : vector<16xf32>
        %add3A_1426 = arith.addf %add3A_1381, %mul3A_1425 : vector<16xf32>
        %mul3A_1427 = arith.constant 16 : i32
        %mul3A_1428 = arith.muli %scan3A_110, %mul3A_1427 : i32
        %add3A_1429 = arith.constant 11600 : i32
        %add3A_1430 = arith.addi %add3A_1429, %mul3A_1428 : i32
        %mul3A_1431 = arith.constant 32 : i32
        %mul3A_1432 = arith.muli %scan3A_91, %mul3A_1431 : i32
        %mul3A_1433 = arith.constant 16 : i32
        %mul3A_1434 = arith.muli %mul3A_1432, %mul3A_1433 : i32
        %add3A_1435 = arith.constant 464 : i32
        %add3A_1436 = arith.addi %mul3A_1434, %add3A_1435 : i32
        %get3A_1437 = arith.index_cast %add3A_1436 : i32 to index
        %get3A_1438 = tpu.vector_load %arg14[%get3A_1437] {strides = array<i32>} : memref<2048xf32, #tpu.memory_space<vmem>>, vector<16xf32>,
        %get3A_1439 = vector.shape_cast %get3A_1438 : vector<16xf32> to vector<16xf32>
        %get3A_1440 = arith.index_cast %add3A_1430 : i32 to index
        %get3A_1441 = tpu.vector_load %arg10[%get3A_1440] {strides = array<i32>} : memref<12800xf32, #tpu.memory_space<vmem>>, vector<16xf32>,
        %get3A_1442 = vector.shape_cast %get3A_1441 : vector<16xf32> to vector<16xf32>
        %add3A_1443 = arith.addf %get3A_1439, %get3A_1442 : vector<16xf32>
        %get3A_1444 = arith.constant 464 : index
        %get3A_1445 = tpu.vector_load %arg15[%get3A_1444] {strides = array<i32>} : memref<2080xf32, #tpu.memory_space<vmem>>, vector<16xf32>,
        %get3A_1446 = vector.shape_cast %get3A_1445 : vector<16xf32> to vector<16xf32>
        %mul3A_1447 = arith.mulf %get3A_1446, %get3A_117 : vector<16xf32>
        %add3A_1448 = arith.addf %add3A_1443, %mul3A_1447 : vector<16xf32>
        %get3A_1449 = arith.constant 976 : index
        %get3A_1450 = tpu.vector_load %arg15[%get3A_1449] {strides = array<i32>} : memref<2080xf32, #tpu.memory_space<vmem>>, vector<16xf32>,
        %get3A_1451 = vector.shape_cast %get3A_1450 : vector<16xf32> to vector<16xf32>
        %mul3A_1452 = arith.mulf %get3A_1451, %get3A_120 : vector<16xf32>
        %add3A_1453 = arith.addf %add3A_1448, %mul3A_1452 : vector<16xf32>
        %max3A_1454 = arith.constant 0.000000e+00 : f32
        %max3A_1455 = vector.broadcast %max3A_1454 : f32 to vector<16xf32>
        %max3A_1456 = arith.maximumf %add3A_1453, %max3A_1455 : vector<16xf32>
        %mul3A_1457 = arith.mulf %max3A_1456, %get3A_123 : vector<16xf32>
        %swap3A_1458 = arith.index_cast %add3A_1430 : i32 to index
        %swap3A_1459 = tpu.vector_load %arg16[%swap3A_1458] {strides = array<i32>} : memref<12800xf32, #tpu.memory_space<vmem>>, vector<16xf32>,
        %swap3A_1460 = vector.shape_cast %swap3A_1459 : vector<16xf32> to vector<16xf32>
        %swap3A_1461 = vector.shape_cast %mul3A_1457 : vector<16xf32> to vector<16xf32>
        tpu.vector_store %arg16[%swap3A_1458], %swap3A_1461 {strides = array<i32>} : memref<12800xf32, #tpu.memory_space<vmem>>, vector<16xf32>,
        %get3A_1462 = arith.constant 1488 : index
        %get3A_1463 = tpu.vector_load %arg15[%get3A_1462] {strides = array<i32>} : memref<2080xf32, #tpu.memory_space<vmem>>, vector<16xf32>,
        %get3A_1464 = vector.shape_cast %get3A_1463 : vector<16xf32> to vector<16xf32>
        %mul3A_1465 = arith.mulf %get3A_1464, %mul3A_1457 : vector<16xf32>
        %add3A_1466 = arith.addf %add3A_1421, %mul3A_1465 : vector<16xf32>
        %get3A_1467 = arith.constant 2000 : index
        %get3A_1468 = tpu.vector_load %arg15[%get3A_1467] {strides = array<i32>} : memref<2080xf32, #tpu.memory_space<vmem>>, vector<16xf32>,
        %get3A_1469 = vector.shape_cast %get3A_1468 : vector<16xf32> to vector<16xf32>
        %mul3A_1470 = arith.mulf %get3A_1469, %mul3A_1457 : vector<16xf32>
        %add3A_1471 = arith.addf %add3A_1426, %mul3A_1470 : vector<16xf32>
        %mul3A_1472 = arith.constant 16 : i32
        %mul3A_1473 = arith.muli %scan3A_110, %mul3A_1472 : i32
        %add3A_1474 = arith.constant 12000 : i32
        %add3A_1475 = arith.addi %add3A_1474, %mul3A_1473 : i32
        %mul3A_1476 = arith.constant 32 : i32
        %mul3A_1477 = arith.muli %scan3A_91, %mul3A_1476 : i32
        %mul3A_1478 = arith.constant 16 : i32
        %mul3A_1479 = arith.muli %mul3A_1477, %mul3A_1478 : i32
        %add3A_1480 = arith.constant 480 : i32
        %add3A_1481 = arith.addi %mul3A_1479, %add3A_1480 : i32
        %get3A_1482 = arith.index_cast %add3A_1481 : i32 to index
        %get3A_1483 = tpu.vector_load %arg14[%get3A_1482] {strides = array<i32>} : memref<2048xf32, #tpu.memory_space<vmem>>, vector<16xf32>,
        %get3A_1484 = vector.shape_cast %get3A_1483 : vector<16xf32> to vector<16xf32>
        %get3A_1485 = arith.index_cast %add3A_1475 : i32 to index
        %get3A_1486 = tpu.vector_load %arg10[%get3A_1485] {strides = array<i32>} : memref<12800xf32, #tpu.memory_space<vmem>>, vector<16xf32>,
        %get3A_1487 = vector.shape_cast %get3A_1486 : vector<16xf32> to vector<16xf32>
        %add3A_1488 = arith.addf %get3A_1484, %get3A_1487 : vector<16xf32>
        %get3A_1489 = arith.constant 480 : index
        %get3A_1490 = tpu.vector_load %arg15[%get3A_1489] {strides = array<i32>} : memref<2080xf32, #tpu.memory_space<vmem>>, vector<16xf32>,
        %get3A_1491 = vector.shape_cast %get3A_1490 : vector<16xf32> to vector<16xf32>
        %mul3A_1492 = arith.mulf %get3A_1491, %get3A_117 : vector<16xf32>
        %add3A_1493 = arith.addf %add3A_1488, %mul3A_1492 : vector<16xf32>
        %get3A_1494 = arith.constant 992 : index
        %get3A_1495 = tpu.vector_load %arg15[%get3A_1494] {strides = array<i32>} : memref<2080xf32, #tpu.memory_space<vmem>>, vector<16xf32>,
        %get3A_1496 = vector.shape_cast %get3A_1495 : vector<16xf32> to vector<16xf32>
        %mul3A_1497 = arith.mulf %get3A_1496, %get3A_120 : vector<16xf32>
        %add3A_1498 = arith.addf %add3A_1493, %mul3A_1497 : vector<16xf32>
        %max3A_1499 = arith.constant 0.000000e+00 : f32
        %max3A_1500 = vector.broadcast %max3A_1499 : f32 to vector<16xf32>
        %max3A_1501 = arith.maximumf %add3A_1498, %max3A_1500 : vector<16xf32>
        %mul3A_1502 = arith.mulf %max3A_1501, %get3A_123 : vector<16xf32>
        %swap3A_1503 = arith.index_cast %add3A_1475 : i32 to index
        %swap3A_1504 = tpu.vector_load %arg16[%swap3A_1503] {strides = array<i32>} : memref<12800xf32, #tpu.memory_space<vmem>>, vector<16xf32>,
        %swap3A_1505 = vector.shape_cast %swap3A_1504 : vector<16xf32> to vector<16xf32>
        %swap3A_1506 = vector.shape_cast %mul3A_1502 : vector<16xf32> to vector<16xf32>
        tpu.vector_store %arg16[%swap3A_1503], %swap3A_1506 {strides = array<i32>} : memref<12800xf32, #tpu.memory_space<vmem>>, vector<16xf32>,
        %get3A_1507 = arith.constant 1504 : index
        %get3A_1508 = tpu.vector_load %arg15[%get3A_1507] {strides = array<i32>} : memref<2080xf32, #tpu.memory_space<vmem>>, vector<16xf32>,
        %get3A_1509 = vector.shape_cast %get3A_1508 : vector<16xf32> to vector<16xf32>
        %mul3A_1510 = arith.mulf %get3A_1509, %mul3A_1502 : vector<16xf32>
        %add3A_1511 = arith.addf %add3A_1466, %mul3A_1510 : vector<16xf32>
        %get3A_1512 = arith.constant 2016 : index
        %get3A_1513 = tpu.vector_load %arg15[%get3A_1512] {strides = array<i32>} : memref<2080xf32, #tpu.memory_space<vmem>>, vector<16xf32>,
        %get3A_1514 = vector.shape_cast %get3A_1513 : vector<16xf32> to vector<16xf32>
        %mul3A_1515 = arith.mulf %get3A_1514, %mul3A_1502 : vector<16xf32>
        %add3A_1516 = arith.addf %add3A_1471, %mul3A_1515 : vector<16xf32>
        %mul3A_1517 = arith.constant 16 : i32
        %mul3A_1518 = arith.muli %scan3A_110, %mul3A_1517 : i32
        %add3A_1519 = arith.constant 12400 : i32
        %add3A_1520 = arith.addi %add3A_1519, %mul3A_1518 : i32
        %mul3A_1521 = arith.constant 32 : i32
        %mul3A_1522 = arith.muli %scan3A_91, %mul3A_1521 : i32
        %mul3A_1523 = arith.constant 16 : i32
        %mul3A_1524 = arith.muli %mul3A_1522, %mul3A_1523 : i32
        %add3A_1525 = arith.constant 496 : i32
        %add3A_1526 = arith.addi %mul3A_1524, %add3A_1525 : i32
        %get3A_1527 = arith.index_cast %add3A_1526 : i32 to index
        %get3A_1528 = tpu.vector_load %arg14[%get3A_1527] {strides = array<i32>} : memref<2048xf32, #tpu.memory_space<vmem>>, vector<16xf32>,
        %get3A_1529 = vector.shape_cast %get3A_1528 : vector<16xf32> to vector<16xf32>
        %get3A_1530 = arith.index_cast %add3A_1520 : i32 to index
        %get3A_1531 = tpu.vector_load %arg10[%get3A_1530] {strides = array<i32>} : memref<12800xf32, #tpu.memory_space<vmem>>, vector<16xf32>,
        %get3A_1532 = vector.shape_cast %get3A_1531 : vector<16xf32> to vector<16xf32>
        %add3A_1533 = arith.addf %get3A_1529, %get3A_1532 : vector<16xf32>
        %get3A_1534 = arith.constant 496 : index
        %get3A_1535 = tpu.vector_load %arg15[%get3A_1534] {strides = array<i32>} : memref<2080xf32, #tpu.memory_space<vmem>>, vector<16xf32>,
        %get3A_1536 = vector.shape_cast %get3A_1535 : vector<16xf32> to vector<16xf32>
        %mul3A_1537 = arith.mulf %get3A_1536, %get3A_117 : vector<16xf32>
        %add3A_1538 = arith.addf %add3A_1533, %mul3A_1537 : vector<16xf32>
        %get3A_1539 = arith.constant 1008 : index
        %get3A_1540 = tpu.vector_load %arg15[%get3A_1539] {strides = array<i32>} : memref<2080xf32, #tpu.memory_space<vmem>>, vector<16xf32>,
        %get3A_1541 = vector.shape_cast %get3A_1540 : vector<16xf32> to vector<16xf32>
        %mul3A_1542 = arith.mulf %get3A_1541, %get3A_120 : vector<16xf32>
        %add3A_1543 = arith.addf %add3A_1538, %mul3A_1542 : vector<16xf32>
        %max3A_1544 = arith.constant 0.000000e+00 : f32
        %max3A_1545 = vector.broadcast %max3A_1544 : f32 to vector<16xf32>
        %max3A_1546 = arith.maximumf %add3A_1543, %max3A_1545 : vector<16xf32>
        %mul3A_1547 = arith.mulf %max3A_1546, %get3A_123 : vector<16xf32>
        %swap3A_1548 = arith.index_cast %add3A_1520 : i32 to index
        %swap3A_1549 = tpu.vector_load %arg16[%swap3A_1548] {strides = array<i32>} : memref<12800xf32, #tpu.memory_space<vmem>>, vector<16xf32>,
        %swap3A_1550 = vector.shape_cast %swap3A_1549 : vector<16xf32> to vector<16xf32>
        %swap3A_1551 = vector.shape_cast %mul3A_1547 : vector<16xf32> to vector<16xf32>
        tpu.vector_store %arg16[%swap3A_1548], %swap3A_1551 {strides = array<i32>} : memref<12800xf32, #tpu.memory_space<vmem>>, vector<16xf32>,
        %get3A_1552 = arith.constant 1520 : index
        %get3A_1553 = tpu.vector_load %arg15[%get3A_1552] {strides = array<i32>} : memref<2080xf32, #tpu.memory_space<vmem>>, vector<16xf32>,
        %get3A_1554 = vector.shape_cast %get3A_1553 : vector<16xf32> to vector<16xf32>
        %mul3A_1555 = arith.mulf %get3A_1554, %mul3A_1547 : vector<16xf32>
        %add3A_1556 = arith.addf %add3A_1511, %mul3A_1555 : vector<16xf32>
        %get3A_1557 = arith.constant 2032 : index
        %get3A_1558 = tpu.vector_load %arg15[%get3A_1557] {strides = array<i32>} : memref<2080xf32, #tpu.memory_space<vmem>>, vector<16xf32>,
        %get3A_1559 = vector.shape_cast %get3A_1558 : vector<16xf32> to vector<16xf32>
        %mul3A_1560 = arith.mulf %get3A_1559, %mul3A_1547 : vector<16xf32>
        %add3A_1561 = arith.addf %add3A_1516, %mul3A_1560 : vector<16xf32>
        %mul3A_1562 = arith.constant 16 : i32
        %mul3A_1563 = arith.muli %scan3A_110, %mul3A_1562 : i32
        %swap3A_1564 = arith.index_cast %mul3A_1563 : i32 to index
        %swap3A_1565 = tpu.vector_load %arg17[%swap3A_1564] {strides = array<i32>} : memref<400xf32, #tpu.memory_space<vmem>>, vector<16xf32>,
        %swap3A_1566 = vector.shape_cast %swap3A_1565 : vector<16xf32> to vector<16xf32>
        %swap3A_1567 = vector.shape_cast %add3A_1556 : vector<16xf32> to vector<16xf32>
        tpu.vector_store %arg17[%swap3A_1564], %swap3A_1567 {strides = array<i32>} : memref<400xf32, #tpu.memory_space<vmem>>, vector<16xf32>,
        %mul3A_1568 = arith.constant 16 : i32
        %mul3A_1569 = arith.muli %scan3A_110, %mul3A_1568 : i32
        %swap3A_1570 = arith.index_cast %mul3A_1569 : i32 to index
        %swap3A_1571 = tpu.vector_load %arg18[%swap3A_1570] {strides = array<i32>} : memref<400xf32, #tpu.memory_space<vmem>>, vector<16xf32>,
        %swap3A_1572 = vector.shape_cast %swap3A_1571 : vector<16xf32> to vector<16xf32>
        %swap3A_1573 = vector.shape_cast %add3A_1561 : vector<16xf32> to vector<16xf32>
        tpu.vector_store %arg18[%swap3A_1570], %swap3A_1573 {strides = array<i32>} : memref<400xf32, #tpu.memory_space<vmem>>, vector<16xf32>,
        %scan3A_1574 = arith.constant 0 : i32
        scf.yield %scan3A_1574 : i32
      }
      %scan3A_101 = arith.constant 25 : i32
      %scan3A_102 = arith.constant 0 : i32
      %scan3A_103 = arith.constant 0 : i32
      %scan3A_104 = arith.constant 25 : i32
      %scan3A_105 = arith.addi %scan3A_103, %scan3A_104 : i32
      %scan3A_106 = arith.constant 1 : i32
      %scan3A_107 = scf.for %scan3A_110 = %scan3A_103 to %scan3A_105 step %scan3A_106 iter_args(%scan3A_111 = %scan3A_102) -> (i32)  : i32 {
        %mul3A_112 = arith.constant 16 : i32
        %mul3A_113 = arith.muli %scan3A_110, %mul3A_112 : i32
        %get3A_114 = arith.index_cast %mul3A_113 : i32 to index
        %get3A_115 = tpu.vector_load %arg17[%get3A_114] {strides = array<i32>} : memref<400xf32, #tpu.memory_space<vmem>>, vector<16xf32>,
        %get3A_116 = vector.shape_cast %get3A_115 : vector<16xf32> to vector<16xf32>
        %add3A_117 = arith.addf %get3A_116, %get3A_70 : vector<16xf32>
        %mul3A_118 = arith.constant 16 : i32
        %mul3A_119 = arith.muli %scan3A_110, %mul3A_118 : i32
        %get3A_120 = arith.index_cast %mul3A_119 : i32 to index
        %get3A_121 = tpu.vector_load %arg18[%get3A_120] {strides = array<i32>} : memref<400xf32, #tpu.memory_space<vmem>>, vector<16xf32>,
        %get3A_122 = vector.shape_cast %get3A_121 : vector<16xf32> to vector<16xf32>
        %add3A_123 = arith.addf %get3A_122, %get3A_73 : vector<16xf32>
        %neg3A = arith.constant 0.000000e+00 : f32
        %neg3A_124 = vector.broadcast %neg3A : f32 to vector<16xf32>
        %neg3A_125 = arith.subf %neg3A_124, %add3A_117 : vector<16xf32>
        %exp3A = math.exp %neg3A_125 : vector<16xf32>
        %add3A_126 = arith.constant 1.000000e+00 : f32
        %add3A_127 = vector.broadcast %add3A_126 : f32 to vector<16xf32>
        %add3A_128 = arith.addf %add3A_127, %exp3A : vector<16xf32>
        %div3A_129 = arith.constant 1.000000e+00 : f32
        %div3A_130 = vector.broadcast %div3A_129 : f32 to vector<16xf32>
        %div3A_131 = arith.divf %div3A_130, %add3A_128 : vector<16xf32>
        %neg3A_132 = arith.constant 0.000000e+00 : f32
        %neg3A_133 = vector.broadcast %neg3A_132 : f32 to vector<16xf32>
        %neg3A_134 = arith.subf %neg3A_133, %add3A_123 : vector<16xf32>
        %exp3A_135 = math.exp %neg3A_134 : vector<16xf32>
        %add3A_136 = arith.constant 1.000000e+00 : f32
        %add3A_137 = vector.broadcast %add3A_136 : f32 to vector<16xf32>
        %add3A_138 = arith.addf %add3A_137, %exp3A_135 : vector<16xf32>
        %div3A_139 = arith.constant 1.000000e+00 : f32
        %div3A_140 = vector.broadcast %div3A_139 : f32 to vector<16xf32>
        %div3A_141 = arith.divf %div3A_140, %add3A_138 : vector<16xf32>
        %mul3A_142 = arith.constant 16 : i32
        %mul3A_143 = arith.muli %scan3A_110, %mul3A_142 : i32
        %add3A_144 = arith.constant 0 : i32
        %add3A_145 = arith.addi %add3A_144, %mul3A_143 : i32
        %get3A_146 = arith.index_cast %add3A_145 : i32 to index
        %get3A_147 = tpu.vector_load %arg16[%get3A_146] {strides = array<i32>} : memref<12800xf32, #tpu.memory_space<vmem>>, vector<16xf32>,
        %get3A_148 = vector.shape_cast %get3A_147 : vector<16xf32> to vector<16xf32>
        %mul3A_149 = arith.constant 32 : i32
        %mul3A_150 = arith.muli %scan3A_91, %mul3A_149 : i32
        %mul3A_151 = arith.constant 16 : i32
        %mul3A_152 = arith.muli %mul3A_150, %mul3A_151 : i32
        %add3A_153 = arith.constant 0 : i32
        %add3A_154 = arith.addi %mul3A_152, %add3A_153 : i32
        %get3A_155 = arith.index_cast %add3A_154 : i32 to index
        %get3A_156 = tpu.vector_load %arg19[%get3A_155] {strides = array<i32>} : memref<2048xf32, #tpu.memory_space<vmem>>, vector<16xf32>,
        %get3A_157 = vector.shape_cast %get3A_156 : vector<16xf32> to vector<16xf32>
        %mul3A_158 = arith.mulf %get3A_148, %div3A_131 : vector<16xf32>
        %add3A_159 = arith.addf %get3A_157, %mul3A_158 : vector<16xf32>
        %swap3A = arith.index_cast %add3A_154 : i32 to index
        %swap3A_160 = tpu.vector_load %arg19[%swap3A] {strides = array<i32>} : memref<2048xf32, #tpu.memory_space<vmem>>, vector<16xf32>,
        %swap3A_161 = vector.shape_cast %swap3A_160 : vector<16xf32> to vector<16xf32>
        %swap3A_162 = vector.shape_cast %add3A_159 : vector<16xf32> to vector<16xf32>
        tpu.vector_store %arg19[%swap3A], %swap3A_162 {strides = array<i32>} : memref<2048xf32, #tpu.memory_space<vmem>>, vector<16xf32>,
        %get3A_163 = arith.index_cast %add3A_145 : i32 to index
        %get3A_164 = tpu.vector_load %arg20[%get3A_163] {strides = array<i32>} : memref<12800xf32, #tpu.memory_space<vmem>>, vector<16xf32>,
        %get3A_165 = vector.shape_cast %get3A_164 : vector<16xf32> to vector<16xf32>
        %mul3A_166 = arith.mulf %get3A_148, %div3A_141 : vector<16xf32>
        %add3A_167 = arith.addf %get3A_165, %mul3A_166 : vector<16xf32>
        %swap3A_168 = arith.index_cast %add3A_145 : i32 to index
        %swap3A_169 = tpu.vector_load %arg20[%swap3A_168] {strides = array<i32>} : memref<12800xf32, #tpu.memory_space<vmem>>, vector<16xf32>,
        %swap3A_170 = vector.shape_cast %swap3A_169 : vector<16xf32> to vector<16xf32>
        %swap3A_171 = vector.shape_cast %add3A_167 : vector<16xf32> to vector<16xf32>
        tpu.vector_store %arg20[%swap3A_168], %swap3A_171 {strides = array<i32>} : memref<12800xf32, #tpu.memory_space<vmem>>, vector<16xf32>,
        %mul3A_172 = arith.constant 16 : i32
        %mul3A_173 = arith.muli %scan3A_110, %mul3A_172 : i32
        %add3A_174 = arith.constant 400 : i32
        %add3A_175 = arith.addi %add3A_174, %mul3A_173 : i32
        %get3A_176 = arith.index_cast %add3A_175 : i32 to index
        %get3A_177 = tpu.vector_load %arg16[%get3A_176] {strides = array<i32>} : memref<12800xf32, #tpu.memory_space<vmem>>, vector<16xf32>,
        %get3A_178 = vector.shape_cast %get3A_177 : vector<16xf32> to vector<16xf32>
        %mul3A_179 = arith.constant 32 : i32
        %mul3A_180 = arith.muli %scan3A_91, %mul3A_179 : i32
        %mul3A_181 = arith.constant 16 : i32
        %mul3A_182 = arith.muli %mul3A_180, %mul3A_181 : i32
        %add3A_183 = arith.constant 16 : i32
        %add3A_184 = arith.addi %mul3A_182, %add3A_183 : i32
        %get3A_185 = arith.index_cast %add3A_184 : i32 to index
        %get3A_186 = tpu.vector_load %arg19[%get3A_185] {strides = array<i32>} : memref<2048xf32, #tpu.memory_space<vmem>>, vector<16xf32>,
        %get3A_187 = vector.shape_cast %get3A_186 : vector<16xf32> to vector<16xf32>
        %mul3A_188 = arith.mulf %get3A_178, %div3A_131 : vector<16xf32>
        %add3A_189 = arith.addf %get3A_187, %mul3A_188 : vector<16xf32>
        %swap3A_190 = arith.index_cast %add3A_184 : i32 to index
        %swap3A_191 = tpu.vector_load %arg19[%swap3A_190] {strides = array<i32>} : memref<2048xf32, #tpu.memory_space<vmem>>, vector<16xf32>,
        %swap3A_192 = vector.shape_cast %swap3A_191 : vector<16xf32> to vector<16xf32>
        %swap3A_193 = vector.shape_cast %add3A_189 : vector<16xf32> to vector<16xf32>
        tpu.vector_store %arg19[%swap3A_190], %swap3A_193 {strides = array<i32>} : memref<2048xf32, #tpu.memory_space<vmem>>, vector<16xf32>,
        %get3A_194 = arith.index_cast %add3A_175 : i32 to index
        %get3A_195 = tpu.vector_load %arg20[%get3A_194] {strides = array<i32>} : memref<12800xf32, #tpu.memory_space<vmem>>, vector<16xf32>,
        %get3A_196 = vector.shape_cast %get3A_195 : vector<16xf32> to vector<16xf32>
        %mul3A_197 = arith.mulf %get3A_178, %div3A_141 : vector<16xf32>
        %add3A_198 = arith.addf %get3A_196, %mul3A_197 : vector<16xf32>
        %swap3A_199 = arith.index_cast %add3A_175 : i32 to index
        %swap3A_200 = tpu.vector_load %arg20[%swap3A_199] {strides = array<i32>} : memref<12800xf32, #tpu.memory_space<vmem>>, vector<16xf32>,
        %swap3A_201 = vector.shape_cast %swap3A_200 : vector<16xf32> to vector<16xf32>
        %swap3A_202 = vector.shape_cast %add3A_198 : vector<16xf32> to vector<16xf32>
        tpu.vector_store %arg20[%swap3A_199], %swap3A_202 {strides = array<i32>} : memref<12800xf32, #tpu.memory_space<vmem>>, vector<16xf32>,
        %mul3A_203 = arith.constant 16 : i32
        %mul3A_204 = arith.muli %scan3A_110, %mul3A_203 : i32
        %add3A_205 = arith.constant 800 : i32
        %add3A_206 = arith.addi %add3A_205, %mul3A_204 : i32
        %get3A_207 = arith.index_cast %add3A_206 : i32 to index
        %get3A_208 = tpu.vector_load %arg16[%get3A_207] {strides = array<i32>} : memref<12800xf32, #tpu.memory_space<vmem>>, vector<16xf32>,
        %get3A_209 = vector.shape_cast %get3A_208 : vector<16xf32> to vector<16xf32>
        %mul3A_210 = arith.constant 32 : i32
        %mul3A_211 = arith.muli %scan3A_91, %mul3A_210 : i32
        %mul3A_212 = arith.constant 16 : i32
        %mul3A_213 = arith.muli %mul3A_211, %mul3A_212 : i32
        %add3A_214 = arith.constant 32 : i32
        %add3A_215 = arith.addi %mul3A_213, %add3A_214 : i32
        %get3A_216 = arith.index_cast %add3A_215 : i32 to index
        %get3A_217 = tpu.vector_load %arg19[%get3A_216] {strides = array<i32>} : memref<2048xf32, #tpu.memory_space<vmem>>, vector<16xf32>,
        %get3A_218 = vector.shape_cast %get3A_217 : vector<16xf32> to vector<16xf32>
        %mul3A_219 = arith.mulf %get3A_209, %div3A_131 : vector<16xf32>
        %add3A_220 = arith.addf %get3A_218, %mul3A_219 : vector<16xf32>
        %swap3A_221 = arith.index_cast %add3A_215 : i32 to index
        %swap3A_222 = tpu.vector_load %arg19[%swap3A_221] {strides = array<i32>} : memref<2048xf32, #tpu.memory_space<vmem>>, vector<16xf32>,
        %swap3A_223 = vector.shape_cast %swap3A_222 : vector<16xf32> to vector<16xf32>
        %swap3A_224 = vector.shape_cast %add3A_220 : vector<16xf32> to vector<16xf32>
        tpu.vector_store %arg19[%swap3A_221], %swap3A_224 {strides = array<i32>} : memref<2048xf32, #tpu.memory_space<vmem>>, vector<16xf32>,
        %get3A_225 = arith.index_cast %add3A_206 : i32 to index
        %get3A_226 = tpu.vector_load %arg20[%get3A_225] {strides = array<i32>} : memref<12800xf32, #tpu.memory_space<vmem>>, vector<16xf32>,
        %get3A_227 = vector.shape_cast %get3A_226 : vector<16xf32> to vector<16xf32>
        %mul3A_228 = arith.mulf %get3A_209, %div3A_141 : vector<16xf32>
        %add3A_229 = arith.addf %get3A_227, %mul3A_228 : vector<16xf32>
        %swap3A_230 = arith.index_cast %add3A_206 : i32 to index
        %swap3A_231 = tpu.vector_load %arg20[%swap3A_230] {strides = array<i32>} : memref<12800xf32, #tpu.memory_space<vmem>>, vector<16xf32>,
        %swap3A_232 = vector.shape_cast %swap3A_231 : vector<16xf32> to vector<16xf32>
        %swap3A_233 = vector.shape_cast %add3A_229 : vector<16xf32> to vector<16xf32>
        tpu.vector_store %arg20[%swap3A_230], %swap3A_233 {strides = array<i32>} : memref<12800xf32, #tpu.memory_space<vmem>>, vector<16xf32>,
        %mul3A_234 = arith.constant 16 : i32
        %mul3A_235 = arith.muli %scan3A_110, %mul3A_234 : i32
        %add3A_236 = arith.constant 1200 : i32
        %add3A_237 = arith.addi %add3A_236, %mul3A_235 : i32
        %get3A_238 = arith.index_cast %add3A_237 : i32 to index
        %get3A_239 = tpu.vector_load %arg16[%get3A_238] {strides = array<i32>} : memref<12800xf32, #tpu.memory_space<vmem>>, vector<16xf32>,
        %get3A_240 = vector.shape_cast %get3A_239 : vector<16xf32> to vector<16xf32>
        %mul3A_241 = arith.constant 32 : i32
        %mul3A_242 = arith.muli %scan3A_91, %mul3A_241 : i32
        %mul3A_243 = arith.constant 16 : i32
        %mul3A_244 = arith.muli %mul3A_242, %mul3A_243 : i32
        %add3A_245 = arith.constant 48 : i32
        %add3A_246 = arith.addi %mul3A_244, %add3A_245 : i32
        %get3A_247 = arith.index_cast %add3A_246 : i32 to index
        %get3A_248 = tpu.vector_load %arg19[%get3A_247] {strides = array<i32>} : memref<2048xf32, #tpu.memory_space<vmem>>, vector<16xf32>,
        %get3A_249 = vector.shape_cast %get3A_248 : vector<16xf32> to vector<16xf32>
        %mul3A_250 = arith.mulf %get3A_240, %div3A_131 : vector<16xf32>
        %add3A_251 = arith.addf %get3A_249, %mul3A_250 : vector<16xf32>
        %swap3A_252 = arith.index_cast %add3A_246 : i32 to index
        %swap3A_253 = tpu.vector_load %arg19[%swap3A_252] {strides = array<i32>} : memref<2048xf32, #tpu.memory_space<vmem>>, vector<16xf32>,
        %swap3A_254 = vector.shape_cast %swap3A_253 : vector<16xf32> to vector<16xf32>
        %swap3A_255 = vector.shape_cast %add3A_251 : vector<16xf32> to vector<16xf32>
        tpu.vector_store %arg19[%swap3A_252], %swap3A_255 {strides = array<i32>} : memref<2048xf32, #tpu.memory_space<vmem>>, vector<16xf32>,
        %get3A_256 = arith.index_cast %add3A_237 : i32 to index
        %get3A_257 = tpu.vector_load %arg20[%get3A_256] {strides = array<i32>} : memref<12800xf32, #tpu.memory_space<vmem>>, vector<16xf32>,
        %get3A_258 = vector.shape_cast %get3A_257 : vector<16xf32> to vector<16xf32>
        %mul3A_259 = arith.mulf %get3A_240, %div3A_141 : vector<16xf32>
        %add3A_260 = arith.addf %get3A_258, %mul3A_259 : vector<16xf32>
        %swap3A_261 = arith.index_cast %add3A_237 : i32 to index
        %swap3A_262 = tpu.vector_load %arg20[%swap3A_261] {strides = array<i32>} : memref<12800xf32, #tpu.memory_space<vmem>>, vector<16xf32>,
        %swap3A_263 = vector.shape_cast %swap3A_262 : vector<16xf32> to vector<16xf32>
        %swap3A_264 = vector.shape_cast %add3A_260 : vector<16xf32> to vector<16xf32>
        tpu.vector_store %arg20[%swap3A_261], %swap3A_264 {strides = array<i32>} : memref<12800xf32, #tpu.memory_space<vmem>>, vector<16xf32>,
        %mul3A_265 = arith.constant 16 : i32
        %mul3A_266 = arith.muli %scan3A_110, %mul3A_265 : i32
        %add3A_267 = arith.constant 1600 : i32
        %add3A_268 = arith.addi %add3A_267, %mul3A_266 : i32
        %get3A_269 = arith.index_cast %add3A_268 : i32 to index
        %get3A_270 = tpu.vector_load %arg16[%get3A_269] {strides = array<i32>} : memref<12800xf32, #tpu.memory_space<vmem>>, vector<16xf32>,
        %get3A_271 = vector.shape_cast %get3A_270 : vector<16xf32> to vector<16xf32>
        %mul3A_272 = arith.constant 32 : i32
        %mul3A_273 = arith.muli %scan3A_91, %mul3A_272 : i32
        %mul3A_274 = arith.constant 16 : i32
        %mul3A_275 = arith.muli %mul3A_273, %mul3A_274 : i32
        %add3A_276 = arith.constant 64 : i32
        %add3A_277 = arith.addi %mul3A_275, %add3A_276 : i32
        %get3A_278 = arith.index_cast %add3A_277 : i32 to index
        %get3A_279 = tpu.vector_load %arg19[%get3A_278] {strides = array<i32>} : memref<2048xf32, #tpu.memory_space<vmem>>, vector<16xf32>,
        %get3A_280 = vector.shape_cast %get3A_279 : vector<16xf32> to vector<16xf32>
        %mul3A_281 = arith.mulf %get3A_271, %div3A_131 : vector<16xf32>
        %add3A_282 = arith.addf %get3A_280, %mul3A_281 : vector<16xf32>
        %swap3A_283 = arith.index_cast %add3A_277 : i32 to index
        %swap3A_284 = tpu.vector_load %arg19[%swap3A_283] {strides = array<i32>} : memref<2048xf32, #tpu.memory_space<vmem>>, vector<16xf32>,
        %swap3A_285 = vector.shape_cast %swap3A_284 : vector<16xf32> to vector<16xf32>
        %swap3A_286 = vector.shape_cast %add3A_282 : vector<16xf32> to vector<16xf32>
        tpu.vector_store %arg19[%swap3A_283], %swap3A_286 {strides = array<i32>} : memref<2048xf32, #tpu.memory_space<vmem>>, vector<16xf32>,
        %get3A_287 = arith.index_cast %add3A_268 : i32 to index
        %get3A_288 = tpu.vector_load %arg20[%get3A_287] {strides = array<i32>} : memref<12800xf32, #tpu.memory_space<vmem>>, vector<16xf32>,
        %get3A_289 = vector.shape_cast %get3A_288 : vector<16xf32> to vector<16xf32>
        %mul3A_290 = arith.mulf %get3A_271, %div3A_141 : vector<16xf32>
        %add3A_291 = arith.addf %get3A_289, %mul3A_290 : vector<16xf32>
        %swap3A_292 = arith.index_cast %add3A_268 : i32 to index
        %swap3A_293 = tpu.vector_load %arg20[%swap3A_292] {strides = array<i32>} : memref<12800xf32, #tpu.memory_space<vmem>>, vector<16xf32>,
        %swap3A_294 = vector.shape_cast %swap3A_293 : vector<16xf32> to vector<16xf32>
        %swap3A_295 = vector.shape_cast %add3A_291 : vector<16xf32> to vector<16xf32>
        tpu.vector_store %arg20[%swap3A_292], %swap3A_295 {strides = array<i32>} : memref<12800xf32, #tpu.memory_space<vmem>>, vector<16xf32>,
        %mul3A_296 = arith.constant 16 : i32
        %mul3A_297 = arith.muli %scan3A_110, %mul3A_296 : i32
        %add3A_298 = arith.constant 2000 : i32
        %add3A_299 = arith.addi %add3A_298, %mul3A_297 : i32
        %get3A_300 = arith.index_cast %add3A_299 : i32 to index
        %get3A_301 = tpu.vector_load %arg16[%get3A_300] {strides = array<i32>} : memref<12800xf32, #tpu.memory_space<vmem>>, vector<16xf32>,
        %get3A_302 = vector.shape_cast %get3A_301 : vector<16xf32> to vector<16xf32>
        %mul3A_303 = arith.constant 32 : i32
        %mul3A_304 = arith.muli %scan3A_91, %mul3A_303 : i32
        %mul3A_305 = arith.constant 16 : i32
        %mul3A_306 = arith.muli %mul3A_304, %mul3A_305 : i32
        %add3A_307 = arith.constant 80 : i32
        %add3A_308 = arith.addi %mul3A_306, %add3A_307 : i32
        %get3A_309 = arith.index_cast %add3A_308 : i32 to index
        %get3A_310 = tpu.vector_load %arg19[%get3A_309] {strides = array<i32>} : memref<2048xf32, #tpu.memory_space<vmem>>, vector<16xf32>,
        %get3A_311 = vector.shape_cast %get3A_310 : vector<16xf32> to vector<16xf32>
        %mul3A_312 = arith.mulf %get3A_302, %div3A_131 : vector<16xf32>
        %add3A_313 = arith.addf %get3A_311, %mul3A_312 : vector<16xf32>
        %swap3A_314 = arith.index_cast %add3A_308 : i32 to index
        %swap3A_315 = tpu.vector_load %arg19[%swap3A_314] {strides = array<i32>} : memref<2048xf32, #tpu.memory_space<vmem>>, vector<16xf32>,
        %swap3A_316 = vector.shape_cast %swap3A_315 : vector<16xf32> to vector<16xf32>
        %swap3A_317 = vector.shape_cast %add3A_313 : vector<16xf32> to vector<16xf32>
        tpu.vector_store %arg19[%swap3A_314], %swap3A_317 {strides = array<i32>} : memref<2048xf32, #tpu.memory_space<vmem>>, vector<16xf32>,
        %get3A_318 = arith.index_cast %add3A_299 : i32 to index
        %get3A_319 = tpu.vector_load %arg20[%get3A_318] {strides = array<i32>} : memref<12800xf32, #tpu.memory_space<vmem>>, vector<16xf32>,
        %get3A_320 = vector.shape_cast %get3A_319 : vector<16xf32> to vector<16xf32>
        %mul3A_321 = arith.mulf %get3A_302, %div3A_141 : vector<16xf32>
        %add3A_322 = arith.addf %get3A_320, %mul3A_321 : vector<16xf32>
        %swap3A_323 = arith.index_cast %add3A_299 : i32 to index
        %swap3A_324 = tpu.vector_load %arg20[%swap3A_323] {strides = array<i32>} : memref<12800xf32, #tpu.memory_space<vmem>>, vector<16xf32>,
        %swap3A_325 = vector.shape_cast %swap3A_324 : vector<16xf32> to vector<16xf32>
        %swap3A_326 = vector.shape_cast %add3A_322 : vector<16xf32> to vector<16xf32>
        tpu.vector_store %arg20[%swap3A_323], %swap3A_326 {strides = array<i32>} : memref<12800xf32, #tpu.memory_space<vmem>>, vector<16xf32>,
        %mul3A_327 = arith.constant 16 : i32
        %mul3A_328 = arith.muli %scan3A_110, %mul3A_327 : i32
        %add3A_329 = arith.constant 2400 : i32
        %add3A_330 = arith.addi %add3A_329, %mul3A_328 : i32
        %get3A_331 = arith.index_cast %add3A_330 : i32 to index
        %get3A_332 = tpu.vector_load %arg16[%get3A_331] {strides = array<i32>} : memref<12800xf32, #tpu.memory_space<vmem>>, vector<16xf32>,
        %get3A_333 = vector.shape_cast %get3A_332 : vector<16xf32> to vector<16xf32>
        %mul3A_334 = arith.constant 32 : i32
        %mul3A_335 = arith.muli %scan3A_91, %mul3A_334 : i32
        %mul3A_336 = arith.constant 16 : i32
        %mul3A_337 = arith.muli %mul3A_335, %mul3A_336 : i32
        %add3A_338 = arith.constant 96 : i32
        %add3A_339 = arith.addi %mul3A_337, %add3A_338 : i32
        %get3A_340 = arith.index_cast %add3A_339 : i32 to index
        %get3A_341 = tpu.vector_load %arg19[%get3A_340] {strides = array<i32>} : memref<2048xf32, #tpu.memory_space<vmem>>, vector<16xf32>,
        %get3A_342 = vector.shape_cast %get3A_341 : vector<16xf32> to vector<16xf32>
        %mul3A_343 = arith.mulf %get3A_333, %div3A_131 : vector<16xf32>
        %add3A_344 = arith.addf %get3A_342, %mul3A_343 : vector<16xf32>
        %swap3A_345 = arith.index_cast %add3A_339 : i32 to index
        %swap3A_346 = tpu.vector_load %arg19[%swap3A_345] {strides = array<i32>} : memref<2048xf32, #tpu.memory_space<vmem>>, vector<16xf32>,
        %swap3A_347 = vector.shape_cast %swap3A_346 : vector<16xf32> to vector<16xf32>
        %swap3A_348 = vector.shape_cast %add3A_344 : vector<16xf32> to vector<16xf32>
        tpu.vector_store %arg19[%swap3A_345], %swap3A_348 {strides = array<i32>} : memref<2048xf32, #tpu.memory_space<vmem>>, vector<16xf32>,
        %get3A_349 = arith.index_cast %add3A_330 : i32 to index
        %get3A_350 = tpu.vector_load %arg20[%get3A_349] {strides = array<i32>} : memref<12800xf32, #tpu.memory_space<vmem>>, vector<16xf32>,
        %get3A_351 = vector.shape_cast %get3A_350 : vector<16xf32> to vector<16xf32>
        %mul3A_352 = arith.mulf %get3A_333, %div3A_141 : vector<16xf32>
        %add3A_353 = arith.addf %get3A_351, %mul3A_352 : vector<16xf32>
        %swap3A_354 = arith.index_cast %add3A_330 : i32 to index
        %swap3A_355 = tpu.vector_load %arg20[%swap3A_354] {strides = array<i32>} : memref<12800xf32, #tpu.memory_space<vmem>>, vector<16xf32>,
        %swap3A_356 = vector.shape_cast %swap3A_355 : vector<16xf32> to vector<16xf32>
        %swap3A_357 = vector.shape_cast %add3A_353 : vector<16xf32> to vector<16xf32>
        tpu.vector_store %arg20[%swap3A_354], %swap3A_357 {strides = array<i32>} : memref<12800xf32, #tpu.memory_space<vmem>>, vector<16xf32>,
        %mul3A_358 = arith.constant 16 : i32
        %mul3A_359 = arith.muli %scan3A_110, %mul3A_358 : i32
        %add3A_360 = arith.constant 2800 : i32
        %add3A_361 = arith.addi %add3A_360, %mul3A_359 : i32
        %get3A_362 = arith.index_cast %add3A_361 : i32 to index
        %get3A_363 = tpu.vector_load %arg16[%get3A_362] {strides = array<i32>} : memref<12800xf32, #tpu.memory_space<vmem>>, vector<16xf32>,
        %get3A_364 = vector.shape_cast %get3A_363 : vector<16xf32> to vector<16xf32>
        %mul3A_365 = arith.constant 32 : i32
        %mul3A_366 = arith.muli %scan3A_91, %mul3A_365 : i32
        %mul3A_367 = arith.constant 16 : i32
        %mul3A_368 = arith.muli %mul3A_366, %mul3A_367 : i32
        %add3A_369 = arith.constant 112 : i32
        %add3A_370 = arith.addi %mul3A_368, %add3A_369 : i32
        %get3A_371 = arith.index_cast %add3A_370 : i32 to index
        %get3A_372 = tpu.vector_load %arg19[%get3A_371] {strides = array<i32>} : memref<2048xf32, #tpu.memory_space<vmem>>, vector<16xf32>,
        %get3A_373 = vector.shape_cast %get3A_372 : vector<16xf32> to vector<16xf32>
        %mul3A_374 = arith.mulf %get3A_364, %div3A_131 : vector<16xf32>
        %add3A_375 = arith.addf %get3A_373, %mul3A_374 : vector<16xf32>
        %swap3A_376 = arith.index_cast %add3A_370 : i32 to index
        %swap3A_377 = tpu.vector_load %arg19[%swap3A_376] {strides = array<i32>} : memref<2048xf32, #tpu.memory_space<vmem>>, vector<16xf32>,
        %swap3A_378 = vector.shape_cast %swap3A_377 : vector<16xf32> to vector<16xf32>
        %swap3A_379 = vector.shape_cast %add3A_375 : vector<16xf32> to vector<16xf32>
        tpu.vector_store %arg19[%swap3A_376], %swap3A_379 {strides = array<i32>} : memref<2048xf32, #tpu.memory_space<vmem>>, vector<16xf32>,
        %get3A_380 = arith.index_cast %add3A_361 : i32 to index
        %get3A_381 = tpu.vector_load %arg20[%get3A_380] {strides = array<i32>} : memref<12800xf32, #tpu.memory_space<vmem>>, vector<16xf32>,
        %get3A_382 = vector.shape_cast %get3A_381 : vector<16xf32> to vector<16xf32>
        %mul3A_383 = arith.mulf %get3A_364, %div3A_141 : vector<16xf32>
        %add3A_384 = arith.addf %get3A_382, %mul3A_383 : vector<16xf32>
        %swap3A_385 = arith.index_cast %add3A_361 : i32 to index
        %swap3A_386 = tpu.vector_load %arg20[%swap3A_385] {strides = array<i32>} : memref<12800xf32, #tpu.memory_space<vmem>>, vector<16xf32>,
        %swap3A_387 = vector.shape_cast %swap3A_386 : vector<16xf32> to vector<16xf32>
        %swap3A_388 = vector.shape_cast %add3A_384 : vector<16xf32> to vector<16xf32>
        tpu.vector_store %arg20[%swap3A_385], %swap3A_388 {strides = array<i32>} : memref<12800xf32, #tpu.memory_space<vmem>>, vector<16xf32>,
        %mul3A_389 = arith.constant 16 : i32
        %mul3A_390 = arith.muli %scan3A_110, %mul3A_389 : i32
        %add3A_391 = arith.constant 3200 : i32
        %add3A_392 = arith.addi %add3A_391, %mul3A_390 : i32
        %get3A_393 = arith.index_cast %add3A_392 : i32 to index
        %get3A_394 = tpu.vector_load %arg16[%get3A_393] {strides = array<i32>} : memref<12800xf32, #tpu.memory_space<vmem>>, vector<16xf32>,
        %get3A_395 = vector.shape_cast %get3A_394 : vector<16xf32> to vector<16xf32>
        %mul3A_396 = arith.constant 32 : i32
        %mul3A_397 = arith.muli %scan3A_91, %mul3A_396 : i32
        %mul3A_398 = arith.constant 16 : i32
        %mul3A_399 = arith.muli %mul3A_397, %mul3A_398 : i32
        %add3A_400 = arith.constant 128 : i32
        %add3A_401 = arith.addi %mul3A_399, %add3A_400 : i32
        %get3A_402 = arith.index_cast %add3A_401 : i32 to index
        %get3A_403 = tpu.vector_load %arg19[%get3A_402] {strides = array<i32>} : memref<2048xf32, #tpu.memory_space<vmem>>, vector<16xf32>,
        %get3A_404 = vector.shape_cast %get3A_403 : vector<16xf32> to vector<16xf32>
        %mul3A_405 = arith.mulf %get3A_395, %div3A_131 : vector<16xf32>
        %add3A_406 = arith.addf %get3A_404, %mul3A_405 : vector<16xf32>
        %swap3A_407 = arith.index_cast %add3A_401 : i32 to index
        %swap3A_408 = tpu.vector_load %arg19[%swap3A_407] {strides = array<i32>} : memref<2048xf32, #tpu.memory_space<vmem>>, vector<16xf32>,
        %swap3A_409 = vector.shape_cast %swap3A_408 : vector<16xf32> to vector<16xf32>
        %swap3A_410 = vector.shape_cast %add3A_406 : vector<16xf32> to vector<16xf32>
        tpu.vector_store %arg19[%swap3A_407], %swap3A_410 {strides = array<i32>} : memref<2048xf32, #tpu.memory_space<vmem>>, vector<16xf32>,
        %get3A_411 = arith.index_cast %add3A_392 : i32 to index
        %get3A_412 = tpu.vector_load %arg20[%get3A_411] {strides = array<i32>} : memref<12800xf32, #tpu.memory_space<vmem>>, vector<16xf32>,
        %get3A_413 = vector.shape_cast %get3A_412 : vector<16xf32> to vector<16xf32>
        %mul3A_414 = arith.mulf %get3A_395, %div3A_141 : vector<16xf32>
        %add3A_415 = arith.addf %get3A_413, %mul3A_414 : vector<16xf32>
        %swap3A_416 = arith.index_cast %add3A_392 : i32 to index
        %swap3A_417 = tpu.vector_load %arg20[%swap3A_416] {strides = array<i32>} : memref<12800xf32, #tpu.memory_space<vmem>>, vector<16xf32>,
        %swap3A_418 = vector.shape_cast %swap3A_417 : vector<16xf32> to vector<16xf32>
        %swap3A_419 = vector.shape_cast %add3A_415 : vector<16xf32> to vector<16xf32>
        tpu.vector_store %arg20[%swap3A_416], %swap3A_419 {strides = array<i32>} : memref<12800xf32, #tpu.memory_space<vmem>>, vector<16xf32>,
        %mul3A_420 = arith.constant 16 : i32
        %mul3A_421 = arith.muli %scan3A_110, %mul3A_420 : i32
        %add3A_422 = arith.constant 3600 : i32
        %add3A_423 = arith.addi %add3A_422, %mul3A_421 : i32
        %get3A_424 = arith.index_cast %add3A_423 : i32 to index
        %get3A_425 = tpu.vector_load %arg16[%get3A_424] {strides = array<i32>} : memref<12800xf32, #tpu.memory_space<vmem>>, vector<16xf32>,
        %get3A_426 = vector.shape_cast %get3A_425 : vector<16xf32> to vector<16xf32>
        %mul3A_427 = arith.constant 32 : i32
        %mul3A_428 = arith.muli %scan3A_91, %mul3A_427 : i32
        %mul3A_429 = arith.constant 16 : i32
        %mul3A_430 = arith.muli %mul3A_428, %mul3A_429 : i32
        %add3A_431 = arith.constant 144 : i32
        %add3A_432 = arith.addi %mul3A_430, %add3A_431 : i32
        %get3A_433 = arith.index_cast %add3A_432 : i32 to index
        %get3A_434 = tpu.vector_load %arg19[%get3A_433] {strides = array<i32>} : memref<2048xf32, #tpu.memory_space<vmem>>, vector<16xf32>,
        %get3A_435 = vector.shape_cast %get3A_434 : vector<16xf32> to vector<16xf32>
        %mul3A_436 = arith.mulf %get3A_426, %div3A_131 : vector<16xf32>
        %add3A_437 = arith.addf %get3A_435, %mul3A_436 : vector<16xf32>
        %swap3A_438 = arith.index_cast %add3A_432 : i32 to index
        %swap3A_439 = tpu.vector_load %arg19[%swap3A_438] {strides = array<i32>} : memref<2048xf32, #tpu.memory_space<vmem>>, vector<16xf32>,
        %swap3A_440 = vector.shape_cast %swap3A_439 : vector<16xf32> to vector<16xf32>
        %swap3A_441 = vector.shape_cast %add3A_437 : vector<16xf32> to vector<16xf32>
        tpu.vector_store %arg19[%swap3A_438], %swap3A_441 {strides = array<i32>} : memref<2048xf32, #tpu.memory_space<vmem>>, vector<16xf32>,
        %get3A_442 = arith.index_cast %add3A_423 : i32 to index
        %get3A_443 = tpu.vector_load %arg20[%get3A_442] {strides = array<i32>} : memref<12800xf32, #tpu.memory_space<vmem>>, vector<16xf32>,
        %get3A_444 = vector.shape_cast %get3A_443 : vector<16xf32> to vector<16xf32>
        %mul3A_445 = arith.mulf %get3A_426, %div3A_141 : vector<16xf32>
        %add3A_446 = arith.addf %get3A_444, %mul3A_445 : vector<16xf32>
        %swap3A_447 = arith.index_cast %add3A_423 : i32 to index
        %swap3A_448 = tpu.vector_load %arg20[%swap3A_447] {strides = array<i32>} : memref<12800xf32, #tpu.memory_space<vmem>>, vector<16xf32>,
        %swap3A_449 = vector.shape_cast %swap3A_448 : vector<16xf32> to vector<16xf32>
        %swap3A_450 = vector.shape_cast %add3A_446 : vector<16xf32> to vector<16xf32>
        tpu.vector_store %arg20[%swap3A_447], %swap3A_450 {strides = array<i32>} : memref<12800xf32, #tpu.memory_space<vmem>>, vector<16xf32>,
        %mul3A_451 = arith.constant 16 : i32
        %mul3A_452 = arith.muli %scan3A_110, %mul3A_451 : i32
        %add3A_453 = arith.constant 4000 : i32
        %add3A_454 = arith.addi %add3A_453, %mul3A_452 : i32
        %get3A_455 = arith.index_cast %add3A_454 : i32 to index
        %get3A_456 = tpu.vector_load %arg16[%get3A_455] {strides = array<i32>} : memref<12800xf32, #tpu.memory_space<vmem>>, vector<16xf32>,
        %get3A_457 = vector.shape_cast %get3A_456 : vector<16xf32> to vector<16xf32>
        %mul3A_458 = arith.constant 32 : i32
        %mul3A_459 = arith.muli %scan3A_91, %mul3A_458 : i32
        %mul3A_460 = arith.constant 16 : i32
        %mul3A_461 = arith.muli %mul3A_459, %mul3A_460 : i32
        %add3A_462 = arith.constant 160 : i32
        %add3A_463 = arith.addi %mul3A_461, %add3A_462 : i32
        %get3A_464 = arith.index_cast %add3A_463 : i32 to index
        %get3A_465 = tpu.vector_load %arg19[%get3A_464] {strides = array<i32>} : memref<2048xf32, #tpu.memory_space<vmem>>, vector<16xf32>,
        %get3A_466 = vector.shape_cast %get3A_465 : vector<16xf32> to vector<16xf32>
        %mul3A_467 = arith.mulf %get3A_457, %div3A_131 : vector<16xf32>
        %add3A_468 = arith.addf %get3A_466, %mul3A_467 : vector<16xf32>
        %swap3A_469 = arith.index_cast %add3A_463 : i32 to index
        %swap3A_470 = tpu.vector_load %arg19[%swap3A_469] {strides = array<i32>} : memref<2048xf32, #tpu.memory_space<vmem>>, vector<16xf32>,
        %swap3A_471 = vector.shape_cast %swap3A_470 : vector<16xf32> to vector<16xf32>
        %swap3A_472 = vector.shape_cast %add3A_468 : vector<16xf32> to vector<16xf32>
        tpu.vector_store %arg19[%swap3A_469], %swap3A_472 {strides = array<i32>} : memref<2048xf32, #tpu.memory_space<vmem>>, vector<16xf32>,
        %get3A_473 = arith.index_cast %add3A_454 : i32 to index
        %get3A_474 = tpu.vector_load %arg20[%get3A_473] {strides = array<i32>} : memref<12800xf32, #tpu.memory_space<vmem>>, vector<16xf32>,
        %get3A_475 = vector.shape_cast %get3A_474 : vector<16xf32> to vector<16xf32>
        %mul3A_476 = arith.mulf %get3A_457, %div3A_141 : vector<16xf32>
        %add3A_477 = arith.addf %get3A_475, %mul3A_476 : vector<16xf32>
        %swap3A_478 = arith.index_cast %add3A_454 : i32 to index
        %swap3A_479 = tpu.vector_load %arg20[%swap3A_478] {strides = array<i32>} : memref<12800xf32, #tpu.memory_space<vmem>>, vector<16xf32>,
        %swap3A_480 = vector.shape_cast %swap3A_479 : vector<16xf32> to vector<16xf32>
        %swap3A_481 = vector.shape_cast %add3A_477 : vector<16xf32> to vector<16xf32>
        tpu.vector_store %arg20[%swap3A_478], %swap3A_481 {strides = array<i32>} : memref<12800xf32, #tpu.memory_space<vmem>>, vector<16xf32>,
        %mul3A_482 = arith.constant 16 : i32
        %mul3A_483 = arith.muli %scan3A_110, %mul3A_482 : i32
        %add3A_484 = arith.constant 4400 : i32
        %add3A_485 = arith.addi %add3A_484, %mul3A_483 : i32
        %get3A_486 = arith.index_cast %add3A_485 : i32 to index
        %get3A_487 = tpu.vector_load %arg16[%get3A_486] {strides = array<i32>} : memref<12800xf32, #tpu.memory_space<vmem>>, vector<16xf32>,
        %get3A_488 = vector.shape_cast %get3A_487 : vector<16xf32> to vector<16xf32>
        %mul3A_489 = arith.constant 32 : i32
        %mul3A_490 = arith.muli %scan3A_91, %mul3A_489 : i32
        %mul3A_491 = arith.constant 16 : i32
        %mul3A_492 = arith.muli %mul3A_490, %mul3A_491 : i32
        %add3A_493 = arith.constant 176 : i32
        %add3A_494 = arith.addi %mul3A_492, %add3A_493 : i32
        %get3A_495 = arith.index_cast %add3A_494 : i32 to index
        %get3A_496 = tpu.vector_load %arg19[%get3A_495] {strides = array<i32>} : memref<2048xf32, #tpu.memory_space<vmem>>, vector<16xf32>,
        %get3A_497 = vector.shape_cast %get3A_496 : vector<16xf32> to vector<16xf32>
        %mul3A_498 = arith.mulf %get3A_488, %div3A_131 : vector<16xf32>
        %add3A_499 = arith.addf %get3A_497, %mul3A_498 : vector<16xf32>
        %swap3A_500 = arith.index_cast %add3A_494 : i32 to index
        %swap3A_501 = tpu.vector_load %arg19[%swap3A_500] {strides = array<i32>} : memref<2048xf32, #tpu.memory_space<vmem>>, vector<16xf32>,
        %swap3A_502 = vector.shape_cast %swap3A_501 : vector<16xf32> to vector<16xf32>
        %swap3A_503 = vector.shape_cast %add3A_499 : vector<16xf32> to vector<16xf32>
        tpu.vector_store %arg19[%swap3A_500], %swap3A_503 {strides = array<i32>} : memref<2048xf32, #tpu.memory_space<vmem>>, vector<16xf32>,
        %get3A_504 = arith.index_cast %add3A_485 : i32 to index
        %get3A_505 = tpu.vector_load %arg20[%get3A_504] {strides = array<i32>} : memref<12800xf32, #tpu.memory_space<vmem>>, vector<16xf32>,
        %get3A_506 = vector.shape_cast %get3A_505 : vector<16xf32> to vector<16xf32>
        %mul3A_507 = arith.mulf %get3A_488, %div3A_141 : vector<16xf32>
        %add3A_508 = arith.addf %get3A_506, %mul3A_507 : vector<16xf32>
        %swap3A_509 = arith.index_cast %add3A_485 : i32 to index
        %swap3A_510 = tpu.vector_load %arg20[%swap3A_509] {strides = array<i32>} : memref<12800xf32, #tpu.memory_space<vmem>>, vector<16xf32>,
        %swap3A_511 = vector.shape_cast %swap3A_510 : vector<16xf32> to vector<16xf32>
        %swap3A_512 = vector.shape_cast %add3A_508 : vector<16xf32> to vector<16xf32>
        tpu.vector_store %arg20[%swap3A_509], %swap3A_512 {strides = array<i32>} : memref<12800xf32, #tpu.memory_space<vmem>>, vector<16xf32>,
        %mul3A_513 = arith.constant 16 : i32
        %mul3A_514 = arith.muli %scan3A_110, %mul3A_513 : i32
        %add3A_515 = arith.constant 4800 : i32
        %add3A_516 = arith.addi %add3A_515, %mul3A_514 : i32
        %get3A_517 = arith.index_cast %add3A_516 : i32 to index
        %get3A_518 = tpu.vector_load %arg16[%get3A_517] {strides = array<i32>} : memref<12800xf32, #tpu.memory_space<vmem>>, vector<16xf32>,
        %get3A_519 = vector.shape_cast %get3A_518 : vector<16xf32> to vector<16xf32>
        %mul3A_520 = arith.constant 32 : i32
        %mul3A_521 = arith.muli %scan3A_91, %mul3A_520 : i32
        %mul3A_522 = arith.constant 16 : i32
        %mul3A_523 = arith.muli %mul3A_521, %mul3A_522 : i32
        %add3A_524 = arith.constant 192 : i32
        %add3A_525 = arith.addi %mul3A_523, %add3A_524 : i32
        %get3A_526 = arith.index_cast %add3A_525 : i32 to index
        %get3A_527 = tpu.vector_load %arg19[%get3A_526] {strides = array<i32>} : memref<2048xf32, #tpu.memory_space<vmem>>, vector<16xf32>,
        %get3A_528 = vector.shape_cast %get3A_527 : vector<16xf32> to vector<16xf32>
        %mul3A_529 = arith.mulf %get3A_519, %div3A_131 : vector<16xf32>
        %add3A_530 = arith.addf %get3A_528, %mul3A_529 : vector<16xf32>
        %swap3A_531 = arith.index_cast %add3A_525 : i32 to index
        %swap3A_532 = tpu.vector_load %arg19[%swap3A_531] {strides = array<i32>} : memref<2048xf32, #tpu.memory_space<vmem>>, vector<16xf32>,
        %swap3A_533 = vector.shape_cast %swap3A_532 : vector<16xf32> to vector<16xf32>
        %swap3A_534 = vector.shape_cast %add3A_530 : vector<16xf32> to vector<16xf32>
        tpu.vector_store %arg19[%swap3A_531], %swap3A_534 {strides = array<i32>} : memref<2048xf32, #tpu.memory_space<vmem>>, vector<16xf32>,
        %get3A_535 = arith.index_cast %add3A_516 : i32 to index
        %get3A_536 = tpu.vector_load %arg20[%get3A_535] {strides = array<i32>} : memref<12800xf32, #tpu.memory_space<vmem>>, vector<16xf32>,
        %get3A_537 = vector.shape_cast %get3A_536 : vector<16xf32> to vector<16xf32>
        %mul3A_538 = arith.mulf %get3A_519, %div3A_141 : vector<16xf32>
        %add3A_539 = arith.addf %get3A_537, %mul3A_538 : vector<16xf32>
        %swap3A_540 = arith.index_cast %add3A_516 : i32 to index
        %swap3A_541 = tpu.vector_load %arg20[%swap3A_540] {strides = array<i32>} : memref<12800xf32, #tpu.memory_space<vmem>>, vector<16xf32>,
        %swap3A_542 = vector.shape_cast %swap3A_541 : vector<16xf32> to vector<16xf32>
        %swap3A_543 = vector.shape_cast %add3A_539 : vector<16xf32> to vector<16xf32>
        tpu.vector_store %arg20[%swap3A_540], %swap3A_543 {strides = array<i32>} : memref<12800xf32, #tpu.memory_space<vmem>>, vector<16xf32>,
        %mul3A_544 = arith.constant 16 : i32
        %mul3A_545 = arith.muli %scan3A_110, %mul3A_544 : i32
        %add3A_546 = arith.constant 5200 : i32
        %add3A_547 = arith.addi %add3A_546, %mul3A_545 : i32
        %get3A_548 = arith.index_cast %add3A_547 : i32 to index
        %get3A_549 = tpu.vector_load %arg16[%get3A_548] {strides = array<i32>} : memref<12800xf32, #tpu.memory_space<vmem>>, vector<16xf32>,
        %get3A_550 = vector.shape_cast %get3A_549 : vector<16xf32> to vector<16xf32>
        %mul3A_551 = arith.constant 32 : i32
        %mul3A_552 = arith.muli %scan3A_91, %mul3A_551 : i32
        %mul3A_553 = arith.constant 16 : i32
        %mul3A_554 = arith.muli %mul3A_552, %mul3A_553 : i32
        %add3A_555 = arith.constant 208 : i32
        %add3A_556 = arith.addi %mul3A_554, %add3A_555 : i32
        %get3A_557 = arith.index_cast %add3A_556 : i32 to index
        %get3A_558 = tpu.vector_load %arg19[%get3A_557] {strides = array<i32>} : memref<2048xf32, #tpu.memory_space<vmem>>, vector<16xf32>,
        %get3A_559 = vector.shape_cast %get3A_558 : vector<16xf32> to vector<16xf32>
        %mul3A_560 = arith.mulf %get3A_550, %div3A_131 : vector<16xf32>
        %add3A_561 = arith.addf %get3A_559, %mul3A_560 : vector<16xf32>
        %swap3A_562 = arith.index_cast %add3A_556 : i32 to index
        %swap3A_563 = tpu.vector_load %arg19[%swap3A_562] {strides = array<i32>} : memref<2048xf32, #tpu.memory_space<vmem>>, vector<16xf32>,
        %swap3A_564 = vector.shape_cast %swap3A_563 : vector<16xf32> to vector<16xf32>
        %swap3A_565 = vector.shape_cast %add3A_561 : vector<16xf32> to vector<16xf32>
        tpu.vector_store %arg19[%swap3A_562], %swap3A_565 {strides = array<i32>} : memref<2048xf32, #tpu.memory_space<vmem>>, vector<16xf32>,
        %get3A_566 = arith.index_cast %add3A_547 : i32 to index
        %get3A_567 = tpu.vector_load %arg20[%get3A_566] {strides = array<i32>} : memref<12800xf32, #tpu.memory_space<vmem>>, vector<16xf32>,
        %get3A_568 = vector.shape_cast %get3A_567 : vector<16xf32> to vector<16xf32>
        %mul3A_569 = arith.mulf %get3A_550, %div3A_141 : vector<16xf32>
        %add3A_570 = arith.addf %get3A_568, %mul3A_569 : vector<16xf32>
        %swap3A_571 = arith.index_cast %add3A_547 : i32 to index
        %swap3A_572 = tpu.vector_load %arg20[%swap3A_571] {strides = array<i32>} : memref<12800xf32, #tpu.memory_space<vmem>>, vector<16xf32>,
        %swap3A_573 = vector.shape_cast %swap3A_572 : vector<16xf32> to vector<16xf32>
        %swap3A_574 = vector.shape_cast %add3A_570 : vector<16xf32> to vector<16xf32>
        tpu.vector_store %arg20[%swap3A_571], %swap3A_574 {strides = array<i32>} : memref<12800xf32, #tpu.memory_space<vmem>>, vector<16xf32>,
        %mul3A_575 = arith.constant 16 : i32
        %mul3A_576 = arith.muli %scan3A_110, %mul3A_575 : i32
        %add3A_577 = arith.constant 5600 : i32
        %add3A_578 = arith.addi %add3A_577, %mul3A_576 : i32
        %get3A_579 = arith.index_cast %add3A_578 : i32 to index
        %get3A_580 = tpu.vector_load %arg16[%get3A_579] {strides = array<i32>} : memref<12800xf32, #tpu.memory_space<vmem>>, vector<16xf32>,
        %get3A_581 = vector.shape_cast %get3A_580 : vector<16xf32> to vector<16xf32>
        %mul3A_582 = arith.constant 32 : i32
        %mul3A_583 = arith.muli %scan3A_91, %mul3A_582 : i32
        %mul3A_584 = arith.constant 16 : i32
        %mul3A_585 = arith.muli %mul3A_583, %mul3A_584 : i32
        %add3A_586 = arith.constant 224 : i32
        %add3A_587 = arith.addi %mul3A_585, %add3A_586 : i32
        %get3A_588 = arith.index_cast %add3A_587 : i32 to index
        %get3A_589 = tpu.vector_load %arg19[%get3A_588] {strides = array<i32>} : memref<2048xf32, #tpu.memory_space<vmem>>, vector<16xf32>,
        %get3A_590 = vector.shape_cast %get3A_589 : vector<16xf32> to vector<16xf32>
        %mul3A_591 = arith.mulf %get3A_581, %div3A_131 : vector<16xf32>
        %add3A_592 = arith.addf %get3A_590, %mul3A_591 : vector<16xf32>
        %swap3A_593 = arith.index_cast %add3A_587 : i32 to index
        %swap3A_594 = tpu.vector_load %arg19[%swap3A_593] {strides = array<i32>} : memref<2048xf32, #tpu.memory_space<vmem>>, vector<16xf32>,
        %swap3A_595 = vector.shape_cast %swap3A_594 : vector<16xf32> to vector<16xf32>
        %swap3A_596 = vector.shape_cast %add3A_592 : vector<16xf32> to vector<16xf32>
        tpu.vector_store %arg19[%swap3A_593], %swap3A_596 {strides = array<i32>} : memref<2048xf32, #tpu.memory_space<vmem>>, vector<16xf32>,
        %get3A_597 = arith.index_cast %add3A_578 : i32 to index
        %get3A_598 = tpu.vector_load %arg20[%get3A_597] {strides = array<i32>} : memref<12800xf32, #tpu.memory_space<vmem>>, vector<16xf32>,
        %get3A_599 = vector.shape_cast %get3A_598 : vector<16xf32> to vector<16xf32>
        %mul3A_600 = arith.mulf %get3A_581, %div3A_141 : vector<16xf32>
        %add3A_601 = arith.addf %get3A_599, %mul3A_600 : vector<16xf32>
        %swap3A_602 = arith.index_cast %add3A_578 : i32 to index
        %swap3A_603 = tpu.vector_load %arg20[%swap3A_602] {strides = array<i32>} : memref<12800xf32, #tpu.memory_space<vmem>>, vector<16xf32>,
        %swap3A_604 = vector.shape_cast %swap3A_603 : vector<16xf32> to vector<16xf32>
        %swap3A_605 = vector.shape_cast %add3A_601 : vector<16xf32> to vector<16xf32>
        tpu.vector_store %arg20[%swap3A_602], %swap3A_605 {strides = array<i32>} : memref<12800xf32, #tpu.memory_space<vmem>>, vector<16xf32>,
        %mul3A_606 = arith.constant 16 : i32
        %mul3A_607 = arith.muli %scan3A_110, %mul3A_606 : i32
        %add3A_608 = arith.constant 6000 : i32
        %add3A_609 = arith.addi %add3A_608, %mul3A_607 : i32
        %get3A_610 = arith.index_cast %add3A_609 : i32 to index
        %get3A_611 = tpu.vector_load %arg16[%get3A_610] {strides = array<i32>} : memref<12800xf32, #tpu.memory_space<vmem>>, vector<16xf32>,
        %get3A_612 = vector.shape_cast %get3A_611 : vector<16xf32> to vector<16xf32>
        %mul3A_613 = arith.constant 32 : i32
        %mul3A_614 = arith.muli %scan3A_91, %mul3A_613 : i32
        %mul3A_615 = arith.constant 16 : i32
        %mul3A_616 = arith.muli %mul3A_614, %mul3A_615 : i32
        %add3A_617 = arith.constant 240 : i32
        %add3A_618 = arith.addi %mul3A_616, %add3A_617 : i32
        %get3A_619 = arith.index_cast %add3A_618 : i32 to index
        %get3A_620 = tpu.vector_load %arg19[%get3A_619] {strides = array<i32>} : memref<2048xf32, #tpu.memory_space<vmem>>, vector<16xf32>,
        %get3A_621 = vector.shape_cast %get3A_620 : vector<16xf32> to vector<16xf32>
        %mul3A_622 = arith.mulf %get3A_612, %div3A_131 : vector<16xf32>
        %add3A_623 = arith.addf %get3A_621, %mul3A_622 : vector<16xf32>
        %swap3A_624 = arith.index_cast %add3A_618 : i32 to index
        %swap3A_625 = tpu.vector_load %arg19[%swap3A_624] {strides = array<i32>} : memref<2048xf32, #tpu.memory_space<vmem>>, vector<16xf32>,
        %swap3A_626 = vector.shape_cast %swap3A_625 : vector<16xf32> to vector<16xf32>
        %swap3A_627 = vector.shape_cast %add3A_623 : vector<16xf32> to vector<16xf32>
        tpu.vector_store %arg19[%swap3A_624], %swap3A_627 {strides = array<i32>} : memref<2048xf32, #tpu.memory_space<vmem>>, vector<16xf32>,
        %get3A_628 = arith.index_cast %add3A_609 : i32 to index
        %get3A_629 = tpu.vector_load %arg20[%get3A_628] {strides = array<i32>} : memref<12800xf32, #tpu.memory_space<vmem>>, vector<16xf32>,
        %get3A_630 = vector.shape_cast %get3A_629 : vector<16xf32> to vector<16xf32>
        %mul3A_631 = arith.mulf %get3A_612, %div3A_141 : vector<16xf32>
        %add3A_632 = arith.addf %get3A_630, %mul3A_631 : vector<16xf32>
        %swap3A_633 = arith.index_cast %add3A_609 : i32 to index
        %swap3A_634 = tpu.vector_load %arg20[%swap3A_633] {strides = array<i32>} : memref<12800xf32, #tpu.memory_space<vmem>>, vector<16xf32>,
        %swap3A_635 = vector.shape_cast %swap3A_634 : vector<16xf32> to vector<16xf32>
        %swap3A_636 = vector.shape_cast %add3A_632 : vector<16xf32> to vector<16xf32>
        tpu.vector_store %arg20[%swap3A_633], %swap3A_636 {strides = array<i32>} : memref<12800xf32, #tpu.memory_space<vmem>>, vector<16xf32>,
        %mul3A_637 = arith.constant 16 : i32
        %mul3A_638 = arith.muli %scan3A_110, %mul3A_637 : i32
        %add3A_639 = arith.constant 6400 : i32
        %add3A_640 = arith.addi %add3A_639, %mul3A_638 : i32
        %get3A_641 = arith.index_cast %add3A_640 : i32 to index
        %get3A_642 = tpu.vector_load %arg16[%get3A_641] {strides = array<i32>} : memref<12800xf32, #tpu.memory_space<vmem>>, vector<16xf32>,
        %get3A_643 = vector.shape_cast %get3A_642 : vector<16xf32> to vector<16xf32>
        %mul3A_644 = arith.constant 32 : i32
        %mul3A_645 = arith.muli %scan3A_91, %mul3A_644 : i32
        %mul3A_646 = arith.constant 16 : i32
        %mul3A_647 = arith.muli %mul3A_645, %mul3A_646 : i32
        %add3A_648 = arith.constant 256 : i32
        %add3A_649 = arith.addi %mul3A_647, %add3A_648 : i32
        %get3A_650 = arith.index_cast %add3A_649 : i32 to index
        %get3A_651 = tpu.vector_load %arg19[%get3A_650] {strides = array<i32>} : memref<2048xf32, #tpu.memory_space<vmem>>, vector<16xf32>,
        %get3A_652 = vector.shape_cast %get3A_651 : vector<16xf32> to vector<16xf32>
        %mul3A_653 = arith.mulf %get3A_643, %div3A_131 : vector<16xf32>
        %add3A_654 = arith.addf %get3A_652, %mul3A_653 : vector<16xf32>
        %swap3A_655 = arith.index_cast %add3A_649 : i32 to index
        %swap3A_656 = tpu.vector_load %arg19[%swap3A_655] {strides = array<i32>} : memref<2048xf32, #tpu.memory_space<vmem>>, vector<16xf32>,
        %swap3A_657 = vector.shape_cast %swap3A_656 : vector<16xf32> to vector<16xf32>
        %swap3A_658 = vector.shape_cast %add3A_654 : vector<16xf32> to vector<16xf32>
        tpu.vector_store %arg19[%swap3A_655], %swap3A_658 {strides = array<i32>} : memref<2048xf32, #tpu.memory_space<vmem>>, vector<16xf32>,
        %get3A_659 = arith.index_cast %add3A_640 : i32 to index
        %get3A_660 = tpu.vector_load %arg20[%get3A_659] {strides = array<i32>} : memref<12800xf32, #tpu.memory_space<vmem>>, vector<16xf32>,
        %get3A_661 = vector.shape_cast %get3A_660 : vector<16xf32> to vector<16xf32>
        %mul3A_662 = arith.mulf %get3A_643, %div3A_141 : vector<16xf32>
        %add3A_663 = arith.addf %get3A_661, %mul3A_662 : vector<16xf32>
        %swap3A_664 = arith.index_cast %add3A_640 : i32 to index
        %swap3A_665 = tpu.vector_load %arg20[%swap3A_664] {strides = array<i32>} : memref<12800xf32, #tpu.memory_space<vmem>>, vector<16xf32>,
        %swap3A_666 = vector.shape_cast %swap3A_665 : vector<16xf32> to vector<16xf32>
        %swap3A_667 = vector.shape_cast %add3A_663 : vector<16xf32> to vector<16xf32>
        tpu.vector_store %arg20[%swap3A_664], %swap3A_667 {strides = array<i32>} : memref<12800xf32, #tpu.memory_space<vmem>>, vector<16xf32>,
        %mul3A_668 = arith.constant 16 : i32
        %mul3A_669 = arith.muli %scan3A_110, %mul3A_668 : i32
        %add3A_670 = arith.constant 6800 : i32
        %add3A_671 = arith.addi %add3A_670, %mul3A_669 : i32
        %get3A_672 = arith.index_cast %add3A_671 : i32 to index
        %get3A_673 = tpu.vector_load %arg16[%get3A_672] {strides = array<i32>} : memref<12800xf32, #tpu.memory_space<vmem>>, vector<16xf32>,
        %get3A_674 = vector.shape_cast %get3A_673 : vector<16xf32> to vector<16xf32>
        %mul3A_675 = arith.constant 32 : i32
        %mul3A_676 = arith.muli %scan3A_91, %mul3A_675 : i32
        %mul3A_677 = arith.constant 16 : i32
        %mul3A_678 = arith.muli %mul3A_676, %mul3A_677 : i32
        %add3A_679 = arith.constant 272 : i32
        %add3A_680 = arith.addi %mul3A_678, %add3A_679 : i32
        %get3A_681 = arith.index_cast %add3A_680 : i32 to index
        %get3A_682 = tpu.vector_load %arg19[%get3A_681] {strides = array<i32>} : memref<2048xf32, #tpu.memory_space<vmem>>, vector<16xf32>,
        %get3A_683 = vector.shape_cast %get3A_682 : vector<16xf32> to vector<16xf32>
        %mul3A_684 = arith.mulf %get3A_674, %div3A_131 : vector<16xf32>
        %add3A_685 = arith.addf %get3A_683, %mul3A_684 : vector<16xf32>
        %swap3A_686 = arith.index_cast %add3A_680 : i32 to index
        %swap3A_687 = tpu.vector_load %arg19[%swap3A_686] {strides = array<i32>} : memref<2048xf32, #tpu.memory_space<vmem>>, vector<16xf32>,
        %swap3A_688 = vector.shape_cast %swap3A_687 : vector<16xf32> to vector<16xf32>
        %swap3A_689 = vector.shape_cast %add3A_685 : vector<16xf32> to vector<16xf32>
        tpu.vector_store %arg19[%swap3A_686], %swap3A_689 {strides = array<i32>} : memref<2048xf32, #tpu.memory_space<vmem>>, vector<16xf32>,
        %get3A_690 = arith.index_cast %add3A_671 : i32 to index
        %get3A_691 = tpu.vector_load %arg20[%get3A_690] {strides = array<i32>} : memref<12800xf32, #tpu.memory_space<vmem>>, vector<16xf32>,
        %get3A_692 = vector.shape_cast %get3A_691 : vector<16xf32> to vector<16xf32>
        %mul3A_693 = arith.mulf %get3A_674, %div3A_141 : vector<16xf32>
        %add3A_694 = arith.addf %get3A_692, %mul3A_693 : vector<16xf32>
        %swap3A_695 = arith.index_cast %add3A_671 : i32 to index
        %swap3A_696 = tpu.vector_load %arg20[%swap3A_695] {strides = array<i32>} : memref<12800xf32, #tpu.memory_space<vmem>>, vector<16xf32>,
        %swap3A_697 = vector.shape_cast %swap3A_696 : vector<16xf32> to vector<16xf32>
        %swap3A_698 = vector.shape_cast %add3A_694 : vector<16xf32> to vector<16xf32>
        tpu.vector_store %arg20[%swap3A_695], %swap3A_698 {strides = array<i32>} : memref<12800xf32, #tpu.memory_space<vmem>>, vector<16xf32>,
        %mul3A_699 = arith.constant 16 : i32
        %mul3A_700 = arith.muli %scan3A_110, %mul3A_699 : i32
        %add3A_701 = arith.constant 7200 : i32
        %add3A_702 = arith.addi %add3A_701, %mul3A_700 : i32
        %get3A_703 = arith.index_cast %add3A_702 : i32 to index
        %get3A_704 = tpu.vector_load %arg16[%get3A_703] {strides = array<i32>} : memref<12800xf32, #tpu.memory_space<vmem>>, vector<16xf32>,
        %get3A_705 = vector.shape_cast %get3A_704 : vector<16xf32> to vector<16xf32>
        %mul3A_706 = arith.constant 32 : i32
        %mul3A_707 = arith.muli %scan3A_91, %mul3A_706 : i32
        %mul3A_708 = arith.constant 16 : i32
        %mul3A_709 = arith.muli %mul3A_707, %mul3A_708 : i32
        %add3A_710 = arith.constant 288 : i32
        %add3A_711 = arith.addi %mul3A_709, %add3A_710 : i32
        %get3A_712 = arith.index_cast %add3A_711 : i32 to index
        %get3A_713 = tpu.vector_load %arg19[%get3A_712] {strides = array<i32>} : memref<2048xf32, #tpu.memory_space<vmem>>, vector<16xf32>,
        %get3A_714 = vector.shape_cast %get3A_713 : vector<16xf32> to vector<16xf32>
        %mul3A_715 = arith.mulf %get3A_705, %div3A_131 : vector<16xf32>
        %add3A_716 = arith.addf %get3A_714, %mul3A_715 : vector<16xf32>
        %swap3A_717 = arith.index_cast %add3A_711 : i32 to index
        %swap3A_718 = tpu.vector_load %arg19[%swap3A_717] {strides = array<i32>} : memref<2048xf32, #tpu.memory_space<vmem>>, vector<16xf32>,
        %swap3A_719 = vector.shape_cast %swap3A_718 : vector<16xf32> to vector<16xf32>
        %swap3A_720 = vector.shape_cast %add3A_716 : vector<16xf32> to vector<16xf32>
        tpu.vector_store %arg19[%swap3A_717], %swap3A_720 {strides = array<i32>} : memref<2048xf32, #tpu.memory_space<vmem>>, vector<16xf32>,
        %get3A_721 = arith.index_cast %add3A_702 : i32 to index
        %get3A_722 = tpu.vector_load %arg20[%get3A_721] {strides = array<i32>} : memref<12800xf32, #tpu.memory_space<vmem>>, vector<16xf32>,
        %get3A_723 = vector.shape_cast %get3A_722 : vector<16xf32> to vector<16xf32>
        %mul3A_724 = arith.mulf %get3A_705, %div3A_141 : vector<16xf32>
        %add3A_725 = arith.addf %get3A_723, %mul3A_724 : vector<16xf32>
        %swap3A_726 = arith.index_cast %add3A_702 : i32 to index
        %swap3A_727 = tpu.vector_load %arg20[%swap3A_726] {strides = array<i32>} : memref<12800xf32, #tpu.memory_space<vmem>>, vector<16xf32>,
        %swap3A_728 = vector.shape_cast %swap3A_727 : vector<16xf32> to vector<16xf32>
        %swap3A_729 = vector.shape_cast %add3A_725 : vector<16xf32> to vector<16xf32>
        tpu.vector_store %arg20[%swap3A_726], %swap3A_729 {strides = array<i32>} : memref<12800xf32, #tpu.memory_space<vmem>>, vector<16xf32>,
        %mul3A_730 = arith.constant 16 : i32
        %mul3A_731 = arith.muli %scan3A_110, %mul3A_730 : i32
        %add3A_732 = arith.constant 7600 : i32
        %add3A_733 = arith.addi %add3A_732, %mul3A_731 : i32
        %get3A_734 = arith.index_cast %add3A_733 : i32 to index
        %get3A_735 = tpu.vector_load %arg16[%get3A_734] {strides = array<i32>} : memref<12800xf32, #tpu.memory_space<vmem>>, vector<16xf32>,
        %get3A_736 = vector.shape_cast %get3A_735 : vector<16xf32> to vector<16xf32>
        %mul3A_737 = arith.constant 32 : i32
        %mul3A_738 = arith.muli %scan3A_91, %mul3A_737 : i32
        %mul3A_739 = arith.constant 16 : i32
        %mul3A_740 = arith.muli %mul3A_738, %mul3A_739 : i32
        %add3A_741 = arith.constant 304 : i32
        %add3A_742 = arith.addi %mul3A_740, %add3A_741 : i32
        %get3A_743 = arith.index_cast %add3A_742 : i32 to index
        %get3A_744 = tpu.vector_load %arg19[%get3A_743] {strides = array<i32>} : memref<2048xf32, #tpu.memory_space<vmem>>, vector<16xf32>,
        %get3A_745 = vector.shape_cast %get3A_744 : vector<16xf32> to vector<16xf32>
        %mul3A_746 = arith.mulf %get3A_736, %div3A_131 : vector<16xf32>
        %add3A_747 = arith.addf %get3A_745, %mul3A_746 : vector<16xf32>
        %swap3A_748 = arith.index_cast %add3A_742 : i32 to index
        %swap3A_749 = tpu.vector_load %arg19[%swap3A_748] {strides = array<i32>} : memref<2048xf32, #tpu.memory_space<vmem>>, vector<16xf32>,
        %swap3A_750 = vector.shape_cast %swap3A_749 : vector<16xf32> to vector<16xf32>
        %swap3A_751 = vector.shape_cast %add3A_747 : vector<16xf32> to vector<16xf32>
        tpu.vector_store %arg19[%swap3A_748], %swap3A_751 {strides = array<i32>} : memref<2048xf32, #tpu.memory_space<vmem>>, vector<16xf32>,
        %get3A_752 = arith.index_cast %add3A_733 : i32 to index
        %get3A_753 = tpu.vector_load %arg20[%get3A_752] {strides = array<i32>} : memref<12800xf32, #tpu.memory_space<vmem>>, vector<16xf32>,
        %get3A_754 = vector.shape_cast %get3A_753 : vector<16xf32> to vector<16xf32>
        %mul3A_755 = arith.mulf %get3A_736, %div3A_141 : vector<16xf32>
        %add3A_756 = arith.addf %get3A_754, %mul3A_755 : vector<16xf32>
        %swap3A_757 = arith.index_cast %add3A_733 : i32 to index
        %swap3A_758 = tpu.vector_load %arg20[%swap3A_757] {strides = array<i32>} : memref<12800xf32, #tpu.memory_space<vmem>>, vector<16xf32>,
        %swap3A_759 = vector.shape_cast %swap3A_758 : vector<16xf32> to vector<16xf32>
        %swap3A_760 = vector.shape_cast %add3A_756 : vector<16xf32> to vector<16xf32>
        tpu.vector_store %arg20[%swap3A_757], %swap3A_760 {strides = array<i32>} : memref<12800xf32, #tpu.memory_space<vmem>>, vector<16xf32>,
        %mul3A_761 = arith.constant 16 : i32
        %mul3A_762 = arith.muli %scan3A_110, %mul3A_761 : i32
        %add3A_763 = arith.constant 8000 : i32
        %add3A_764 = arith.addi %add3A_763, %mul3A_762 : i32
        %get3A_765 = arith.index_cast %add3A_764 : i32 to index
        %get3A_766 = tpu.vector_load %arg16[%get3A_765] {strides = array<i32>} : memref<12800xf32, #tpu.memory_space<vmem>>, vector<16xf32>,
        %get3A_767 = vector.shape_cast %get3A_766 : vector<16xf32> to vector<16xf32>
        %mul3A_768 = arith.constant 32 : i32
        %mul3A_769 = arith.muli %scan3A_91, %mul3A_768 : i32
        %mul3A_770 = arith.constant 16 : i32
        %mul3A_771 = arith.muli %mul3A_769, %mul3A_770 : i32
        %add3A_772 = arith.constant 320 : i32
        %add3A_773 = arith.addi %mul3A_771, %add3A_772 : i32
        %get3A_774 = arith.index_cast %add3A_773 : i32 to index
        %get3A_775 = tpu.vector_load %arg19[%get3A_774] {strides = array<i32>} : memref<2048xf32, #tpu.memory_space<vmem>>, vector<16xf32>,
        %get3A_776 = vector.shape_cast %get3A_775 : vector<16xf32> to vector<16xf32>
        %mul3A_777 = arith.mulf %get3A_767, %div3A_131 : vector<16xf32>
        %add3A_778 = arith.addf %get3A_776, %mul3A_777 : vector<16xf32>
        %swap3A_779 = arith.index_cast %add3A_773 : i32 to index
        %swap3A_780 = tpu.vector_load %arg19[%swap3A_779] {strides = array<i32>} : memref<2048xf32, #tpu.memory_space<vmem>>, vector<16xf32>,
        %swap3A_781 = vector.shape_cast %swap3A_780 : vector<16xf32> to vector<16xf32>
        %swap3A_782 = vector.shape_cast %add3A_778 : vector<16xf32> to vector<16xf32>
        tpu.vector_store %arg19[%swap3A_779], %swap3A_782 {strides = array<i32>} : memref<2048xf32, #tpu.memory_space<vmem>>, vector<16xf32>,
        %get3A_783 = arith.index_cast %add3A_764 : i32 to index
        %get3A_784 = tpu.vector_load %arg20[%get3A_783] {strides = array<i32>} : memref<12800xf32, #tpu.memory_space<vmem>>, vector<16xf32>,
        %get3A_785 = vector.shape_cast %get3A_784 : vector<16xf32> to vector<16xf32>
        %mul3A_786 = arith.mulf %get3A_767, %div3A_141 : vector<16xf32>
        %add3A_787 = arith.addf %get3A_785, %mul3A_786 : vector<16xf32>
        %swap3A_788 = arith.index_cast %add3A_764 : i32 to index
        %swap3A_789 = tpu.vector_load %arg20[%swap3A_788] {strides = array<i32>} : memref<12800xf32, #tpu.memory_space<vmem>>, vector<16xf32>,
        %swap3A_790 = vector.shape_cast %swap3A_789 : vector<16xf32> to vector<16xf32>
        %swap3A_791 = vector.shape_cast %add3A_787 : vector<16xf32> to vector<16xf32>
        tpu.vector_store %arg20[%swap3A_788], %swap3A_791 {strides = array<i32>} : memref<12800xf32, #tpu.memory_space<vmem>>, vector<16xf32>,
        %mul3A_792 = arith.constant 16 : i32
        %mul3A_793 = arith.muli %scan3A_110, %mul3A_792 : i32
        %add3A_794 = arith.constant 8400 : i32
        %add3A_795 = arith.addi %add3A_794, %mul3A_793 : i32
        %get3A_796 = arith.index_cast %add3A_795 : i32 to index
        %get3A_797 = tpu.vector_load %arg16[%get3A_796] {strides = array<i32>} : memref<12800xf32, #tpu.memory_space<vmem>>, vector<16xf32>,
        %get3A_798 = vector.shape_cast %get3A_797 : vector<16xf32> to vector<16xf32>
        %mul3A_799 = arith.constant 32 : i32
        %mul3A_800 = arith.muli %scan3A_91, %mul3A_799 : i32
        %mul3A_801 = arith.constant 16 : i32
        %mul3A_802 = arith.muli %mul3A_800, %mul3A_801 : i32
        %add3A_803 = arith.constant 336 : i32
        %add3A_804 = arith.addi %mul3A_802, %add3A_803 : i32
        %get3A_805 = arith.index_cast %add3A_804 : i32 to index
        %get3A_806 = tpu.vector_load %arg19[%get3A_805] {strides = array<i32>} : memref<2048xf32, #tpu.memory_space<vmem>>, vector<16xf32>,
        %get3A_807 = vector.shape_cast %get3A_806 : vector<16xf32> to vector<16xf32>
        %mul3A_808 = arith.mulf %get3A_798, %div3A_131 : vector<16xf32>
        %add3A_809 = arith.addf %get3A_807, %mul3A_808 : vector<16xf32>
        %swap3A_810 = arith.index_cast %add3A_804 : i32 to index
        %swap3A_811 = tpu.vector_load %arg19[%swap3A_810] {strides = array<i32>} : memref<2048xf32, #tpu.memory_space<vmem>>, vector<16xf32>,
        %swap3A_812 = vector.shape_cast %swap3A_811 : vector<16xf32> to vector<16xf32>
        %swap3A_813 = vector.shape_cast %add3A_809 : vector<16xf32> to vector<16xf32>
        tpu.vector_store %arg19[%swap3A_810], %swap3A_813 {strides = array<i32>} : memref<2048xf32, #tpu.memory_space<vmem>>, vector<16xf32>,
        %get3A_814 = arith.index_cast %add3A_795 : i32 to index
        %get3A_815 = tpu.vector_load %arg20[%get3A_814] {strides = array<i32>} : memref<12800xf32, #tpu.memory_space<vmem>>, vector<16xf32>,
        %get3A_816 = vector.shape_cast %get3A_815 : vector<16xf32> to vector<16xf32>
        %mul3A_817 = arith.mulf %get3A_798, %div3A_141 : vector<16xf32>
        %add3A_818 = arith.addf %get3A_816, %mul3A_817 : vector<16xf32>
        %swap3A_819 = arith.index_cast %add3A_795 : i32 to index
        %swap3A_820 = tpu.vector_load %arg20[%swap3A_819] {strides = array<i32>} : memref<12800xf32, #tpu.memory_space<vmem>>, vector<16xf32>,
        %swap3A_821 = vector.shape_cast %swap3A_820 : vector<16xf32> to vector<16xf32>
        %swap3A_822 = vector.shape_cast %add3A_818 : vector<16xf32> to vector<16xf32>
        tpu.vector_store %arg20[%swap3A_819], %swap3A_822 {strides = array<i32>} : memref<12800xf32, #tpu.memory_space<vmem>>, vector<16xf32>,
        %mul3A_823 = arith.constant 16 : i32
        %mul3A_824 = arith.muli %scan3A_110, %mul3A_823 : i32
        %add3A_825 = arith.constant 8800 : i32
        %add3A_826 = arith.addi %add3A_825, %mul3A_824 : i32
        %get3A_827 = arith.index_cast %add3A_826 : i32 to index
        %get3A_828 = tpu.vector_load %arg16[%get3A_827] {strides = array<i32>} : memref<12800xf32, #tpu.memory_space<vmem>>, vector<16xf32>,
        %get3A_829 = vector.shape_cast %get3A_828 : vector<16xf32> to vector<16xf32>
        %mul3A_830 = arith.constant 32 : i32
        %mul3A_831 = arith.muli %scan3A_91, %mul3A_830 : i32
        %mul3A_832 = arith.constant 16 : i32
        %mul3A_833 = arith.muli %mul3A_831, %mul3A_832 : i32
        %add3A_834 = arith.constant 352 : i32
        %add3A_835 = arith.addi %mul3A_833, %add3A_834 : i32
        %get3A_836 = arith.index_cast %add3A_835 : i32 to index
        %get3A_837 = tpu.vector_load %arg19[%get3A_836] {strides = array<i32>} : memref<2048xf32, #tpu.memory_space<vmem>>, vector<16xf32>,
        %get3A_838 = vector.shape_cast %get3A_837 : vector<16xf32> to vector<16xf32>
        %mul3A_839 = arith.mulf %get3A_829, %div3A_131 : vector<16xf32>
        %add3A_840 = arith.addf %get3A_838, %mul3A_839 : vector<16xf32>
        %swap3A_841 = arith.index_cast %add3A_835 : i32 to index
        %swap3A_842 = tpu.vector_load %arg19[%swap3A_841] {strides = array<i32>} : memref<2048xf32, #tpu.memory_space<vmem>>, vector<16xf32>,
        %swap3A_843 = vector.shape_cast %swap3A_842 : vector<16xf32> to vector<16xf32>
        %swap3A_844 = vector.shape_cast %add3A_840 : vector<16xf32> to vector<16xf32>
        tpu.vector_store %arg19[%swap3A_841], %swap3A_844 {strides = array<i32>} : memref<2048xf32, #tpu.memory_space<vmem>>, vector<16xf32>,
        %get3A_845 = arith.index_cast %add3A_826 : i32 to index
        %get3A_846 = tpu.vector_load %arg20[%get3A_845] {strides = array<i32>} : memref<12800xf32, #tpu.memory_space<vmem>>, vector<16xf32>,
        %get3A_847 = vector.shape_cast %get3A_846 : vector<16xf32> to vector<16xf32>
        %mul3A_848 = arith.mulf %get3A_829, %div3A_141 : vector<16xf32>
        %add3A_849 = arith.addf %get3A_847, %mul3A_848 : vector<16xf32>
        %swap3A_850 = arith.index_cast %add3A_826 : i32 to index
        %swap3A_851 = tpu.vector_load %arg20[%swap3A_850] {strides = array<i32>} : memref<12800xf32, #tpu.memory_space<vmem>>, vector<16xf32>,
        %swap3A_852 = vector.shape_cast %swap3A_851 : vector<16xf32> to vector<16xf32>
        %swap3A_853 = vector.shape_cast %add3A_849 : vector<16xf32> to vector<16xf32>
        tpu.vector_store %arg20[%swap3A_850], %swap3A_853 {strides = array<i32>} : memref<12800xf32, #tpu.memory_space<vmem>>, vector<16xf32>,
        %mul3A_854 = arith.constant 16 : i32
        %mul3A_855 = arith.muli %scan3A_110, %mul3A_854 : i32
        %add3A_856 = arith.constant 9200 : i32
        %add3A_857 = arith.addi %add3A_856, %mul3A_855 : i32
        %get3A_858 = arith.index_cast %add3A_857 : i32 to index
        %get3A_859 = tpu.vector_load %arg16[%get3A_858] {strides = array<i32>} : memref<12800xf32, #tpu.memory_space<vmem>>, vector<16xf32>,
        %get3A_860 = vector.shape_cast %get3A_859 : vector<16xf32> to vector<16xf32>
        %mul3A_861 = arith.constant 32 : i32
        %mul3A_862 = arith.muli %scan3A_91, %mul3A_861 : i32
        %mul3A_863 = arith.constant 16 : i32
        %mul3A_864 = arith.muli %mul3A_862, %mul3A_863 : i32
        %add3A_865 = arith.constant 368 : i32
        %add3A_866 = arith.addi %mul3A_864, %add3A_865 : i32
        %get3A_867 = arith.index_cast %add3A_866 : i32 to index
        %get3A_868 = tpu.vector_load %arg19[%get3A_867] {strides = array<i32>} : memref<2048xf32, #tpu.memory_space<vmem>>, vector<16xf32>,
        %get3A_869 = vector.shape_cast %get3A_868 : vector<16xf32> to vector<16xf32>
        %mul3A_870 = arith.mulf %get3A_860, %div3A_131 : vector<16xf32>
        %add3A_871 = arith.addf %get3A_869, %mul3A_870 : vector<16xf32>
        %swap3A_872 = arith.index_cast %add3A_866 : i32 to index
        %swap3A_873 = tpu.vector_load %arg19[%swap3A_872] {strides = array<i32>} : memref<2048xf32, #tpu.memory_space<vmem>>, vector<16xf32>,
        %swap3A_874 = vector.shape_cast %swap3A_873 : vector<16xf32> to vector<16xf32>
        %swap3A_875 = vector.shape_cast %add3A_871 : vector<16xf32> to vector<16xf32>
        tpu.vector_store %arg19[%swap3A_872], %swap3A_875 {strides = array<i32>} : memref<2048xf32, #tpu.memory_space<vmem>>, vector<16xf32>,
        %get3A_876 = arith.index_cast %add3A_857 : i32 to index
        %get3A_877 = tpu.vector_load %arg20[%get3A_876] {strides = array<i32>} : memref<12800xf32, #tpu.memory_space<vmem>>, vector<16xf32>,
        %get3A_878 = vector.shape_cast %get3A_877 : vector<16xf32> to vector<16xf32>
        %mul3A_879 = arith.mulf %get3A_860, %div3A_141 : vector<16xf32>
        %add3A_880 = arith.addf %get3A_878, %mul3A_879 : vector<16xf32>
        %swap3A_881 = arith.index_cast %add3A_857 : i32 to index
        %swap3A_882 = tpu.vector_load %arg20[%swap3A_881] {strides = array<i32>} : memref<12800xf32, #tpu.memory_space<vmem>>, vector<16xf32>,
        %swap3A_883 = vector.shape_cast %swap3A_882 : vector<16xf32> to vector<16xf32>
        %swap3A_884 = vector.shape_cast %add3A_880 : vector<16xf32> to vector<16xf32>
        tpu.vector_store %arg20[%swap3A_881], %swap3A_884 {strides = array<i32>} : memref<12800xf32, #tpu.memory_space<vmem>>, vector<16xf32>,
        %mul3A_885 = arith.constant 16 : i32
        %mul3A_886 = arith.muli %scan3A_110, %mul3A_885 : i32
        %add3A_887 = arith.constant 9600 : i32
        %add3A_888 = arith.addi %add3A_887, %mul3A_886 : i32
        %get3A_889 = arith.index_cast %add3A_888 : i32 to index
        %get3A_890 = tpu.vector_load %arg16[%get3A_889] {strides = array<i32>} : memref<12800xf32, #tpu.memory_space<vmem>>, vector<16xf32>,
        %get3A_891 = vector.shape_cast %get3A_890 : vector<16xf32> to vector<16xf32>
        %mul3A_892 = arith.constant 32 : i32
        %mul3A_893 = arith.muli %scan3A_91, %mul3A_892 : i32
        %mul3A_894 = arith.constant 16 : i32
        %mul3A_895 = arith.muli %mul3A_893, %mul3A_894 : i32
        %add3A_896 = arith.constant 384 : i32
        %add3A_897 = arith.addi %mul3A_895, %add3A_896 : i32
        %get3A_898 = arith.index_cast %add3A_897 : i32 to index
        %get3A_899 = tpu.vector_load %arg19[%get3A_898] {strides = array<i32>} : memref<2048xf32, #tpu.memory_space<vmem>>, vector<16xf32>,
        %get3A_900 = vector.shape_cast %get3A_899 : vector<16xf32> to vector<16xf32>
        %mul3A_901 = arith.mulf %get3A_891, %div3A_131 : vector<16xf32>
        %add3A_902 = arith.addf %get3A_900, %mul3A_901 : vector<16xf32>
        %swap3A_903 = arith.index_cast %add3A_897 : i32 to index
        %swap3A_904 = tpu.vector_load %arg19[%swap3A_903] {strides = array<i32>} : memref<2048xf32, #tpu.memory_space<vmem>>, vector<16xf32>,
        %swap3A_905 = vector.shape_cast %swap3A_904 : vector<16xf32> to vector<16xf32>
        %swap3A_906 = vector.shape_cast %add3A_902 : vector<16xf32> to vector<16xf32>
        tpu.vector_store %arg19[%swap3A_903], %swap3A_906 {strides = array<i32>} : memref<2048xf32, #tpu.memory_space<vmem>>, vector<16xf32>,
        %get3A_907 = arith.index_cast %add3A_888 : i32 to index
        %get3A_908 = tpu.vector_load %arg20[%get3A_907] {strides = array<i32>} : memref<12800xf32, #tpu.memory_space<vmem>>, vector<16xf32>,
        %get3A_909 = vector.shape_cast %get3A_908 : vector<16xf32> to vector<16xf32>
        %mul3A_910 = arith.mulf %get3A_891, %div3A_141 : vector<16xf32>
        %add3A_911 = arith.addf %get3A_909, %mul3A_910 : vector<16xf32>
        %swap3A_912 = arith.index_cast %add3A_888 : i32 to index
        %swap3A_913 = tpu.vector_load %arg20[%swap3A_912] {strides = array<i32>} : memref<12800xf32, #tpu.memory_space<vmem>>, vector<16xf32>,
        %swap3A_914 = vector.shape_cast %swap3A_913 : vector<16xf32> to vector<16xf32>
        %swap3A_915 = vector.shape_cast %add3A_911 : vector<16xf32> to vector<16xf32>
        tpu.vector_store %arg20[%swap3A_912], %swap3A_915 {strides = array<i32>} : memref<12800xf32, #tpu.memory_space<vmem>>, vector<16xf32>,
        %mul3A_916 = arith.constant 16 : i32
        %mul3A_917 = arith.muli %scan3A_110, %mul3A_916 : i32
        %add3A_918 = arith.constant 10000 : i32
        %add3A_919 = arith.addi %add3A_918, %mul3A_917 : i32
        %get3A_920 = arith.index_cast %add3A_919 : i32 to index
        %get3A_921 = tpu.vector_load %arg16[%get3A_920] {strides = array<i32>} : memref<12800xf32, #tpu.memory_space<vmem>>, vector<16xf32>,
        %get3A_922 = vector.shape_cast %get3A_921 : vector<16xf32> to vector<16xf32>
        %mul3A_923 = arith.constant 32 : i32
        %mul3A_924 = arith.muli %scan3A_91, %mul3A_923 : i32
        %mul3A_925 = arith.constant 16 : i32
        %mul3A_926 = arith.muli %mul3A_924, %mul3A_925 : i32
        %add3A_927 = arith.constant 400 : i32
        %add3A_928 = arith.addi %mul3A_926, %add3A_927 : i32
        %get3A_929 = arith.index_cast %add3A_928 : i32 to index
        %get3A_930 = tpu.vector_load %arg19[%get3A_929] {strides = array<i32>} : memref<2048xf32, #tpu.memory_space<vmem>>, vector<16xf32>,
        %get3A_931 = vector.shape_cast %get3A_930 : vector<16xf32> to vector<16xf32>
        %mul3A_932 = arith.mulf %get3A_922, %div3A_131 : vector<16xf32>
        %add3A_933 = arith.addf %get3A_931, %mul3A_932 : vector<16xf32>
        %swap3A_934 = arith.index_cast %add3A_928 : i32 to index
        %swap3A_935 = tpu.vector_load %arg19[%swap3A_934] {strides = array<i32>} : memref<2048xf32, #tpu.memory_space<vmem>>, vector<16xf32>,
        %swap3A_936 = vector.shape_cast %swap3A_935 : vector<16xf32> to vector<16xf32>
        %swap3A_937 = vector.shape_cast %add3A_933 : vector<16xf32> to vector<16xf32>
        tpu.vector_store %arg19[%swap3A_934], %swap3A_937 {strides = array<i32>} : memref<2048xf32, #tpu.memory_space<vmem>>, vector<16xf32>,
        %get3A_938 = arith.index_cast %add3A_919 : i32 to index
        %get3A_939 = tpu.vector_load %arg20[%get3A_938] {strides = array<i32>} : memref<12800xf32, #tpu.memory_space<vmem>>, vector<16xf32>,
        %get3A_940 = vector.shape_cast %get3A_939 : vector<16xf32> to vector<16xf32>
        %mul3A_941 = arith.mulf %get3A_922, %div3A_141 : vector<16xf32>
        %add3A_942 = arith.addf %get3A_940, %mul3A_941 : vector<16xf32>
        %swap3A_943 = arith.index_cast %add3A_919 : i32 to index
        %swap3A_944 = tpu.vector_load %arg20[%swap3A_943] {strides = array<i32>} : memref<12800xf32, #tpu.memory_space<vmem>>, vector<16xf32>,
        %swap3A_945 = vector.shape_cast %swap3A_944 : vector<16xf32> to vector<16xf32>
        %swap3A_946 = vector.shape_cast %add3A_942 : vector<16xf32> to vector<16xf32>
        tpu.vector_store %arg20[%swap3A_943], %swap3A_946 {strides = array<i32>} : memref<12800xf32, #tpu.memory_space<vmem>>, vector<16xf32>,
        %mul3A_947 = arith.constant 16 : i32
        %mul3A_948 = arith.muli %scan3A_110, %mul3A_947 : i32
        %add3A_949 = arith.constant 10400 : i32
        %add3A_950 = arith.addi %add3A_949, %mul3A_948 : i32
        %get3A_951 = arith.index_cast %add3A_950 : i32 to index
        %get3A_952 = tpu.vector_load %arg16[%get3A_951] {strides = array<i32>} : memref<12800xf32, #tpu.memory_space<vmem>>, vector<16xf32>,
        %get3A_953 = vector.shape_cast %get3A_952 : vector<16xf32> to vector<16xf32>
        %mul3A_954 = arith.constant 32 : i32
        %mul3A_955 = arith.muli %scan3A_91, %mul3A_954 : i32
        %mul3A_956 = arith.constant 16 : i32
        %mul3A_957 = arith.muli %mul3A_955, %mul3A_956 : i32
        %add3A_958 = arith.constant 416 : i32
        %add3A_959 = arith.addi %mul3A_957, %add3A_958 : i32
        %get3A_960 = arith.index_cast %add3A_959 : i32 to index
        %get3A_961 = tpu.vector_load %arg19[%get3A_960] {strides = array<i32>} : memref<2048xf32, #tpu.memory_space<vmem>>, vector<16xf32>,
        %get3A_962 = vector.shape_cast %get3A_961 : vector<16xf32> to vector<16xf32>
        %mul3A_963 = arith.mulf %get3A_953, %div3A_131 : vector<16xf32>
        %add3A_964 = arith.addf %get3A_962, %mul3A_963 : vector<16xf32>
        %swap3A_965 = arith.index_cast %add3A_959 : i32 to index
        %swap3A_966 = tpu.vector_load %arg19[%swap3A_965] {strides = array<i32>} : memref<2048xf32, #tpu.memory_space<vmem>>, vector<16xf32>,
        %swap3A_967 = vector.shape_cast %swap3A_966 : vector<16xf32> to vector<16xf32>
        %swap3A_968 = vector.shape_cast %add3A_964 : vector<16xf32> to vector<16xf32>
        tpu.vector_store %arg19[%swap3A_965], %swap3A_968 {strides = array<i32>} : memref<2048xf32, #tpu.memory_space<vmem>>, vector<16xf32>,
        %get3A_969 = arith.index_cast %add3A_950 : i32 to index
        %get3A_970 = tpu.vector_load %arg20[%get3A_969] {strides = array<i32>} : memref<12800xf32, #tpu.memory_space<vmem>>, vector<16xf32>,
        %get3A_971 = vector.shape_cast %get3A_970 : vector<16xf32> to vector<16xf32>
        %mul3A_972 = arith.mulf %get3A_953, %div3A_141 : vector<16xf32>
        %add3A_973 = arith.addf %get3A_971, %mul3A_972 : vector<16xf32>
        %swap3A_974 = arith.index_cast %add3A_950 : i32 to index
        %swap3A_975 = tpu.vector_load %arg20[%swap3A_974] {strides = array<i32>} : memref<12800xf32, #tpu.memory_space<vmem>>, vector<16xf32>,
        %swap3A_976 = vector.shape_cast %swap3A_975 : vector<16xf32> to vector<16xf32>
        %swap3A_977 = vector.shape_cast %add3A_973 : vector<16xf32> to vector<16xf32>
        tpu.vector_store %arg20[%swap3A_974], %swap3A_977 {strides = array<i32>} : memref<12800xf32, #tpu.memory_space<vmem>>, vector<16xf32>,
        %mul3A_978 = arith.constant 16 : i32
        %mul3A_979 = arith.muli %scan3A_110, %mul3A_978 : i32
        %add3A_980 = arith.constant 10800 : i32
        %add3A_981 = arith.addi %add3A_980, %mul3A_979 : i32
        %get3A_982 = arith.index_cast %add3A_981 : i32 to index
        %get3A_983 = tpu.vector_load %arg16[%get3A_982] {strides = array<i32>} : memref<12800xf32, #tpu.memory_space<vmem>>, vector<16xf32>,
        %get3A_984 = vector.shape_cast %get3A_983 : vector<16xf32> to vector<16xf32>
        %mul3A_985 = arith.constant 32 : i32
        %mul3A_986 = arith.muli %scan3A_91, %mul3A_985 : i32
        %mul3A_987 = arith.constant 16 : i32
        %mul3A_988 = arith.muli %mul3A_986, %mul3A_987 : i32
        %add3A_989 = arith.constant 432 : i32
        %add3A_990 = arith.addi %mul3A_988, %add3A_989 : i32
        %get3A_991 = arith.index_cast %add3A_990 : i32 to index
        %get3A_992 = tpu.vector_load %arg19[%get3A_991] {strides = array<i32>} : memref<2048xf32, #tpu.memory_space<vmem>>, vector<16xf32>,
        %get3A_993 = vector.shape_cast %get3A_992 : vector<16xf32> to vector<16xf32>
        %mul3A_994 = arith.mulf %get3A_984, %div3A_131 : vector<16xf32>
        %add3A_995 = arith.addf %get3A_993, %mul3A_994 : vector<16xf32>
        %swap3A_996 = arith.index_cast %add3A_990 : i32 to index
        %swap3A_997 = tpu.vector_load %arg19[%swap3A_996] {strides = array<i32>} : memref<2048xf32, #tpu.memory_space<vmem>>, vector<16xf32>,
        %swap3A_998 = vector.shape_cast %swap3A_997 : vector<16xf32> to vector<16xf32>
        %swap3A_999 = vector.shape_cast %add3A_995 : vector<16xf32> to vector<16xf32>
        tpu.vector_store %arg19[%swap3A_996], %swap3A_999 {strides = array<i32>} : memref<2048xf32, #tpu.memory_space<vmem>>, vector<16xf32>,
        %get3A_1000 = arith.index_cast %add3A_981 : i32 to index
        %get3A_1001 = tpu.vector_load %arg20[%get3A_1000] {strides = array<i32>} : memref<12800xf32, #tpu.memory_space<vmem>>, vector<16xf32>,
        %get3A_1002 = vector.shape_cast %get3A_1001 : vector<16xf32> to vector<16xf32>
        %mul3A_1003 = arith.mulf %get3A_984, %div3A_141 : vector<16xf32>
        %add3A_1004 = arith.addf %get3A_1002, %mul3A_1003 : vector<16xf32>
        %swap3A_1005 = arith.index_cast %add3A_981 : i32 to index
        %swap3A_1006 = tpu.vector_load %arg20[%swap3A_1005] {strides = array<i32>} : memref<12800xf32, #tpu.memory_space<vmem>>, vector<16xf32>,
        %swap3A_1007 = vector.shape_cast %swap3A_1006 : vector<16xf32> to vector<16xf32>
        %swap3A_1008 = vector.shape_cast %add3A_1004 : vector<16xf32> to vector<16xf32>
        tpu.vector_store %arg20[%swap3A_1005], %swap3A_1008 {strides = array<i32>} : memref<12800xf32, #tpu.memory_space<vmem>>, vector<16xf32>,
        %mul3A_1009 = arith.constant 16 : i32
        %mul3A_1010 = arith.muli %scan3A_110, %mul3A_1009 : i32
        %add3A_1011 = arith.constant 11200 : i32
        %add3A_1012 = arith.addi %add3A_1011, %mul3A_1010 : i32
        %get3A_1013 = arith.index_cast %add3A_1012 : i32 to index
        %get3A_1014 = tpu.vector_load %arg16[%get3A_1013] {strides = array<i32>} : memref<12800xf32, #tpu.memory_space<vmem>>, vector<16xf32>,
        %get3A_1015 = vector.shape_cast %get3A_1014 : vector<16xf32> to vector<16xf32>
        %mul3A_1016 = arith.constant 32 : i32
        %mul3A_1017 = arith.muli %scan3A_91, %mul3A_1016 : i32
        %mul3A_1018 = arith.constant 16 : i32
        %mul3A_1019 = arith.muli %mul3A_1017, %mul3A_1018 : i32
        %add3A_1020 = arith.constant 448 : i32
        %add3A_1021 = arith.addi %mul3A_1019, %add3A_1020 : i32
        %get3A_1022 = arith.index_cast %add3A_1021 : i32 to index
        %get3A_1023 = tpu.vector_load %arg19[%get3A_1022] {strides = array<i32>} : memref<2048xf32, #tpu.memory_space<vmem>>, vector<16xf32>,
        %get3A_1024 = vector.shape_cast %get3A_1023 : vector<16xf32> to vector<16xf32>
        %mul3A_1025 = arith.mulf %get3A_1015, %div3A_131 : vector<16xf32>
        %add3A_1026 = arith.addf %get3A_1024, %mul3A_1025 : vector<16xf32>
        %swap3A_1027 = arith.index_cast %add3A_1021 : i32 to index
        %swap3A_1028 = tpu.vector_load %arg19[%swap3A_1027] {strides = array<i32>} : memref<2048xf32, #tpu.memory_space<vmem>>, vector<16xf32>,
        %swap3A_1029 = vector.shape_cast %swap3A_1028 : vector<16xf32> to vector<16xf32>
        %swap3A_1030 = vector.shape_cast %add3A_1026 : vector<16xf32> to vector<16xf32>
        tpu.vector_store %arg19[%swap3A_1027], %swap3A_1030 {strides = array<i32>} : memref<2048xf32, #tpu.memory_space<vmem>>, vector<16xf32>,
        %get3A_1031 = arith.index_cast %add3A_1012 : i32 to index
        %get3A_1032 = tpu.vector_load %arg20[%get3A_1031] {strides = array<i32>} : memref<12800xf32, #tpu.memory_space<vmem>>, vector<16xf32>,
        %get3A_1033 = vector.shape_cast %get3A_1032 : vector<16xf32> to vector<16xf32>
        %mul3A_1034 = arith.mulf %get3A_1015, %div3A_141 : vector<16xf32>
        %add3A_1035 = arith.addf %get3A_1033, %mul3A_1034 : vector<16xf32>
        %swap3A_1036 = arith.index_cast %add3A_1012 : i32 to index
        %swap3A_1037 = tpu.vector_load %arg20[%swap3A_1036] {strides = array<i32>} : memref<12800xf32, #tpu.memory_space<vmem>>, vector<16xf32>,
        %swap3A_1038 = vector.shape_cast %swap3A_1037 : vector<16xf32> to vector<16xf32>
        %swap3A_1039 = vector.shape_cast %add3A_1035 : vector<16xf32> to vector<16xf32>
        tpu.vector_store %arg20[%swap3A_1036], %swap3A_1039 {strides = array<i32>} : memref<12800xf32, #tpu.memory_space<vmem>>, vector<16xf32>,
        %mul3A_1040 = arith.constant 16 : i32
        %mul3A_1041 = arith.muli %scan3A_110, %mul3A_1040 : i32
        %add3A_1042 = arith.constant 11600 : i32
        %add3A_1043 = arith.addi %add3A_1042, %mul3A_1041 : i32
        %get3A_1044 = arith.index_cast %add3A_1043 : i32 to index
        %get3A_1045 = tpu.vector_load %arg16[%get3A_1044] {strides = array<i32>} : memref<12800xf32, #tpu.memory_space<vmem>>, vector<16xf32>,
        %get3A_1046 = vector.shape_cast %get3A_1045 : vector<16xf32> to vector<16xf32>
        %mul3A_1047 = arith.constant 32 : i32
        %mul3A_1048 = arith.muli %scan3A_91, %mul3A_1047 : i32
        %mul3A_1049 = arith.constant 16 : i32
        %mul3A_1050 = arith.muli %mul3A_1048, %mul3A_1049 : i32
        %add3A_1051 = arith.constant 464 : i32
        %add3A_1052 = arith.addi %mul3A_1050, %add3A_1051 : i32
        %get3A_1053 = arith.index_cast %add3A_1052 : i32 to index
        %get3A_1054 = tpu.vector_load %arg19[%get3A_1053] {strides = array<i32>} : memref<2048xf32, #tpu.memory_space<vmem>>, vector<16xf32>,
        %get3A_1055 = vector.shape_cast %get3A_1054 : vector<16xf32> to vector<16xf32>
        %mul3A_1056 = arith.mulf %get3A_1046, %div3A_131 : vector<16xf32>
        %add3A_1057 = arith.addf %get3A_1055, %mul3A_1056 : vector<16xf32>
        %swap3A_1058 = arith.index_cast %add3A_1052 : i32 to index
        %swap3A_1059 = tpu.vector_load %arg19[%swap3A_1058] {strides = array<i32>} : memref<2048xf32, #tpu.memory_space<vmem>>, vector<16xf32>,
        %swap3A_1060 = vector.shape_cast %swap3A_1059 : vector<16xf32> to vector<16xf32>
        %swap3A_1061 = vector.shape_cast %add3A_1057 : vector<16xf32> to vector<16xf32>
        tpu.vector_store %arg19[%swap3A_1058], %swap3A_1061 {strides = array<i32>} : memref<2048xf32, #tpu.memory_space<vmem>>, vector<16xf32>,
        %get3A_1062 = arith.index_cast %add3A_1043 : i32 to index
        %get3A_1063 = tpu.vector_load %arg20[%get3A_1062] {strides = array<i32>} : memref<12800xf32, #tpu.memory_space<vmem>>, vector<16xf32>,
        %get3A_1064 = vector.shape_cast %get3A_1063 : vector<16xf32> to vector<16xf32>
        %mul3A_1065 = arith.mulf %get3A_1046, %div3A_141 : vector<16xf32>
        %add3A_1066 = arith.addf %get3A_1064, %mul3A_1065 : vector<16xf32>
        %swap3A_1067 = arith.index_cast %add3A_1043 : i32 to index
        %swap3A_1068 = tpu.vector_load %arg20[%swap3A_1067] {strides = array<i32>} : memref<12800xf32, #tpu.memory_space<vmem>>, vector<16xf32>,
        %swap3A_1069 = vector.shape_cast %swap3A_1068 : vector<16xf32> to vector<16xf32>
        %swap3A_1070 = vector.shape_cast %add3A_1066 : vector<16xf32> to vector<16xf32>
        tpu.vector_store %arg20[%swap3A_1067], %swap3A_1070 {strides = array<i32>} : memref<12800xf32, #tpu.memory_space<vmem>>, vector<16xf32>,
        %mul3A_1071 = arith.constant 16 : i32
        %mul3A_1072 = arith.muli %scan3A_110, %mul3A_1071 : i32
        %add3A_1073 = arith.constant 12000 : i32
        %add3A_1074 = arith.addi %add3A_1073, %mul3A_1072 : i32
        %get3A_1075 = arith.index_cast %add3A_1074 : i32 to index
        %get3A_1076 = tpu.vector_load %arg16[%get3A_1075] {strides = array<i32>} : memref<12800xf32, #tpu.memory_space<vmem>>, vector<16xf32>,
        %get3A_1077 = vector.shape_cast %get3A_1076 : vector<16xf32> to vector<16xf32>
        %mul3A_1078 = arith.constant 32 : i32
        %mul3A_1079 = arith.muli %scan3A_91, %mul3A_1078 : i32
        %mul3A_1080 = arith.constant 16 : i32
        %mul3A_1081 = arith.muli %mul3A_1079, %mul3A_1080 : i32
        %add3A_1082 = arith.constant 480 : i32
        %add3A_1083 = arith.addi %mul3A_1081, %add3A_1082 : i32
        %get3A_1084 = arith.index_cast %add3A_1083 : i32 to index
        %get3A_1085 = tpu.vector_load %arg19[%get3A_1084] {strides = array<i32>} : memref<2048xf32, #tpu.memory_space<vmem>>, vector<16xf32>,
        %get3A_1086 = vector.shape_cast %get3A_1085 : vector<16xf32> to vector<16xf32>
        %mul3A_1087 = arith.mulf %get3A_1077, %div3A_131 : vector<16xf32>
        %add3A_1088 = arith.addf %get3A_1086, %mul3A_1087 : vector<16xf32>
        %swap3A_1089 = arith.index_cast %add3A_1083 : i32 to index
        %swap3A_1090 = tpu.vector_load %arg19[%swap3A_1089] {strides = array<i32>} : memref<2048xf32, #tpu.memory_space<vmem>>, vector<16xf32>,
        %swap3A_1091 = vector.shape_cast %swap3A_1090 : vector<16xf32> to vector<16xf32>
        %swap3A_1092 = vector.shape_cast %add3A_1088 : vector<16xf32> to vector<16xf32>
        tpu.vector_store %arg19[%swap3A_1089], %swap3A_1092 {strides = array<i32>} : memref<2048xf32, #tpu.memory_space<vmem>>, vector<16xf32>,
        %get3A_1093 = arith.index_cast %add3A_1074 : i32 to index
        %get3A_1094 = tpu.vector_load %arg20[%get3A_1093] {strides = array<i32>} : memref<12800xf32, #tpu.memory_space<vmem>>, vector<16xf32>,
        %get3A_1095 = vector.shape_cast %get3A_1094 : vector<16xf32> to vector<16xf32>
        %mul3A_1096 = arith.mulf %get3A_1077, %div3A_141 : vector<16xf32>
        %add3A_1097 = arith.addf %get3A_1095, %mul3A_1096 : vector<16xf32>
        %swap3A_1098 = arith.index_cast %add3A_1074 : i32 to index
        %swap3A_1099 = tpu.vector_load %arg20[%swap3A_1098] {strides = array<i32>} : memref<12800xf32, #tpu.memory_space<vmem>>, vector<16xf32>,
        %swap3A_1100 = vector.shape_cast %swap3A_1099 : vector<16xf32> to vector<16xf32>
        %swap3A_1101 = vector.shape_cast %add3A_1097 : vector<16xf32> to vector<16xf32>
        tpu.vector_store %arg20[%swap3A_1098], %swap3A_1101 {strides = array<i32>} : memref<12800xf32, #tpu.memory_space<vmem>>, vector<16xf32>,
        %mul3A_1102 = arith.constant 16 : i32
        %mul3A_1103 = arith.muli %scan3A_110, %mul3A_1102 : i32
        %add3A_1104 = arith.constant 12400 : i32
        %add3A_1105 = arith.addi %add3A_1104, %mul3A_1103 : i32
        %get3A_1106 = arith.index_cast %add3A_1105 : i32 to index
        %get3A_1107 = tpu.vector_load %arg16[%get3A_1106] {strides = array<i32>} : memref<12800xf32, #tpu.memory_space<vmem>>, vector<16xf32>,
        %get3A_1108 = vector.shape_cast %get3A_1107 : vector<16xf32> to vector<16xf32>
        %mul3A_1109 = arith.constant 32 : i32
        %mul3A_1110 = arith.muli %scan3A_91, %mul3A_1109 : i32
        %mul3A_1111 = arith.constant 16 : i32
        %mul3A_1112 = arith.muli %mul3A_1110, %mul3A_1111 : i32
        %add3A_1113 = arith.constant 496 : i32
        %add3A_1114 = arith.addi %mul3A_1112, %add3A_1113 : i32
        %get3A_1115 = arith.index_cast %add3A_1114 : i32 to index
        %get3A_1116 = tpu.vector_load %arg19[%get3A_1115] {strides = array<i32>} : memref<2048xf32, #tpu.memory_space<vmem>>, vector<16xf32>,
        %get3A_1117 = vector.shape_cast %get3A_1116 : vector<16xf32> to vector<16xf32>
        %mul3A_1118 = arith.mulf %get3A_1108, %div3A_131 : vector<16xf32>
        %add3A_1119 = arith.addf %get3A_1117, %mul3A_1118 : vector<16xf32>
        %swap3A_1120 = arith.index_cast %add3A_1114 : i32 to index
        %swap3A_1121 = tpu.vector_load %arg19[%swap3A_1120] {strides = array<i32>} : memref<2048xf32, #tpu.memory_space<vmem>>, vector<16xf32>,
        %swap3A_1122 = vector.shape_cast %swap3A_1121 : vector<16xf32> to vector<16xf32>
        %swap3A_1123 = vector.shape_cast %add3A_1119 : vector<16xf32> to vector<16xf32>
        tpu.vector_store %arg19[%swap3A_1120], %swap3A_1123 {strides = array<i32>} : memref<2048xf32, #tpu.memory_space<vmem>>, vector<16xf32>,
        %get3A_1124 = arith.index_cast %add3A_1105 : i32 to index
        %get3A_1125 = tpu.vector_load %arg20[%get3A_1124] {strides = array<i32>} : memref<12800xf32, #tpu.memory_space<vmem>>, vector<16xf32>,
        %get3A_1126 = vector.shape_cast %get3A_1125 : vector<16xf32> to vector<16xf32>
        %mul3A_1127 = arith.mulf %get3A_1108, %div3A_141 : vector<16xf32>
        %add3A_1128 = arith.addf %get3A_1126, %mul3A_1127 : vector<16xf32>
        %swap3A_1129 = arith.index_cast %add3A_1105 : i32 to index
        %swap3A_1130 = tpu.vector_load %arg20[%swap3A_1129] {strides = array<i32>} : memref<12800xf32, #tpu.memory_space<vmem>>, vector<16xf32>,
        %swap3A_1131 = vector.shape_cast %swap3A_1130 : vector<16xf32> to vector<16xf32>
        %swap3A_1132 = vector.shape_cast %add3A_1128 : vector<16xf32> to vector<16xf32>
        tpu.vector_store %arg20[%swap3A_1129], %swap3A_1132 {strides = array<i32>} : memref<12800xf32, #tpu.memory_space<vmem>>, vector<16xf32>,
        %scan3A_1133 = arith.constant 0 : i32
        scf.yield %scan3A_1133 : i32
      }
      %scan3A_108 = arith.constant 25 : i32
      %scan3A_109 = arith.constant 0 : i32
      scf.yield %scan3A_109 : i32
    }
    %scan3A_80 = arith.constant 4 : i32
    %mul3A_81 = arith.constant 4 : i32
    %mul3A_82 = arith.muli %add3A, %mul3A_81 : i32
    %mul3A_83 = arith.constant 32 : i32
    %mul3A_84 = arith.muli %mul3A_82, %mul3A_83 : i32
    %mul3A_85 = arith.constant 16 : i32
    %mul3A_86 = arith.muli %mul3A_84, %mul3A_85 : i32
    "tpu.region"() ({
      %run_scoped3A = tpu.sem_alloc : memref<!tpu.dma_semaphore, #tpu.memory_space<semaphore_mem>>
      %dma_start3A = tpu.memref_slice %arg8[%mul3A_86] : memref<65536xf32, #tpu.memory_space<hbm>> -> memref<2048xf32, #tpu.memory_space<hbm>>
      %dma_start3A_91 = tpu.memref_slice %arg8[%mul3A_86] : memref<65536xf32, #tpu.memory_space<hbm>> -> memref<2048xf32, #tpu.memory_space<hbm>>
      tpu.enqueue_dma source(%arg19 : memref<2048xf32, #tpu.memory_space<vmem>>) target(%dma_start3A_91 : memref<2048xf32, #tpu.memory_space<hbm>>) target_semaphore(%run_scoped3A : memref<!tpu.dma_semaphore, #tpu.memory_space<semaphore_mem>>)
      %dma_wait3A = tpu.memref_slice %arg8[%mul3A_86] : memref<65536xf32, #tpu.memory_space<hbm>> -> memref<2048xf32, #tpu.memory_space<hbm>>
      %dma_wait3A_92 = tpu.memref_slice %arg8[%mul3A_86] : memref<65536xf32, #tpu.memory_space<hbm>> -> memref<2048xf32, #tpu.memory_space<hbm>>
      tpu.wait_dma2 semaphore(%run_scoped3A : memref<!tpu.dma_semaphore, #tpu.memory_space<semaphore_mem>>) src(%arg19 : memref<2048xf32, #tpu.memory_space<vmem>>) dst(%dma_wait3A_92 : memref<2048xf32, #tpu.memory_space<hbm>>)
      tpu.yield
    }) : () -> ()
    %mul3A_87 = arith.constant 32 : i32
    %mul3A_88 = arith.muli %add3A, %mul3A_87 : i32
    %mul3A_89 = arith.constant 400 : i32
    %mul3A_90 = arith.muli %mul3A_88, %mul3A_89 : i32
    "tpu.region"() ({
      %run_scoped3A = tpu.sem_alloc : memref<!tpu.dma_semaphore, #tpu.memory_space<semaphore_mem>>
      %dma_start3A = tpu.memref_slice %arg9[%mul3A_90] : memref<409600xf32, #tpu.memory_space<hbm>> -> memref<12800xf32, #tpu.memory_space<hbm>>
      %dma_start3A_91 = tpu.memref_slice %arg9[%mul3A_90] : memref<409600xf32, #tpu.memory_space<hbm>> -> memref<12800xf32, #tpu.memory_space<hbm>>
      tpu.enqueue_dma source(%arg20 : memref<12800xf32, #tpu.memory_space<vmem>>) target(%dma_start3A_91 : memref<12800xf32, #tpu.memory_space<hbm>>) target_semaphore(%run_scoped3A : memref<!tpu.dma_semaphore, #tpu.memory_space<semaphore_mem>>)
      %dma_wait3A = tpu.memref_slice %arg9[%mul3A_90] : memref<409600xf32, #tpu.memory_space<hbm>> -> memref<12800xf32, #tpu.memory_space<hbm>>
      %dma_wait3A_92 = tpu.memref_slice %arg9[%mul3A_90] : memref<409600xf32, #tpu.memory_space<hbm>> -> memref<12800xf32, #tpu.memory_space<hbm>>
      tpu.wait_dma2 semaphore(%run_scoped3A : memref<!tpu.dma_semaphore, #tpu.memory_space<semaphore_mem>>) src(%arg20 : memref<12800xf32, #tpu.memory_space<vmem>>) dst(%dma_wait3A_92 : memref<12800xf32, #tpu.memory_space<hbm>>)
      tpu.yield
    }) : () -> ()
    return
  }
}

module attributes {stable_mosaic.version = 14 : i64} {
  func.func @_pre_body(%arg0: i32, %arg1: memref<1x400x240xf32, #tpu.memory_space<vmem>>, %arg2: memref<240x32xf32, #tpu.memory_space<vmem>>, %arg3: memref<240x32xf32, #tpu.memory_space<vmem>>, %arg4: memref<1x32xf32, #tpu.memory_space<vmem>>, %arg5: memref<1x400x32xf32, #tpu.memory_space<vmem>>, %arg6: memref<1x32x400xf32, #tpu.memory_space<vmem>>) attributes {dimension_semantics = [#tpu.dimension_semantics<arbitrary>], iteration_bounds = array<i64: 4>, scalar_prefetch = 0 : i64, scratch_operands = 0 : i64, tpu.core_type = #tpu.core_type<tc>, window_params = [{transform_indices = @transform_0, window_bounds = array<i64: 1, 400, 240>}, {pipeline_mode = #tpu.pipeline_mode<synchronous>, transform_indices = @transform_1, window_bounds = array<i64: 240, 32>}, {pipeline_mode = #tpu.pipeline_mode<synchronous>, transform_indices = @transform_2, window_bounds = array<i64: 240, 32>}, {pipeline_mode = #tpu.pipeline_mode<synchronous>, transform_indices = @transform_3, window_bounds = array<i64: 1, 32>}, {transform_indices = @transform_4, window_bounds = array<i64: 1, 400, 32>}, {transform_indices = @transform_5, window_bounds = array<i64: 1, 32, 400>}]} {
    %get3A = arith.constant 0 : index
    %get3A_0 = arith.constant 0 : index
    %get3A_1 = arith.constant 0 : index
    %get3A_2 = vector.load %arg1[%get3A, %get3A_0, %get3A_1] : memref<1x400x240xf32, #tpu.memory_space<vmem>>, vector<1x400x240xf32>
    %get3A_3 = vector.shape_cast %get3A_2 : vector<1x400x240xf32> to vector<400x240xf32>
    %get3A_4 = arith.constant 0 : index
    %get3A_5 = arith.constant 0 : index
    %get3A_6 = vector.load %arg2[%get3A_4, %get3A_5] : memref<240x32xf32, #tpu.memory_space<vmem>>, vector<240x32xf32>
    %dot_general3A = arith.constant dense<0.000000e+00> : vector<400x32xf32>
    %dot_general3A_7 = tpu.matmul %get3A_3, %get3A_6, %dot_general3A {dimension_numbers = #tpu.dot_dimension_numbers<[1], [0], [0], [1], [0, 0, 1, 1], [], []>, transpose_lhs_hint = false} : vector<400x240xf32>, vector<240x32xf32>, vector<400x32xf32> -> vector<400x32xf32>
    %get3A_8 = arith.constant 0 : index
    %get3A_9 = arith.constant 0 : index
    %get3A_10 = vector.load %arg4[%get3A_8, %get3A_9] : memref<1x32xf32, #tpu.memory_space<vmem>>, vector<1x32xf32>
    %add3A = vector.broadcast %get3A_10 : vector<1x32xf32> to vector<400x32xf32>
    %add3A_11 = arith.addf %dot_general3A_7, %add3A : vector<400x32xf32>
    %swap3A = arith.constant 0 : index
    %swap3A_12 = arith.constant 0 : index
    %swap3A_13 = arith.constant 0 : index
    %swap3A_14 = vector.load %arg5[%swap3A, %swap3A_12, %swap3A_13] : memref<1x400x32xf32, #tpu.memory_space<vmem>>, vector<1x400x32xf32>
    %swap3A_15 = vector.shape_cast %swap3A_14 : vector<1x400x32xf32> to vector<400x32xf32>
    %swap3A_16 = vector.shape_cast %add3A_11 : vector<400x32xf32> to vector<1x400x32xf32>
    tpu.vector_store %arg5[%swap3A, %swap3A_12, %swap3A_13], %swap3A_16 {strides = array<i32>} : memref<1x400x32xf32, #tpu.memory_space<vmem>>, vector<1x400x32xf32>,
    %get3A_17 = arith.constant 0 : index
    %get3A_18 = arith.constant 0 : index
    %get3A_19 = vector.load %arg3[%get3A_17, %get3A_18] : memref<240x32xf32, #tpu.memory_space<vmem>>, vector<240x32xf32>
    %dot_general3A_20 = arith.constant dense<0.000000e+00> : vector<400x32xf32>
    %dot_general3A_21 = tpu.matmul %get3A_3, %get3A_19, %dot_general3A_20 {dimension_numbers = #tpu.dot_dimension_numbers<[1], [0], [0], [1], [0, 0, 1, 1], [], []>, transpose_lhs_hint = false} : vector<400x240xf32>, vector<240x32xf32>, vector<400x32xf32> -> vector<400x32xf32>
    %transpose3A = tpu.transpose %dot_general3A_21, [1, 0] : vector<400x32xf32> -> vector<32x400xf32>
    %swap3A_22 = arith.constant 0 : index
    %swap3A_23 = arith.constant 0 : index
    %swap3A_24 = arith.constant 0 : index
    %swap3A_25 = vector.load %arg6[%swap3A_22, %swap3A_23, %swap3A_24] : memref<1x32x400xf32, #tpu.memory_space<vmem>>, vector<1x32x400xf32>
    %swap3A_26 = vector.shape_cast %swap3A_25 : vector<1x32x400xf32> to vector<32x400xf32>
    %swap3A_27 = vector.shape_cast %transpose3A : vector<32x400xf32> to vector<1x32x400xf32>
    tpu.vector_store %arg6[%swap3A_22, %swap3A_23, %swap3A_24], %swap3A_27 {strides = array<i32>} : memref<1x32x400xf32, #tpu.memory_space<vmem>>, vector<1x32x400xf32>,
    return
  }
  func.func @transform_0(%arg0: i32) -> (i32, i32, i32) {
    %c0_i32 = arith.constant 0 : i32
    %c0_i32_0 = arith.constant 0 : i32
    %c0_i32_1 = arith.constant 0 : i32
    return %arg0, %c0_i32, %c0_i32_0 : i32, i32, i32
  }
  func.func @transform_1(%arg0: i32) -> (i32, i32) {
    %c0_i32 = arith.constant 0 : i32
    %c0_i32_0 = arith.constant 0 : i32
    %c0_i32_1 = arith.constant 0 : i32
    return %c0_i32, %c0_i32_0 : i32, i32
  }
  func.func @transform_2(%arg0: i32) -> (i32, i32) {
    %c0_i32 = arith.constant 0 : i32
    %c0_i32_0 = arith.constant 0 : i32
    %c0_i32_1 = arith.constant 0 : i32
    return %c0_i32, %c0_i32_0 : i32, i32
  }
  func.func @transform_3(%arg0: i32) -> (i32, i32) {
    %c0_i32 = arith.constant 0 : i32
    %c0_i32_0 = arith.constant 0 : i32
    %c0_i32_1 = arith.constant 0 : i32
    return %c0_i32, %c0_i32_0 : i32, i32
  }
  func.func @transform_4(%arg0: i32) -> (i32, i32, i32) {
    %c0_i32 = arith.constant 0 : i32
    %c0_i32_0 = arith.constant 0 : i32
    %c0_i32_1 = arith.constant 0 : i32
    return %arg0, %c0_i32, %c0_i32_0 : i32, i32, i32
  }
  func.func @transform_5(%arg0: i32) -> (i32, i32, i32) {
    %c0_i32 = arith.constant 0 : i32
    %c0_i32_0 = arith.constant 0 : i32
    %c0_i32_1 = arith.constant 0 : i32
    return %arg0, %c0_i32, %c0_i32_0 : i32, i32, i32
  }
}

module attributes {stable_mosaic.version = 14 : i64} {
  func.func @_pool_tc_body(%arg0: i32, %arg1: memref<1x368x32xf32, #tpu.memory_space<vmem>>, %arg2: memref<1x32x400xf32, #tpu.memory_space<vmem>>, %arg3: memref<1x368x400xf32, #tpu.memory_space<vmem>>, %arg4: memref<1x368x400xf32, #tpu.memory_space<vmem>>, %arg5: memref<1x368x400xf32, #tpu.memory_space<vmem>>, %arg6: memref<5x32xf32, #tpu.memory_space<smem>>, %arg7: memref<1x368x32xf32, #tpu.memory_space<vmem>>, %arg8: memref<1x32x400xf32, #tpu.memory_space<vmem>>, %arg9: memref<32x368x400xf32, #tpu.memory_space<vmem>>, %arg10: memref<368x400xf32, #tpu.memory_space<vmem>>, %arg11: memref<368x400xf32, #tpu.memory_space<vmem>>) attributes {dimension_semantics = [#tpu.dimension_semantics<arbitrary>], iteration_bounds = array<i64: 4>, scalar_prefetch = 0 : i64, scratch_operands = 3 : i64, tpu.core_type = #tpu.core_type<tc>, window_params = [{transform_indices = @transform_0, window_bounds = array<i64: 1, 368, 32>}, {transform_indices = @transform_1, window_bounds = array<i64: 1, 32, 400>}, {transform_indices = @transform_2, window_bounds = array<i64: 1, 368, 400>}, {transform_indices = @transform_3, window_bounds = array<i64: 1, 368, 400>}, {transform_indices = @transform_4, window_bounds = array<i64: 1, 368, 400>}, {transform_indices = @transform_5, window_bounds = array<i64: 5, 32>}, {transform_indices = @transform_6, window_bounds = array<i64: 1, 368, 32>}, {transform_indices = @transform_7, window_bounds = array<i64: 1, 32, 400>}]} {
    %broadcast_in_dim3A = arith.constant 1.000000e+00 : f32
    %broadcast_in_dim3A_0 = vector.broadcast %broadcast_in_dim3A : f32 to vector<400x1xf32>
    %broadcast_in_dim3A_1 = arith.constant 1.000000e+00 : f32
    %broadcast_in_dim3A_2 = vector.broadcast %broadcast_in_dim3A_1 : f32 to vector<1x368xf32>
    %iota3A = tpu.iota {dimensions = array<i32: 0>} : vector<32x4xi32>
    %iota3A_3 = tpu.iota {dimensions = array<i32: 1>} : vector<4x32xi32>
    %iota3A_4 = tpu.iota {dimensions = array<i32: 1>} : vector<32x4xi32>
    %iota3A_5 = tpu.iota {dimensions = array<i32: 0>} : vector<4x32xi32>
    %broadcast_in_dim3A_6 = arith.constant 0.000000e+00 : f32
    %broadcast_in_dim3A_7 = vector.broadcast %broadcast_in_dim3A_6 : f32 to vector<368x400xf32>
    %swap3A = arith.constant 0 : index
    %swap3A_8 = arith.constant 0 : index
    %swap3A_9 = vector.load %arg10[%swap3A, %swap3A_8] : memref<368x400xf32, #tpu.memory_space<vmem>>, vector<368x400xf32>
    tpu.vector_store %arg10[%swap3A, %swap3A_8], %broadcast_in_dim3A_7 {strides = array<i32>} : memref<368x400xf32, #tpu.memory_space<vmem>>, vector<368x400xf32>,
    %broadcast_in_dim3A_10 = arith.constant 0.000000e+00 : f32
    %broadcast_in_dim3A_11 = vector.broadcast %broadcast_in_dim3A_10 : f32 to vector<368x400xf32>
    %swap3A_12 = arith.constant 0 : index
    %swap3A_13 = arith.constant 0 : index
    %swap3A_14 = vector.load %arg11[%swap3A_12, %swap3A_13] : memref<368x400xf32, #tpu.memory_space<vmem>>, vector<368x400xf32>
    tpu.vector_store %arg11[%swap3A_12, %swap3A_13], %broadcast_in_dim3A_11 {strides = array<i32>} : memref<368x400xf32, #tpu.memory_space<vmem>>, vector<368x400xf32>,
    %scan3A = arith.constant 0 : i32
    %scan3A_15 = arith.constant 8 : i32
    %scan3A_16 = arith.addi %scan3A, %scan3A_15 : i32
    %scan3A_17 = arith.constant 1 : i32
    scf.for %scan3A_71 = %scan3A to %scan3A_16 step %scan3A_17  : i32 {
      %mul3A = arith.constant 4 : i32
      %mul3A_72 = arith.muli %mul3A, %scan3A_71 : i32
      %get3A_73 = arith.constant 0 : index
      %get3A_74 = arith.constant 0 : index
      %get3A_75 = arith.constant 0 : index
      %get3A_76 = vector.load %arg4[%get3A_73, %get3A_74, %get3A_75] : memref<1x368x400xf32, #tpu.memory_space<vmem>>, vector<1x368x400xf32>
      %get3A_77 = vector.shape_cast %get3A_76 : vector<1x368x400xf32> to vector<368x400xf32>
      %get3A_78 = arith.constant 0 : index
      %get3A_79 = arith.constant 0 : index
      %get3A_80 = arith.constant 0 : index
      %get3A_81 = vector.load %arg5[%get3A_78, %get3A_79, %get3A_80] : memref<1x368x400xf32, #tpu.memory_space<vmem>>, vector<1x368x400xf32>
      %get3A_82 = vector.shape_cast %get3A_81 : vector<1x368x400xf32> to vector<368x400xf32>
      %get3A_83 = arith.constant 0 : index
      %get3A_84 = arith.constant 0 : index
      %get3A_85 = arith.constant 0 : index
      %get3A_86 = vector.load %arg3[%get3A_83, %get3A_84, %get3A_85] : memref<1x368x400xf32, #tpu.memory_space<vmem>>, vector<1x368x400xf32>
      %get3A_87 = vector.shape_cast %get3A_86 : vector<1x368x400xf32> to vector<368x400xf32>
      %add3A_88 = vector.broadcast %mul3A_72 : i32 to vector<32x4xi32>
      %add3A_89 = arith.addi %add3A_88, %iota3A_4 : vector<32x4xi32>
      %eq3A = arith.cmpi eq, %iota3A, %add3A_89 : vector<32x4xi32>
      %convert_element_type3A = arith.extui %eq3A : vector<32x4xi1> to vector<32x4xi32>
      %convert_element_type3A_90 = arith.sitofp %convert_element_type3A : vector<32x4xi32> to vector<32x4xf32>
      %get3A_91 = arith.constant 0 : index
      %get3A_92 = arith.constant 0 : index
      %get3A_93 = arith.constant 0 : index
      %get3A_94 = vector.load %arg1[%get3A_91, %get3A_92, %get3A_93] : memref<1x368x32xf32, #tpu.memory_space<vmem>>, vector<1x368x32xf32>
      %get3A_95 = vector.shape_cast %get3A_94 : vector<1x368x32xf32> to vector<368x32xf32>
      %dot_general3A = arith.constant dense<0.000000e+00> : vector<368x4xf32>
      %dot_general3A_96 = tpu.matmul %get3A_95, %convert_element_type3A_90, %dot_general3A {dimension_numbers = #tpu.dot_dimension_numbers<[1], [0], [0], [1], [0, 0, 1, 1], [], []>, transpose_lhs_hint = false} : vector<368x32xf32>, vector<32x4xf32>, vector<368x4xf32> -> vector<368x4xf32>
      %slice3A = vector.extract_strided_slice %dot_general3A_96 {offsets = [0, 0], sizes = [368, 1], strides = [1, 1]} : vector<368x4xf32> to vector<368x1xf32>
      %broadcast_in_dim3A_97 = vector.shape_cast %slice3A : vector<368x1xf32> to vector<368x1xf32>
      %broadcast_in_dim3A_98 = vector.broadcast %broadcast_in_dim3A_97 : vector<368x1xf32> to vector<368x400xf32>
      %add3A_99 = arith.constant 0 : i32
      %add3A_100 = arith.addi %mul3A_72, %add3A_99 : i32
      %get3A_101 = arith.constant 0 : index
      %get3A_102 = arith.index_cast %add3A_100 : i32 to index
      %get3A_103 = arith.constant 0 : index
      %get3A_104 = vector.load %arg2[%get3A_101, %get3A_102, %get3A_103] : memref<1x32x400xf32, #tpu.memory_space<vmem>>, vector<1x1x400xf32>
      %get3A_105 = vector.shape_cast %get3A_104 : vector<1x1x400xf32> to vector<1x400xf32>
      %broadcast_in_dim3A_106 = vector.shape_cast %get3A_105 : vector<1x400xf32> to vector<1x400xf32>
      %broadcast_in_dim3A_107 = vector.broadcast %broadcast_in_dim3A_106 : vector<1x400xf32> to vector<368x400xf32>
      %add3A_108 = arith.addf %broadcast_in_dim3A_98, %broadcast_in_dim3A_107 : vector<368x400xf32>
      %add3A_109 = arith.constant 0 : i32
      %add3A_110 = arith.addi %mul3A_72, %add3A_109 : i32
      %get3A_111 = arith.constant 0 : index
      %get3A_112 = arith.index_cast %add3A_110 : i32 to index
      %get3A_113 = memref.load %arg6[%get3A_111, %get3A_112] : memref<5x32xf32, #tpu.memory_space<smem>>
      %mul3A_114 = vector.broadcast %get3A_113 : f32 to vector<368x400xf32>
      %mul3A_115 = arith.mulf %mul3A_114, %get3A_77 : vector<368x400xf32>
      %add3A_116 = arith.addf %add3A_108, %mul3A_115 : vector<368x400xf32>
      %add3A_117 = arith.constant 0 : i32
      %add3A_118 = arith.addi %mul3A_72, %add3A_117 : i32
      %get3A_119 = arith.constant 1 : index
      %get3A_120 = arith.index_cast %add3A_118 : i32 to index
      %get3A_121 = memref.load %arg6[%get3A_119, %get3A_120] : memref<5x32xf32, #tpu.memory_space<smem>>
      %mul3A_122 = vector.broadcast %get3A_121 : f32 to vector<368x400xf32>
      %mul3A_123 = arith.mulf %mul3A_122, %get3A_82 : vector<368x400xf32>
      %add3A_124 = arith.addf %add3A_116, %mul3A_123 : vector<368x400xf32>
      %max3A = arith.constant 0.000000e+00 : f32
      %max3A_125 = vector.broadcast %max3A : f32 to vector<368x400xf32>
      %max3A_126 = arith.maximumf %add3A_124, %max3A_125 : vector<368x400xf32>
      %mul3A_127 = arith.mulf %max3A_126, %get3A_87 : vector<368x400xf32>
      %broadcast_in_dim3A_128 = vector.shape_cast %mul3A_127 : vector<368x400xf32> to vector<1x368x400xf32>
      %add3A_129 = arith.constant 0 : i32
      %add3A_130 = arith.addi %mul3A_72, %add3A_129 : i32
      %swap3A_131 = arith.index_cast %add3A_130 : i32 to index
      %swap3A_132 = arith.constant 0 : index
      %swap3A_133 = arith.constant 0 : index
      %swap3A_134 = vector.load %arg9[%swap3A_131, %swap3A_132, %swap3A_133] : memref<32x368x400xf32, #tpu.memory_space<vmem>>, vector<1x368x400xf32>
      tpu.vector_store %arg9[%swap3A_131, %swap3A_132, %swap3A_133], %broadcast_in_dim3A_128 {strides = array<i32>} : memref<32x368x400xf32, #tpu.memory_space<vmem>>, vector<1x368x400xf32>,
      %slice3A_135 = vector.extract_strided_slice %dot_general3A_96 {offsets = [0, 1], sizes = [368, 1], strides = [1, 1]} : vector<368x4xf32> to vector<368x1xf32>
      %broadcast_in_dim3A_136 = vector.shape_cast %slice3A_135 : vector<368x1xf32> to vector<368x1xf32>
      %broadcast_in_dim3A_137 = vector.broadcast %broadcast_in_dim3A_136 : vector<368x1xf32> to vector<368x400xf32>
      %add3A_138 = arith.constant 1 : i32
      %add3A_139 = arith.addi %mul3A_72, %add3A_138 : i32
      %get3A_140 = arith.constant 0 : index
      %get3A_141 = arith.index_cast %add3A_139 : i32 to index
      %get3A_142 = arith.constant 0 : index
      %get3A_143 = vector.load %arg2[%get3A_140, %get3A_141, %get3A_142] : memref<1x32x400xf32, #tpu.memory_space<vmem>>, vector<1x1x400xf32>
      %get3A_144 = vector.shape_cast %get3A_143 : vector<1x1x400xf32> to vector<1x400xf32>
      %broadcast_in_dim3A_145 = vector.shape_cast %get3A_144 : vector<1x400xf32> to vector<1x400xf32>
      %broadcast_in_dim3A_146 = vector.broadcast %broadcast_in_dim3A_145 : vector<1x400xf32> to vector<368x400xf32>
      %add3A_147 = arith.addf %broadcast_in_dim3A_137, %broadcast_in_dim3A_146 : vector<368x400xf32>
      %add3A_148 = arith.constant 1 : i32
      %add3A_149 = arith.addi %mul3A_72, %add3A_148 : i32
      %get3A_150 = arith.constant 0 : index
      %get3A_151 = arith.index_cast %add3A_149 : i32 to index
      %get3A_152 = memref.load %arg6[%get3A_150, %get3A_151] : memref<5x32xf32, #tpu.memory_space<smem>>
      %mul3A_153 = vector.broadcast %get3A_152 : f32 to vector<368x400xf32>
      %mul3A_154 = arith.mulf %mul3A_153, %get3A_77 : vector<368x400xf32>
      %add3A_155 = arith.addf %add3A_147, %mul3A_154 : vector<368x400xf32>
      %add3A_156 = arith.constant 1 : i32
      %add3A_157 = arith.addi %mul3A_72, %add3A_156 : i32
      %get3A_158 = arith.constant 1 : index
      %get3A_159 = arith.index_cast %add3A_157 : i32 to index
      %get3A_160 = memref.load %arg6[%get3A_158, %get3A_159] : memref<5x32xf32, #tpu.memory_space<smem>>
      %mul3A_161 = vector.broadcast %get3A_160 : f32 to vector<368x400xf32>
      %mul3A_162 = arith.mulf %mul3A_161, %get3A_82 : vector<368x400xf32>
      %add3A_163 = arith.addf %add3A_155, %mul3A_162 : vector<368x400xf32>
      %max3A_164 = arith.constant 0.000000e+00 : f32
      %max3A_165 = vector.broadcast %max3A_164 : f32 to vector<368x400xf32>
      %max3A_166 = arith.maximumf %add3A_163, %max3A_165 : vector<368x400xf32>
      %mul3A_167 = arith.mulf %max3A_166, %get3A_87 : vector<368x400xf32>
      %broadcast_in_dim3A_168 = vector.shape_cast %mul3A_167 : vector<368x400xf32> to vector<1x368x400xf32>
      %add3A_169 = arith.constant 1 : i32
      %add3A_170 = arith.addi %mul3A_72, %add3A_169 : i32
      %swap3A_171 = arith.index_cast %add3A_170 : i32 to index
      %swap3A_172 = arith.constant 0 : index
      %swap3A_173 = arith.constant 0 : index
      %swap3A_174 = vector.load %arg9[%swap3A_171, %swap3A_172, %swap3A_173] : memref<32x368x400xf32, #tpu.memory_space<vmem>>, vector<1x368x400xf32>
      tpu.vector_store %arg9[%swap3A_171, %swap3A_172, %swap3A_173], %broadcast_in_dim3A_168 {strides = array<i32>} : memref<32x368x400xf32, #tpu.memory_space<vmem>>, vector<1x368x400xf32>,
      %slice3A_175 = vector.extract_strided_slice %dot_general3A_96 {offsets = [0, 2], sizes = [368, 1], strides = [1, 1]} : vector<368x4xf32> to vector<368x1xf32>
      %broadcast_in_dim3A_176 = vector.shape_cast %slice3A_175 : vector<368x1xf32> to vector<368x1xf32>
      %broadcast_in_dim3A_177 = vector.broadcast %broadcast_in_dim3A_176 : vector<368x1xf32> to vector<368x400xf32>
      %add3A_178 = arith.constant 2 : i32
      %add3A_179 = arith.addi %mul3A_72, %add3A_178 : i32
      %get3A_180 = arith.constant 0 : index
      %get3A_181 = arith.index_cast %add3A_179 : i32 to index
      %get3A_182 = arith.constant 0 : index
      %get3A_183 = vector.load %arg2[%get3A_180, %get3A_181, %get3A_182] : memref<1x32x400xf32, #tpu.memory_space<vmem>>, vector<1x1x400xf32>
      %get3A_184 = vector.shape_cast %get3A_183 : vector<1x1x400xf32> to vector<1x400xf32>
      %broadcast_in_dim3A_185 = vector.shape_cast %get3A_184 : vector<1x400xf32> to vector<1x400xf32>
      %broadcast_in_dim3A_186 = vector.broadcast %broadcast_in_dim3A_185 : vector<1x400xf32> to vector<368x400xf32>
      %add3A_187 = arith.addf %broadcast_in_dim3A_177, %broadcast_in_dim3A_186 : vector<368x400xf32>
      %add3A_188 = arith.constant 2 : i32
      %add3A_189 = arith.addi %mul3A_72, %add3A_188 : i32
      %get3A_190 = arith.constant 0 : index
      %get3A_191 = arith.index_cast %add3A_189 : i32 to index
      %get3A_192 = memref.load %arg6[%get3A_190, %get3A_191] : memref<5x32xf32, #tpu.memory_space<smem>>
      %mul3A_193 = vector.broadcast %get3A_192 : f32 to vector<368x400xf32>
      %mul3A_194 = arith.mulf %mul3A_193, %get3A_77 : vector<368x400xf32>
      %add3A_195 = arith.addf %add3A_187, %mul3A_194 : vector<368x400xf32>
      %add3A_196 = arith.constant 2 : i32
      %add3A_197 = arith.addi %mul3A_72, %add3A_196 : i32
      %get3A_198 = arith.constant 1 : index
      %get3A_199 = arith.index_cast %add3A_197 : i32 to index
      %get3A_200 = memref.load %arg6[%get3A_198, %get3A_199] : memref<5x32xf32, #tpu.memory_space<smem>>
      %mul3A_201 = vector.broadcast %get3A_200 : f32 to vector<368x400xf32>
      %mul3A_202 = arith.mulf %mul3A_201, %get3A_82 : vector<368x400xf32>
      %add3A_203 = arith.addf %add3A_195, %mul3A_202 : vector<368x400xf32>
      %max3A_204 = arith.constant 0.000000e+00 : f32
      %max3A_205 = vector.broadcast %max3A_204 : f32 to vector<368x400xf32>
      %max3A_206 = arith.maximumf %add3A_203, %max3A_205 : vector<368x400xf32>
      %mul3A_207 = arith.mulf %max3A_206, %get3A_87 : vector<368x400xf32>
      %broadcast_in_dim3A_208 = vector.shape_cast %mul3A_207 : vector<368x400xf32> to vector<1x368x400xf32>
      %add3A_209 = arith.constant 2 : i32
      %add3A_210 = arith.addi %mul3A_72, %add3A_209 : i32
      %swap3A_211 = arith.index_cast %add3A_210 : i32 to index
      %swap3A_212 = arith.constant 0 : index
      %swap3A_213 = arith.constant 0 : index
      %swap3A_214 = vector.load %arg9[%swap3A_211, %swap3A_212, %swap3A_213] : memref<32x368x400xf32, #tpu.memory_space<vmem>>, vector<1x368x400xf32>
      tpu.vector_store %arg9[%swap3A_211, %swap3A_212, %swap3A_213], %broadcast_in_dim3A_208 {strides = array<i32>} : memref<32x368x400xf32, #tpu.memory_space<vmem>>, vector<1x368x400xf32>,
      %slice3A_215 = vector.extract_strided_slice %dot_general3A_96 {offsets = [0, 3], sizes = [368, 1], strides = [1, 1]} : vector<368x4xf32> to vector<368x1xf32>
      %broadcast_in_dim3A_216 = vector.shape_cast %slice3A_215 : vector<368x1xf32> to vector<368x1xf32>
      %broadcast_in_dim3A_217 = vector.broadcast %broadcast_in_dim3A_216 : vector<368x1xf32> to vector<368x400xf32>
      %add3A_218 = arith.constant 3 : i32
      %add3A_219 = arith.addi %mul3A_72, %add3A_218 : i32
      %get3A_220 = arith.constant 0 : index
      %get3A_221 = arith.index_cast %add3A_219 : i32 to index
      %get3A_222 = arith.constant 0 : index
      %get3A_223 = vector.load %arg2[%get3A_220, %get3A_221, %get3A_222] : memref<1x32x400xf32, #tpu.memory_space<vmem>>, vector<1x1x400xf32>
      %get3A_224 = vector.shape_cast %get3A_223 : vector<1x1x400xf32> to vector<1x400xf32>
      %broadcast_in_dim3A_225 = vector.shape_cast %get3A_224 : vector<1x400xf32> to vector<1x400xf32>
      %broadcast_in_dim3A_226 = vector.broadcast %broadcast_in_dim3A_225 : vector<1x400xf32> to vector<368x400xf32>
      %add3A_227 = arith.addf %broadcast_in_dim3A_217, %broadcast_in_dim3A_226 : vector<368x400xf32>
      %add3A_228 = arith.constant 3 : i32
      %add3A_229 = arith.addi %mul3A_72, %add3A_228 : i32
      %get3A_230 = arith.constant 0 : index
      %get3A_231 = arith.index_cast %add3A_229 : i32 to index
      %get3A_232 = memref.load %arg6[%get3A_230, %get3A_231] : memref<5x32xf32, #tpu.memory_space<smem>>
      %mul3A_233 = vector.broadcast %get3A_232 : f32 to vector<368x400xf32>
      %mul3A_234 = arith.mulf %mul3A_233, %get3A_77 : vector<368x400xf32>
      %add3A_235 = arith.addf %add3A_227, %mul3A_234 : vector<368x400xf32>
      %add3A_236 = arith.constant 3 : i32
      %add3A_237 = arith.addi %mul3A_72, %add3A_236 : i32
      %get3A_238 = arith.constant 1 : index
      %get3A_239 = arith.index_cast %add3A_237 : i32 to index
      %get3A_240 = memref.load %arg6[%get3A_238, %get3A_239] : memref<5x32xf32, #tpu.memory_space<smem>>
      %mul3A_241 = vector.broadcast %get3A_240 : f32 to vector<368x400xf32>
      %mul3A_242 = arith.mulf %mul3A_241, %get3A_82 : vector<368x400xf32>
      %add3A_243 = arith.addf %add3A_235, %mul3A_242 : vector<368x400xf32>
      %max3A_244 = arith.constant 0.000000e+00 : f32
      %max3A_245 = vector.broadcast %max3A_244 : f32 to vector<368x400xf32>
      %max3A_246 = arith.maximumf %add3A_243, %max3A_245 : vector<368x400xf32>
      %mul3A_247 = arith.mulf %max3A_246, %get3A_87 : vector<368x400xf32>
      %broadcast_in_dim3A_248 = vector.shape_cast %mul3A_247 : vector<368x400xf32> to vector<1x368x400xf32>
      %add3A_249 = arith.constant 3 : i32
      %add3A_250 = arith.addi %mul3A_72, %add3A_249 : i32
      %swap3A_251 = arith.index_cast %add3A_250 : i32 to index
      %swap3A_252 = arith.constant 0 : index
      %swap3A_253 = arith.constant 0 : index
      %swap3A_254 = vector.load %arg9[%swap3A_251, %swap3A_252, %swap3A_253] : memref<32x368x400xf32, #tpu.memory_space<vmem>>, vector<1x368x400xf32>
      tpu.vector_store %arg9[%swap3A_251, %swap3A_252, %swap3A_253], %broadcast_in_dim3A_248 {strides = array<i32>} : memref<32x368x400xf32, #tpu.memory_space<vmem>>, vector<1x368x400xf32>,
      %get3A_255 = arith.constant 0 : index
      %get3A_256 = arith.constant 0 : index
      %get3A_257 = vector.load %arg10[%get3A_255, %get3A_256] : memref<368x400xf32, #tpu.memory_space<vmem>>, vector<368x400xf32>
      %get3A_258 = arith.constant 2 : index
      %get3A_259 = arith.index_cast %mul3A_72 : i32 to index
      %get3A_260 = memref.load %arg6[%get3A_258, %get3A_259] : memref<5x32xf32, #tpu.memory_space<smem>>
      %mul3A_261 = vector.broadcast %get3A_260 : f32 to vector<368x400xf32>
      %mul3A_262 = arith.mulf %mul3A_261, %mul3A_127 : vector<368x400xf32>
      %add3A_263 = arith.constant 1 : i32
      %add3A_264 = arith.addi %mul3A_72, %add3A_263 : i32
      %get3A_265 = arith.constant 2 : index
      %get3A_266 = arith.index_cast %add3A_264 : i32 to index
      %get3A_267 = memref.load %arg6[%get3A_265, %get3A_266] : memref<5x32xf32, #tpu.memory_space<smem>>
      %mul3A_268 = vector.broadcast %get3A_267 : f32 to vector<368x400xf32>
      %mul3A_269 = arith.mulf %mul3A_268, %mul3A_167 : vector<368x400xf32>
      %add3A_270 = arith.addf %mul3A_262, %mul3A_269 : vector<368x400xf32>
      %add3A_271 = arith.constant 2 : i32
      %add3A_272 = arith.addi %mul3A_72, %add3A_271 : i32
      %get3A_273 = arith.constant 2 : index
      %get3A_274 = arith.index_cast %add3A_272 : i32 to index
      %get3A_275 = memref.load %arg6[%get3A_273, %get3A_274] : memref<5x32xf32, #tpu.memory_space<smem>>
      %mul3A_276 = vector.broadcast %get3A_275 : f32 to vector<368x400xf32>
      %mul3A_277 = arith.mulf %mul3A_276, %mul3A_207 : vector<368x400xf32>
      %add3A_278 = arith.constant 3 : i32
      %add3A_279 = arith.addi %mul3A_72, %add3A_278 : i32
      %get3A_280 = arith.constant 2 : index
      %get3A_281 = arith.index_cast %add3A_279 : i32 to index
      %get3A_282 = memref.load %arg6[%get3A_280, %get3A_281] : memref<5x32xf32, #tpu.memory_space<smem>>
      %mul3A_283 = vector.broadcast %get3A_282 : f32 to vector<368x400xf32>
      %mul3A_284 = arith.mulf %mul3A_283, %mul3A_247 : vector<368x400xf32>
      %add3A_285 = arith.addf %mul3A_277, %mul3A_284 : vector<368x400xf32>
      %add3A_286 = arith.addf %add3A_270, %add3A_285 : vector<368x400xf32>
      %add3A_287 = arith.addf %get3A_257, %add3A_286 : vector<368x400xf32>
      %swap3A_288 = arith.constant 0 : index
      %swap3A_289 = arith.constant 0 : index
      %swap3A_290 = vector.load %arg10[%swap3A_288, %swap3A_289] : memref<368x400xf32, #tpu.memory_space<vmem>>, vector<368x400xf32>
      tpu.vector_store %arg10[%swap3A_288, %swap3A_289], %add3A_287 {strides = array<i32>} : memref<368x400xf32, #tpu.memory_space<vmem>>, vector<368x400xf32>,
      %get3A_291 = arith.constant 0 : index
      %get3A_292 = arith.constant 0 : index
      %get3A_293 = vector.load %arg11[%get3A_291, %get3A_292] : memref<368x400xf32, #tpu.memory_space<vmem>>, vector<368x400xf32>
      %get3A_294 = arith.constant 3 : index
      %get3A_295 = arith.index_cast %mul3A_72 : i32 to index
      %get3A_296 = memref.load %arg6[%get3A_294, %get3A_295] : memref<5x32xf32, #tpu.memory_space<smem>>
      %mul3A_297 = vector.broadcast %get3A_296 : f32 to vector<368x400xf32>
      %mul3A_298 = arith.mulf %mul3A_297, %mul3A_127 : vector<368x400xf32>
      %add3A_299 = arith.constant 1 : i32
      %add3A_300 = arith.addi %mul3A_72, %add3A_299 : i32
      %get3A_301 = arith.constant 3 : index
      %get3A_302 = arith.index_cast %add3A_300 : i32 to index
      %get3A_303 = memref.load %arg6[%get3A_301, %get3A_302] : memref<5x32xf32, #tpu.memory_space<smem>>
      %mul3A_304 = vector.broadcast %get3A_303 : f32 to vector<368x400xf32>
      %mul3A_305 = arith.mulf %mul3A_304, %mul3A_167 : vector<368x400xf32>
      %add3A_306 = arith.addf %mul3A_298, %mul3A_305 : vector<368x400xf32>
      %add3A_307 = arith.constant 2 : i32
      %add3A_308 = arith.addi %mul3A_72, %add3A_307 : i32
      %get3A_309 = arith.constant 3 : index
      %get3A_310 = arith.index_cast %add3A_308 : i32 to index
      %get3A_311 = memref.load %arg6[%get3A_309, %get3A_310] : memref<5x32xf32, #tpu.memory_space<smem>>
      %mul3A_312 = vector.broadcast %get3A_311 : f32 to vector<368x400xf32>
      %mul3A_313 = arith.mulf %mul3A_312, %mul3A_207 : vector<368x400xf32>
      %add3A_314 = arith.constant 3 : i32
      %add3A_315 = arith.addi %mul3A_72, %add3A_314 : i32
      %get3A_316 = arith.constant 3 : index
      %get3A_317 = arith.index_cast %add3A_315 : i32 to index
      %get3A_318 = memref.load %arg6[%get3A_316, %get3A_317] : memref<5x32xf32, #tpu.memory_space<smem>>
      %mul3A_319 = vector.broadcast %get3A_318 : f32 to vector<368x400xf32>
      %mul3A_320 = arith.mulf %mul3A_319, %mul3A_247 : vector<368x400xf32>
      %add3A_321 = arith.addf %mul3A_313, %mul3A_320 : vector<368x400xf32>
      %add3A_322 = arith.addf %add3A_306, %add3A_321 : vector<368x400xf32>
      %add3A_323 = arith.addf %get3A_293, %add3A_322 : vector<368x400xf32>
      %swap3A_324 = arith.constant 0 : index
      %swap3A_325 = arith.constant 0 : index
      %swap3A_326 = vector.load %arg11[%swap3A_324, %swap3A_325] : memref<368x400xf32, #tpu.memory_space<vmem>>, vector<368x400xf32>
      tpu.vector_store %arg11[%swap3A_324, %swap3A_325], %add3A_323 {strides = array<i32>} : memref<368x400xf32, #tpu.memory_space<vmem>>, vector<368x400xf32>,
    }
    %scan3A_18 = arith.constant 8 : i32
    %get3A = arith.constant 0 : index
    %get3A_19 = arith.constant 0 : index
    %get3A_20 = vector.load %arg10[%get3A, %get3A_19] : memref<368x400xf32, #tpu.memory_space<vmem>>, vector<368x400xf32>
    %get3A_21 = arith.constant 4 : index
    %get3A_22 = arith.constant 0 : index
    %get3A_23 = memref.load %arg6[%get3A_21, %get3A_22] : memref<5x32xf32, #tpu.memory_space<smem>>
    %add3A = vector.broadcast %get3A_23 : f32 to vector<368x400xf32>
    %add3A_24 = arith.addf %get3A_20, %add3A : vector<368x400xf32>
    %logistic3A = arith.negf %add3A_24 : vector<368x400xf32>
    %logistic3A_25 = math.exp %logistic3A : vector<368x400xf32>
    %logistic3A_26 = arith.constant 1.000000e+00 : f32
    %logistic3A_27 = vector.broadcast %logistic3A_26 : f32 to vector<368x400xf32>
    %logistic3A_28 = arith.addf %logistic3A_27, %logistic3A_25 : vector<368x400xf32>
    %logistic3A_29 = arith.divf %logistic3A_27, %logistic3A_28 : vector<368x400xf32>
    %swap3A_30 = arith.constant 0 : index
    %swap3A_31 = arith.constant 0 : index
    %swap3A_32 = vector.load %arg10[%swap3A_30, %swap3A_31] : memref<368x400xf32, #tpu.memory_space<vmem>>, vector<368x400xf32>
    tpu.vector_store %arg10[%swap3A_30, %swap3A_31], %logistic3A_29 {strides = array<i32>} : memref<368x400xf32, #tpu.memory_space<vmem>>, vector<368x400xf32>,
    %get3A_33 = arith.constant 0 : index
    %get3A_34 = arith.constant 0 : index
    %get3A_35 = vector.load %arg11[%get3A_33, %get3A_34] : memref<368x400xf32, #tpu.memory_space<vmem>>, vector<368x400xf32>
    %get3A_36 = arith.constant 4 : index
    %get3A_37 = arith.constant 1 : index
    %get3A_38 = memref.load %arg6[%get3A_36, %get3A_37] : memref<5x32xf32, #tpu.memory_space<smem>>
    %add3A_39 = vector.broadcast %get3A_38 : f32 to vector<368x400xf32>
    %add3A_40 = arith.addf %get3A_35, %add3A_39 : vector<368x400xf32>
    %logistic3A_41 = arith.negf %add3A_40 : vector<368x400xf32>
    %logistic3A_42 = math.exp %logistic3A_41 : vector<368x400xf32>
    %logistic3A_43 = arith.constant 1.000000e+00 : f32
    %logistic3A_44 = vector.broadcast %logistic3A_43 : f32 to vector<368x400xf32>
    %logistic3A_45 = arith.addf %logistic3A_44, %logistic3A_42 : vector<368x400xf32>
    %logistic3A_46 = arith.divf %logistic3A_44, %logistic3A_45 : vector<368x400xf32>
    %swap3A_47 = arith.constant 0 : index
    %swap3A_48 = arith.constant 0 : index
    %swap3A_49 = vector.load %arg11[%swap3A_47, %swap3A_48] : memref<368x400xf32, #tpu.memory_space<vmem>>, vector<368x400xf32>
    tpu.vector_store %arg11[%swap3A_47, %swap3A_48], %logistic3A_46 {strides = array<i32>} : memref<368x400xf32, #tpu.memory_space<vmem>>, vector<368x400xf32>,
    %broadcast_in_dim3A_50 = arith.constant 0.000000e+00 : f32
    %broadcast_in_dim3A_51 = vector.broadcast %broadcast_in_dim3A_50 : f32 to vector<368x32xf32>
    %swap3A_52 = arith.constant 0 : index
    %swap3A_53 = arith.constant 0 : index
    %swap3A_54 = arith.constant 0 : index
    %swap3A_55 = vector.load %arg7[%swap3A_52, %swap3A_53, %swap3A_54] : memref<1x368x32xf32, #tpu.memory_space<vmem>>, vector<1x368x32xf32>
    %swap3A_56 = vector.shape_cast %swap3A_55 : vector<1x368x32xf32> to vector<368x32xf32>
    %swap3A_57 = vector.shape_cast %broadcast_in_dim3A_51 : vector<368x32xf32> to vector<1x368x32xf32>
    tpu.vector_store %arg7[%swap3A_52, %swap3A_53, %swap3A_54], %swap3A_57 {strides = array<i32>} : memref<1x368x32xf32, #tpu.memory_space<vmem>>, vector<1x368x32xf32>,
    %broadcast_in_dim3A_58 = arith.constant 0.000000e+00 : f32
    %broadcast_in_dim3A_59 = vector.broadcast %broadcast_in_dim3A_58 : f32 to vector<32x400xf32>
    %swap3A_60 = arith.constant 0 : index
    %swap3A_61 = arith.constant 0 : index
    %swap3A_62 = arith.constant 0 : index
    %swap3A_63 = vector.load %arg8[%swap3A_60, %swap3A_61, %swap3A_62] : memref<1x32x400xf32, #tpu.memory_space<vmem>>, vector<1x32x400xf32>
    %swap3A_64 = vector.shape_cast %swap3A_63 : vector<1x32x400xf32> to vector<32x400xf32>
    %swap3A_65 = vector.shape_cast %broadcast_in_dim3A_59 : vector<32x400xf32> to vector<1x32x400xf32>
    tpu.vector_store %arg8[%swap3A_60, %swap3A_61, %swap3A_62], %swap3A_65 {strides = array<i32>} : memref<1x32x400xf32, #tpu.memory_space<vmem>>, vector<1x32x400xf32>,
    %scan3A_66 = arith.constant 0 : i32
    %scan3A_67 = arith.constant 8 : i32
    %scan3A_68 = arith.addi %scan3A_66, %scan3A_67 : i32
    %scan3A_69 = arith.constant 1 : i32
    scf.for %scan3A_71 = %scan3A_66 to %scan3A_68 step %scan3A_69  : i32 {
      %mul3A = arith.constant 4 : i32
      %mul3A_72 = arith.muli %mul3A, %scan3A_71 : i32
      %get3A_73 = arith.constant 0 : index
      %get3A_74 = arith.constant 0 : index
      %get3A_75 = vector.load %arg10[%get3A_73, %get3A_74] : memref<368x400xf32, #tpu.memory_space<vmem>>, vector<368x400xf32>
      %get3A_76 = arith.constant 0 : index
      %get3A_77 = arith.constant 0 : index
      %get3A_78 = vector.load %arg11[%get3A_76, %get3A_77] : memref<368x400xf32, #tpu.memory_space<vmem>>, vector<368x400xf32>
      %add3A_79 = arith.constant 0 : i32
      %add3A_80 = arith.addi %mul3A_72, %add3A_79 : i32
      %get3A_81 = arith.index_cast %add3A_80 : i32 to index
      %get3A_82 = arith.constant 0 : index
      %get3A_83 = arith.constant 0 : index
      %get3A_84 = vector.load %arg9[%get3A_81, %get3A_82, %get3A_83] : memref<32x368x400xf32, #tpu.memory_space<vmem>>, vector<1x368x400xf32>
      %get3A_85 = vector.shape_cast %get3A_84 : vector<1x368x400xf32> to vector<368x400xf32>
      %mul3A_86 = arith.mulf %get3A_85, %get3A_75 : vector<368x400xf32>
      %dot_general3A = arith.constant dense<0.000000e+00> : vector<368x1xf32>
      %dot_general3A_87 = tpu.matmul %mul3A_86, %broadcast_in_dim3A_0, %dot_general3A {dimension_numbers = #tpu.dot_dimension_numbers<[1], [0], [0], [1], [0, 0, 1, 1], [], []>, transpose_lhs_hint = false} : vector<368x400xf32>, vector<400x1xf32>, vector<368x1xf32> -> vector<368x1xf32>
      %mul3A_88 = arith.mulf %get3A_85, %get3A_78 : vector<368x400xf32>
      %dot_general3A_89 = arith.constant dense<0.000000e+00> : vector<1x400xf32>
      %dot_general3A_90 = tpu.matmul %broadcast_in_dim3A_2, %mul3A_88, %dot_general3A_89 {dimension_numbers = #tpu.dot_dimension_numbers<[1], [0], [0], [1], [0, 0, 1, 1], [], []>, transpose_lhs_hint = false} : vector<1x368xf32>, vector<368x400xf32>, vector<1x400xf32> -> vector<1x400xf32>
      %add3A_91 = arith.constant 1 : i32
      %add3A_92 = arith.addi %mul3A_72, %add3A_91 : i32
      %get3A_93 = arith.index_cast %add3A_92 : i32 to index
      %get3A_94 = arith.constant 0 : index
      %get3A_95 = arith.constant 0 : index
      %get3A_96 = vector.load %arg9[%get3A_93, %get3A_94, %get3A_95] : memref<32x368x400xf32, #tpu.memory_space<vmem>>, vector<1x368x400xf32>
      %get3A_97 = vector.shape_cast %get3A_96 : vector<1x368x400xf32> to vector<368x400xf32>
      %mul3A_98 = arith.mulf %get3A_97, %get3A_75 : vector<368x400xf32>
      %dot_general3A_99 = arith.constant dense<0.000000e+00> : vector<368x1xf32>
      %dot_general3A_100 = tpu.matmul %mul3A_98, %broadcast_in_dim3A_0, %dot_general3A_99 {dimension_numbers = #tpu.dot_dimension_numbers<[1], [0], [0], [1], [0, 0, 1, 1], [], []>, transpose_lhs_hint = false} : vector<368x400xf32>, vector<400x1xf32>, vector<368x1xf32> -> vector<368x1xf32>
      %mul3A_101 = arith.mulf %get3A_97, %get3A_78 : vector<368x400xf32>
      %dot_general3A_102 = arith.constant dense<0.000000e+00> : vector<1x400xf32>
      %dot_general3A_103 = tpu.matmul %broadcast_in_dim3A_2, %mul3A_101, %dot_general3A_102 {dimension_numbers = #tpu.dot_dimension_numbers<[1], [0], [0], [1], [0, 0, 1, 1], [], []>, transpose_lhs_hint = false} : vector<1x368xf32>, vector<368x400xf32>, vector<1x400xf32> -> vector<1x400xf32>
      %add3A_104 = arith.constant 2 : i32
      %add3A_105 = arith.addi %mul3A_72, %add3A_104 : i32
      %get3A_106 = arith.index_cast %add3A_105 : i32 to index
      %get3A_107 = arith.constant 0 : index
      %get3A_108 = arith.constant 0 : index
      %get3A_109 = vector.load %arg9[%get3A_106, %get3A_107, %get3A_108] : memref<32x368x400xf32, #tpu.memory_space<vmem>>, vector<1x368x400xf32>
      %get3A_110 = vector.shape_cast %get3A_109 : vector<1x368x400xf32> to vector<368x400xf32>
      %mul3A_111 = arith.mulf %get3A_110, %get3A_75 : vector<368x400xf32>
      %dot_general3A_112 = arith.constant dense<0.000000e+00> : vector<368x1xf32>
      %dot_general3A_113 = tpu.matmul %mul3A_111, %broadcast_in_dim3A_0, %dot_general3A_112 {dimension_numbers = #tpu.dot_dimension_numbers<[1], [0], [0], [1], [0, 0, 1, 1], [], []>, transpose_lhs_hint = false} : vector<368x400xf32>, vector<400x1xf32>, vector<368x1xf32> -> vector<368x1xf32>
      %mul3A_114 = arith.mulf %get3A_110, %get3A_78 : vector<368x400xf32>
      %dot_general3A_115 = arith.constant dense<0.000000e+00> : vector<1x400xf32>
      %dot_general3A_116 = tpu.matmul %broadcast_in_dim3A_2, %mul3A_114, %dot_general3A_115 {dimension_numbers = #tpu.dot_dimension_numbers<[1], [0], [0], [1], [0, 0, 1, 1], [], []>, transpose_lhs_hint = false} : vector<1x368xf32>, vector<368x400xf32>, vector<1x400xf32> -> vector<1x400xf32>
      %add3A_117 = arith.constant 3 : i32
      %add3A_118 = arith.addi %mul3A_72, %add3A_117 : i32
      %get3A_119 = arith.index_cast %add3A_118 : i32 to index
      %get3A_120 = arith.constant 0 : index
      %get3A_121 = arith.constant 0 : index
      %get3A_122 = vector.load %arg9[%get3A_119, %get3A_120, %get3A_121] : memref<32x368x400xf32, #tpu.memory_space<vmem>>, vector<1x368x400xf32>
      %get3A_123 = vector.shape_cast %get3A_122 : vector<1x368x400xf32> to vector<368x400xf32>
      %mul3A_124 = arith.mulf %get3A_123, %get3A_75 : vector<368x400xf32>
      %dot_general3A_125 = arith.constant dense<0.000000e+00> : vector<368x1xf32>
      %dot_general3A_126 = tpu.matmul %mul3A_124, %broadcast_in_dim3A_0, %dot_general3A_125 {dimension_numbers = #tpu.dot_dimension_numbers<[1], [0], [0], [1], [0, 0, 1, 1], [], []>, transpose_lhs_hint = false} : vector<368x400xf32>, vector<400x1xf32>, vector<368x1xf32> -> vector<368x1xf32>
      %mul3A_127 = arith.mulf %get3A_123, %get3A_78 : vector<368x400xf32>
      %dot_general3A_128 = arith.constant dense<0.000000e+00> : vector<1x400xf32>
      %dot_general3A_129 = tpu.matmul %broadcast_in_dim3A_2, %mul3A_127, %dot_general3A_128 {dimension_numbers = #tpu.dot_dimension_numbers<[1], [0], [0], [1], [0, 0, 1, 1], [], []>, transpose_lhs_hint = false} : vector<1x368xf32>, vector<368x400xf32>, vector<1x400xf32> -> vector<1x400xf32>
      %concatenate3A = tpu.concatenate %dot_general3A_87, %dot_general3A_100, %dot_general3A_113, %dot_general3A_126 in 1 : vector<368x1xf32>, vector<368x1xf32>, vector<368x1xf32>, vector<368x1xf32> -> vector<368x4xf32>
      %concatenate3A_130 = tpu.concatenate %dot_general3A_90, %dot_general3A_103, %dot_general3A_116, %dot_general3A_129 in 0 : vector<1x400xf32>, vector<1x400xf32>, vector<1x400xf32>, vector<1x400xf32> -> vector<4x400xf32>
      %add3A_131 = vector.broadcast %mul3A_72 : i32 to vector<4x32xi32>
      %add3A_132 = arith.addi %add3A_131, %iota3A_5 : vector<4x32xi32>
      %eq3A = arith.cmpi eq, %iota3A_3, %add3A_132 : vector<4x32xi32>
      %convert_element_type3A = arith.extui %eq3A : vector<4x32xi1> to vector<4x32xi32>
      %convert_element_type3A_133 = arith.sitofp %convert_element_type3A : vector<4x32xi32> to vector<4x32xf32>
      %get3A_134 = arith.constant 0 : index
      %get3A_135 = arith.constant 0 : index
      %get3A_136 = arith.constant 0 : index
      %get3A_137 = vector.load %arg7[%get3A_134, %get3A_135, %get3A_136] : memref<1x368x32xf32, #tpu.memory_space<vmem>>, vector<1x368x32xf32>
      %get3A_138 = vector.shape_cast %get3A_137 : vector<1x368x32xf32> to vector<368x32xf32>
      %dot_general3A_139 = arith.constant dense<0.000000e+00> : vector<368x32xf32>
      %dot_general3A_140 = tpu.matmul %concatenate3A, %convert_element_type3A_133, %dot_general3A_139 {dimension_numbers = #tpu.dot_dimension_numbers<[1], [0], [0], [1], [0, 0, 1, 1], [], []>, transpose_lhs_hint = false} : vector<368x4xf32>, vector<4x32xf32>, vector<368x32xf32> -> vector<368x32xf32>
      %add3A_141 = arith.addf %get3A_138, %dot_general3A_140 : vector<368x32xf32>
      %swap3A_142 = arith.constant 0 : index
      %swap3A_143 = arith.constant 0 : index
      %swap3A_144 = arith.constant 0 : index
      %swap3A_145 = vector.load %arg7[%swap3A_142, %swap3A_143, %swap3A_144] : memref<1x368x32xf32, #tpu.memory_space<vmem>>, vector<1x368x32xf32>
      %swap3A_146 = vector.shape_cast %swap3A_145 : vector<1x368x32xf32> to vector<368x32xf32>
      %swap3A_147 = vector.shape_cast %add3A_141 : vector<368x32xf32> to vector<1x368x32xf32>
      tpu.vector_store %arg7[%swap3A_142, %swap3A_143, %swap3A_144], %swap3A_147 {strides = array<i32>} : memref<1x368x32xf32, #tpu.memory_space<vmem>>, vector<1x368x32xf32>,
      %get3A_148 = arith.constant 0 : index
      %get3A_149 = arith.constant 0 : index
      %get3A_150 = arith.constant 0 : index
      %get3A_151 = vector.load %arg8[%get3A_148, %get3A_149, %get3A_150] : memref<1x32x400xf32, #tpu.memory_space<vmem>>, vector<1x32x400xf32>
      %get3A_152 = vector.shape_cast %get3A_151 : vector<1x32x400xf32> to vector<32x400xf32>
      %dot_general3A_153 = arith.constant dense<0.000000e+00> : vector<32x400xf32>
      %dot_general3A_154 = tpu.matmul %convert_element_type3A_133, %concatenate3A_130, %dot_general3A_153 {dimension_numbers = #tpu.dot_dimension_numbers<[0], [0], [1], [1], [0, 1, 1, 1], [], []>, transpose_lhs_hint = false} : vector<4x32xf32>, vector<4x400xf32>, vector<32x400xf32> -> vector<32x400xf32>
      %add3A_155 = arith.addf %get3A_152, %dot_general3A_154 : vector<32x400xf32>
      %swap3A_156 = arith.constant 0 : index
      %swap3A_157 = arith.constant 0 : index
      %swap3A_158 = arith.constant 0 : index
      %swap3A_159 = vector.load %arg8[%swap3A_156, %swap3A_157, %swap3A_158] : memref<1x32x400xf32, #tpu.memory_space<vmem>>, vector<1x32x400xf32>
      %swap3A_160 = vector.shape_cast %swap3A_159 : vector<1x32x400xf32> to vector<32x400xf32>
      %swap3A_161 = vector.shape_cast %add3A_155 : vector<32x400xf32> to vector<1x32x400xf32>
      tpu.vector_store %arg8[%swap3A_156, %swap3A_157, %swap3A_158], %swap3A_161 {strides = array<i32>} : memref<1x32x400xf32, #tpu.memory_space<vmem>>, vector<1x32x400xf32>,
    }
    %scan3A_70 = arith.constant 8 : i32
    return
  }
  func.func @transform_0(%arg0: i32) -> (i32, i32, i32) {
    %c0_i32 = arith.constant 0 : i32
    %c0_i32_0 = arith.constant 0 : i32
    %c0_i32_1 = arith.constant 0 : i32
    return %arg0, %c0_i32, %c0_i32_0 : i32, i32, i32
  }
  func.func @transform_1(%arg0: i32) -> (i32, i32, i32) {
    %c0_i32 = arith.constant 0 : i32
    %c0_i32_0 = arith.constant 0 : i32
    %c0_i32_1 = arith.constant 0 : i32
    return %arg0, %c0_i32, %c0_i32_0 : i32, i32, i32
  }
  func.func @transform_2(%arg0: i32) -> (i32, i32, i32) {
    %c0_i32 = arith.constant 0 : i32
    %c0_i32_0 = arith.constant 0 : i32
    %c0_i32_1 = arith.constant 0 : i32
    return %arg0, %c0_i32, %c0_i32_0 : i32, i32, i32
  }
  func.func @transform_3(%arg0: i32) -> (i32, i32, i32) {
    %c0_i32 = arith.constant 0 : i32
    %c0_i32_0 = arith.constant 0 : i32
    %c0_i32_1 = arith.constant 0 : i32
    return %arg0, %c0_i32, %c0_i32_0 : i32, i32, i32
  }
  func.func @transform_4(%arg0: i32) -> (i32, i32, i32) {
    %c0_i32 = arith.constant 0 : i32
    %c0_i32_0 = arith.constant 0 : i32
    %c0_i32_1 = arith.constant 0 : i32
    return %arg0, %c0_i32, %c0_i32_0 : i32, i32, i32
  }
  func.func @transform_5(%arg0: i32) -> (i32, i32) {
    %c0_i32 = arith.constant 0 : i32
    %c0_i32_0 = arith.constant 0 : i32
    %c0_i32_1 = arith.constant 0 : i32
    return %c0_i32, %c0_i32_0 : i32, i32
  }
  func.func @transform_6(%arg0: i32) -> (i32, i32, i32) {
    %c0_i32 = arith.constant 0 : i32
    %c0_i32_0 = arith.constant 0 : i32
    %c0_i32_1 = arith.constant 0 : i32
    return %arg0, %c0_i32, %c0_i32_0 : i32, i32, i32
  }
  func.func @transform_7(%arg0: i32) -> (i32, i32, i32) {
    %c0_i32 = arith.constant 0 : i32
    %c0_i32_0 = arith.constant 0 : i32
    %c0_i32_1 = arith.constant 0 : i32
    return %arg0, %c0_i32, %c0_i32_0 : i32, i32, i32
  }
}

module attributes {stable_mosaic.version = 14 : i64} {
  func.func @_post_body(%arg0: i32, %arg1: memref<1x400x240xf32, #tpu.memory_space<vmem>>, %arg2: memref<1x368x32xf32, #tpu.memory_space<vmem>>, %arg3: memref<1x32x32xf32, #tpu.memory_space<vmem>>, %arg4: memref<1x32x400xf32, #tpu.memory_space<vmem>>, %arg5: memref<1x8x32x400xf32, #tpu.memory_space<vmem>>, %arg6: memref<240x240xf32, #tpu.memory_space<vmem>>, %arg7: memref<32x240xf32, #tpu.memory_space<vmem>>, %arg8: memref<32x240xf32, #tpu.memory_space<vmem>>, %arg9: memref<1x240xf32, #tpu.memory_space<vmem>>, %arg10: memref<240x480xf32, #tpu.memory_space<vmem>>, %arg11: memref<1x480xf32, #tpu.memory_space<vmem>>, %arg12: memref<1x400x480xf32, #tpu.memory_space<vmem>>) attributes {dimension_semantics = [#tpu.dimension_semantics<arbitrary>], iteration_bounds = array<i64: 4>, scalar_prefetch = 0 : i64, scratch_operands = 0 : i64, tpu.core_type = #tpu.core_type<tc>, window_params = [{transform_indices = @transform_0, window_bounds = array<i64: 1, 400, 240>}, {transform_indices = @transform_1, window_bounds = array<i64: 1, 368, 32>}, {transform_indices = @transform_2, window_bounds = array<i64: 1, 32, 32>}, {transform_indices = @transform_3, window_bounds = array<i64: 1, 32, 400>}, {transform_indices = @transform_4, window_bounds = array<i64: 1, 8, 32, 400>}, {pipeline_mode = #tpu.pipeline_mode<synchronous>, transform_indices = @transform_5, window_bounds = array<i64: 240, 240>}, {pipeline_mode = #tpu.pipeline_mode<synchronous>, transform_indices = @transform_6, window_bounds = array<i64: 32, 240>}, {pipeline_mode = #tpu.pipeline_mode<synchronous>, transform_indices = @transform_7, window_bounds = array<i64: 32, 240>}, {pipeline_mode = #tpu.pipeline_mode<synchronous>, transform_indices = @transform_8, window_bounds = array<i64: 1, 240>}, {pipeline_mode = #tpu.pipeline_mode<synchronous>, transform_indices = @transform_9, window_bounds = array<i64: 240, 480>}, {pipeline_mode = #tpu.pipeline_mode<synchronous>, transform_indices = @transform_10, window_bounds = array<i64: 1, 480>}, {transform_indices = @transform_11, window_bounds = array<i64: 1, 400, 480>}]} {
    %get3A = arith.constant 0 : index
    %get3A_0 = arith.constant 0 : index
    %get3A_1 = arith.constant 0 : index
    %get3A_2 = vector.load %arg1[%get3A, %get3A_0, %get3A_1] : memref<1x400x240xf32, #tpu.memory_space<vmem>>, vector<1x400x240xf32>
    %get3A_3 = vector.shape_cast %get3A_2 : vector<1x400x240xf32> to vector<400x240xf32>
    %get3A_4 = arith.constant 0 : index
    %get3A_5 = arith.constant 0 : index
    %get3A_6 = arith.constant 0 : index
    %get3A_7 = vector.load %arg2[%get3A_4, %get3A_5, %get3A_6] : memref<1x368x32xf32, #tpu.memory_space<vmem>>, vector<1x368x32xf32>
    %get3A_8 = vector.shape_cast %get3A_7 : vector<1x368x32xf32> to vector<368x32xf32>
    %get3A_9 = arith.constant 0 : index
    %get3A_10 = arith.constant 0 : index
    %get3A_11 = arith.constant 0 : index
    %get3A_12 = vector.load %arg3[%get3A_9, %get3A_10, %get3A_11] : memref<1x32x32xf32, #tpu.memory_space<vmem>>, vector<1x32x32xf32>
    %get3A_13 = vector.shape_cast %get3A_12 : vector<1x32x32xf32> to vector<32x32xf32>
    %concatenate3A = tpu.concatenate %get3A_8, %get3A_13 in 0 : vector<368x32xf32>, vector<32x32xf32> -> vector<400x32xf32>
    %get3A_14 = arith.constant 0 : index
    %get3A_15 = arith.constant 0 : index
    %get3A_16 = arith.constant 0 : index
    %get3A_17 = vector.load %arg4[%get3A_14, %get3A_15, %get3A_16] : memref<1x32x400xf32, #tpu.memory_space<vmem>>, vector<1x32x400xf32>
    %get3A_18 = vector.shape_cast %get3A_17 : vector<1x32x400xf32> to vector<32x400xf32>
    %get3A_19 = arith.constant 0 : index
    %get3A_20 = arith.constant 0 : index
    %get3A_21 = arith.constant 0 : index
    %get3A_22 = arith.constant 0 : index
    %get3A_23 = vector.load %arg5[%get3A_19, %get3A_20, %get3A_21, %get3A_22] : memref<1x8x32x400xf32, #tpu.memory_space<vmem>>, vector<1x8x32x400xf32>
    %get3A_24 = vector.shape_cast %get3A_23 : vector<1x8x32x400xf32> to vector<8x32x400xf32>
    %reduce_sum3A = arith.constant dense<0.000000e+00> : vector<32x400xf32>
    %reduce_sum3A_25 = vector.multi_reduction <add>, %get3A_24, %reduce_sum3A [0] : vector<8x32x400xf32> to vector<32x400xf32>
    %add3A = arith.addf %get3A_18, %reduce_sum3A_25 : vector<32x400xf32>
    %get3A_26 = arith.constant 0 : index
    %get3A_27 = arith.constant 0 : index
    %get3A_28 = vector.load %arg6[%get3A_26, %get3A_27] : memref<240x240xf32, #tpu.memory_space<vmem>>, vector<240x240xf32>
    %dot_general3A = arith.constant dense<0.000000e+00> : vector<400x240xf32>
    %dot_general3A_29 = tpu.matmul %get3A_3, %get3A_28, %dot_general3A {dimension_numbers = #tpu.dot_dimension_numbers<[1], [0], [0], [1], [0, 0, 1, 1], [], []>, transpose_lhs_hint = false} : vector<400x240xf32>, vector<240x240xf32>, vector<400x240xf32> -> vector<400x240xf32>
    %get3A_30 = arith.constant 0 : index
    %get3A_31 = arith.constant 0 : index
    %get3A_32 = vector.load %arg7[%get3A_30, %get3A_31] : memref<32x240xf32, #tpu.memory_space<vmem>>, vector<32x240xf32>
    %dot_general3A_33 = arith.constant dense<0.000000e+00> : vector<400x240xf32>
    %dot_general3A_34 = tpu.matmul %concatenate3A, %get3A_32, %dot_general3A_33 {dimension_numbers = #tpu.dot_dimension_numbers<[1], [0], [0], [1], [0, 0, 1, 1], [], []>, transpose_lhs_hint = false} : vector<400x32xf32>, vector<32x240xf32>, vector<400x240xf32> -> vector<400x240xf32>
    %add3A_35 = arith.addf %dot_general3A_29, %dot_general3A_34 : vector<400x240xf32>
    %get3A_36 = arith.constant 0 : index
    %get3A_37 = arith.constant 0 : index
    %get3A_38 = vector.load %arg8[%get3A_36, %get3A_37] : memref<32x240xf32, #tpu.memory_space<vmem>>, vector<32x240xf32>
    %dot_general3A_39 = arith.constant dense<0.000000e+00> : vector<400x240xf32>
    %dot_general3A_40 = tpu.matmul %add3A, %get3A_38, %dot_general3A_39 {dimension_numbers = #tpu.dot_dimension_numbers<[0], [0], [1], [1], [0, 1, 1, 1], [], []>, transpose_lhs_hint = false} : vector<32x400xf32>, vector<32x240xf32>, vector<400x240xf32> -> vector<400x240xf32>
    %add3A_41 = arith.addf %add3A_35, %dot_general3A_40 : vector<400x240xf32>
    %get3A_42 = arith.constant 0 : index
    %get3A_43 = arith.constant 0 : index
    %get3A_44 = vector.load %arg9[%get3A_42, %get3A_43] : memref<1x240xf32, #tpu.memory_space<vmem>>, vector<1x240xf32>
    %add3A_45 = vector.broadcast %get3A_44 : vector<1x240xf32> to vector<400x240xf32>
    %add3A_46 = arith.addf %add3A_41, %add3A_45 : vector<400x240xf32>
    %get3A_47 = arith.constant 0 : index
    %get3A_48 = arith.constant 0 : index
    %get3A_49 = vector.load %arg10[%get3A_47, %get3A_48] : memref<240x480xf32, #tpu.memory_space<vmem>>, vector<240x480xf32>
    %dot_general3A_50 = arith.constant dense<0.000000e+00> : vector<400x480xf32>
    %dot_general3A_51 = tpu.matmul %add3A_46, %get3A_49, %dot_general3A_50 {dimension_numbers = #tpu.dot_dimension_numbers<[1], [0], [0], [1], [0, 0, 1, 1], [], []>, transpose_lhs_hint = false} : vector<400x240xf32>, vector<240x480xf32>, vector<400x480xf32> -> vector<400x480xf32>
    %get3A_52 = arith.constant 0 : index
    %get3A_53 = arith.constant 0 : index
    %get3A_54 = vector.load %arg11[%get3A_52, %get3A_53] : memref<1x480xf32, #tpu.memory_space<vmem>>, vector<1x480xf32>
    %add3A_55 = vector.broadcast %get3A_54 : vector<1x480xf32> to vector<400x480xf32>
    %add3A_56 = arith.addf %dot_general3A_51, %add3A_55 : vector<400x480xf32>
    %swap3A = arith.constant 0 : index
    %swap3A_57 = arith.constant 0 : index
    %swap3A_58 = arith.constant 0 : index
    %swap3A_59 = vector.load %arg12[%swap3A, %swap3A_57, %swap3A_58] : memref<1x400x480xf32, #tpu.memory_space<vmem>>, vector<1x400x480xf32>
    %swap3A_60 = vector.shape_cast %swap3A_59 : vector<1x400x480xf32> to vector<400x480xf32>
    %swap3A_61 = vector.shape_cast %add3A_56 : vector<400x480xf32> to vector<1x400x480xf32>
    tpu.vector_store %arg12[%swap3A, %swap3A_57, %swap3A_58], %swap3A_61 {strides = array<i32>} : memref<1x400x480xf32, #tpu.memory_space<vmem>>, vector<1x400x480xf32>,
    return
  }
  func.func @transform_0(%arg0: i32) -> (i32, i32, i32) {
    %c0_i32 = arith.constant 0 : i32
    %c0_i32_0 = arith.constant 0 : i32
    %c0_i32_1 = arith.constant 0 : i32
    return %arg0, %c0_i32, %c0_i32_0 : i32, i32, i32
  }
  func.func @transform_1(%arg0: i32) -> (i32, i32, i32) {
    %c0_i32 = arith.constant 0 : i32
    %c0_i32_0 = arith.constant 0 : i32
    %c0_i32_1 = arith.constant 0 : i32
    return %arg0, %c0_i32, %c0_i32_0 : i32, i32, i32
  }
  func.func @transform_2(%arg0: i32) -> (i32, i32, i32) {
    %c0_i32 = arith.constant 0 : i32
    %c0_i32_0 = arith.constant 0 : i32
    %c0_i32_1 = arith.constant 0 : i32
    return %arg0, %c0_i32, %c0_i32_0 : i32, i32, i32
  }
  func.func @transform_3(%arg0: i32) -> (i32, i32, i32) {
    %c0_i32 = arith.constant 0 : i32
    %c0_i32_0 = arith.constant 0 : i32
    %c0_i32_1 = arith.constant 0 : i32
    return %arg0, %c0_i32, %c0_i32_0 : i32, i32, i32
  }
  func.func @transform_4(%arg0: i32) -> (i32, i32, i32, i32) {
    %c0_i32 = arith.constant 0 : i32
    %c0_i32_0 = arith.constant 0 : i32
    %c0_i32_1 = arith.constant 0 : i32
    %c0_i32_2 = arith.constant 0 : i32
    return %arg0, %c0_i32, %c0_i32_0, %c0_i32_1 : i32, i32, i32, i32
  }
  func.func @transform_5(%arg0: i32) -> (i32, i32) {
    %c0_i32 = arith.constant 0 : i32
    %c0_i32_0 = arith.constant 0 : i32
    %c0_i32_1 = arith.constant 0 : i32
    return %c0_i32, %c0_i32_0 : i32, i32
  }
  func.func @transform_6(%arg0: i32) -> (i32, i32) {
    %c0_i32 = arith.constant 0 : i32
    %c0_i32_0 = arith.constant 0 : i32
    %c0_i32_1 = arith.constant 0 : i32
    return %c0_i32, %c0_i32_0 : i32, i32
  }
  func.func @transform_7(%arg0: i32) -> (i32, i32) {
    %c0_i32 = arith.constant 0 : i32
    %c0_i32_0 = arith.constant 0 : i32
    %c0_i32_1 = arith.constant 0 : i32
    return %c0_i32, %c0_i32_0 : i32, i32
  }
  func.func @transform_8(%arg0: i32) -> (i32, i32) {
    %c0_i32 = arith.constant 0 : i32
    %c0_i32_0 = arith.constant 0 : i32
    %c0_i32_1 = arith.constant 0 : i32
    return %c0_i32, %c0_i32_0 : i32, i32
  }
  func.func @transform_9(%arg0: i32) -> (i32, i32) {
    %c0_i32 = arith.constant 0 : i32
    %c0_i32_0 = arith.constant 0 : i32
    %c0_i32_1 = arith.constant 0 : i32
    return %c0_i32, %c0_i32_0 : i32, i32
  }
  func.func @transform_10(%arg0: i32) -> (i32, i32) {
    %c0_i32 = arith.constant 0 : i32
    %c0_i32_0 = arith.constant 0 : i32
    %c0_i32_1 = arith.constant 0 : i32
    return %c0_i32, %c0_i32_0 : i32, i32
  }
  func.func @transform_11(%arg0: i32) -> (i32, i32, i32) {
    %c0_i32 = arith.constant 0 : i32
    %c0_i32_0 = arith.constant 0 : i32
    %c0_i32_1 = arith.constant 0 : i32
    return %arg0, %c0_i32, %c0_i32_0 : i32, i32, i32
  }
}

</mosaic_0001>

<sc_bundles>
// kernel: kernel.6.cloned.1.call-start
scs
__scs_entry_jumppad:
0x0: {  	(pc) =	sbr.rel $0x88, $3  }
0x1: {  	(tag) =	ssettag $0x0;
	lr =	simm.s32 $0x1  }
0x2: {  	[smem:$0x3F94] =	sst lr;
	_ =	strace $0xD0000000  }
0x3: {  	_ = 	snop  }
0x4: {  	_ = 	snop  }
0x5: {  	_ = 	snop  }
0x6: {  	_ = 	snop  }
0x7: {  	_ = 	snop  }
__scs_overlays_trampoline_lowered:
0x8: {  	[smem:$0x3FA3] =	sst s0  }
0x9: {  	[smem:$0x3FA4] =	sst s1  }
0xa: {  	[smem:$0x3FA5] =	sst s2  }
0xb: {  	[smem:$0x3FA6] =	sst s3  }
0xc: {  	[smem:$0x3FA7] =	sst s4  }
0xd: {  	[smem:$0x3FA8] =	sst s5  }
0xe: {  	[smem:$0x3FA9] =	sst s6  }
0xf: {  	[smem:$0x3FAA] =	sst s7  }
0x10: {  	[smem:$0x3FAB] =	sst s8  }
0x11: {  	[smem:$0x3FAC] =	sst s9;
	s0 =	simm.s32 @!p0 $0x0  }
0x12: {  	s1 =	sld [smem:$0x3F92];
	s0 =	simm.s32 @p0 $0x1  }
0x13: {  	[smem:$0x3FAD] =	sst s0;
	s0 =	simm.s32 @!p1 $0x0  }
0x14: {  	s2 =	sld [smem:$0x3F91];
	s0 =	simm.s32 @p1 $0x1  }
0x15: {  	[smem:$0x3FAE] =	sst s0;
	s0 =	simm.s32 @!p2 $0x0  }
0x16: {  	s3 =	sld [smem:$0x3FDB];
	s0 =	simm.s32 @p2 $0x1  }
0x17: {  	s4 =	simm.s32 $0x1BF5;
	[smem:$0x3FB0] =	sst s0  }
0x18: {  	s0 =	sld [smem:$0x3F93];
	_ =	swait.ge [sflag:s4], $0x0  }
0x19: {  	s7 =	sld [smem:$0x3F94]  }
0x1a: {  	s8 =	sadd.s32 $0xFFFFE003, lr  }
0x1b: {  	s9 =	sadd.s32 $0xFFFFFEF7, lr;
	s5 =	simm.s32 $0xFFFFFFFF;
	p2 =	slt.u32 s8, $0xFFFFF086  }
0x1c: {  	p1 =	slt.u32 s9, $0xF7A;
	s5 =	simm.s32 @!p2 $0x0  }
0x1d: {  	s5 =	simm.s32 @p1 $0x1;
	p0 =	seq.s32 s7, s2  }
0x1e: {  	s7 =	smul.u32 @!p0 $0xF7A, s2;
	p2 =	seq.s32 @!p0 s5, $0x0  }
0x1f: {  	s9 =	smul.u32 $0xF7A, s1;
	s8 =	simm.s32 @!p0 $0x1BF5;
	p2 =	por !p2, p0  }
0x20: {  	[sflag:s8] =	ssyncset.s32 @!p0 $0xFFFFF086;
	s6 =	sadd.s32 @!p0 s3, s7;
	s7 =	simm.s32 @!p0 $0x108  }
0x21: {  	s3 =	sadd.s32 s3, s9;
	s6 =	sadd.s32 @!p0 $0x88, s6;
	s7 =	simm.s32 @p2 $0x1082  }
0x22: {  	[simem:s7], [sflag:s8] =	dma.local @!p0 [hbm:s6], $0xF7A  }
0x23: {  	s9 =	sor.u32 $0xD0000000, s2;
	s6 =	simm.s32 $0x108;
	_ =	swait.ge @!p0 [sflag:s8], $0x0  }
0x24: {  	s3 =	sadd.s32 $0x88, s3;
	s6 =	simm.s32 @!p1 $0x1082;
	[sflag:s4] =	ssyncset.s32 $0xFFFFF086  }
0x25: {  	[simem:s6], [sflag:s4] =	dma.local [hbm:s3], $0xF7A  }
0x26: {  	[smem:$0x3F94] =	sst s1;
	(tag) =	ssettag s2;
	_ =	strace s9  }
0x27: {  	s1 =	sld [smem:$0x3FA4]  }
0x28: {  	s2 =	sld [smem:$0x3FA5]  }
0x29: {  	s4 =	sld [smem:$0x3FA7]  }
0x2a: {  	p0 =	seq.s32 s5, $0x0;
	s5 =	sld [smem:$0x3FA8]  }
0x2b: {  	s6 =	sld [smem:$0x3FA9]  }
0x2c: {  	s7 =	sld [smem:$0x3FAA]  }
0x2d: {  	s3 =	simm.s32 $0x108;
	s8 =	sld [smem:$0x3FAB]  }
0x2e: {  	s3 =	simm.s32 @!p0 $0x1082;
	s9 =	sld [smem:$0x3FAC]  }
0x2f: {  	lr =	sadd.s32 s0, s3;
	s0 =	sld [smem:$0x3FA3]  }
0x30: {  	s3 =	sld [smem:$0x3FA6]  }
0x31: {  	[smem:$0x3FAF] =	sst s10  }
0x32: {  	s10 =	sld [smem:$0x3FAD];
	_ =	sdelay $0x3  }
0x33: {  	p0 =	seq.s32 s10, $0x1;
	s10 =	sld [smem:$0x3FAF];
	_ =	sdelay $0x3  }
0x34: {  	[smem:$0x3FAF] =	sst s10  }
0x35: {  	s10 =	sld [smem:$0x3FAE];
	_ =	sdelay $0x3  }
0x36: {  	p1 =	seq.s32 s10, $0x1;
	s10 =	sld [smem:$0x3FAF];
	_ =	sdelay $0x3  }
0x37: {  	[smem:$0x3FAF] =	sst s10  }
0x38: {  	s10 =	sld [smem:$0x3FB0]  }
0x39: {  	_ = 	snop;
	(pc) =	sbr.ind lr, $3  }
0x3a: {  	_ = 	snop  }
0x3b: {  	_ = 	snop  }
0x3c: {  	p2 =	seq.s32 s10, $0x1;
	s10 =	sld [smem:$0x3FAF]  }
0x3d: {  	_ =	shalt  }
0x3e: {  	_ =	shalt  }
0x3f: {  	_ =	shalt  }
0x40: {  	_ =	shalt  }
0x41: {  	_ =	shalt  }
0x42: {  	_ =	shalt  }
0x43: {  	_ =	shalt  }
0x44: {  	_ =	shalt  }
0x45: {  	_ =	shalt  }
0x46: {  	_ =	shalt  }
0x47: {  	_ =	shalt  }
0x48: {  	_ =	shalt  }
0x49: {  	_ =	shalt  }
0x4a: {  	_ =	shalt  }
0x4b: {  	_ =	shalt  }
0x4c: {  	_ =	shalt  }
0x4d: {  	_ =	shalt  }
0x4e: {  	_ =	shalt  }
0x4f: {  	_ =	shalt  }
0x50: {  	_ =	shalt  }
0x51: {  	_ =	shalt  }
0x52: {  	_ =	shalt  }
0x53: {  	_ =	shalt  }
0x54: {  	_ =	shalt  }
0x55: {  	_ =	shalt  }
0x56: {  	_ =	shalt  }
0x57: {  	_ =	shalt  }
0x58: {  	_ =	shalt  }
0x59: {  	_ =	shalt  }
0x5a: {  	_ =	shalt  }
0x5b: {  	_ =	shalt  }
0x5c: {  	_ =	shalt  }
0x5d: {  	_ =	shalt  }
0x5e: {  	_ =	shalt  }
0x5f: {  	_ =	shalt  }
0x60: {  	_ =	shalt  }
0x61: {  	_ =	shalt  }
0x62: {  	_ =	shalt  }
0x63: {  	_ =	shalt  }
0x64: {  	_ =	shalt  }
0x65: {  	_ =	shalt  }
0x66: {  	_ =	shalt  }
0x67: {  	_ =	shalt  }
0x68: {  	_ =	shalt  }
0x69: {  	_ =	shalt  }
0x6a: {  	_ =	shalt  }
0x6b: {  	_ =	shalt  }
0x6c: {  	_ =	shalt  }
0x6d: {  	_ =	shalt  }
0x6e: {  	_ =	shalt  }
0x6f: {  	_ =	shalt  }
0x70: {  	_ =	shalt  }
0x71: {  	_ =	shalt  }
0x72: {  	_ =	shalt  }
0x73: {  	_ =	shalt  }
0x74: {  	_ =	shalt  }
0x75: {  	_ =	shalt  }
0x76: {  	_ =	shalt  }
0x77: {  	_ =	shalt  }
0x78: {  	_ =	shalt  }
0x79: {  	_ =	shalt  }
0x7a: {  	_ =	shalt  }
0x7b: {  	_ =	shalt  }
0x7c: {  	_ =	shalt  }
0x7d: {  	_ =	shalt  }
0x7e: {  	_ =	shalt  }
0x7f: {  	_ =	shalt  }
0x80: {  	_ =	shalt  }
0x81: {  	_ =	shalt  }
0x82: {  	_ =	shalt  }
0x83: {  	_ =	shalt  }
0x84: {  	_ =	shalt  }
0x85: {  	_ =	shalt  }
0x86: {  	_ =	shalt  }
0x87: {  	_ =	shalt  }
.Lfunc_end0:
.L_simem_size_0:
called_computation_lowered:
.L_overlay_start_0:
0x88: {  	s2 =	sld [smem:$0x3FD9]  }
0x89: {  	s3 =	sld [smem:$0x3FFE];
	_ =	sdelay $0x1  }
0x8a: {  	s1 =	srdreg.scid  }
0x8b: {  	s0 =	sand.u32 $0x1, s1  }
0x8c: {  	s17 =	sshll.u32 s0, $0xA;
	s2 =	sadd.s32 s3, s2  }
0x8d: {  	s2 =	sadd.s32 s2, s17  }
0x8e: {  	[smem:$0x3FBB] =	sst s2  }
0x8f: {  	_ = 	snop  }
0x90: {  	s2 =	sld [smem:$0x3FD0];
	(tm) =	ssettm $0x1  }
0x91: {  	s18 =	sld [smem:$0x3FFB];
	_ =	sdelay $0x3  }
0x92: {  	_ =	strace s18  }
0x93: {  	s3 =	sld [smem:$0x3FFC];
	_ =	sdelay $0x3  }
0x94: {  	_ =	strace s3  }
0x95: {  	s3 =	sld [smem:$0x3FFD];
	_ =	sdelay $0x3  }
0x96: {  	_ =	strace s3  }
0x97: {  	_ =	strace $0x8FFFFFFF  }
0x98: {  	s19 =	sld [smem:$0x3FDB];
	_ =	sdelay $0x1  }
0x99: {  	s4 =	simm.s32 $_scs_section_size  }
0x9a: {  	s5 =	simm.s32 $_size__tile_overlayer_lowered;
	s6 =	simm.s32 $_tile_overlayer_lowered  }
0x9b: {  	s22 =	simm.s32 $0x1BFF;
	s21 =	sshll.u32 s6, $0x1;
	s3 =	sadd.s32 s4, s19  }
0x9c: {  	s7 =	simm.s32 $0x0;
	s20 =	sshll.u32 s5, $0x1;
	s5 =	sadd.s32 s21, s3  }
0x9d: {  	[timem:s7], [sflag:s22] =	dma.local [hbm:s5], s20  }
0x9e: {  	_ =	swait.ge [sflag:s22], s20  }
0x9f: {  	s4 =	ssub.s32 $0x0, s20;
	[sflag:s22] =	ssyncset.done $0x0  }
0xa0: {  	[sflag:s22] =	ssyncadd.s32 s4;
	_ =	sdelay $0x1  }
0xa1: {  	s23 =	simm.s32 $0x1B8B  }
0xa2: {  	_ =	swait.ge [sflag:s23], $0x1  }
0xa3: {  	[sflag:s23] =	ssyncset.done $0x0  }
0xa4: {  	s25 =	simm.s32 $0x1B8E;
	s24 =	sld [smem:$0x3FFE];
	[sflag:s23] =	ssyncadd.s32 $0xFFFFFFFF  }
0xa5: {  	s26 =	simm.s32 $execute0_lowered;
	[smem:$0x3FD2] =	sst s25  }
0xa6: {  	s5 =	sshll.u32 s26, $0x1;
	_ =	strace $0x80000046;
	[dreg:$0x1] =	wrdreg $0xFFFFFFFF  }
0xa7: {  	s28 =	simm.s32 $_size_execute0_lowered;
	s3 =	sadd.s32 s3, s5;
	[dreg:$0x0] =	wrdreg $0x0  }
0xa8: {  	s5 =	sshll.u32 s28, $0x1;
	[dreg:$0x2] =	wrdreg s3  }
0xa9: {  	[dreg:$0x3] =	wrdreg s5  }
0xaa: {  	[dreg:$0x4] =	wrdreg $0xC0  }
0xab: {  	_ =	task [dreg:s7], $0x5FFFF  }
0xac: {  	[dreg:$0x1] =	wrdreg $0xFFFFFFFF  }
0xad: {  	[dreg:$0x0] =	wrdreg $0x60  }
0xae: {  	[dreg:$0x2] =	wrdreg s24  }
0xaf: {  	[dreg:$0x3] =	wrdreg s2  }
0xb0: {  	[dreg:$0x4] =	wrdreg $0x9  }
0xb1: {  	_ =	task.clear_ibuf [dreg:s7], $0x5FFFF;
	_ =	strace $0x90000046  }
0xb2: {  	s29 =	simm.s32 $0x9;
	_ =	strace $0x80000048  }
0xb3: {  	_ =	swait.ge [sflag:s29], $0x1  }
0xb4: {  	[sflag:s29] =	ssyncadd.s32 $0xFFFFFFFF  }
0xb5: {  	_ =	strace $0x90000048  }
0xb6: {  	_ =	sfence  }
0xb7: {  	s30 =	sld [smem:$0x0];
	_ =	sdelay $0x2  }
0xb8: {  	s31 =	sshll.u32 s1, $0xD;
	s1 =	sshrl.u32 s1, $0x2  }
0xb9: {  	s3 =	sand.u32 $0x4000, s31;
	s1 =	sadd.s32 s1, s30  }
0xba: {  	s0 =	sor.u32 s3, s0;
	s1 =	sshll.u32 s1, $0x11  }
0xbb: {  	s0 =	sor.u32 s1, s0  }
0xbc: {  	s0 =	sadd.s32 $0x8F2B, s0  }
0xbd: {  	[sflag:s0] =	ssyncadd.remote.s32 $0x1  }
0xbe: {  	_ =	sfence.sel $0xFFFF  }
0xbf: {  	[dreg:$0x0] =	wrdreg $0xFFFFFFFF;
	(pc) =	sbr.abs _section_cstart, $3  }
0xc0: {  	[dreg:$0x1] =	wrdreg $0xFFFFFFFF  }
0xc1: {  	_ =	task.clear_ibuf [dreg:s7], $0x2FFFF;
	_ =	strace $0x9FFFFFFF  }
0xc2: {  	(tm) =	ssettm $0x7FFFFFFF  }
0xc3: {  	_ =	shalt  }
tec
execute0_lowered:
.L_overlay_start_1:
0x0: {  	(tag) =	ssettag $0x1  }
0x1: {  	s0 =	stileid.u32;
	s8 =	rddreg [dreg:$0x0]  }
0x2: {  	s1 =	srdreg.scid;
	s10 =	rddreg [dreg:$0x1];
	s2 =	simm.s32 $0x0  }
0x3: {  	s16 =	simm.s32 $0x4580;
	s17 =	simm.s32 $0x4D80;
	s18 =	simm.s32 $0x8C00  }
0x4: {  	s19 =	simm.s32 $0x9400;
	s20 =	simm.s32 $0x0;
	s3 =	sand.u32 $0x1, s1  }
0x5: {  	s26 =	sshll.u32 s0, $0x1;
	s4 =	sshrl.u32 s0, $0x2;
	s1 =	rddreg [dreg:$0x2]  }
0x6: {  	[smem:$0x7FF] =	sst s2;
	s5 =	sor.u32 s3, s26;
	s7 =	smul.u32 $0x27100, s4  }
0x7: {  	s28 =	smul.u32 $0x640, s4;
	_ =	strace $0x80000047;
	s4 =	sshll.u32 s4, $0xB  }
0x8: {  	s13 =	ssub.s32 $0x2, s3;
	s3 =	sadd.s32 $0x2C200, s8;
	s6 =	sand.u32 $0x7, s5  }
0x9: {  	s12 =	sadd.s32 s4, s8;
	s29 =	sshll.u32 s5, $0x8;
	s5 =	smul.u32 $0x640, s5  }
0xa: {  	s30 =	sshrl.u32 s13, $0x1;
	s9 =	smul.u32 $0x640, s6;
	s14 =	sadd.s32 s29, s8  }
0xb: {  	s13 =	ssub.s32 s13, s30;
	s6 =	sshll.u32 s6, $0x8;
	s15 =	sadd.s32 s5, s8  }
0xc: {  	s31 =	sadd.s32 s6, s12;
	s7 =	sadd.s32 s9, s7;
	s9 =	sadd.s32 s28, s8  }
0xd: {  	s12 =	simm.s32 $0x1;
	s7 =	sshrl.u32 s7, $0x3;
	s4 =	sadd.s32 $0x1400, s9  }
0xe: {  	s9 =	sadd.s32 $0x2C400, s14;
	s14 =	simm.s32 $0x3880;
	s7 =	sadd.s32 $0x47E0, s7  }
0xf: {  	s11 =	sadd.s32 s7, s8;
	s5 =	sadd.s32 s10, s7;
	s8 =	sadd.s32 $0x2A200, s31  }
0x10: {  	s10 =	sadd.s32 $0x2E400, s15;
	s15 =	simm.s32 $0x3F00;
	s6 =	sadd.s32 $0x2E00, s11  }
0x11: {  	v0 =	vimm.f32 $0.0e+00;
	s7 =	sadd.s32 $0x16800, s11;
	s11 =	smax.u32 s13, $0x1;
	s13 =	simm.s32 $0x3200  }
.LBB2_1:
0x12: {  	[tilespmem:s2], [sflag:$0x1] =	stream.linear.gather [hbm4b:s4+s2], $0x3200, $0x38;
	[tilespmem:$0xC600] =	vst v63  }
0x13: {  	_ =	swait.ge [sflag:s12], $0x3200  }
0x14: {  	[sflag:s12] =	ssyncset.done $0x0  }
0x15: {  	[sflag:s12] =	ssyncadd.s32 $0xFFFFCE00  }
0x16: {  	[tilespmem:s13], [sflag:$0x1] =	stream.linear.gather [hbm4b:s5+s2], $0x640, $0x38;
	[tilespmem:$0xC600] =	vst v63  }
0x17: {  	_ =	swait.ge [sflag:s12], $0x640  }
0x18: {  	[sflag:s12] =	ssyncset.done $0x0  }
0x19: {  	[sflag:s12] =	ssyncadd.s32 $0xFFFFF9C0  }
0x1a: {  	[tilespmem:s14], [sflag:$0x1] =	stream.linear.gather [hbm4b:s6+s2], $0x640, $0x38;
	[tilespmem:$0xC600] =	vst v63  }
0x1b: {  	_ =	swait.ge [sflag:s12], $0x640  }
0x1c: {  	[sflag:s12] =	ssyncset.done $0x0  }
0x1d: {  	[sflag:s12] =	ssyncadd.s32 $0xFFFFF9C0  }
0x1e: {  	[tilespmem:s15], [sflag:$0x1] =	stream.linear.gather [hbm4b:s7+s2], $0x640, $0x38;
	[tilespmem:$0xC600] =	vst v63  }
0x1f: {  	_ =	swait.ge [sflag:s12], $0x640  }
0x20: {  	[sflag:s12] =	ssyncset.done $0x0  }
0x21: {  	[sflag:s12] =	ssyncadd.s32 $0xFFFFF9C0  }
0x22: {  	[tilespmem:s16], [sflag:$0x1] =	stream.linear.gather [hbm4b:s8+s2], $0x800, $0x38;
	[tilespmem:$0xC600] =	vst v63  }
0x23: {  	_ =	swait.ge [sflag:s12], $0x800  }
0x24: {  	[sflag:s12] =	ssyncset.done $0x0  }
0x25: {  	[sflag:s12] =	ssyncadd.s32 $0xFFFFF800  }
0x26: {  	[tilespmem:s17], [sflag:$0x1] =	stream.linear.gather [hbm4b:s3+s2], $0x880, $0x38;
	[tilespmem:$0xC600] =	vst v63  }
0x27: {  	_ =	swait.ge [sflag:s12], $0x880  }
0x28: {  	[sflag:s12] =	ssyncset.done $0x0  }
0x29: {  	s21 =	simm.s32 $0x0;
	[sflag:s12] =	ssyncadd.s32 $0xFFFFF780  }
.LBB2_2:
0x2a: {  	p0 =	sne.s32 s21, $0xC7C0  }
.Ltmp0:
0x2b: {  	_ = 	snop;
	(pc) =	sbr.rel @p0 .LBB2_2-.Ltmp0, $3  }
0x2c: {  	_ =	sdelay $0x1  }
0x2d: {  	s22 =	sshra.s32 s21, $0x2  }
0x2e: {  	s21 =	sadd.s32 $0x40, s21;
	[tilespmem:s22+$0x9400] =	vst v0  }
0x2f: {  	s21 =	simm.s32 $0x40;
	s22 =	simm.s32 $0x0  }
.LBB2_4:
0x30: {  	p0 =	sne.s32 s21, $0x1FC0;
	[tilespmem:s22+$0x8C00] =	vst v0;
	s22 =	smov.u32 s21;
	s21 =	sadd.s32 $0x40, s21  }
.Ltmp1:
0x31: {  	(pc) =	sbr.rel @p0 .LBB2_4-.Ltmp1, $2  }
0x32: {  	_ =	sdelay $0x2  }
0x33: {  	s22 =	sshra.s32 s22, $0x2  }
0x34: {  	[tilespmem:s22+$0x8C00] =	vst v0  }
0x35: {  	v5 =	vld [tilespmem:$0x5580]  }
0x36: {  	v6 =	vld [tilespmem:$0x5590];
	_ =	sdelay $0x3  }
0x37: {  	s21 =	simm.s32 $0x0;
	[tilespmem:$0x1FFE0] =	vst v5  }
0x38: {  	s22 =	simm.s32 $0x3200;
	s23 =	simm.s32 $0x3880;
	s24 =	simm.s32 $0x3F00;
	[tilespmem:$0x1FFF0] =	vst v6  }
.LBB2_6:
0x39: {  	v0 =	vmov s22  }
0x3a: {  	v62 =	vmov s23;
	[tilespmem:$0x1FFB0] =	vst v0  }
0x3b: {  	s25 =	sshll.u32 s21, $0xB;
	v63 =	vmov s24;
	[tilespmem:$0x1FFC0] =	vst v62  }
0x3c: {  	s26 =	simm.s32 $0x0;
	s28 =	simm.s32 $0x0;
	s25 =	sshrl.u32 s25, $0x2;
	[tilespmem:$0x1FFD0] =	vst v63  }
.LBB2_7:
0x3d: {  	v0 =	vld [tilespmem:$0x1FFB0];
	_ =	sdelay $0x1  }
0x3e: {  	v3 =	vld [tilespmem:$0x1FFC0];
	_ =	sdelay $0x1  }
0x3f: {  	v48 =	vld [tilespmem:s25+$0x4580]  }
0x40: {  	v2 =	vld [tilespmem:$0x4D80]  }
0x41: {  	s29 =	sshra.s32 s28, $0x2;
	v51 =	vld [tilespmem:$0x1FFD0]  }
0x42: {  	v1 =	vld [tilespmem:s29+$0x0]  }
0x43: {  	v8 =	vld.idx.msk [tilespmem:v0+s29+$0x0 ss:$0x1], $0xffff  }
0x44: {  	v49 =	vld [tilespmem:$0x4F80]  }
0x45: {  	v7 =	vld.idx.msk [tilespmem:v3+s29+$0x0 ss:$0x1], $0xffff;
	_ =	sdelay $0x2  }
0x46: {  	v0 =	vadd.f32 v1, v48;
	v50 =	vmul.f32 v2, v8;
	_ =	sdelay $0x1  }
0x47: {  	v6 =	vld.idx.msk [tilespmem:v51+s29+$0x0 ss:$0x1], $0xffff;
	v52 =	vmul.f32 v49, v7;
	v0 =	vadd.f32 v50, v0;
	_ =	sdelay $0x1  }
0x48: {  	v0 =	vadd.f32 v52, v0;
	_ =	sdelay $0x1  }
0x49: {  	v0 =	vmax.f32 v0, $0.0e+00  }
0x4a: {  	v29 =	vmul.f32 v0, v6;
	_ =	sdelay $0x1  }
0x4b: {  	v54 =	vld [tilespmem:s29+$0x190];
	[tilespmem:s29+$0x5600] =	vst v29  }
0x4c: {  	v53 =	vld [tilespmem:s25+$0x4590]  }
0x4d: {  	v55 =	vld [tilespmem:$0x4D90];
	_ =	sdelay $0x1  }
0x4e: {  	v56 =	vld [tilespmem:$0x4F90];
	_ =	sdelay $0x2  }
0x4f: {  	v0 =	vadd.f32 v54, v53;
	v57 =	vmul.f32 v55, v8;
	_ =	sdelay $0x1  }
0x50: {  	v58 =	vmul.f32 v56, v7;
	v0 =	vadd.f32 v57, v0;
	_ =	sdelay $0x1  }
0x51: {  	v0 =	vadd.f32 v58, v0;
	_ =	sdelay $0x1  }
0x52: {  	v0 =	vmax.f32 v0, $0.0e+00  }
0x53: {  	v62 =	vld [tilespmem:s29+$0x320];
	v22 =	vmul.f32 v0, v6  }
0x54: {  	v59 =	vld [tilespmem:$0x5180]  }
0x55: {  	v60 =	vld [tilespmem:$0x5380];
	[tilespmem:s29+$0x5790] =	vst v22  }
0x56: {  	v61 =	vld [tilespmem:s25+$0x45A0]  }
0x57: {  	v63 =	vld [tilespmem:$0x4DA0];
	_ =	sdelay $0x1  }
0x58: {  	v9 =	vld [tilespmem:$0x4FA0];
	_ =	sdelay $0x2  }
0x59: {  	v0 =	vadd.f32 v62, v61;
	v10 =	vmul.f32 v63, v8;
	_ =	sdelay $0x1  }
0x5a: {  	v11 =	vmul.f32 v9, v7;
	v0 =	vadd.f32 v10, v0;
	_ =	sdelay $0x1  }
0x5b: {  	v0 =	vadd.f32 v11, v0;
	_ =	sdelay $0x1  }
0x5c: {  	v0 =	vmax.f32 v0, $0.0e+00  }
0x5d: {  	v15 =	vld [tilespmem:s29+$0x4B0];
	v17 =	vmul.f32 v0, v6  }
0x5e: {  	v12 =	vld [tilespmem:$0x5190]  }
0x5f: {  	v13 =	vld [tilespmem:$0x5390];
	[tilespmem:s29+$0x5920] =	vst v17  }
0x60: {  	v14 =	vld [tilespmem:s25+$0x45B0]  }
0x61: {  	v16 =	vld [tilespmem:$0x4DB0];
	_ =	sdelay $0x1  }
0x62: {  	v18 =	vld [tilespmem:$0x4FB0];
	_ =	sdelay $0x2  }
0x63: {  	v0 =	vadd.f32 v15, v14;
	v19 =	vmul.f32 v16, v8;
	_ =	sdelay $0x1  }
0x64: {  	v20 =	vmul.f32 v18, v7;
	v0 =	vadd.f32 v19, v0;
	_ =	sdelay $0x1  }
0x65: {  	v0 =	vadd.f32 v20, v0;
	_ =	sdelay $0x1  }
0x66: {  	v0 =	vmax.f32 v0, $0.0e+00  }
0x67: {  	v26 =	vld [tilespmem:s29+$0x640];
	v24 =	vmul.f32 v0, v6  }
0x68: {  	v21 =	vld [tilespmem:$0x51A0]  }
0x69: {  	v23 =	vld [tilespmem:$0x53A0];
	[tilespmem:s29+$0x5AB0] =	vst v24  }
0x6a: {  	v25 =	vld [tilespmem:s25+$0x45C0]  }
0x6b: {  	v27 =	vld [tilespmem:$0x4DC0];
	_ =	sdelay $0x1  }
0x6c: {  	v28 =	vld [tilespmem:$0x4FC0];
	_ =	sdelay $0x2  }
0x6d: {  	v0 =	vadd.f32 v26, v25;
	v30 =	vmul.f32 v27, v8;
	_ =	sdelay $0x1  }
0x6e: {  	v31 =	vmul.f32 v28, v7;
	v0 =	vadd.f32 v30, v0;
	_ =	sdelay $0x1  }
0x6f: {  	v0 =	vadd.f32 v31, v0;
	_ =	sdelay $0x1  }
0x70: {  	v0 =	vmax.f32 v0, $0.0e+00  }
0x71: {  	v35 =	vld [tilespmem:s29+$0x7D0];
	v19 =	vmul.f32 v0, v6  }
0x72: {  	v32 =	vld [tilespmem:$0x51B0]  }
0x73: {  	v33 =	vld [tilespmem:$0x53B0];
	[tilespmem:s29+$0x5C40] =	vst v19  }
0x74: {  	v34 =	vld [tilespmem:s25+$0x45D0]  }
0x75: {  	v36 =	vld [tilespmem:$0x4DD0];
	_ =	sdelay $0x1  }
0x76: {  	v37 =	vld [tilespmem:$0x4FD0];
	_ =	sdelay $0x2  }
0x77: {  	v0 =	vadd.f32 v35, v34;
	v38 =	vmul.f32 v36, v8;
	_ =	sdelay $0x1  }
0x78: {  	v39 =	vmul.f32 v37, v7;
	v0 =	vadd.f32 v38, v0;
	_ =	sdelay $0x1  }
0x79: {  	v0 =	vadd.f32 v39, v0;
	_ =	sdelay $0x1  }
0x7a: {  	v0 =	vmax.f32 v0, $0.0e+00  }
0x7b: {  	v43 =	vld [tilespmem:s29+$0x960];
	[tilespmem:$0x1FE50] =	vst v21;
	v21 =	vmul.f32 v0, v6  }
0x7c: {  	v40 =	vld [tilespmem:$0x51C0]  }
0x7d: {  	v41 =	vld [tilespmem:$0x53C0];
	[tilespmem:s29+$0x5DD0] =	vst v21  }
0x7e: {  	v42 =	vld [tilespmem:s25+$0x45E0]  }
0x7f: {  	v44 =	vld [tilespmem:$0x4DE0];
	_ =	sdelay $0x1  }
0x80: {  	v45 =	vld [tilespmem:$0x4FE0];
	_ =	sdelay $0x2  }
0x81: {  	v0 =	vadd.f32 v43, v42;
	v46 =	vmul.f32 v44, v8;
	_ =	sdelay $0x1  }
0x82: {  	v47 =	vmul.f32 v45, v7;
	v0 =	vadd.f32 v46, v0;
	_ =	sdelay $0x1  }
0x83: {  	v0 =	vadd.f32 v47, v0;
	_ =	sdelay $0x1  }
0x84: {  	v0 =	vmax.f32 v0, $0.0e+00  }
0x85: {  	v51 =	vld [tilespmem:s29+$0xAF0];
	v25 =	vmul.f32 v0, v6  }
0x86: {  	v48 =	vld [tilespmem:$0x51D0]  }
0x87: {  	v49 =	vld [tilespmem:$0x53D0];
	[tilespmem:s29+$0x5F60] =	vst v25  }
0x88: {  	v50 =	vld [tilespmem:s25+$0x45F0]  }
0x89: {  	v52 =	vld [tilespmem:$0x4DF0];
	_ =	sdelay $0x1  }
0x8a: {  	v53 =	vld [tilespmem:$0x4FF0];
	_ =	sdelay $0x2  }
0x8b: {  	v0 =	vadd.f32 v51, v50;
	v54 =	vmul.f32 v52, v8;
	_ =	sdelay $0x1  }
0x8c: {  	v55 =	vmul.f32 v53, v7;
	v0 =	vadd.f32 v54, v0;
	_ =	sdelay $0x1  }
0x8d: {  	v0 =	vadd.f32 v55, v0;
	_ =	sdelay $0x1  }
0x8e: {  	v0 =	vmax.f32 v0, $0.0e+00  }
0x8f: {  	v28 =	vmul.f32 v0, v6  }
0x90: {  	v56 =	vld [tilespmem:$0x51E0]  }
0x91: {  	v57 =	vld [tilespmem:$0x53E0];
	[tilespmem:s29+$0x60F0] =	vst v28  }
0x92: {  	s30 =	sand.u32 $0x1F0, s26;
	v58 =	vld [tilespmem:s25+$0x4600]  }
0x93: {  	[tilespmem:$0x1FE10] =	vst v59;
	v59 =	vld [tilespmem:s30+$0xC80]  }
0x94: {  	[tilespmem:$0x1FE20] =	vst v60;
	v60 =	vld [tilespmem:$0x4E00];
	_ =	sdelay $0x1  }
0x95: {  	v61 =	vld [tilespmem:$0x5000];
	_ =	sdelay $0x2  }
0x96: {  	v0 =	vadd.f32 v59, v58;
	v62 =	vmul.f32 v60, v8;
	_ =	sdelay $0x1  }
0x97: {  	v63 =	vmul.f32 v61, v7;
	v0 =	vadd.f32 v62, v0;
	_ =	sdelay $0x1  }
0x98: {  	v0 =	vadd.f32 v63, v0;
	_ =	sdelay $0x1  }
0x99: {  	v0 =	vmax.f32 v0, $0.0e+00  }
0x9a: {  	v31 =	vmul.f32 v0, v6  }
0x9b: {  	v4 =	vld [tilespmem:$0x51F0]  }
0x9c: {  	v5 =	vld [tilespmem:$0x53F0];
	[tilespmem:s30+$0x6280] =	vst v31  }
0x9d: {  	v9 =	vld [tilespmem:s25+$0x4610]  }
0x9e: {  	v10 =	vld [tilespmem:s29+$0xE10]  }
0x9f: {  	v11 =	vld [tilespmem:$0x4E10];
	_ =	sdelay $0x1  }
0xa0: {  	[tilespmem:$0x1FE30] =	vst v12;
	v12 =	vld [tilespmem:$0x5010];
	_ =	sdelay $0x2  }
0xa1: {  	[tilespmem:$0x1FE40] =	vst v13;
	v0 =	vadd.f32 v10, v9;
	v13 =	vmul.f32 v11, v8;
	_ =	sdelay $0x1  }
0xa2: {  	v14 =	vmul.f32 v12, v7;
	v0 =	vadd.f32 v13, v0;
	_ =	sdelay $0x1  }
0xa3: {  	v0 =	vadd.f32 v14, v0;
	_ =	sdelay $0x1  }
0xa4: {  	v0 =	vmax.f32 v0, $0.0e+00  }
0xa5: {  	v15 =	vld [tilespmem:$0x5200];
	v34 =	vmul.f32 v0, v6  }
0xa6: {  	v16 =	vld [tilespmem:$0x5400]  }
0xa7: {  	v20 =	vld [tilespmem:s29+$0xFA0];
	[tilespmem:s29+$0x6410] =	vst v34  }
0xa8: {  	v18 =	vld [tilespmem:s25+$0x4620]  }
0xa9: {  	[tilespmem:$0x1FE60] =	vst v23;
	v23 =	vld [tilespmem:$0x4E20];
	_ =	sdelay $0x1  }
0xaa: {  	v26 =	vld [tilespmem:$0x5020];
	_ =	sdelay $0x2  }
0xab: {  	v0 =	vadd.f32 v20, v18;
	v27 =	vmul.f32 v23, v8;
	_ =	sdelay $0x1  }
0xac: {  	v30 =	vmul.f32 v26, v7;
	v0 =	vadd.f32 v27, v0;
	_ =	sdelay $0x1  }
0xad: {  	v0 =	vadd.f32 v30, v0;
	_ =	sdelay $0x1  }
0xae: {  	v0 =	vmax.f32 v0, $0.0e+00  }
0xaf: {  	[tilespmem:$0x1FE70] =	vst v32;
	v36 =	vld [tilespmem:s29+$0x1130];
	v37 =	vmul.f32 v0, v6  }
0xb0: {  	[tilespmem:$0x1FE80] =	vst v33;
	v32 =	vld [tilespmem:$0x5210]  }
0xb1: {  	v33 =	vld [tilespmem:$0x5410];
	[tilespmem:s29+$0x65A0] =	vst v37  }
0xb2: {  	v35 =	vld [tilespmem:s25+$0x4630]  }
0xb3: {  	v38 =	vld [tilespmem:$0x4E30];
	_ =	sdelay $0x1  }
0xb4: {  	v39 =	vld [tilespmem:$0x5030];
	_ =	sdelay $0x2  }
0xb5: {  	[tilespmem:$0x1FE90] =	vst v40;
	v0 =	vadd.f32 v36, v35;
	v40 =	vmul.f32 v38, v8;
	_ =	sdelay $0x1  }
0xb6: {  	[tilespmem:$0x1FEA0] =	vst v41;
	v41 =	vmul.f32 v39, v7;
	v0 =	vadd.f32 v40, v0;
	_ =	sdelay $0x1  }
0xb7: {  	v0 =	vadd.f32 v41, v0;
	_ =	sdelay $0x1  }
0xb8: {  	v0 =	vmax.f32 v0, $0.0e+00  }
0xb9: {  	v45 =	vld [tilespmem:s29+$0x12C0];
	v40 =	vmul.f32 v0, v6  }
0xba: {  	v42 =	vld [tilespmem:$0x5220]  }
0xbb: {  	v43 =	vld [tilespmem:$0x5420];
	[tilespmem:s29+$0x6730] =	vst v40  }
0xbc: {  	v44 =	vld [tilespmem:s25+$0x4640]  }
0xbd: {  	v46 =	vld [tilespmem:$0x4E40];
	_ =	sdelay $0x1  }
0xbe: {  	v47 =	vld [tilespmem:$0x5040];
	_ =	sdelay $0x2  }
0xbf: {  	[tilespmem:$0x1FEB0] =	vst v48;
	v0 =	vadd.f32 v45, v44;
	v48 =	vmul.f32 v46, v8;
	_ =	sdelay $0x1  }
0xc0: {  	[tilespmem:$0x1FEC0] =	vst v49;
	v49 =	vmul.f32 v47, v7;
	v0 =	vadd.f32 v48, v0;
	_ =	sdelay $0x1  }
0xc1: {  	v0 =	vadd.f32 v49, v0;
	_ =	sdelay $0x1  }
0xc2: {  	v0 =	vmax.f32 v0, $0.0e+00  }
0xc3: {  	v53 =	vld [tilespmem:s29+$0x1450];
	[tilespmem:$0x1FF60] =	vst v43;
	v43 =	vmul.f32 v0, v6  }
0xc4: {  	v50 =	vld [tilespmem:$0x5230]  }
0xc5: {  	v51 =	vld [tilespmem:$0x5430];
	[tilespmem:s29+$0x68C0] =	vst v43  }
0xc6: {  	v52 =	vld [tilespmem:s25+$0x4650]  }
0xc7: {  	v54 =	vld [tilespmem:$0x4E50];
	_ =	sdelay $0x1  }
0xc8: {  	v55 =	vld [tilespmem:$0x5050];
	_ =	sdelay $0x2  }
0xc9: {  	[tilespmem:$0x1FED0] =	vst v56;
	v0 =	vadd.f32 v53, v52;
	v56 =	vmul.f32 v54, v8;
	_ =	sdelay $0x1  }
0xca: {  	[tilespmem:$0x1FEE0] =	vst v57;
	v57 =	vmul.f32 v55, v7;
	v0 =	vadd.f32 v56, v0;
	_ =	sdelay $0x1  }
0xcb: {  	v0 =	vadd.f32 v57, v0;
	_ =	sdelay $0x1  }
0xcc: {  	v0 =	vmax.f32 v0, $0.0e+00  }
0xcd: {  	v61 =	vld [tilespmem:s29+$0x15E0];
	v45 =	vmul.f32 v0, v6  }
0xce: {  	v58 =	vld [tilespmem:$0x5240]  }
0xcf: {  	v59 =	vld [tilespmem:$0x5440];
	[tilespmem:s29+$0x6A50] =	vst v45  }
0xd0: {  	v60 =	vld [tilespmem:s25+$0x4660]  }
0xd1: {  	v62 =	vld [tilespmem:$0x4E60];
	_ =	sdelay $0x1  }
0xd2: {  	v63 =	vld [tilespmem:$0x5060];
	_ =	sdelay $0x2  }
0xd3: {  	[tilespmem:$0x1FF00] =	vst v5;
	v0 =	vadd.f32 v61, v60;
	v5 =	vmul.f32 v62, v8;
	_ =	sdelay $0x1  }
0xd4: {  	v9 =	vmul.f32 v63, v7;
	v0 =	vadd.f32 v5, v0;
	_ =	sdelay $0x1  }
0xd5: {  	v0 =	vadd.f32 v9, v0;
	_ =	sdelay $0x1  }
0xd6: {  	v0 =	vmax.f32 v0, $0.0e+00  }
0xd7: {  	v11 =	vld [tilespmem:s29+$0x1770];
	[tilespmem:$0x1FF70] =	vst v50;
	v49 =	vmul.f32 v0, v6  }
0xd8: {  	[tilespmem:$0x1FF80] =	vst v51;
	v51 =	vld [tilespmem:$0x5250]  }
0xd9: {  	v50 =	vld [tilespmem:$0x5450];
	[tilespmem:s29+$0x6BE0] =	vst v49  }
0xda: {  	v10 =	vld [tilespmem:s25+$0x4670]  }
0xdb: {  	v12 =	vld [tilespmem:$0x4E70];
	_ =	sdelay $0x1  }
0xdc: {  	v13 =	vld [tilespmem:$0x5070];
	_ =	sdelay $0x2  }
0xdd: {  	v0 =	vadd.f32 v11, v10;
	v14 =	vmul.f32 v12, v8;
	_ =	sdelay $0x1  }
0xde: {  	[tilespmem:$0x1FF10] =	vst v15;
	v15 =	vmul.f32 v13, v7;
	v0 =	vadd.f32 v14, v0;
	_ =	sdelay $0x1  }
0xdf: {  	v0 =	vadd.f32 v15, v0;
	_ =	sdelay $0x1  }
0xe0: {  	v0 =	vmax.f32 v0, $0.0e+00  }
0xe1: {  	v52 =	vmul.f32 v0, v6  }
0xe2: {  	v53 =	vld [tilespmem:$0x5260]  }
0xe3: {  	v54 =	vld [tilespmem:$0x5460];
	[tilespmem:s29+$0x6D70] =	vst v52  }
0xe4: {  	[tilespmem:$0x1FF20] =	vst v16;
	v16 =	vld [tilespmem:s25+$0x4680]  }
0xe5: {  	v18 =	vld [tilespmem:s30+$0x1900]  }
0xe6: {  	v20 =	vld [tilespmem:$0x4E80];
	_ =	sdelay $0x1  }
0xe7: {  	v23 =	vld [tilespmem:$0x5080];
	_ =	sdelay $0x2  }
0xe8: {  	v0 =	vadd.f32 v18, v16;
	v26 =	vmul.f32 v20, v8;
	_ =	sdelay $0x1  }
0xe9: {  	v27 =	vmul.f32 v23, v7;
	v0 =	vadd.f32 v26, v0;
	_ =	sdelay $0x1  }
0xea: {  	v0 =	vadd.f32 v27, v0;
	_ =	sdelay $0x1  }
0xeb: {  	v0 =	vmax.f32 v0, $0.0e+00  }
0xec: {  	v55 =	vmul.f32 v0, v6  }
0xed: {  	v56 =	vld [tilespmem:$0x5270]  }
0xee: {  	v57 =	vld [tilespmem:$0x5470];
	[tilespmem:s30+$0x6F00] =	vst v55  }
0xef: {  	v30 =	vld [tilespmem:s25+$0x4690]  }
0xf0: {  	[tilespmem:$0x1FF30] =	vst v32;
	v32 =	vld [tilespmem:s29+$0x1A90]  }
0xf1: {  	[tilespmem:$0x1FF40] =	vst v33;
	v33 =	vld [tilespmem:$0x4E90];
	_ =	sdelay $0x1  }
0xf2: {  	v35 =	vld [tilespmem:$0x5090];
	_ =	sdelay $0x2  }
0xf3: {  	v0 =	vadd.f32 v32, v30;
	v36 =	vmul.f32 v33, v8;
	_ =	sdelay $0x1  }
0xf4: {  	v38 =	vmul.f32 v35, v7;
	v0 =	vadd.f32 v36, v0;
	_ =	sdelay $0x1  }
0xf5: {  	v0 =	vadd.f32 v38, v0;
	_ =	sdelay $0x1  }
0xf6: {  	[tilespmem:$0x1FF90] =	vst v58;
	v0 =	vmax.f32 v0, $0.0e+00  }
0xf7: {  	[tilespmem:$0x1FFA0] =	vst v59;
	v59 =	vld [tilespmem:$0x5280];
	v58 =	vmul.f32 v0, v6  }
0xf8: {  	v60 =	vld [tilespmem:$0x5480]  }
0xf9: {  	v41 =	vld [tilespmem:s29+$0x1C20];
	[tilespmem:s29+$0x7090] =	vst v58  }
0xfa: {  	v39 =	vld [tilespmem:s25+$0x46A0]  }
0xfb: {  	[tilespmem:$0x1FF50] =	vst v42;
	v42 =	vld [tilespmem:$0x4EA0];
	_ =	sdelay $0x1  }
0xfc: {  	v44 =	vld [tilespmem:$0x50A0];
	_ =	sdelay $0x2  }
0xfd: {  	v0 =	vadd.f32 v41, v39;
	v46 =	vmul.f32 v42, v8;
	_ =	sdelay $0x1  }
0xfe: {  	v47 =	vmul.f32 v44, v7;
	v0 =	vadd.f32 v46, v0;
	_ =	sdelay $0x1  }
0xff: {  	v0 =	vadd.f32 v47, v0;
	_ =	sdelay $0x1  }
0x100: {  	v0 =	vmax.f32 v0, $0.0e+00  }
0x101: {  	v9 =	vld [tilespmem:s29+$0x1DB0];
	v61 =	vmul.f32 v0, v6  }
0x102: {  	v62 =	vld [tilespmem:$0x5290]  }
0x103: {  	v63 =	vld [tilespmem:$0x5490];
	[tilespmem:s29+$0x7220] =	vst v61  }
0x104: {  	v48 =	vld [tilespmem:s25+$0x46B0]  }
0x105: {  	v10 =	vld [tilespmem:$0x4EB0];
	_ =	sdelay $0x1  }
0x106: {  	v11 =	vld [tilespmem:$0x50B0];
	_ =	sdelay $0x2  }
0x107: {  	v0 =	vadd.f32 v9, v48;
	v12 =	vmul.f32 v10, v8;
	_ =	sdelay $0x1  }
0x108: {  	v13 =	vmul.f32 v11, v7;
	v0 =	vadd.f32 v12, v0;
	_ =	sdelay $0x1  }
0x109: {  	v0 =	vadd.f32 v13, v0;
	_ =	sdelay $0x1  }
0x10a: {  	v0 =	vmax.f32 v0, $0.0e+00  }
0x10b: {  	v15 =	vld [tilespmem:s29+$0x1F40];
	v18 =	vmul.f32 v0, v6  }
0x10c: {  	v47 =	vld [tilespmem:$0x52A0]  }
0x10d: {  	v46 =	vld [tilespmem:$0x54A0];
	[tilespmem:s29+$0x73B0] =	vst v18  }
0x10e: {  	v14 =	vld [tilespmem:s25+$0x46C0]  }
0x10f: {  	v16 =	vld [tilespmem:$0x4EC0];
	_ =	sdelay $0x1  }
0x110: {  	v20 =	vld [tilespmem:$0x50C0];
	_ =	sdelay $0x2  }
0x111: {  	v0 =	vadd.f32 v15, v14;
	v23 =	vmul.f32 v16, v8;
	_ =	sdelay $0x1  }
0x112: {  	v26 =	vmul.f32 v20, v7;
	v0 =	vadd.f32 v23, v0;
	_ =	sdelay $0x1  }
0x113: {  	v0 =	vadd.f32 v26, v0;
	_ =	sdelay $0x1  }
0x114: {  	v0 =	vmax.f32 v0, $0.0e+00  }
0x115: {  	v30 =	vld [tilespmem:s29+$0x20D0];
	v16 =	vmul.f32 v0, v6  }
0x116: {  	v42 =	vld [tilespmem:$0x52B0]  }
0x117: {  	v44 =	vld [tilespmem:$0x54B0];
	[tilespmem:s29+$0x7540] =	vst v16  }
0x118: {  	v27 =	vld [tilespmem:s25+$0x46D0]  }
0x119: {  	v32 =	vld [tilespmem:$0x4ED0];
	_ =	sdelay $0x1  }
0x11a: {  	v33 =	vld [tilespmem:$0x50D0];
	_ =	sdelay $0x2  }
0x11b: {  	v0 =	vadd.f32 v30, v27;
	v35 =	vmul.f32 v32, v8;
	_ =	sdelay $0x1  }
0x11c: {  	v36 =	vmul.f32 v33, v7;
	v0 =	vadd.f32 v35, v0;
	_ =	sdelay $0x1  }
0x11d: {  	v0 =	vadd.f32 v36, v0;
	_ =	sdelay $0x1  }
0x11e: {  	v0 =	vmax.f32 v0, $0.0e+00  }
0x11f: {  	v48 =	vld [tilespmem:s29+$0x2260];
	v15 =	vmul.f32 v0, v6  }
0x120: {  	v39 =	vld [tilespmem:$0x52C0]  }
0x121: {  	v41 =	vld [tilespmem:$0x54C0];
	[tilespmem:s29+$0x76D0] =	vst v15  }
0x122: {  	v38 =	vld [tilespmem:s25+$0x46E0]  }
0x123: {  	v9 =	vld [tilespmem:$0x4EE0];
	_ =	sdelay $0x1  }
0x124: {  	v10 =	vld [tilespmem:$0x50E0];
	_ =	sdelay $0x2  }
0x125: {  	v0 =	vadd.f32 v48, v38;
	v11 =	vmul.f32 v9, v8;
	_ =	sdelay $0x1  }
0x126: {  	v12 =	vmul.f32 v10, v7;
	v0 =	vadd.f32 v11, v0;
	_ =	sdelay $0x1  }
0x127: {  	v0 =	vadd.f32 v12, v0;
	_ =	sdelay $0x1  }
0x128: {  	v0 =	vmax.f32 v0, $0.0e+00  }
0x129: {  	v20 =	vld [tilespmem:s29+$0x23F0];
	v14 =	vmul.f32 v0, v6  }
0x12a: {  	v36 =	vld [tilespmem:$0x52D0]  }
0x12b: {  	v38 =	vld [tilespmem:$0x54D0];
	[tilespmem:s29+$0x7860] =	vst v14  }
0x12c: {  	v13 =	vld [tilespmem:s25+$0x46F0]  }
0x12d: {  	v23 =	vld [tilespmem:$0x4EF0];
	_ =	sdelay $0x1  }
0x12e: {  	v26 =	vld [tilespmem:$0x50F0];
	_ =	sdelay $0x2  }
0x12f: {  	v0 =	vadd.f32 v20, v13;
	v27 =	vmul.f32 v23, v8;
	_ =	sdelay $0x1  }
0x130: {  	v30 =	vmul.f32 v26, v7;
	v0 =	vadd.f32 v27, v0;
	_ =	sdelay $0x1  }
0x131: {  	v0 =	vadd.f32 v30, v0;
	_ =	sdelay $0x1  }
0x132: {  	v0 =	vmax.f32 v0, $0.0e+00  }
0x133: {  	v11 =	vmul.f32 v0, v6  }
0x134: {  	v33 =	vld [tilespmem:$0x52E0]  }
0x135: {  	v35 =	vld [tilespmem:$0x54E0];
	[tilespmem:s29+$0x79F0] =	vst v11  }
0x136: {  	v32 =	vld [tilespmem:s25+$0x4700]  }
0x137: {  	v48 =	vld [tilespmem:s30+$0x2580]  }
0x138: {  	v9 =	vld [tilespmem:$0x4F00];
	_ =	sdelay $0x1  }
0x139: {  	v10 =	vld [tilespmem:$0x5100];
	_ =	sdelay $0x2  }
0x13a: {  	v0 =	vadd.f32 v48, v32;
	v12 =	vmul.f32 v9, v8;
	_ =	sdelay $0x1  }
0x13b: {  	v13 =	vmul.f32 v10, v7;
	v0 =	vadd.f32 v12, v0;
	_ =	sdelay $0x1  }
0x13c: {  	v0 =	vadd.f32 v13, v0;
	_ =	sdelay $0x1  }
0x13d: {  	v0 =	vmax.f32 v0, $0.0e+00  }
0x13e: {  	v10 =	vmul.f32 v0, v6  }
0x13f: {  	v30 =	vld [tilespmem:$0x54F0]  }
0x140: {  	v32 =	vld [tilespmem:$0x52F0];
	[tilespmem:s30+$0x7B80] =	vst v10  }
0x141: {  	v20 =	vld [tilespmem:s25+$0x4710]  }
0x142: {  	v23 =	vld [tilespmem:s29+$0x2710]  }
0x143: {  	v26 =	vld [tilespmem:$0x4F10];
	_ =	sdelay $0x1  }
0x144: {  	v12 =	vld [tilespmem:$0x5110];
	_ =	sdelay $0x2  }
0x145: {  	v0 =	vadd.f32 v23, v20;
	v27 =	vmul.f32 v26, v8;
	_ =	sdelay $0x1  }
0x146: {  	v48 =	vmul.f32 v12, v7;
	v0 =	vadd.f32 v27, v0;
	_ =	sdelay $0x1  }
0x147: {  	v0 =	vadd.f32 v48, v0;
	_ =	sdelay $0x1  }
0x148: {  	v0 =	vmax.f32 v0, $0.0e+00  }
0x149: {  	v5 =	vld [tilespmem:s29+$0x28A0];
	v9 =	vmul.f32 v0, v6  }
0x14a: {  	v26 =	vld [tilespmem:$0x5300]  }
0x14b: {  	v27 =	vld [tilespmem:$0x5500];
	[tilespmem:s29+$0x7D10] =	vst v9  }
0x14c: {  	[tilespmem:$0x1FEF0] =	vst v4;
	v4 =	vld [tilespmem:s25+$0x4720]  }
0x14d: {  	v20 =	vld [tilespmem:$0x4F20];
	_ =	sdelay $0x1  }
0x14e: {  	v13 =	vld [tilespmem:$0x5120];
	_ =	sdelay $0x2  }
0x14f: {  	v0 =	vadd.f32 v5, v4;
	v23 =	vmul.f32 v20, v8;
	_ =	sdelay $0x1  }
0x150: {  	v48 =	vmul.f32 v13, v7;
	v0 =	vadd.f32 v23, v0;
	_ =	sdelay $0x1  }
0x151: {  	v0 =	vadd.f32 v48, v0;
	_ =	sdelay $0x1  }
0x152: {  	v0 =	vmax.f32 v0, $0.0e+00  }
0x153: {  	v12 =	vld [tilespmem:s29+$0x2A30];
	v5 =	vmul.f32 v0, v6  }
0x154: {  	v20 =	vld [tilespmem:$0x5310]  }
0x155: {  	v23 =	vld [tilespmem:$0x5510];
	[tilespmem:s29+$0x7EA0] =	vst v5  }
0x156: {  	v0 =	vld [tilespmem:s25+$0x4730]  }
0x157: {  	v4 =	vld [tilespmem:$0x4F30];
	_ =	sdelay $0x1  }
0x158: {  	v48 =	vld [tilespmem:$0x5130];
	_ =	sdelay $0x2  }
0x159: {  	v0 =	vadd.f32 v12, v0;
	v4 =	vmul.f32 v4, v8;
	_ =	sdelay $0x1  }
0x15a: {  	v1 =	vmul.f32 v48, v7;
	v0 =	vadd.f32 v4, v0;
	_ =	sdelay $0x1  }
0x15b: {  	v0 =	vadd.f32 v1, v0;
	_ =	sdelay $0x1  }
0x15c: {  	v0 =	vmax.f32 v0, $0.0e+00  }
0x15d: {  	v4 =	vmul.f32 v0, v6  }
0x15e: {  	v13 =	vld [tilespmem:$0x5520]  }
0x15f: {  	v12 =	vld [tilespmem:$0x5320];
	[tilespmem:s29+$0x8030] =	vst v4  }
0x160: {  	v48 =	vld [tilespmem:$0x4F40];
	_ =	sdelay $0x2  }
0x161: {  	v0 =	vld [tilespmem:s29+$0x2BC0]  }
0x162: {  	v2 =	vld [tilespmem:s25+$0x4740]  }
0x163: {  	v1 =	vmul.f32 v48, v8;
	v48 =	vld [tilespmem:$0x1FE10];
	_ =	sdelay $0x4  }
0x164: {  	v0 =	vadd.f32 v0, v2;
	v2 =	vmul.f32 v29, v48;
	v48 =	vld [tilespmem:$0x1FE20];
	_ =	sdelay $0x3  }
0x165: {  	v3 =	vld [tilespmem:$0x5140]  }
0x166: {  	v29 =	vmul.f32 v29, v48;
	v48 =	vld [tilespmem:$0x1FE30];
	_ =	sdelay $0x4  }
0x167: {  	v0 =	vadd.f32 v1, v0;
	v1 =	vmul.f32 v3, v7;
	v3 =	vmul.f32 v22, v48;
	v48 =	vld [tilespmem:$0x1FE40];
	_ =	sdelay $0x4  }
0x168: {  	v29 =	vadd.f32 $0.0e+00, v29;
	v22 =	vmul.f32 v22, v48  }
0x169: {  	v48 =	vld [tilespmem:$0x1FE50]  }
0x16a: {  	v0 =	vadd.f32 v1, v0;
	v1 =	vadd.f32 v22, v29;
	v29 =	vld [tilespmem:$0x1FE60];
	_ =	sdelay $0x2  }
0x16b: {  	v2 =	vadd.f32 $0.0e+00, v2;
	_ =	sdelay $0x1  }
0x16c: {  	v2 =	vadd.f32 v3, v2;
	v3 =	vmul.f32 v17, v48;
	v48 =	vmul.f32 v17, v29  }
0x16d: {  	v22 =	vld [tilespmem:$0x1FE70]  }
0x16e: {  	v1 =	vadd.f32 v48, v1;
	v48 =	vld [tilespmem:$0x1FE80];
	_ =	sdelay $0x3  }
0x16f: {  	v29 =	vld [tilespmem:$0x1FE90]  }
0x170: {  	v2 =	vadd.f32 v3, v2;
	v3 =	vmul.f32 v24, v22;
	v24 =	vmul.f32 v24, v48;
	v48 =	vld [tilespmem:$0x1FEA0];
	_ =	sdelay $0x4  }
0x171: {  	v2 =	vadd.f32 v3, v2;
	v3 =	vmul.f32 v19, v29;
	v19 =	vmul.f32 v19, v48;
	v48 =	vld [tilespmem:$0x1FEC0];
	_ =	sdelay $0x2  }
0x172: {  	v29 =	vld [tilespmem:$0x1FEB0];
	v1 =	vadd.f32 v24, v1;
	_ =	sdelay $0x1  }
0x173: {  	v1 =	vadd.f32 v19, v1;
	v19 =	vmul.f32 v21, v48;
	v48 =	vld [tilespmem:$0x1FED0];
	_ =	sdelay $0x2  }
0x174: {  	v2 =	vadd.f32 v3, v2;
	v3 =	vmul.f32 v21, v29;
	_ =	sdelay $0x1  }
0x175: {  	v2 =	vadd.f32 v3, v2;
	v3 =	vmul.f32 v25, v48;
	v48 =	vld [tilespmem:$0x1FEE0];
	_ =	sdelay $0x4  }
0x176: {  	v1 =	vadd.f32 v19, v1;
	v19 =	vmul.f32 v25, v48  }
0x177: {  	v0 =	vmax.f32 v0, $0.0e+00;
	v48 =	vld [tilespmem:$0x1FF00]  }
0x178: {  	v17 =	vmul.f32 v0, v6;
	v1 =	vadd.f32 v19, v1;
	v19 =	vld [tilespmem:$0x1FEF0]  }
0x179: {  	v22 =	vld [tilespmem:$0x5330]  }
0x17a: {  	v0 =	vld [tilespmem:$0x5530];
	[tilespmem:s29+$0x81C0] =	vst v17  }
0x17b: {  	v24 =	vld [tilespmem:s25+$0x4750]  }
0x17c: {  	v29 =	vld [tilespmem:s29+$0x2D50]  }
0x17d: {  	v21 =	vld [tilespmem:$0x4F50];
	v2 =	vadd.f32 v3, v2;
	v3 =	vmul.f32 v28, v19;
	v19 =	vmul.f32 v28, v48  }
0x17e: {  	v28 =	vld [tilespmem:$0x1FF20]  }
0x17f: {  	v1 =	vadd.f32 v19, v1;
	v19 =	vld [tilespmem:$0x1FF10]  }
0x180: {  	v25 =	vld [tilespmem:$0x5150];
	_ =	sdelay $0x2  }
0x181: {  	v24 =	vadd.f32 v29, v24;
	v21 =	vmul.f32 v21, v8;
	v48 =	vld [tilespmem:$0x1FF40]  }
0x182: {  	v2 =	vadd.f32 v3, v2;
	v3 =	vmul.f32 v31, v19;
	v19 =	vmul.f32 v31, v28;
	v31 =	vld [tilespmem:$0x1FF30]  }
0x183: {  	v21 =	vadd.f32 v21, v24;
	v29 =	vmul.f32 v25, v7;
	v25 =	vld [tilespmem:$0x1FF60]  }
0x184: {  	v24 =	vld [tilespmem:$0x1FF50]  }
0x185: {  	v21 =	vadd.f32 v29, v21;
	v29 =	vld [tilespmem:$0x1FF80]  }
0x186: {  	v28 =	vld [tilespmem:$0x1FF70];
	v1 =	vadd.f32 v19, v1;
	v19 =	vmul.f32 v34, v48  }
0x187: {  	v2 =	vadd.f32 v3, v2;
	v3 =	vmul.f32 v34, v31;
	v34 =	vld [tilespmem:$0x1FFA0]  }
0x188: {  	v21 =	vmax.f32 v21, $0.0e+00;
	v1 =	vadd.f32 v19, v1;
	v19 =	vmul.f32 v37, v25;
	v31 =	vld [tilespmem:$0x1FF90]  }
0x189: {  	v21 =	vmul.f32 v21, v6;
	v2 =	vadd.f32 v3, v2;
	v3 =	vmul.f32 v37, v24  }
0x18a: {  	v25 =	vld [tilespmem:$0x5540];
	v1 =	vadd.f32 v19, v1;
	v19 =	vmul.f32 v40, v29  }
0x18b: {  	v24 =	vld [tilespmem:$0x5340];
	[tilespmem:s29+$0x8350] =	vst v21;
	v2 =	vadd.f32 v3, v2;
	v3 =	vmul.f32 v40, v28  }
0x18c: {  	v1 =	vadd.f32 v19, v1;
	v28 =	vld [tilespmem:s25+$0x4760];
	v19 =	vmul.f32 v43, v34  }
0x18d: {  	v40 =	vld [tilespmem:s29+$0x2EE0];
	v2 =	vadd.f32 v3, v2;
	v3 =	vmul.f32 v43, v31  }
0x18e: {  	v37 =	vmul.f32 v45, v51;
	v43 =	vmul.f32 v45, v50;
	v45 =	vld [tilespmem:$0x4F60];
	v1 =	vadd.f32 v19, v1  }
0x18f: {  	v2 =	vadd.f32 v3, v2  }
0x190: {  	v48 =	vmul.f32 v49, v53;
	v49 =	vmul.f32 v49, v54;
	v50 =	vld [tilespmem:$0x5160];
	v1 =	vadd.f32 v43, v1  }
0x191: {  	v2 =	vadd.f32 v37, v2  }
0x192: {  	v51 =	vmul.f32 v52, v56;
	v52 =	vmul.f32 v52, v57;
	v1 =	vadd.f32 v49, v1  }
0x193: {  	v28 =	vadd.f32 v40, v28;
	v53 =	vmul.f32 v45, v8;
	v2 =	vadd.f32 v48, v2  }
0x194: {  	v54 =	vmul.f32 v55, v59;
	v55 =	vmul.f32 v55, v60;
	v1 =	vadd.f32 v52, v1  }
0x195: {  	v56 =	vmul.f32 v50, v7;
	v28 =	vadd.f32 v53, v28;
	v2 =	vadd.f32 v51, v2  }
0x196: {  	v59 =	vmul.f32 v58, v63;
	v1 =	vadd.f32 v55, v1  }
0x197: {  	v57 =	vmul.f32 v58, v62;
	v28 =	vadd.f32 v56, v28;
	v2 =	vadd.f32 v54, v2  }
0x198: {  	v60 =	vmul.f32 v61, v47;
	v62 =	vmul.f32 v61, v46;
	v1 =	vadd.f32 v59, v1  }
0x199: {  	v63 =	vmul.f32 v18, v42;
	v28 =	vmax.f32 v28, $0.0e+00;
	v2 =	vadd.f32 v57, v2  }
0x19a: {  	v18 =	vmul.f32 v18, v44;
	v42 =	vld [tilespmem:s29+$0x3070];
	v28 =	vmul.f32 v28, v6;
	v1 =	vadd.f32 v62, v1  }
0x19b: {  	v34 =	vld [tilespmem:$0x5350];
	v2 =	vadd.f32 v60, v2  }
0x19c: {  	v39 =	vmul.f32 v16, v39;
	v16 =	vmul.f32 v16, v41;
	v37 =	vld [tilespmem:$0x5550];
	[tilespmem:s29+$0x84E0] =	vst v28;
	v1 =	vadd.f32 v18, v1  }
0x19d: {  	v40 =	vld [tilespmem:s25+$0x4770];
	v2 =	vadd.f32 v63, v2  }
0x19e: {  	v41 =	vmul.f32 v15, v36;
	v15 =	vmul.f32 v15, v38;
	v43 =	vld [tilespmem:$0x4F70];
	v1 =	vadd.f32 v16, v1  }
0x19f: {  	v2 =	vadd.f32 v39, v2  }
0x1a0: {  	v44 =	vmul.f32 v14, v33;
	v14 =	vmul.f32 v14, v35;
	v45 =	vld [tilespmem:$0x5170];
	v1 =	vadd.f32 v15, v1  }
0x1a1: {  	v2 =	vadd.f32 v41, v2  }
0x1a2: {  	v46 =	vmul.f32 v11, v32;
	v11 =	vmul.f32 v11, v30;
	v1 =	vadd.f32 v14, v1  }
0x1a3: {  	v47 =	vadd.f32 v42, v40;
	v8 =	vmul.f32 v43, v8;
	v2 =	vadd.f32 v44, v2  }
0x1a4: {  	v48 =	vmul.f32 v10, v26;
	v10 =	vmul.f32 v10, v27;
	v1 =	vadd.f32 v11, v1  }
0x1a5: {  	v7 =	vmul.f32 v45, v7;
	v8 =	vadd.f32 v8, v47;
	v2 =	vadd.f32 v46, v2  }
0x1a6: {  	v49 =	vmul.f32 v9, v20;
	v9 =	vmul.f32 v9, v23;
	v1 =	vadd.f32 v10, v1  }
0x1a7: {  	v7 =	vadd.f32 v7, v8;
	v2 =	vadd.f32 v48, v2  }
0x1a8: {  	v50 =	vmul.f32 v5, v12;
	v5 =	vmul.f32 v5, v13;
	v1 =	vadd.f32 v9, v1  }
0x1a9: {  	v7 =	vmax.f32 v7, $0.0e+00;
	v2 =	vadd.f32 v49, v2  }
0x1aa: {  	v0 =	vmul.f32 v4, v0;
	v6 =	vmul.f32 v7, v6;
	v1 =	vadd.f32 v5, v1  }
0x1ab: {  	v51 =	vmul.f32 v4, v22;
	v53 =	vld [tilespmem:$0x5560];
	v2 =	vadd.f32 v50, v2  }
0x1ac: {  	v55 =	vmul.f32 v17, v25;
	v52 =	vld [tilespmem:$0x5360];
	[tilespmem:s29+$0x8670] =	vst v6;
	v0 =	vadd.f32 v0, v1  }
0x1ad: {  	v54 =	vmul.f32 v17, v24;
	v58 =	vld [tilespmem:$0x5570];
	v2 =	vadd.f32 v51, v2  }
0x1ae: {  	v59 =	vmul.f32 v21, v37;
	v56 =	vld [tilespmem:$0x5370];
	v0 =	vadd.f32 v55, v0  }
0x1af: {  	v57 =	vmul.f32 v21, v34;
	v2 =	vadd.f32 v54, v2  }
0x1b0: {  	v61 =	vmul.f32 v28, v53;
	v0 =	vadd.f32 v59, v0  }
0x1b1: {  	v60 =	vmul.f32 v28, v52;
	v2 =	vadd.f32 v57, v2  }
0x1b2: {  	p0 =	seq.s32 s28, $0x600;
	v63 =	vmul.f32 v6, v58;
	v0 =	vadd.f32 v61, v0  }
.Ltmp2:
0x1b3: {  	v62 =	vmul.f32 v6, v56;
	v2 =	vadd.f32 v60, v2;
	(pc) =	sbr.rel @!p0 .LBB2_7-.Ltmp2, $4  }
0x1b4: {  	v0 =	vadd.f32 v63, v0  }
0x1b5: {  	v2 =	vadd.f32 v62, v2  }
0x1b6: {  	[tilespmem:s29+$0x8A00] =	vst v0  }
0x1b7: {  	s26 =	sadd.s32 $0x10, s26;
	s28 =	sadd.s32 $0x40, s28;
	[tilespmem:s29+$0x8800] =	vst v2  }
0x1b8: {  	v5 =	vld [tilespmem:$0x1FFE0]  }
0x1b9: {  	s26 =	simm.s32 $0x0;
	s28 =	simm.s32 $0x0;
	v6 =	vld [tilespmem:$0x1FFF0]  }
.LBB2_9:
0x1ba: {  	s29 =	sshra.s32 s28, $0x2  }
0x1bb: {  	v0 =	vld [tilespmem:s29+$0x8800];
	_ =	sdelay $0x4  }
0x1bc: {  	v0 =	vadd.f32 v0, v5;
	_ =	sdelay $0x1  }
0x1bd: {  	v0 =	vsub.f32 $0.0e+00, v0;
	_ =	sdelay $0x1  }
0x1be: {  	v0 =	vmul.f32 $1.442695020e+00, v0;
	_ =	sdelay $0x1  }
0x1bf: {  	(erf) = vpow2.f32 v0;
	_ =	sdelay $0x1  }
0x1c0: {  	v54 =	vld [tilespmem:s29+$0x8A00];
	_ =	sdelay $0x4  }
0x1c1: {  	v0 =	vadd.f32 v54, v6;
	_ =	sdelay $0x1  }
0x1c2: {  	v0 =	vsub.f32 $0.0e+00, v0;
	v1 =	vpop (erf)  }
0x1c3: {  	v1 =	vadd.f32 $1.000000000e+00, v1  }
0x1c4: {  	v0 =	vmul.f32 $1.442695020e+00, v0  }
0x1c5: {  	(erf) = vrcp.f32 v1  }
0x1c6: {  	(erf) = vpow2.f32 v0;
	_ =	sdelay $0x7  }
0x1c7: {  	v3 =	vpop (erf)  }
0x1c8: {  	v55 =	vld [tilespmem:s29+$0x5600];
	v0 =	vpop (erf)  }
0x1c9: {  	v0 =	vadd.f32 $1.000000000e+00, v0  }
0x1ca: {  	v2 =	vld [tilespmem:s25+$0x8C00]  }
0x1cb: {  	(erf) = vrcp.f32 v0;
	_ =	sdelay $0x1  }
0x1cc: {  	v56 =	vmul.f32 v3, v55;
	_ =	sdelay $0x1  }
0x1cd: {  	v0 =	vadd.f32 v56, v2;
	_ =	sdelay $0x1  }
0x1ce: {  	[tilespmem:s25+$0x8C00] =	vst v0  }
0x1cf: {  	v0 =	vld [tilespmem:s29+$0x9400];
	_ =	sdelay $0x1  }
0x1d0: {  	v4 =	vpop (erf)  }
0x1d1: {  	v1 =	vmul.f32 v4, v55;
	_ =	sdelay $0x1  }
0x1d2: {  	v0 =	vadd.f32 v1, v0  }
0x1d3: {  	v57 =	vld [tilespmem:s29+$0x5790]  }
0x1d4: {  	[tilespmem:s29+$0x9400] =	vst v0  }
0x1d5: {  	v0 =	vld [tilespmem:s25+$0x8C10];
	_ =	sdelay $0x2  }
0x1d6: {  	v58 =	vmul.f32 v57, v3;
	_ =	sdelay $0x1  }
0x1d7: {  	v0 =	vadd.f32 v58, v0;
	_ =	sdelay $0x1  }
0x1d8: {  	[tilespmem:s25+$0x8C10] =	vst v0  }
0x1d9: {  	v0 =	vld [tilespmem:s29+$0x9590];
	_ =	sdelay $0x2  }
0x1da: {  	v1 =	vmul.f32 v4, v57;
	_ =	sdelay $0x1  }
0x1db: {  	v0 =	vadd.f32 v0, v1  }
0x1dc: {  	v59 =	vld [tilespmem:s29+$0x5920]  }
0x1dd: {  	[tilespmem:s29+$0x9590] =	vst v0  }
0x1de: {  	v0 =	vld [tilespmem:s25+$0x8C20];
	_ =	sdelay $0x2  }
0x1df: {  	v60 =	vmul.f32 v59, v3;
	_ =	sdelay $0x1  }
0x1e0: {  	v0 =	vadd.f32 v60, v0;
	_ =	sdelay $0x1  }
0x1e1: {  	[tilespmem:s25+$0x8C20] =	vst v0  }
0x1e2: {  	v0 =	vld [tilespmem:s29+$0x9720];
	_ =	sdelay $0x2  }
0x1e3: {  	v1 =	vmul.f32 v59, v4;
	_ =	sdelay $0x1  }
0x1e4: {  	v0 =	vadd.f32 v0, v1  }
0x1e5: {  	v61 =	vld [tilespmem:s29+$0x5AB0]  }
0x1e6: {  	[tilespmem:s29+$0x9720] =	vst v0  }
0x1e7: {  	v0 =	vld [tilespmem:s25+$0x8C30];
	_ =	sdelay $0x2  }
0x1e8: {  	v62 =	vmul.f32 v61, v3;
	_ =	sdelay $0x1  }
0x1e9: {  	v0 =	vadd.f32 v62, v0;
	_ =	sdelay $0x1  }
0x1ea: {  	[tilespmem:s25+$0x8C30] =	vst v0  }
0x1eb: {  	v0 =	vld [tilespmem:s29+$0x98B0];
	_ =	sdelay $0x2  }
0x1ec: {  	v1 =	vmul.f32 v61, v4;
	_ =	sdelay $0x1  }
0x1ed: {  	v0 =	vadd.f32 v0, v1  }
0x1ee: {  	v63 =	vld [tilespmem:s29+$0x5C40]  }
0x1ef: {  	[tilespmem:s29+$0x98B0] =	vst v0  }
0x1f0: {  	v0 =	vld [tilespmem:s25+$0x8C40];
	_ =	sdelay $0x2  }
0x1f1: {  	v9 =	vmul.f32 v63, v3;
	_ =	sdelay $0x1  }
0x1f2: {  	v0 =	vadd.f32 v9, v0;
	_ =	sdelay $0x1  }
0x1f3: {  	[tilespmem:s25+$0x8C40] =	vst v0  }
0x1f4: {  	v0 =	vld [tilespmem:s29+$0x9A40];
	_ =	sdelay $0x2  }
0x1f5: {  	v1 =	vmul.f32 v63, v4;
	_ =	sdelay $0x1  }
0x1f6: {  	v0 =	vadd.f32 v0, v1  }
0x1f7: {  	v10 =	vld [tilespmem:s29+$0x5DD0]  }
0x1f8: {  	[tilespmem:s29+$0x9A40] =	vst v0  }
0x1f9: {  	v0 =	vld [tilespmem:s25+$0x8C50];
	_ =	sdelay $0x2  }
0x1fa: {  	v11 =	vmul.f32 v10, v3;
	_ =	sdelay $0x1  }
0x1fb: {  	v0 =	vadd.f32 v11, v0;
	_ =	sdelay $0x1  }
0x1fc: {  	[tilespmem:s25+$0x8C50] =	vst v0  }
0x1fd: {  	v0 =	vld [tilespmem:s29+$0x9BD0];
	_ =	sdelay $0x2  }
0x1fe: {  	v1 =	vmul.f32 v10, v4;
	_ =	sdelay $0x1  }
0x1ff: {  	v0 =	vadd.f32 v0, v1  }
0x200: {  	v12 =	vld [tilespmem:s29+$0x5F60]  }
0x201: {  	[tilespmem:s29+$0x9BD0] =	vst v0  }
0x202: {  	v0 =	vld [tilespmem:s25+$0x8C60];
	_ =	sdelay $0x2  }
0x203: {  	v13 =	vmul.f32 v12, v3;
	_ =	sdelay $0x1  }
0x204: {  	v0 =	vadd.f32 v13, v0;
	_ =	sdelay $0x1  }
0x205: {  	[tilespmem:s25+$0x8C60] =	vst v0  }
0x206: {  	v0 =	vld [tilespmem:s29+$0x9D60];
	_ =	sdelay $0x2  }
0x207: {  	v1 =	vmul.f32 v12, v4;
	_ =	sdelay $0x1  }
0x208: {  	v0 =	vadd.f32 v0, v1  }
0x209: {  	v14 =	vld [tilespmem:s29+$0x60F0]  }
0x20a: {  	[tilespmem:s29+$0x9D60] =	vst v0  }
0x20b: {  	v0 =	vld [tilespmem:s25+$0x8C70];
	_ =	sdelay $0x2  }
0x20c: {  	v15 =	vmul.f32 v14, v3;
	_ =	sdelay $0x1  }
0x20d: {  	v0 =	vadd.f32 v15, v0;
	_ =	sdelay $0x1  }
0x20e: {  	[tilespmem:s25+$0x8C70] =	vst v0  }
0x20f: {  	v0 =	vld [tilespmem:s29+$0x9EF0];
	_ =	sdelay $0x2  }
0x210: {  	v1 =	vmul.f32 v14, v4;
	_ =	sdelay $0x1  }
0x211: {  	v0 =	vadd.f32 v0, v1;
	_ =	sdelay $0x1  }
0x212: {  	s30 =	sand.u32 $0x1F0, s26;
	[tilespmem:s29+$0x9EF0] =	vst v0  }
0x213: {  	v0 =	vld [tilespmem:s30+$0x6280];
	_ =	sdelay $0x1  }
0x214: {  	v16 =	vld [tilespmem:s25+$0x8C80];
	_ =	sdelay $0x2  }
0x215: {  	v17 =	vmul.f32 v0, v3;
	_ =	sdelay $0x1  }
0x216: {  	v1 =	vadd.f32 v17, v16;
	_ =	sdelay $0x1  }
0x217: {  	[tilespmem:s25+$0x8C80] =	vst v1  }
0x218: {  	v1 =	vld [tilespmem:s30+$0xA080];
	_ =	sdelay $0x2  }
0x219: {  	v0 =	vmul.f32 v0, v4;
	_ =	sdelay $0x1  }
0x21a: {  	v0 =	vadd.f32 v1, v0;
	_ =	sdelay $0x1  }
0x21b: {  	[tilespmem:s30+$0xA080] =	vst v0  }
0x21c: {  	v0 =	vld [tilespmem:s29+$0x6410];
	_ =	sdelay $0x1  }
0x21d: {  	v18 =	vld [tilespmem:s25+$0x8C90];
	_ =	sdelay $0x2  }
0x21e: {  	v19 =	vmul.f32 v0, v3;
	_ =	sdelay $0x1  }
0x21f: {  	v1 =	vadd.f32 v19, v18;
	_ =	sdelay $0x1  }
0x220: {  	[tilespmem:s25+$0x8C90] =	vst v1  }
0x221: {  	v1 =	vld [tilespmem:s29+$0xA210];
	_ =	sdelay $0x2  }
0x222: {  	v0 =	vmul.f32 v0, v4;
	_ =	sdelay $0x1  }
0x223: {  	v0 =	vadd.f32 v1, v0  }
0x224: {  	v20 =	vld [tilespmem:s29+$0x65A0]  }
0x225: {  	[tilespmem:s29+$0xA210] =	vst v0  }
0x226: {  	v0 =	vld [tilespmem:s25+$0x8CA0];
	_ =	sdelay $0x2  }
0x227: {  	v21 =	vmul.f32 v20, v3;
	_ =	sdelay $0x1  }
0x228: {  	v0 =	vadd.f32 v21, v0;
	_ =	sdelay $0x1  }
0x229: {  	[tilespmem:s25+$0x8CA0] =	vst v0  }
0x22a: {  	v0 =	vld [tilespmem:s29+$0xA3A0];
	_ =	sdelay $0x2  }
0x22b: {  	v1 =	vmul.f32 v20, v4;
	_ =	sdelay $0x1  }
0x22c: {  	v0 =	vadd.f32 v0, v1  }
0x22d: {  	v22 =	vld [tilespmem:s29+$0x6730]  }
0x22e: {  	[tilespmem:s29+$0xA3A0] =	vst v0  }
0x22f: {  	v0 =	vld [tilespmem:s25+$0x8CB0];
	_ =	sdelay $0x2  }
0x230: {  	v23 =	vmul.f32 v22, v3;
	_ =	sdelay $0x1  }
0x231: {  	v0 =	vadd.f32 v23, v0;
	_ =	sdelay $0x1  }
0x232: {  	[tilespmem:s25+$0x8CB0] =	vst v0  }
0x233: {  	v0 =	vld [tilespmem:s29+$0xA530];
	_ =	sdelay $0x2  }
0x234: {  	v1 =	vmul.f32 v22, v4;
	_ =	sdelay $0x1  }
0x235: {  	v0 =	vadd.f32 v0, v1  }
0x236: {  	v24 =	vld [tilespmem:s29+$0x68C0]  }
0x237: {  	[tilespmem:s29+$0xA530] =	vst v0  }
0x238: {  	v0 =	vld [tilespmem:s25+$0x8CC0];
	_ =	sdelay $0x2  }
0x239: {  	v25 =	vmul.f32 v24, v3;
	_ =	sdelay $0x1  }
0x23a: {  	v0 =	vadd.f32 v25, v0;
	_ =	sdelay $0x1  }
0x23b: {  	[tilespmem:s25+$0x8CC0] =	vst v0  }
0x23c: {  	v0 =	vld [tilespmem:s29+$0xA6C0];
	_ =	sdelay $0x2  }
0x23d: {  	v1 =	vmul.f32 v24, v4;
	_ =	sdelay $0x1  }
0x23e: {  	v0 =	vadd.f32 v0, v1  }
0x23f: {  	v26 =	vld [tilespmem:s29+$0x6A50]  }
0x240: {  	[tilespmem:s29+$0xA6C0] =	vst v0  }
0x241: {  	v0 =	vld [tilespmem:s25+$0x8CD0];
	_ =	sdelay $0x2  }
0x242: {  	v27 =	vmul.f32 v26, v3;
	_ =	sdelay $0x1  }
0x243: {  	v0 =	vadd.f32 v27, v0;
	_ =	sdelay $0x1  }
0x244: {  	[tilespmem:s25+$0x8CD0] =	vst v0  }
0x245: {  	v0 =	vld [tilespmem:s29+$0xA850];
	_ =	sdelay $0x2  }
0x246: {  	v1 =	vmul.f32 v26, v4;
	_ =	sdelay $0x1  }
0x247: {  	v0 =	vadd.f32 v0, v1  }
0x248: {  	v28 =	vld [tilespmem:s29+$0x6BE0]  }
0x249: {  	[tilespmem:s29+$0xA850] =	vst v0  }
0x24a: {  	v0 =	vld [tilespmem:s25+$0x8CE0];
	_ =	sdelay $0x2  }
0x24b: {  	v29 =	vmul.f32 v28, v3;
	_ =	sdelay $0x1  }
0x24c: {  	v0 =	vadd.f32 v29, v0;
	_ =	sdelay $0x1  }
0x24d: {  	[tilespmem:s25+$0x8CE0] =	vst v0  }
0x24e: {  	v0 =	vld [tilespmem:s29+$0xA9E0];
	_ =	sdelay $0x2  }
0x24f: {  	v1 =	vmul.f32 v28, v4;
	_ =	sdelay $0x1  }
0x250: {  	v0 =	vadd.f32 v0, v1  }
0x251: {  	v30 =	vld [tilespmem:s29+$0x6D70]  }
0x252: {  	[tilespmem:s29+$0xA9E0] =	vst v0  }
0x253: {  	v0 =	vld [tilespmem:s25+$0x8CF0];
	_ =	sdelay $0x2  }
0x254: {  	v31 =	vmul.f32 v30, v3;
	_ =	sdelay $0x1  }
0x255: {  	v0 =	vadd.f32 v31, v0;
	_ =	sdelay $0x1  }
0x256: {  	[tilespmem:s25+$0x8CF0] =	vst v0  }
0x257: {  	v0 =	vld [tilespmem:s29+$0xAB70];
	_ =	sdelay $0x2  }
0x258: {  	v1 =	vmul.f32 v30, v4;
	_ =	sdelay $0x1  }
0x259: {  	v0 =	vadd.f32 v0, v1;
	_ =	sdelay $0x1  }
0x25a: {  	[tilespmem:s29+$0xAB70] =	vst v0  }
0x25b: {  	v0 =	vld [tilespmem:s30+$0x6F00];
	_ =	sdelay $0x1  }
0x25c: {  	v32 =	vld [tilespmem:s25+$0x8D00];
	_ =	sdelay $0x2  }
0x25d: {  	v33 =	vmul.f32 v0, v3;
	_ =	sdelay $0x1  }
0x25e: {  	v1 =	vadd.f32 v33, v32;
	_ =	sdelay $0x1  }
0x25f: {  	[tilespmem:s25+$0x8D00] =	vst v1  }
0x260: {  	v1 =	vld [tilespmem:s30+$0xAD00];
	_ =	sdelay $0x2  }
0x261: {  	v0 =	vmul.f32 v0, v4;
	_ =	sdelay $0x1  }
0x262: {  	v0 =	vadd.f32 v1, v0;
	_ =	sdelay $0x1  }
0x263: {  	[tilespmem:s30+$0xAD00] =	vst v0  }
0x264: {  	v0 =	vld [tilespmem:s29+$0x7090];
	_ =	sdelay $0x1  }
0x265: {  	v34 =	vld [tilespmem:s25+$0x8D10];
	_ =	sdelay $0x2  }
0x266: {  	v35 =	vmul.f32 v0, v3;
	_ =	sdelay $0x1  }
0x267: {  	v1 =	vadd.f32 v35, v34;
	_ =	sdelay $0x1  }
0x268: {  	[tilespmem:s25+$0x8D10] =	vst v1  }
0x269: {  	v1 =	vld [tilespmem:s29+$0xAE90];
	_ =	sdelay $0x2  }
0x26a: {  	v0 =	vmul.f32 v0, v4;
	_ =	sdelay $0x1  }
0x26b: {  	v0 =	vadd.f32 v1, v0  }
0x26c: {  	v36 =	vld [tilespmem:s29+$0x7220]  }
0x26d: {  	[tilespmem:s29+$0xAE90] =	vst v0  }
0x26e: {  	v0 =	vld [tilespmem:s25+$0x8D20];
	_ =	sdelay $0x2  }
0x26f: {  	v37 =	vmul.f32 v36, v3;
	_ =	sdelay $0x1  }
0x270: {  	v0 =	vadd.f32 v37, v0;
	_ =	sdelay $0x1  }
0x271: {  	[tilespmem:s25+$0x8D20] =	vst v0  }
0x272: {  	v0 =	vld [tilespmem:s29+$0xB020];
	_ =	sdelay $0x2  }
0x273: {  	v1 =	vmul.f32 v36, v4;
	_ =	sdelay $0x1  }
0x274: {  	v0 =	vadd.f32 v0, v1  }
0x275: {  	v38 =	vld [tilespmem:s29+$0x73B0]  }
0x276: {  	[tilespmem:s29+$0xB020] =	vst v0  }
0x277: {  	v0 =	vld [tilespmem:s25+$0x8D30];
	_ =	sdelay $0x2  }
0x278: {  	v39 =	vmul.f32 v38, v3;
	_ =	sdelay $0x1  }
0x279: {  	v0 =	vadd.f32 v39, v0;
	_ =	sdelay $0x1  }
0x27a: {  	[tilespmem:s25+$0x8D30] =	vst v0  }
0x27b: {  	v0 =	vld [tilespmem:s29+$0xB1B0];
	_ =	sdelay $0x2  }
0x27c: {  	v1 =	vmul.f32 v38, v4;
	_ =	sdelay $0x1  }
0x27d: {  	v0 =	vadd.f32 v0, v1  }
0x27e: {  	v40 =	vld [tilespmem:s29+$0x7540]  }
0x27f: {  	[tilespmem:s29+$0xB1B0] =	vst v0  }
0x280: {  	v0 =	vld [tilespmem:s25+$0x8D40];
	_ =	sdelay $0x2  }
0x281: {  	v41 =	vmul.f32 v40, v3;
	_ =	sdelay $0x1  }
0x282: {  	v0 =	vadd.f32 v41, v0;
	_ =	sdelay $0x1  }
0x283: {  	[tilespmem:s25+$0x8D40] =	vst v0  }
0x284: {  	v0 =	vld [tilespmem:s29+$0xB340];
	_ =	sdelay $0x2  }
0x285: {  	v1 =	vmul.f32 v40, v4;
	_ =	sdelay $0x1  }
0x286: {  	v0 =	vadd.f32 v0, v1  }
0x287: {  	v42 =	vld [tilespmem:s29+$0x76D0]  }
0x288: {  	[tilespmem:s29+$0xB340] =	vst v0  }
0x289: {  	v0 =	vld [tilespmem:s25+$0x8D50];
	_ =	sdelay $0x2  }
0x28a: {  	v43 =	vmul.f32 v42, v3;
	_ =	sdelay $0x1  }
0x28b: {  	v0 =	vadd.f32 v43, v0;
	_ =	sdelay $0x1  }
0x28c: {  	[tilespmem:s25+$0x8D50] =	vst v0  }
0x28d: {  	v0 =	vld [tilespmem:s29+$0xB4D0];
	_ =	sdelay $0x2  }
0x28e: {  	v1 =	vmul.f32 v42, v4;
	_ =	sdelay $0x1  }
0x28f: {  	v0 =	vadd.f32 v0, v1  }
0x290: {  	v44 =	vld [tilespmem:s29+$0x7860]  }
0x291: {  	[tilespmem:s29+$0xB4D0] =	vst v0  }
0x292: {  	v0 =	vld [tilespmem:s25+$0x8D60];
	_ =	sdelay $0x2  }
0x293: {  	v45 =	vmul.f32 v44, v3;
	_ =	sdelay $0x1  }
0x294: {  	v0 =	vadd.f32 v45, v0;
	_ =	sdelay $0x1  }
0x295: {  	[tilespmem:s25+$0x8D60] =	vst v0  }
0x296: {  	v0 =	vld [tilespmem:s29+$0xB660];
	_ =	sdelay $0x2  }
0x297: {  	v1 =	vmul.f32 v44, v4;
	_ =	sdelay $0x1  }
0x298: {  	v0 =	vadd.f32 v0, v1  }
0x299: {  	v46 =	vld [tilespmem:s29+$0x79F0]  }
0x29a: {  	[tilespmem:s29+$0xB660] =	vst v0  }
0x29b: {  	v0 =	vld [tilespmem:s25+$0x8D70];
	_ =	sdelay $0x2  }
0x29c: {  	v47 =	vmul.f32 v46, v3;
	_ =	sdelay $0x1  }
0x29d: {  	v0 =	vadd.f32 v47, v0;
	_ =	sdelay $0x1  }
0x29e: {  	[tilespmem:s25+$0x8D70] =	vst v0  }
0x29f: {  	v0 =	vld [tilespmem:s29+$0xB7F0];
	_ =	sdelay $0x2  }
0x2a0: {  	v1 =	vmul.f32 v46, v4;
	_ =	sdelay $0x1  }
0x2a1: {  	v0 =	vadd.f32 v0, v1;
	_ =	sdelay $0x1  }
0x2a2: {  	[tilespmem:s29+$0xB7F0] =	vst v0  }
0x2a3: {  	v0 =	vld [tilespmem:s30+$0x7B80];
	_ =	sdelay $0x1  }
0x2a4: {  	v48 =	vld [tilespmem:s25+$0x8D80];
	_ =	sdelay $0x2  }
0x2a5: {  	v49 =	vmul.f32 v0, v3;
	_ =	sdelay $0x1  }
0x2a6: {  	v1 =	vadd.f32 v49, v48;
	_ =	sdelay $0x1  }
0x2a7: {  	[tilespmem:s25+$0x8D80] =	vst v1  }
0x2a8: {  	v1 =	vld [tilespmem:s30+$0xB980];
	_ =	sdelay $0x2  }
0x2a9: {  	v0 =	vmul.f32 v0, v4;
	_ =	sdelay $0x1  }
0x2aa: {  	v0 =	vadd.f32 v1, v0;
	_ =	sdelay $0x1  }
0x2ab: {  	[tilespmem:s30+$0xB980] =	vst v0  }
0x2ac: {  	v0 =	vld [tilespmem:s29+$0x7D10];
	_ =	sdelay $0x1  }
0x2ad: {  	v50 =	vld [tilespmem:s25+$0x8D90];
	_ =	sdelay $0x2  }
0x2ae: {  	v51 =	vmul.f32 v0, v3;
	_ =	sdelay $0x1  }
0x2af: {  	v1 =	vadd.f32 v51, v50;
	_ =	sdelay $0x1  }
0x2b0: {  	[tilespmem:s25+$0x8D90] =	vst v1  }
0x2b1: {  	v1 =	vld [tilespmem:s29+$0xBB10];
	_ =	sdelay $0x2  }
0x2b2: {  	v0 =	vmul.f32 v0, v4;
	_ =	sdelay $0x1  }
0x2b3: {  	v0 =	vadd.f32 v1, v0  }
0x2b4: {  	v52 =	vld [tilespmem:s29+$0x7EA0]  }
0x2b5: {  	[tilespmem:s29+$0xBB10] =	vst v0  }
0x2b6: {  	v0 =	vld [tilespmem:s25+$0x8DA0];
	_ =	sdelay $0x2  }
0x2b7: {  	v53 =	vmul.f32 v52, v3;
	_ =	sdelay $0x1  }
0x2b8: {  	v0 =	vadd.f32 v53, v0;
	_ =	sdelay $0x1  }
0x2b9: {  	[tilespmem:s25+$0x8DA0] =	vst v0  }
0x2ba: {  	v0 =	vld [tilespmem:s29+$0xBCA0];
	_ =	sdelay $0x2  }
0x2bb: {  	v1 =	vmul.f32 v52, v4;
	_ =	sdelay $0x1  }
0x2bc: {  	v0 =	vadd.f32 v0, v1  }
0x2bd: {  	v54 =	vld [tilespmem:s29+$0x8030]  }
0x2be: {  	[tilespmem:s29+$0xBCA0] =	vst v0  }
0x2bf: {  	v0 =	vld [tilespmem:s25+$0x8DB0];
	_ =	sdelay $0x2  }
0x2c0: {  	v55 =	vmul.f32 v54, v3;
	_ =	sdelay $0x1  }
0x2c1: {  	v0 =	vadd.f32 v55, v0;
	_ =	sdelay $0x1  }
0x2c2: {  	[tilespmem:s25+$0x8DB0] =	vst v0  }
0x2c3: {  	v0 =	vld [tilespmem:s29+$0xBE30];
	_ =	sdelay $0x2  }
0x2c4: {  	v1 =	vmul.f32 v54, v4;
	_ =	sdelay $0x1  }
0x2c5: {  	v0 =	vadd.f32 v0, v1  }
0x2c6: {  	v56 =	vld [tilespmem:s29+$0x81C0]  }
0x2c7: {  	[tilespmem:s29+$0xBE30] =	vst v0  }
0x2c8: {  	v0 =	vld [tilespmem:s25+$0x8DC0];
	_ =	sdelay $0x2  }
0x2c9: {  	v57 =	vmul.f32 v56, v3;
	_ =	sdelay $0x1  }
0x2ca: {  	v0 =	vadd.f32 v57, v0;
	_ =	sdelay $0x1  }
0x2cb: {  	[tilespmem:s25+$0x8DC0] =	vst v0  }
0x2cc: {  	v0 =	vld [tilespmem:s29+$0xBFC0];
	_ =	sdelay $0x2  }
0x2cd: {  	v1 =	vmul.f32 v56, v4;
	_ =	sdelay $0x1  }
0x2ce: {  	v0 =	vadd.f32 v0, v1  }
0x2cf: {  	v58 =	vld [tilespmem:s29+$0x8350]  }
0x2d0: {  	[tilespmem:s29+$0xBFC0] =	vst v0  }
0x2d1: {  	v0 =	vld [tilespmem:s25+$0x8DD0];
	_ =	sdelay $0x2  }
0x2d2: {  	v59 =	vmul.f32 v58, v3;
	_ =	sdelay $0x1  }
0x2d3: {  	v0 =	vadd.f32 v59, v0;
	_ =	sdelay $0x1  }
0x2d4: {  	[tilespmem:s25+$0x8DD0] =	vst v0  }
0x2d5: {  	v0 =	vld [tilespmem:s29+$0xC150];
	_ =	sdelay $0x2  }
0x2d6: {  	v1 =	vmul.f32 v58, v4;
	_ =	sdelay $0x1  }
0x2d7: {  	v0 =	vadd.f32 v0, v1  }
0x2d8: {  	v60 =	vld [tilespmem:s29+$0x84E0]  }
0x2d9: {  	[tilespmem:s29+$0xC150] =	vst v0  }
0x2da: {  	v0 =	vld [tilespmem:s25+$0x8DE0];
	_ =	sdelay $0x2  }
0x2db: {  	v61 =	vmul.f32 v60, v3;
	_ =	sdelay $0x1  }
0x2dc: {  	v0 =	vadd.f32 v61, v0;
	_ =	sdelay $0x1  }
0x2dd: {  	[tilespmem:s25+$0x8DE0] =	vst v0  }
0x2de: {  	v0 =	vld [tilespmem:s29+$0xC2E0];
	_ =	sdelay $0x2  }
0x2df: {  	v1 =	vmul.f32 v60, v4;
	_ =	sdelay $0x1  }
0x2e0: {  	v0 =	vadd.f32 v0, v1  }
0x2e1: {  	v62 =	vld [tilespmem:s29+$0x8670]  }
0x2e2: {  	[tilespmem:s29+$0xC2E0] =	vst v0  }
0x2e3: {  	v0 =	vld [tilespmem:s25+$0x8DF0];
	_ =	sdelay $0x2  }
0x2e4: {  	v63 =	vmul.f32 v62, v3;
	_ =	sdelay $0x1  }
0x2e5: {  	v0 =	vadd.f32 v63, v0;
	_ =	sdelay $0x1  }
0x2e6: {  	[tilespmem:s25+$0x8DF0] =	vst v0  }
0x2e7: {  	v0 =	vld [tilespmem:s29+$0xC470];
	_ =	sdelay $0x1  }
0x2e8: {  	p0 =	sne.s32 s28, $0x600  }
.Ltmp3:
0x2e9: {  	v1 =	vmul.f32 v62, v4;
	(pc) =	sbr.rel @p0 .LBB2_9-.Ltmp3, $3  }
0x2ea: {  	_ = 	snop  }
0x2eb: {  	v0 =	vadd.f32 v0, v1;
	_ =	sdelay $0x1  }
0x2ec: {  	s26 =	sadd.s32 $0x10, s26;
	s28 =	sadd.s32 $0x40, s28;
	[tilespmem:s29+$0xC470] =	vst v0  }
0x2ed: {  	s21 =	sadd.s32 $0x1, s21  }
0x2ee: {  	p0 =	sne.s32 s21, $0x4  }
.Ltmp4:
0x2ef: {  	_ = 	snop;
	(pc) =	sbr.rel @p0 .LBB2_6-.Ltmp4, $2  }
0x2f0: {  	_ =	sdelay $0x2  }
0x2f1: {  	s22 =	sadd.s32 $0x190, s22;
	s23 =	sadd.s32 $0x190, s23;
	s24 =	sadd.s32 $0x190, s24  }
0x2f2: {  	[hbm4b:s9+s2] =	stream.linear.scatter [tilespmem:s18], [sflag:$0x1], $0x800, $0x38;
	[tilespmem:$0xC600] =	vst v63  }
0x2f3: {  	s20 =	sadd.s32 $0x1, s20;
	_ =	swait.ge [sflag:s12], $0x800  }
0x2f4: {  	p0 =	sne.s32 s20, s11;
	[sflag:s12] =	ssyncset.done $0x0  }
.Ltmp5:
0x2f5: {  	[sflag:s12] =	ssyncadd.s32 $0xFFFFF800;
	(pc) =	sbr.rel @p0 .LBB2_1-.Ltmp5, $4  }
0x2f6: {  	[hbm4b:s10+s2] =	stream.linear.scatter [tilespmem:s19], [sflag:$0x1], $0x3200, $0x38;
	[tilespmem:$0xC600] =	vst v63  }
0x2f7: {  	_ =	swait.ge [sflag:s12], $0x3200  }
0x2f8: {  	[sflag:s12] =	ssyncset.done $0x0  }
0x2f9: {  	v0 =	vimm.f32 $0.0e+00;
	[sflag:s12] =	ssyncadd.s32 $0xFFFFCE00  }
0x2fa: {  	_ =	sfence.sel $0x180000  }
0x2fb: {  	[bflag:$0x0] =	sbarrier.arrive $0xFFFF  }
0x2fc: {  	p0 =	sne.s32 s0, $0x0;
	_ =	strace $0x90000047  }
0x2fd: {  	s0 =	sadd.s32 @!p0 $0x100000, s1;
	[bflag:$0x2] =	sbarrier.arrive $0xFFFF  }
0x2fe: {  	[sflag:s0] =	ssyncadd.tile.s32 @!p0 $0x1;
	_ =	shalt  }
.Lfunc_end2:
_tile_overlayer_lowered:
.L_overlay_start_2:
0x2ff: {  	(tag) =	ssettag $0x2  }
0x300: {  	s0 =	rddreg [dreg:$0x0];
	s2 =	stileid.u32  }
0x301: {  	s1 =	rddreg [dreg:$0x1];
	p0 =	sne.s32 s2, $0x0  }
0x302: {  	s3 =	rddreg [dreg:$0x2];
	[bflag:$0x3] =	sbarrier.arrive $0xFFFF;
	s2 =	simm.s32 @!p0 $0x1C01  }
0x303: {  	[timem:s3], [sflag:s2] =	dma.local @!p0 [hbm:s0], s1  }
0x304: {  	s0 =	simm.s32 @!p0 $0x1  }
0x305: {  	_ =	swait.ge @!p0 [sflag:s0], s1  }
0x306: {  	s1 =	ssub.s32 @!p0 $0x0, s1;
	[sflag:s0] =	ssyncset.done @!p0 $0x0  }
0x307: {  	[sflag:s0] =	ssyncadd.s32 @!p0 s1  }
0x308: {  	[bflag:$0x3] =	sbarrier.arrive $0xFFFF  }
0x309: {  	_ =	shalt  }

</sc_bundles>
